<compile_context>
chip_gen: v7x
topology: tpu7x:2x2x1
jax: 0.10.2.dev20260603
libtpu: 0.0.44.dev20260713+nightly
codegen_flags: <defaults>
</compile_context>

<pallas_src>
import functools

import jax
import jax.numpy as jnp
import numpy as np
from jax import lax
from jax.experimental import pallas as pl
from jax.experimental.pallas import tpu as pltpu
from jax.experimental.pallas import tpu_sc as plsc

K = 256
NC, NS = 2, 16
NW = NC * NS


_INV_C = float(np.float32(1.0 / 768.0))


def _col_sum_768(v):
    total = None
    for w in range(3):
        p = v[256 * w: 256 * w + 128, :] + v[256 * w + 128: 256 * w + 256, :]
        t = p[0:8, :]
        for j in range(1, 16):
            t = t + p[8 * j: 8 * j + 8, :]
        u = t[0:4, :] + t[4:8, :]
        q = u[0:2, :] + u[2:4, :]
        r = q[0:1, :] + q[1:2, :]
        total = r if w == 0 else total + r
    return total


def _topk_body(x_ref, g_ref, b_ref, w_ref, cb_ref, gidx_ref, *, bid_off=0):
    n = x_ref.shape[1]
    c = x_ref.shape[2]
    bid = pl.program_id(0) + bid_off
    xt = jnp.transpose(x_ref[0])
    mu = _col_sum_768(xt) * _INV_C
    xc = xt - mu
    var = _col_sum_768(xc * xc) * _INV_C
    g_col = jnp.transpose(g_ref[...])
    b_col = jnp.transpose(b_ref[...])
    ln = xc / jnp.sqrt(var + 1e-5) * g_col + b_col
    wrep = jnp.broadcast_to(jnp.transpose(w_ref[...]), (c, 128))
    conf = lax.dot_general(ln.astype(jnp.bfloat16), wrep.astype(jnp.bfloat16),
                           (((0,), (0,)), ((), ())),
                           preferred_element_type=jnp.float32)[:, 0:1] + cb_ref[0, 0]
    m = jnp.max(conf)
    e = jnp.exp(conf - m)
    s_col = e / jnp.sum(e) * float(n)
    ii = lax.broadcasted_iota(jnp.int32, (n, n), 0)
    jj = lax.broadcasted_iota(jnp.int32, (n, n), 1)
    s_row = jnp.transpose(s_col)
    beats = (s_row > s_col) | ((s_row == s_col) & (jj < ii))
    rank = jnp.sum(beats.astype(jnp.int32), axis=1, keepdims=True)
    kk = lax.broadcasted_iota(jnp.int32, (n, K), 1)
    oh = rank == kk
    rows = lax.broadcasted_iota(jnp.int32, (n, K), 0)
    idx = jnp.sum(jnp.where(oh, rows, 0), axis=0, keepdims=True)
    gidx_ref[0] = idx + bid * n


_SC_CH = 32


def _sc_body(gidx_hbm, x_hbm, pos_hbm, pe_hbm, y_hbm, posd_hbm,
             idx_v, posd_v, ra0, rb0, ra1, rb1, sem_a, sem_b, sem_s0, sem_s1,
             *, nrows):
    wid = lax.axis_index("s") * NC + lax.axis_index("c")
    rows_per = nrows // NW
    base = wid * rows_per
    pltpu.sync_copy(gidx_hbm.at[pl.ds(base, rows_per)], idx_v)
    pltpu.async_copy(pos_hbm.at[idx_v], posd_v, sem_a).wait()
    pltpu.sync_copy(posd_v, posd_hbm.at[pl.ds(base, rows_per)])
    ra = (ra0, ra1)
    rb = (rb0, rb1)
    ss = (sem_s0, sem_s1)
    nch = rows_per // _SC_CH
    gathers = {}

    def _issue(c2):
        p2 = c2 & 1
        ia = idx_v.at[pl.ds(c2 * _SC_CH, _SC_CH)]
        pa = posd_v.at[pl.ds(c2 * _SC_CH, _SC_CH)]
        gathers[c2] = (pltpu.async_copy(x_hbm.at[ia], ra[p2], sem_a),
                       pltpu.async_copy(pe_hbm.at[pa], rb[p2], sem_b))

    scats = {}
    _issue(0)
    for cch in range(nch):
        p = cch & 1
        ga, gb = gathers.pop(cch)
        ga.wait()
        gb.wait()
        if cch + 1 < nch:
            if cch - 1 >= 0:
                scats.pop(cch - 1).wait()
            _issue(cch + 1)

        def _add_row(r, _, _p=p):
            for kk in range(768 // 16):
                sl = pl.ds(kk * 16, 16)
                ra[_p][r, sl] = ra[_p][r, sl] + rb[_p][r, sl]
            return 0

        lax.fori_loop(0, _SC_CH, _add_row, 0)
        scats[cch] = pltpu.async_copy(
            ra[p], y_hbm.at[pl.ds(base + cch * _SC_CH, _SC_CH)], ss[p])
    scats.pop(nch - 2).wait()
    scats.pop(nch - 1).wait()


def kernel(x, pos, pos_embed, H, W, ln_gamma, ln_beta, conf_w, conf_b):
    B, N, C = x.shape
    L = pos_embed.shape[1]
    x2d = x.reshape(B * N, C)
    pos_flat = pos.reshape(B * N)
    pe = pos_embed.reshape(L, C)
    mesh = plsc.VectorSubcoreMesh(core_axis_name="c", subcore_axis_name="s",
                                  num_cores=NC, num_subcores=NS)
    gidx = pl.pallas_call(
        _topk_body,
        grid=(B,),
        in_specs=[
            pl.BlockSpec((1, N, C), lambda b: (b, 0, 0)),
            pl.BlockSpec((1, C), lambda b: (0, 0)),
            pl.BlockSpec((1, C), lambda b: (0, 0)),
            pl.BlockSpec((1, C), lambda b: (0, 0)),
            pl.BlockSpec((1, 1), lambda b: (0, 0)),
        ],
        out_specs=pl.BlockSpec((1, 1, K), lambda b: (b, 0, 0)),
        out_shape=jax.ShapeDtypeStruct((B, 1, K), jnp.int32),
    )(x, ln_gamma.reshape(1, C), ln_beta.reshape(1, C),
      conf_w.reshape(1, C), conf_b.reshape(1, 1))

    nrows = B * K
    rows_per = nrows // NW
    y, posd = pl.kernel(
        functools.partial(_sc_body, nrows=nrows),
        out_type=(jax.ShapeDtypeStruct((nrows, C), jnp.float32),
                  jax.ShapeDtypeStruct((nrows,), jnp.int32)),
        mesh=mesh,
        scratch_types=[
            pltpu.VMEM((rows_per,), jnp.int32),
            pltpu.VMEM((rows_per,), jnp.int32),
            pltpu.VMEM((_SC_CH, C), jnp.float32),
            pltpu.VMEM((_SC_CH, C), jnp.float32),
            pltpu.VMEM((_SC_CH, C), jnp.float32),
            pltpu.VMEM((_SC_CH, C), jnp.float32),
            pltpu.SemaphoreType.DMA,
            pltpu.SemaphoreType.DMA,
            pltpu.SemaphoreType.DMA,
            pltpu.SemaphoreType.DMA,
        ],
    )(gidx.reshape(nrows), x2d, pos_flat, pe)

    return y.reshape(B, K, C), posd.reshape(B, K)

# --- scband reference (transcript-rebuilt; emitter-appended) ---
"""Pipeline reference for scband-down-layer-52407190946100 (READ-ONLY COPY).

The authoritative reference and input builder live on the scoring server;
editing this copy changes nothing except your own understanding.
"""

import jax, jax.numpy as jnp
import numpy as np

SAMPLE_NUM = 256

def _layernorm(x, gamma, beta, eps=1e-5):
    mu = jnp.mean(x, axis=-1, keepdims=True)
    var = jnp.var(x, axis=-1, keepdims=True)
    return (x - mu) / jnp.sqrt(var + eps) * gamma + beta

def setup_inputs(seed: int = 0) -> dict:
    key = jax.random.key(seed)
    k1, k2, k3, k4 = jax.random.split(key, 4)
    B, N, C, L = 16, 1024, 768, 4096
    x = jax.random.normal(k1, (B, N, C), dtype=jnp.float32)
    pos = jax.random.randint(k2, (B, N), 0, L, dtype=jnp.int32)
    pos_embed = jax.random.normal(k3, (1, L, C), dtype=jnp.float32) * 0.02
    ln_gamma = jnp.ones((C,), dtype=jnp.float32)
    ln_beta = jnp.zeros((C,), dtype=jnp.float32)
    conf_w = jax.random.normal(k4, (C, 1), dtype=jnp.float32) * 0.02
    conf_b = jnp.zeros((1,), dtype=jnp.float32)
    return {"x": x, "pos": pos, "pos_embed": pos_embed, "H": 32, "W": 32,
            "ln_gamma": ln_gamma, "ln_beta": ln_beta, "conf_w": conf_w, "conf_b": conf_b}

def reference(x, pos, pos_embed, H, W, ln_gamma, ln_beta, conf_w, conf_b):
    B, N, C = x.shape
    conf = _layernorm(x, ln_gamma, ln_beta) @ conf_w + conf_b  # [B, N, 1]
    conf = jax.nn.softmax(conf, axis=1) * N
    _, index_down = jax.lax.top_k(conf[..., 0], SAMPLE_NUM)  # [B, K]
    x_down = jnp.take_along_axis(x, index_down[:, :, None], axis=1)  # [B, K, C]
    pos_down = jnp.take_along_axis(pos, index_down, axis=1)  # [B, K]
    x_scaled = x * conf  # fed to down_block in the original; block here is identity passthrough on x_down
    x_down = x_down  # block(x_down, x_scaled, H, W) == x_down (identity block)
    pos_feature = jnp.take(pos_embed[0], pos_down.reshape(-1), axis=0)  # index_select on dim 1
    pos_feature = pos_feature.reshape(B, SAMPLE_NUM, -1)
    x_down = x_down + pos_feature
    # dropout p=0.0 (eval) -> identity
    return (x_down, pos_down)

if __name__ == "__main__":
    import jax
    _d = setup_inputs()
    print(jax.jit(kernel)(*tuple(_d.values())))

</pallas_src>

<mosaic_0001>
#map = affine_map<(d0, d1) -> (0)>
#map1 = affine_map<(d0, d1) -> (0, 0)>
module attributes {stable_mosaic.version = 14 : i64} {
  func.func @_sc_body(%arg0: i32, %arg1: i32, %arg2: memref<4096xi32, #tpu.memory_space<hbm>>, %arg3: memref<16384x768xf32, #tpu.memory_space<hbm>>, %arg4: memref<16384xi32, #tpu.memory_space<hbm>>, %arg5: memref<4096x768xf32, #tpu.memory_space<hbm>>, %arg6: memref<4096x768xf32, #tpu.memory_space<hbm>>, %arg7: memref<4096xi32, #tpu.memory_space<hbm>>, %arg8: memref<128xi32, #tpu.memory_space<vmem>>, %arg9: memref<128xi32, #tpu.memory_space<vmem>>, %arg10: memref<32x768xf32, #tpu.memory_space<vmem>>, %arg11: memref<32x768xf32, #tpu.memory_space<vmem>>, %arg12: memref<32x768xf32, #tpu.memory_space<vmem>>, %arg13: memref<32x768xf32, #tpu.memory_space<vmem>>, %arg14: memref<!tpu.dma_semaphore, #tpu.memory_space<semaphore_mem>>, %arg15: memref<!tpu.dma_semaphore, #tpu.memory_space<semaphore_mem>>, %arg16: memref<!tpu.dma_semaphore, #tpu.memory_space<semaphore_mem>>, %arg17: memref<!tpu.dma_semaphore, #tpu.memory_space<semaphore_mem>>) attributes {dimension_semantics = [#tpu.dimension_semantics<core_parallel>, #tpu.dimension_semantics<subcore_parallel>], iteration_bounds = array<i64: 2, 16>, scalar_prefetch = 0 : i64, scratch_operands = 10 : i64, tpu.core_type = #tpu.core_type<sc_vector_subcore>, window_params = [{transform_indices = #map}, {transform_indices = #map1}, {transform_indices = #map}, {transform_indices = #map1}, {transform_indices = #map1}, {transform_indices = #map}]} {
    %mul3A = arith.constant 2 : i32
    %mul3A_0 = arith.muli %arg1, %mul3A : i32
    %add3A = arith.addi %mul3A_0, %arg0 : i32
    %mul3A_1 = arith.constant 128 : i32
    %mul3A_2 = arith.muli %add3A, %mul3A_1 : i32
    "tpu.region"() ({
      %run_scoped3A = tpu.sem_alloc : memref<!tpu.dma_semaphore, #tpu.memory_space<semaphore_mem>>
      %dma_start3A_152 = tpu.memref_slice %arg2[%mul3A_2] : memref<4096xi32, #tpu.memory_space<hbm>> -> memref<128xi32, #tpu.memory_space<hbm>>
      %dma_start3A_153 = tpu.memref_slice %arg2[%mul3A_2] : memref<4096xi32, #tpu.memory_space<hbm>> -> memref<128xi32, #tpu.memory_space<hbm>>
      tpu.enqueue_dma source(%dma_start3A_153 : memref<128xi32, #tpu.memory_space<hbm>>) target(%arg8 : memref<128xi32, #tpu.memory_space<vmem>>) target_semaphore(%run_scoped3A : memref<!tpu.dma_semaphore, #tpu.memory_space<semaphore_mem>>)
      %dma_wait3A_154 = tpu.memref_slice %arg2[%mul3A_2] : memref<4096xi32, #tpu.memory_space<hbm>> -> memref<128xi32, #tpu.memory_space<hbm>>
      %dma_wait3A_155 = tpu.memref_slice %arg2[%mul3A_2] : memref<4096xi32, #tpu.memory_space<hbm>> -> memref<128xi32, #tpu.memory_space<hbm>>
      tpu.wait_dma2 semaphore(%run_scoped3A : memref<!tpu.dma_semaphore, #tpu.memory_space<semaphore_mem>>) src(%dma_wait3A_155 : memref<128xi32, #tpu.memory_space<hbm>>) dst(%arg8 : memref<128xi32, #tpu.memory_space<vmem>>)
      tpu.yield
    }) : () -> ()
    %dma_start3A = arith.constant 0 : i32
    %dma_start3A_3 = tpu.memref_slice %arg4[%dma_start3A] : memref<16384xi32, #tpu.memory_space<hbm>> -> memref<16384xi32, #tpu.memory_space<hbm>>
    tpu.enqueue_indirect_dma source(%dma_start3A_3 : memref<16384xi32, #tpu.memory_space<hbm>>) target(%arg9 : memref<128xi32, #tpu.memory_space<vmem>>) offsets(%arg8 : memref<128xi32, #tpu.memory_space<vmem>>) semaphore(%arg14 : memref<!tpu.dma_semaphore, #tpu.memory_space<semaphore_mem>>)
    %dma_wait3A = arith.constant 0 : i32
    %dma_wait3A_4 = tpu.memref_slice %arg4[%dma_wait3A] : memref<16384xi32, #tpu.memory_space<hbm>> -> memref<16384xi32, #tpu.memory_space<hbm>>
    tpu.wait_indirect_dma semaphore(%arg14 : memref<!tpu.dma_semaphore, #tpu.memory_space<semaphore_mem>>) src(%dma_wait3A_4 : memref<16384xi32, #tpu.memory_space<hbm>>) dst(%arg9 : memref<128xi32, #tpu.memory_space<vmem>>)
    "tpu.region"() ({
      %run_scoped3A = tpu.sem_alloc : memref<!tpu.dma_semaphore, #tpu.memory_space<semaphore_mem>>
      %dma_start3A_152 = tpu.memref_slice %arg7[%mul3A_2] : memref<4096xi32, #tpu.memory_space<hbm>> -> memref<128xi32, #tpu.memory_space<hbm>>
      %dma_start3A_153 = tpu.memref_slice %arg7[%mul3A_2] : memref<4096xi32, #tpu.memory_space<hbm>> -> memref<128xi32, #tpu.memory_space<hbm>>
      tpu.enqueue_dma source(%arg9 : memref<128xi32, #tpu.memory_space<vmem>>) target(%dma_start3A_153 : memref<128xi32, #tpu.memory_space<hbm>>) target_semaphore(%run_scoped3A : memref<!tpu.dma_semaphore, #tpu.memory_space<semaphore_mem>>)
      %dma_wait3A_154 = tpu.memref_slice %arg7[%mul3A_2] : memref<4096xi32, #tpu.memory_space<hbm>> -> memref<128xi32, #tpu.memory_space<hbm>>
      %dma_wait3A_155 = tpu.memref_slice %arg7[%mul3A_2] : memref<4096xi32, #tpu.memory_space<hbm>> -> memref<128xi32, #tpu.memory_space<hbm>>
      tpu.wait_dma2 semaphore(%run_scoped3A : memref<!tpu.dma_semaphore, #tpu.memory_space<semaphore_mem>>) src(%arg9 : memref<128xi32, #tpu.memory_space<vmem>>) dst(%dma_wait3A_155 : memref<128xi32, #tpu.memory_space<hbm>>)
      tpu.yield
    }) : () -> ()
    %dma_start3A_5 = arith.constant 0 : i32
    %dma_start3A_6 = tpu.memref_slice %arg8[%dma_start3A_5] : memref<128xi32, #tpu.memory_space<vmem>> -> memref<32xi32, #tpu.memory_space<vmem>>
    %dma_start3A_7 = arith.constant 0 : i32
    %dma_start3A_8 = arith.constant 0 : i32
    %dma_start3A_9 = tpu.memref_slice %arg3[%dma_start3A_7, %dma_start3A_8] : memref<16384x768xf32, #tpu.memory_space<hbm>> -> memref<16384x768xf32, #tpu.memory_space<hbm>>
    tpu.enqueue_indirect_dma source(%dma_start3A_9 : memref<16384x768xf32, #tpu.memory_space<hbm>>) target(%arg10 : memref<32x768xf32, #tpu.memory_space<vmem>>) offsets(%dma_start3A_6 : memref<32xi32, #tpu.memory_space<vmem>>) semaphore(%arg14 : memref<!tpu.dma_semaphore, #tpu.memory_space<semaphore_mem>>)
    %dma_start3A_10 = arith.constant 0 : i32
    %dma_start3A_11 = tpu.memref_slice %arg9[%dma_start3A_10] : memref<128xi32, #tpu.memory_space<vmem>> -> memref<32xi32, #tpu.memory_space<vmem>>
    %dma_start3A_12 = arith.constant 0 : i32
    %dma_start3A_13 = arith.constant 0 : i32
    %dma_start3A_14 = tpu.memref_slice %arg5[%dma_start3A_12, %dma_start3A_13] : memref<4096x768xf32, #tpu.memory_space<hbm>> -> memref<4096x768xf32, #tpu.memory_space<hbm>>
    tpu.enqueue_indirect_dma source(%dma_start3A_14 : memref<4096x768xf32, #tpu.memory_space<hbm>>) target(%arg11 : memref<32x768xf32, #tpu.memory_space<vmem>>) offsets(%dma_start3A_11 : memref<32xi32, #tpu.memory_space<vmem>>) semaphore(%arg15 : memref<!tpu.dma_semaphore, #tpu.memory_space<semaphore_mem>>)
    %dma_wait3A_15 = arith.constant 0 : i32
    %dma_wait3A_16 = tpu.memref_slice %arg8[%dma_wait3A_15] : memref<128xi32, #tpu.memory_space<vmem>> -> memref<32xi32, #tpu.memory_space<vmem>>
    %dma_wait3A_17 = arith.constant 0 : i32
    %dma_wait3A_18 = arith.constant 0 : i32
    %dma_wait3A_19 = tpu.memref_slice %arg3[%dma_wait3A_17, %dma_wait3A_18] : memref<16384x768xf32, #tpu.memory_space<hbm>> -> memref<16384x768xf32, #tpu.memory_space<hbm>>
    tpu.wait_indirect_dma semaphore(%arg14 : memref<!tpu.dma_semaphore, #tpu.memory_space<semaphore_mem>>) src(%dma_wait3A_19 : memref<16384x768xf32, #tpu.memory_space<hbm>>) dst(%arg10 : memref<32x768xf32, #tpu.memory_space<vmem>>)
    %dma_wait3A_20 = arith.constant 0 : i32
    %dma_wait3A_21 = tpu.memref_slice %arg9[%dma_wait3A_20] : memref<128xi32, #tpu.memory_space<vmem>> -> memref<32xi32, #tpu.memory_space<vmem>>
    %dma_wait3A_22 = arith.constant 0 : i32
    %dma_wait3A_23 = arith.constant 0 : i32
    %dma_wait3A_24 = tpu.memref_slice %arg5[%dma_wait3A_22, %dma_wait3A_23] : memref<4096x768xf32, #tpu.memory_space<hbm>> -> memref<4096x768xf32, #tpu.memory_space<hbm>>
    tpu.wait_indirect_dma semaphore(%arg15 : memref<!tpu.dma_semaphore, #tpu.memory_space<semaphore_mem>>) src(%dma_wait3A_24 : memref<4096x768xf32, #tpu.memory_space<hbm>>) dst(%arg11 : memref<32x768xf32, #tpu.memory_space<vmem>>)
    %dma_start3A_25 = arith.constant 32 : i32
    %dma_start3A_26 = tpu.memref_slice %arg8[%dma_start3A_25] : memref<128xi32, #tpu.memory_space<vmem>> -> memref<32xi32, #tpu.memory_space<vmem>>
    %dma_start3A_27 = arith.constant 0 : i32
    %dma_start3A_28 = arith.constant 0 : i32
    %dma_start3A_29 = tpu.memref_slice %arg3[%dma_start3A_27, %dma_start3A_28] : memref<16384x768xf32, #tpu.memory_space<hbm>> -> memref<16384x768xf32, #tpu.memory_space<hbm>>
    tpu.enqueue_indirect_dma source(%dma_start3A_29 : memref<16384x768xf32, #tpu.memory_space<hbm>>) target(%arg12 : memref<32x768xf32, #tpu.memory_space<vmem>>) offsets(%dma_start3A_26 : memref<32xi32, #tpu.memory_space<vmem>>) semaphore(%arg14 : memref<!tpu.dma_semaphore, #tpu.memory_space<semaphore_mem>>)
    %dma_start3A_30 = arith.constant 32 : i32
    %dma_start3A_31 = tpu.memref_slice %arg9[%dma_start3A_30] : memref<128xi32, #tpu.memory_space<vmem>> -> memref<32xi32, #tpu.memory_space<vmem>>
    %dma_start3A_32 = arith.constant 0 : i32
    %dma_start3A_33 = arith.constant 0 : i32
    %dma_start3A_34 = tpu.memref_slice %arg5[%dma_start3A_32, %dma_start3A_33] : memref<4096x768xf32, #tpu.memory_space<hbm>> -> memref<4096x768xf32, #tpu.memory_space<hbm>>
    tpu.enqueue_indirect_dma source(%dma_start3A_34 : memref<4096x768xf32, #tpu.memory_space<hbm>>) target(%arg13 : memref<32x768xf32, #tpu.memory_space<vmem>>) offsets(%dma_start3A_31 : memref<32xi32, #tpu.memory_space<vmem>>) semaphore(%arg15 : memref<!tpu.dma_semaphore, #tpu.memory_space<semaphore_mem>>)
    %scan3A = arith.constant 0 : i32
    %scan3A_35 = arith.constant 0 : i32
    %scan3A_36 = arith.constant 32 : i32
    %scan3A_37 = arith.addi %scan3A_35, %scan3A_36 : i32
    %scan3A_38 = arith.constant 1 : i32
    %scan3A_39 = scf.for %scan3A_152 = %scan3A_35 to %scan3A_37 step %scan3A_38 iter_args(%scan3A_153 = %scan3A) -> (i32)  : i32 {
      %get3A = arith.index_cast %scan3A_152 : i32 to index
      %get3A_154 = arith.constant 0 : index
      %get3A_155 = tpu.vector_load %arg10[%get3A, %get3A_154] {strides = array<i32>} : memref<32x768xf32, #tpu.memory_space<vmem>>, vector<1x16xf32>,
      %get3A_156 = vector.shape_cast %get3A_155 : vector<1x16xf32> to vector<16xf32>
      %get3A_157 = arith.index_cast %scan3A_152 : i32 to index
      %get3A_158 = arith.constant 0 : index
      %get3A_159 = tpu.vector_load %arg11[%get3A_157, %get3A_158] {strides = array<i32>} : memref<32x768xf32, #tpu.memory_space<vmem>>, vector<1x16xf32>,
      %get3A_160 = vector.shape_cast %get3A_159 : vector<1x16xf32> to vector<16xf32>
      %add3A_161 = arith.addf %get3A_156, %get3A_160 : vector<16xf32>
      %swap3A = arith.index_cast %scan3A_152 : i32 to index
      %swap3A_162 = arith.constant 0 : index
      %swap3A_163 = tpu.vector_load %arg10[%swap3A, %swap3A_162] {strides = array<i32>} : memref<32x768xf32, #tpu.memory_space<vmem>>, vector<1x16xf32>,
      %swap3A_164 = vector.shape_cast %swap3A_163 : vector<1x16xf32> to vector<16xf32>
      %swap3A_165 = vector.shape_cast %add3A_161 : vector<16xf32> to vector<1x16xf32>
      tpu.vector_store %arg10[%swap3A, %swap3A_162], %swap3A_165 {strides = array<i32>} : memref<32x768xf32, #tpu.memory_space<vmem>>, vector<1x16xf32>,
      %get3A_166 = arith.index_cast %scan3A_152 : i32 to index
      %get3A_167 = arith.constant 16 : index
      %get3A_168 = tpu.vector_load %arg10[%get3A_166, %get3A_167] {strides = array<i32>} : memref<32x768xf32, #tpu.memory_space<vmem>>, vector<1x16xf32>,
      %get3A_169 = vector.shape_cast %get3A_168 : vector<1x16xf32> to vector<16xf32>
      %get3A_170 = arith.index_cast %scan3A_152 : i32 to index
      %get3A_171 = arith.constant 16 : index
      %get3A_172 = tpu.vector_load %arg11[%get3A_170, %get3A_171] {strides = array<i32>} : memref<32x768xf32, #tpu.memory_space<vmem>>, vector<1x16xf32>,
      %get3A_173 = vector.shape_cast %get3A_172 : vector<1x16xf32> to vector<16xf32>
      %add3A_174 = arith.addf %get3A_169, %get3A_173 : vector<16xf32>
      %swap3A_175 = arith.index_cast %scan3A_152 : i32 to index
      %swap3A_176 = arith.constant 16 : index
      %swap3A_177 = tpu.vector_load %arg10[%swap3A_175, %swap3A_176] {strides = array<i32>} : memref<32x768xf32, #tpu.memory_space<vmem>>, vector<1x16xf32>,
      %swap3A_178 = vector.shape_cast %swap3A_177 : vector<1x16xf32> to vector<16xf32>
      %swap3A_179 = vector.shape_cast %add3A_174 : vector<16xf32> to vector<1x16xf32>
      tpu.vector_store %arg10[%swap3A_175, %swap3A_176], %swap3A_179 {strides = array<i32>} : memref<32x768xf32, #tpu.memory_space<vmem>>, vector<1x16xf32>,
      %get3A_180 = arith.index_cast %scan3A_152 : i32 to index
      %get3A_181 = arith.constant 32 : index
      %get3A_182 = tpu.vector_load %arg10[%get3A_180, %get3A_181] {strides = array<i32>} : memref<32x768xf32, #tpu.memory_space<vmem>>, vector<1x16xf32>,
      %get3A_183 = vector.shape_cast %get3A_182 : vector<1x16xf32> to vector<16xf32>
      %get3A_184 = arith.index_cast %scan3A_152 : i32 to index
      %get3A_185 = arith.constant 32 : index
      %get3A_186 = tpu.vector_load %arg11[%get3A_184, %get3A_185] {strides = array<i32>} : memref<32x768xf32, #tpu.memory_space<vmem>>, vector<1x16xf32>,
      %get3A_187 = vector.shape_cast %get3A_186 : vector<1x16xf32> to vector<16xf32>
      %add3A_188 = arith.addf %get3A_183, %get3A_187 : vector<16xf32>
      %swap3A_189 = arith.index_cast %scan3A_152 : i32 to index
      %swap3A_190 = arith.constant 32 : index
      %swap3A_191 = tpu.vector_load %arg10[%swap3A_189, %swap3A_190] {strides = array<i32>} : memref<32x768xf32, #tpu.memory_space<vmem>>, vector<1x16xf32>,
      %swap3A_192 = vector.shape_cast %swap3A_191 : vector<1x16xf32> to vector<16xf32>
      %swap3A_193 = vector.shape_cast %add3A_188 : vector<16xf32> to vector<1x16xf32>
      tpu.vector_store %arg10[%swap3A_189, %swap3A_190], %swap3A_193 {strides = array<i32>} : memref<32x768xf32, #tpu.memory_space<vmem>>, vector<1x16xf32>,
      %get3A_194 = arith.index_cast %scan3A_152 : i32 to index
      %get3A_195 = arith.constant 48 : index
      %get3A_196 = tpu.vector_load %arg10[%get3A_194, %get3A_195] {strides = array<i32>} : memref<32x768xf32, #tpu.memory_space<vmem>>, vector<1x16xf32>,
      %get3A_197 = vector.shape_cast %get3A_196 : vector<1x16xf32> to vector<16xf32>
      %get3A_198 = arith.index_cast %scan3A_152 : i32 to index
      %get3A_199 = arith.constant 48 : index
      %get3A_200 = tpu.vector_load %arg11[%get3A_198, %get3A_199] {strides = array<i32>} : memref<32x768xf32, #tpu.memory_space<vmem>>, vector<1x16xf32>,
      %get3A_201 = vector.shape_cast %get3A_200 : vector<1x16xf32> to vector<16xf32>
      %add3A_202 = arith.addf %get3A_197, %get3A_201 : vector<16xf32>
      %swap3A_203 = arith.index_cast %scan3A_152 : i32 to index
      %swap3A_204 = arith.constant 48 : index
      %swap3A_205 = tpu.vector_load %arg10[%swap3A_203, %swap3A_204] {strides = array<i32>} : memref<32x768xf32, #tpu.memory_space<vmem>>, vector<1x16xf32>,
      %swap3A_206 = vector.shape_cast %swap3A_205 : vector<1x16xf32> to vector<16xf32>
      %swap3A_207 = vector.shape_cast %add3A_202 : vector<16xf32> to vector<1x16xf32>
      tpu.vector_store %arg10[%swap3A_203, %swap3A_204], %swap3A_207 {strides = array<i32>} : memref<32x768xf32, #tpu.memory_space<vmem>>, vector<1x16xf32>,
      %get3A_208 = arith.index_cast %scan3A_152 : i32 to index
      %get3A_209 = arith.constant 64 : index
      %get3A_210 = tpu.vector_load %arg10[%get3A_208, %get3A_209] {strides = array<i32>} : memref<32x768xf32, #tpu.memory_space<vmem>>, vector<1x16xf32>,
      %get3A_211 = vector.shape_cast %get3A_210 : vector<1x16xf32> to vector<16xf32>
      %get3A_212 = arith.index_cast %scan3A_152 : i32 to index
      %get3A_213 = arith.constant 64 : index
      %get3A_214 = tpu.vector_load %arg11[%get3A_212, %get3A_213] {strides = array<i32>} : memref<32x768xf32, #tpu.memory_space<vmem>>, vector<1x16xf32>,
      %get3A_215 = vector.shape_cast %get3A_214 : vector<1x16xf32> to vector<16xf32>
      %add3A_216 = arith.addf %get3A_211, %get3A_215 : vector<16xf32>
      %swap3A_217 = arith.index_cast %scan3A_152 : i32 to index
      %swap3A_218 = arith.constant 64 : index
      %swap3A_219 = tpu.vector_load %arg10[%swap3A_217, %swap3A_218] {strides = array<i32>} : memref<32x768xf32, #tpu.memory_space<vmem>>, vector<1x16xf32>,
      %swap3A_220 = vector.shape_cast %swap3A_219 : vector<1x16xf32> to vector<16xf32>
      %swap3A_221 = vector.shape_cast %add3A_216 : vector<16xf32> to vector<1x16xf32>
      tpu.vector_store %arg10[%swap3A_217, %swap3A_218], %swap3A_221 {strides = array<i32>} : memref<32x768xf32, #tpu.memory_space<vmem>>, vector<1x16xf32>,
      %get3A_222 = arith.index_cast %scan3A_152 : i32 to index
      %get3A_223 = arith.constant 80 : index
      %get3A_224 = tpu.vector_load %arg10[%get3A_222, %get3A_223] {strides = array<i32>} : memref<32x768xf32, #tpu.memory_space<vmem>>, vector<1x16xf32>,
      %get3A_225 = vector.shape_cast %get3A_224 : vector<1x16xf32> to vector<16xf32>
      %get3A_226 = arith.index_cast %scan3A_152 : i32 to index
      %get3A_227 = arith.constant 80 : index
      %get3A_228 = tpu.vector_load %arg11[%get3A_226, %get3A_227] {strides = array<i32>} : memref<32x768xf32, #tpu.memory_space<vmem>>, vector<1x16xf32>,
      %get3A_229 = vector.shape_cast %get3A_228 : vector<1x16xf32> to vector<16xf32>
      %add3A_230 = arith.addf %get3A_225, %get3A_229 : vector<16xf32>
      %swap3A_231 = arith.index_cast %scan3A_152 : i32 to index
      %swap3A_232 = arith.constant 80 : index
      %swap3A_233 = tpu.vector_load %arg10[%swap3A_231, %swap3A_232] {strides = array<i32>} : memref<32x768xf32, #tpu.memory_space<vmem>>, vector<1x16xf32>,
      %swap3A_234 = vector.shape_cast %swap3A_233 : vector<1x16xf32> to vector<16xf32>
      %swap3A_235 = vector.shape_cast %add3A_230 : vector<16xf32> to vector<1x16xf32>
      tpu.vector_store %arg10[%swap3A_231, %swap3A_232], %swap3A_235 {strides = array<i32>} : memref<32x768xf32, #tpu.memory_space<vmem>>, vector<1x16xf32>,
      %get3A_236 = arith.index_cast %scan3A_152 : i32 to index
      %get3A_237 = arith.constant 96 : index
      %get3A_238 = tpu.vector_load %arg10[%get3A_236, %get3A_237] {strides = array<i32>} : memref<32x768xf32, #tpu.memory_space<vmem>>, vector<1x16xf32>,
      %get3A_239 = vector.shape_cast %get3A_238 : vector<1x16xf32> to vector<16xf32>
      %get3A_240 = arith.index_cast %scan3A_152 : i32 to index
      %get3A_241 = arith.constant 96 : index
      %get3A_242 = tpu.vector_load %arg11[%get3A_240, %get3A_241] {strides = array<i32>} : memref<32x768xf32, #tpu.memory_space<vmem>>, vector<1x16xf32>,
      %get3A_243 = vector.shape_cast %get3A_242 : vector<1x16xf32> to vector<16xf32>
      %add3A_244 = arith.addf %get3A_239, %get3A_243 : vector<16xf32>
      %swap3A_245 = arith.index_cast %scan3A_152 : i32 to index
      %swap3A_246 = arith.constant 96 : index
      %swap3A_247 = tpu.vector_load %arg10[%swap3A_245, %swap3A_246] {strides = array<i32>} : memref<32x768xf32, #tpu.memory_space<vmem>>, vector<1x16xf32>,
      %swap3A_248 = vector.shape_cast %swap3A_247 : vector<1x16xf32> to vector<16xf32>
      %swap3A_249 = vector.shape_cast %add3A_244 : vector<16xf32> to vector<1x16xf32>
      tpu.vector_store %arg10[%swap3A_245, %swap3A_246], %swap3A_249 {strides = array<i32>} : memref<32x768xf32, #tpu.memory_space<vmem>>, vector<1x16xf32>,
      %get3A_250 = arith.index_cast %scan3A_152 : i32 to index
      %get3A_251 = arith.constant 112 : index
      %get3A_252 = tpu.vector_load %arg10[%get3A_250, %get3A_251] {strides = array<i32>} : memref<32x768xf32, #tpu.memory_space<vmem>>, vector<1x16xf32>,
      %get3A_253 = vector.shape_cast %get3A_252 : vector<1x16xf32> to vector<16xf32>
      %get3A_254 = arith.index_cast %scan3A_152 : i32 to index
      %get3A_255 = arith.constant 112 : index
      %get3A_256 = tpu.vector_load %arg11[%get3A_254, %get3A_255] {strides = array<i32>} : memref<32x768xf32, #tpu.memory_space<vmem>>, vector<1x16xf32>,
      %get3A_257 = vector.shape_cast %get3A_256 : vector<1x16xf32> to vector<16xf32>
      %add3A_258 = arith.addf %get3A_253, %get3A_257 : vector<16xf32>
      %swap3A_259 = arith.index_cast %scan3A_152 : i32 to index
      %swap3A_260 = arith.constant 112 : index
      %swap3A_261 = tpu.vector_load %arg10[%swap3A_259, %swap3A_260] {strides = array<i32>} : memref<32x768xf32, #tpu.memory_space<vmem>>, vector<1x16xf32>,
      %swap3A_262 = vector.shape_cast %swap3A_261 : vector<1x16xf32> to vector<16xf32>
      %swap3A_263 = vector.shape_cast %add3A_258 : vector<16xf32> to vector<1x16xf32>
      tpu.vector_store %arg10[%swap3A_259, %swap3A_260], %swap3A_263 {strides = array<i32>} : memref<32x768xf32, #tpu.memory_space<vmem>>, vector<1x16xf32>,
      %get3A_264 = arith.index_cast %scan3A_152 : i32 to index
      %get3A_265 = arith.constant 128 : index
      %get3A_266 = tpu.vector_load %arg10[%get3A_264, %get3A_265] {strides = array<i32>} : memref<32x768xf32, #tpu.memory_space<vmem>>, vector<1x16xf32>,
      %get3A_267 = vector.shape_cast %get3A_266 : vector<1x16xf32> to vector<16xf32>
      %get3A_268 = arith.index_cast %scan3A_152 : i32 to index
      %get3A_269 = arith.constant 128 : index
      %get3A_270 = tpu.vector_load %arg11[%get3A_268, %get3A_269] {strides = array<i32>} : memref<32x768xf32, #tpu.memory_space<vmem>>, vector<1x16xf32>,
      %get3A_271 = vector.shape_cast %get3A_270 : vector<1x16xf32> to vector<16xf32>
      %add3A_272 = arith.addf %get3A_267, %get3A_271 : vector<16xf32>
      %swap3A_273 = arith.index_cast %scan3A_152 : i32 to index
      %swap3A_274 = arith.constant 128 : index
      %swap3A_275 = tpu.vector_load %arg10[%swap3A_273, %swap3A_274] {strides = array<i32>} : memref<32x768xf32, #tpu.memory_space<vmem>>, vector<1x16xf32>,
      %swap3A_276 = vector.shape_cast %swap3A_275 : vector<1x16xf32> to vector<16xf32>
      %swap3A_277 = vector.shape_cast %add3A_272 : vector<16xf32> to vector<1x16xf32>
      tpu.vector_store %arg10[%swap3A_273, %swap3A_274], %swap3A_277 {strides = array<i32>} : memref<32x768xf32, #tpu.memory_space<vmem>>, vector<1x16xf32>,
      %get3A_278 = arith.index_cast %scan3A_152 : i32 to index
      %get3A_279 = arith.constant 144 : index
      %get3A_280 = tpu.vector_load %arg10[%get3A_278, %get3A_279] {strides = array<i32>} : memref<32x768xf32, #tpu.memory_space<vmem>>, vector<1x16xf32>,
      %get3A_281 = vector.shape_cast %get3A_280 : vector<1x16xf32> to vector<16xf32>
      %get3A_282 = arith.index_cast %scan3A_152 : i32 to index
      %get3A_283 = arith.constant 144 : index
      %get3A_284 = tpu.vector_load %arg11[%get3A_282, %get3A_283] {strides = array<i32>} : memref<32x768xf32, #tpu.memory_space<vmem>>, vector<1x16xf32>,
      %get3A_285 = vector.shape_cast %get3A_284 : vector<1x16xf32> to vector<16xf32>
      %add3A_286 = arith.addf %get3A_281, %get3A_285 : vector<16xf32>
      %swap3A_287 = arith.index_cast %scan3A_152 : i32 to index
      %swap3A_288 = arith.constant 144 : index
      %swap3A_289 = tpu.vector_load %arg10[%swap3A_287, %swap3A_288] {strides = array<i32>} : memref<32x768xf32, #tpu.memory_space<vmem>>, vector<1x16xf32>,
      %swap3A_290 = vector.shape_cast %swap3A_289 : vector<1x16xf32> to vector<16xf32>
      %swap3A_291 = vector.shape_cast %add3A_286 : vector<16xf32> to vector<1x16xf32>
      tpu.vector_store %arg10[%swap3A_287, %swap3A_288], %swap3A_291 {strides = array<i32>} : memref<32x768xf32, #tpu.memory_space<vmem>>, vector<1x16xf32>,
      %get3A_292 = arith.index_cast %scan3A_152 : i32 to index
      %get3A_293 = arith.constant 160 : index
      %get3A_294 = tpu.vector_load %arg10[%get3A_292, %get3A_293] {strides = array<i32>} : memref<32x768xf32, #tpu.memory_space<vmem>>, vector<1x16xf32>,
      %get3A_295 = vector.shape_cast %get3A_294 : vector<1x16xf32> to vector<16xf32>
      %get3A_296 = arith.index_cast %scan3A_152 : i32 to index
      %get3A_297 = arith.constant 160 : index
      %get3A_298 = tpu.vector_load %arg11[%get3A_296, %get3A_297] {strides = array<i32>} : memref<32x768xf32, #tpu.memory_space<vmem>>, vector<1x16xf32>,
      %get3A_299 = vector.shape_cast %get3A_298 : vector<1x16xf32> to vector<16xf32>
      %add3A_300 = arith.addf %get3A_295, %get3A_299 : vector<16xf32>
      %swap3A_301 = arith.index_cast %scan3A_152 : i32 to index
      %swap3A_302 = arith.constant 160 : index
      %swap3A_303 = tpu.vector_load %arg10[%swap3A_301, %swap3A_302] {strides = array<i32>} : memref<32x768xf32, #tpu.memory_space<vmem>>, vector<1x16xf32>,
      %swap3A_304 = vector.shape_cast %swap3A_303 : vector<1x16xf32> to vector<16xf32>
      %swap3A_305 = vector.shape_cast %add3A_300 : vector<16xf32> to vector<1x16xf32>
      tpu.vector_store %arg10[%swap3A_301, %swap3A_302], %swap3A_305 {strides = array<i32>} : memref<32x768xf32, #tpu.memory_space<vmem>>, vector<1x16xf32>,
      %get3A_306 = arith.index_cast %scan3A_152 : i32 to index
      %get3A_307 = arith.constant 176 : index
      %get3A_308 = tpu.vector_load %arg10[%get3A_306, %get3A_307] {strides = array<i32>} : memref<32x768xf32, #tpu.memory_space<vmem>>, vector<1x16xf32>,
      %get3A_309 = vector.shape_cast %get3A_308 : vector<1x16xf32> to vector<16xf32>
      %get3A_310 = arith.index_cast %scan3A_152 : i32 to index
      %get3A_311 = arith.constant 176 : index
      %get3A_312 = tpu.vector_load %arg11[%get3A_310, %get3A_311] {strides = array<i32>} : memref<32x768xf32, #tpu.memory_space<vmem>>, vector<1x16xf32>,
      %get3A_313 = vector.shape_cast %get3A_312 : vector<1x16xf32> to vector<16xf32>
      %add3A_314 = arith.addf %get3A_309, %get3A_313 : vector<16xf32>
      %swap3A_315 = arith.index_cast %scan3A_152 : i32 to index
      %swap3A_316 = arith.constant 176 : index
      %swap3A_317 = tpu.vector_load %arg10[%swap3A_315, %swap3A_316] {strides = array<i32>} : memref<32x768xf32, #tpu.memory_space<vmem>>, vector<1x16xf32>,
      %swap3A_318 = vector.shape_cast %swap3A_317 : vector<1x16xf32> to vector<16xf32>
      %swap3A_319 = vector.shape_cast %add3A_314 : vector<16xf32> to vector<1x16xf32>
      tpu.vector_store %arg10[%swap3A_315, %swap3A_316], %swap3A_319 {strides = array<i32>} : memref<32x768xf32, #tpu.memory_space<vmem>>, vector<1x16xf32>,
      %get3A_320 = arith.index_cast %scan3A_152 : i32 to index
      %get3A_321 = arith.constant 192 : index
      %get3A_322 = tpu.vector_load %arg10[%get3A_320, %get3A_321] {strides = array<i32>} : memref<32x768xf32, #tpu.memory_space<vmem>>, vector<1x16xf32>,
      %get3A_323 = vector.shape_cast %get3A_322 : vector<1x16xf32> to vector<16xf32>
      %get3A_324 = arith.index_cast %scan3A_152 : i32 to index
      %get3A_325 = arith.constant 192 : index
      %get3A_326 = tpu.vector_load %arg11[%get3A_324, %get3A_325] {strides = array<i32>} : memref<32x768xf32, #tpu.memory_space<vmem>>, vector<1x16xf32>,
      %get3A_327 = vector.shape_cast %get3A_326 : vector<1x16xf32> to vector<16xf32>
      %add3A_328 = arith.addf %get3A_323, %get3A_327 : vector<16xf32>
      %swap3A_329 = arith.index_cast %scan3A_152 : i32 to index
      %swap3A_330 = arith.constant 192 : index
      %swap3A_331 = tpu.vector_load %arg10[%swap3A_329, %swap3A_330] {strides = array<i32>} : memref<32x768xf32, #tpu.memory_space<vmem>>, vector<1x16xf32>,
      %swap3A_332 = vector.shape_cast %swap3A_331 : vector<1x16xf32> to vector<16xf32>
      %swap3A_333 = vector.shape_cast %add3A_328 : vector<16xf32> to vector<1x16xf32>
      tpu.vector_store %arg10[%swap3A_329, %swap3A_330], %swap3A_333 {strides = array<i32>} : memref<32x768xf32, #tpu.memory_space<vmem>>, vector<1x16xf32>,
      %get3A_334 = arith.index_cast %scan3A_152 : i32 to index
      %get3A_335 = arith.constant 208 : index
      %get3A_336 = tpu.vector_load %arg10[%get3A_334, %get3A_335] {strides = array<i32>} : memref<32x768xf32, #tpu.memory_space<vmem>>, vector<1x16xf32>,
      %get3A_337 = vector.shape_cast %get3A_336 : vector<1x16xf32> to vector<16xf32>
      %get3A_338 = arith.index_cast %scan3A_152 : i32 to index
      %get3A_339 = arith.constant 208 : index
      %get3A_340 = tpu.vector_load %arg11[%get3A_338, %get3A_339] {strides = array<i32>} : memref<32x768xf32, #tpu.memory_space<vmem>>, vector<1x16xf32>,
      %get3A_341 = vector.shape_cast %get3A_340 : vector<1x16xf32> to vector<16xf32>
      %add3A_342 = arith.addf %get3A_337, %get3A_341 : vector<16xf32>
      %swap3A_343 = arith.index_cast %scan3A_152 : i32 to index
      %swap3A_344 = arith.constant 208 : index
      %swap3A_345 = tpu.vector_load %arg10[%swap3A_343, %swap3A_344] {strides = array<i32>} : memref<32x768xf32, #tpu.memory_space<vmem>>, vector<1x16xf32>,
      %swap3A_346 = vector.shape_cast %swap3A_345 : vector<1x16xf32> to vector<16xf32>
      %swap3A_347 = vector.shape_cast %add3A_342 : vector<16xf32> to vector<1x16xf32>
      tpu.vector_store %arg10[%swap3A_343, %swap3A_344], %swap3A_347 {strides = array<i32>} : memref<32x768xf32, #tpu.memory_space<vmem>>, vector<1x16xf32>,
      %get3A_348 = arith.index_cast %scan3A_152 : i32 to index
      %get3A_349 = arith.constant 224 : index
      %get3A_350 = tpu.vector_load %arg10[%get3A_348, %get3A_349] {strides = array<i32>} : memref<32x768xf32, #tpu.memory_space<vmem>>, vector<1x16xf32>,
      %get3A_351 = vector.shape_cast %get3A_350 : vector<1x16xf32> to vector<16xf32>
      %get3A_352 = arith.index_cast %scan3A_152 : i32 to index
      %get3A_353 = arith.constant 224 : index
      %get3A_354 = tpu.vector_load %arg11[%get3A_352, %get3A_353] {strides = array<i32>} : memref<32x768xf32, #tpu.memory_space<vmem>>, vector<1x16xf32>,
      %get3A_355 = vector.shape_cast %get3A_354 : vector<1x16xf32> to vector<16xf32>
      %add3A_356 = arith.addf %get3A_351, %get3A_355 : vector<16xf32>
      %swap3A_357 = arith.index_cast %scan3A_152 : i32 to index
      %swap3A_358 = arith.constant 224 : index
      %swap3A_359 = tpu.vector_load %arg10[%swap3A_357, %swap3A_358] {strides = array<i32>} : memref<32x768xf32, #tpu.memory_space<vmem>>, vector<1x16xf32>,
      %swap3A_360 = vector.shape_cast %swap3A_359 : vector<1x16xf32> to vector<16xf32>
      %swap3A_361 = vector.shape_cast %add3A_356 : vector<16xf32> to vector<1x16xf32>
      tpu.vector_store %arg10[%swap3A_357, %swap3A_358], %swap3A_361 {strides = array<i32>} : memref<32x768xf32, #tpu.memory_space<vmem>>, vector<1x16xf32>,
      %get3A_362 = arith.index_cast %scan3A_152 : i32 to index
      %get3A_363 = arith.constant 240 : index
      %get3A_364 = tpu.vector_load %arg10[%get3A_362, %get3A_363] {strides = array<i32>} : memref<32x768xf32, #tpu.memory_space<vmem>>, vector<1x16xf32>,
      %get3A_365 = vector.shape_cast %get3A_364 : vector<1x16xf32> to vector<16xf32>
      %get3A_366 = arith.index_cast %scan3A_152 : i32 to index
      %get3A_367 = arith.constant 240 : index
      %get3A_368 = tpu.vector_load %arg11[%get3A_366, %get3A_367] {strides = array<i32>} : memref<32x768xf32, #tpu.memory_space<vmem>>, vector<1x16xf32>,
      %get3A_369 = vector.shape_cast %get3A_368 : vector<1x16xf32> to vector<16xf32>
      %add3A_370 = arith.addf %get3A_365, %get3A_369 : vector<16xf32>
      %swap3A_371 = arith.index_cast %scan3A_152 : i32 to index
      %swap3A_372 = arith.constant 240 : index
      %swap3A_373 = tpu.vector_load %arg10[%swap3A_371, %swap3A_372] {strides = array<i32>} : memref<32x768xf32, #tpu.memory_space<vmem>>, vector<1x16xf32>,
      %swap3A_374 = vector.shape_cast %swap3A_373 : vector<1x16xf32> to vector<16xf32>
      %swap3A_375 = vector.shape_cast %add3A_370 : vector<16xf32> to vector<1x16xf32>
      tpu.vector_store %arg10[%swap3A_371, %swap3A_372], %swap3A_375 {strides = array<i32>} : memref<32x768xf32, #tpu.memory_space<vmem>>, vector<1x16xf32>,
      %get3A_376 = arith.index_cast %scan3A_152 : i32 to index
      %get3A_377 = arith.constant 256 : index
      %get3A_378 = tpu.vector_load %arg10[%get3A_376, %get3A_377] {strides = array<i32>} : memref<32x768xf32, #tpu.memory_space<vmem>>, vector<1x16xf32>,
      %get3A_379 = vector.shape_cast %get3A_378 : vector<1x16xf32> to vector<16xf32>
      %get3A_380 = arith.index_cast %scan3A_152 : i32 to index
      %get3A_381 = arith.constant 256 : index
      %get3A_382 = tpu.vector_load %arg11[%get3A_380, %get3A_381] {strides = array<i32>} : memref<32x768xf32, #tpu.memory_space<vmem>>, vector<1x16xf32>,
      %get3A_383 = vector.shape_cast %get3A_382 : vector<1x16xf32> to vector<16xf32>
      %add3A_384 = arith.addf %get3A_379, %get3A_383 : vector<16xf32>
      %swap3A_385 = arith.index_cast %scan3A_152 : i32 to index
      %swap3A_386 = arith.constant 256 : index
      %swap3A_387 = tpu.vector_load %arg10[%swap3A_385, %swap3A_386] {strides = array<i32>} : memref<32x768xf32, #tpu.memory_space<vmem>>, vector<1x16xf32>,
      %swap3A_388 = vector.shape_cast %swap3A_387 : vector<1x16xf32> to vector<16xf32>
      %swap3A_389 = vector.shape_cast %add3A_384 : vector<16xf32> to vector<1x16xf32>
      tpu.vector_store %arg10[%swap3A_385, %swap3A_386], %swap3A_389 {strides = array<i32>} : memref<32x768xf32, #tpu.memory_space<vmem>>, vector<1x16xf32>,
      %get3A_390 = arith.index_cast %scan3A_152 : i32 to index
      %get3A_391 = arith.constant 272 : index
      %get3A_392 = tpu.vector_load %arg10[%get3A_390, %get3A_391] {strides = array<i32>} : memref<32x768xf32, #tpu.memory_space<vmem>>, vector<1x16xf32>,
      %get3A_393 = vector.shape_cast %get3A_392 : vector<1x16xf32> to vector<16xf32>
      %get3A_394 = arith.index_cast %scan3A_152 : i32 to index
      %get3A_395 = arith.constant 272 : index
      %get3A_396 = tpu.vector_load %arg11[%get3A_394, %get3A_395] {strides = array<i32>} : memref<32x768xf32, #tpu.memory_space<vmem>>, vector<1x16xf32>,
      %get3A_397 = vector.shape_cast %get3A_396 : vector<1x16xf32> to vector<16xf32>
      %add3A_398 = arith.addf %get3A_393, %get3A_397 : vector<16xf32>
      %swap3A_399 = arith.index_cast %scan3A_152 : i32 to index
      %swap3A_400 = arith.constant 272 : index
      %swap3A_401 = tpu.vector_load %arg10[%swap3A_399, %swap3A_400] {strides = array<i32>} : memref<32x768xf32, #tpu.memory_space<vmem>>, vector<1x16xf32>,
      %swap3A_402 = vector.shape_cast %swap3A_401 : vector<1x16xf32> to vector<16xf32>
      %swap3A_403 = vector.shape_cast %add3A_398 : vector<16xf32> to vector<1x16xf32>
      tpu.vector_store %arg10[%swap3A_399, %swap3A_400], %swap3A_403 {strides = array<i32>} : memref<32x768xf32, #tpu.memory_space<vmem>>, vector<1x16xf32>,
      %get3A_404 = arith.index_cast %scan3A_152 : i32 to index
      %get3A_405 = arith.constant 288 : index
      %get3A_406 = tpu.vector_load %arg10[%get3A_404, %get3A_405] {strides = array<i32>} : memref<32x768xf32, #tpu.memory_space<vmem>>, vector<1x16xf32>,
      %get3A_407 = vector.shape_cast %get3A_406 : vector<1x16xf32> to vector<16xf32>
      %get3A_408 = arith.index_cast %scan3A_152 : i32 to index
      %get3A_409 = arith.constant 288 : index
      %get3A_410 = tpu.vector_load %arg11[%get3A_408, %get3A_409] {strides = array<i32>} : memref<32x768xf32, #tpu.memory_space<vmem>>, vector<1x16xf32>,
      %get3A_411 = vector.shape_cast %get3A_410 : vector<1x16xf32> to vector<16xf32>
      %add3A_412 = arith.addf %get3A_407, %get3A_411 : vector<16xf32>
      %swap3A_413 = arith.index_cast %scan3A_152 : i32 to index
      %swap3A_414 = arith.constant 288 : index
      %swap3A_415 = tpu.vector_load %arg10[%swap3A_413, %swap3A_414] {strides = array<i32>} : memref<32x768xf32, #tpu.memory_space<vmem>>, vector<1x16xf32>,
      %swap3A_416 = vector.shape_cast %swap3A_415 : vector<1x16xf32> to vector<16xf32>
      %swap3A_417 = vector.shape_cast %add3A_412 : vector<16xf32> to vector<1x16xf32>
      tpu.vector_store %arg10[%swap3A_413, %swap3A_414], %swap3A_417 {strides = array<i32>} : memref<32x768xf32, #tpu.memory_space<vmem>>, vector<1x16xf32>,
      %get3A_418 = arith.index_cast %scan3A_152 : i32 to index
      %get3A_419 = arith.constant 304 : index
      %get3A_420 = tpu.vector_load %arg10[%get3A_418, %get3A_419] {strides = array<i32>} : memref<32x768xf32, #tpu.memory_space<vmem>>, vector<1x16xf32>,
      %get3A_421 = vector.shape_cast %get3A_420 : vector<1x16xf32> to vector<16xf32>
      %get3A_422 = arith.index_cast %scan3A_152 : i32 to index
      %get3A_423 = arith.constant 304 : index
      %get3A_424 = tpu.vector_load %arg11[%get3A_422, %get3A_423] {strides = array<i32>} : memref<32x768xf32, #tpu.memory_space<vmem>>, vector<1x16xf32>,
      %get3A_425 = vector.shape_cast %get3A_424 : vector<1x16xf32> to vector<16xf32>
      %add3A_426 = arith.addf %get3A_421, %get3A_425 : vector<16xf32>
      %swap3A_427 = arith.index_cast %scan3A_152 : i32 to index
      %swap3A_428 = arith.constant 304 : index
      %swap3A_429 = tpu.vector_load %arg10[%swap3A_427, %swap3A_428] {strides = array<i32>} : memref<32x768xf32, #tpu.memory_space<vmem>>, vector<1x16xf32>,
      %swap3A_430 = vector.shape_cast %swap3A_429 : vector<1x16xf32> to vector<16xf32>
      %swap3A_431 = vector.shape_cast %add3A_426 : vector<16xf32> to vector<1x16xf32>
      tpu.vector_store %arg10[%swap3A_427, %swap3A_428], %swap3A_431 {strides = array<i32>} : memref<32x768xf32, #tpu.memory_space<vmem>>, vector<1x16xf32>,
      %get3A_432 = arith.index_cast %scan3A_152 : i32 to index
      %get3A_433 = arith.constant 320 : index
      %get3A_434 = tpu.vector_load %arg10[%get3A_432, %get3A_433] {strides = array<i32>} : memref<32x768xf32, #tpu.memory_space<vmem>>, vector<1x16xf32>,
      %get3A_435 = vector.shape_cast %get3A_434 : vector<1x16xf32> to vector<16xf32>
      %get3A_436 = arith.index_cast %scan3A_152 : i32 to index
      %get3A_437 = arith.constant 320 : index
      %get3A_438 = tpu.vector_load %arg11[%get3A_436, %get3A_437] {strides = array<i32>} : memref<32x768xf32, #tpu.memory_space<vmem>>, vector<1x16xf32>,
      %get3A_439 = vector.shape_cast %get3A_438 : vector<1x16xf32> to vector<16xf32>
      %add3A_440 = arith.addf %get3A_435, %get3A_439 : vector<16xf32>
      %swap3A_441 = arith.index_cast %scan3A_152 : i32 to index
      %swap3A_442 = arith.constant 320 : index
      %swap3A_443 = tpu.vector_load %arg10[%swap3A_441, %swap3A_442] {strides = array<i32>} : memref<32x768xf32, #tpu.memory_space<vmem>>, vector<1x16xf32>,
      %swap3A_444 = vector.shape_cast %swap3A_443 : vector<1x16xf32> to vector<16xf32>
      %swap3A_445 = vector.shape_cast %add3A_440 : vector<16xf32> to vector<1x16xf32>
      tpu.vector_store %arg10[%swap3A_441, %swap3A_442], %swap3A_445 {strides = array<i32>} : memref<32x768xf32, #tpu.memory_space<vmem>>, vector<1x16xf32>,
      %get3A_446 = arith.index_cast %scan3A_152 : i32 to index
      %get3A_447 = arith.constant 336 : index
      %get3A_448 = tpu.vector_load %arg10[%get3A_446, %get3A_447] {strides = array<i32>} : memref<32x768xf32, #tpu.memory_space<vmem>>, vector<1x16xf32>,
      %get3A_449 = vector.shape_cast %get3A_448 : vector<1x16xf32> to vector<16xf32>
      %get3A_450 = arith.index_cast %scan3A_152 : i32 to index
      %get3A_451 = arith.constant 336 : index
      %get3A_452 = tpu.vector_load %arg11[%get3A_450, %get3A_451] {strides = array<i32>} : memref<32x768xf32, #tpu.memory_space<vmem>>, vector<1x16xf32>,
      %get3A_453 = vector.shape_cast %get3A_452 : vector<1x16xf32> to vector<16xf32>
      %add3A_454 = arith.addf %get3A_449, %get3A_453 : vector<16xf32>
      %swap3A_455 = arith.index_cast %scan3A_152 : i32 to index
      %swap3A_456 = arith.constant 336 : index
      %swap3A_457 = tpu.vector_load %arg10[%swap3A_455, %swap3A_456] {strides = array<i32>} : memref<32x768xf32, #tpu.memory_space<vmem>>, vector<1x16xf32>,
      %swap3A_458 = vector.shape_cast %swap3A_457 : vector<1x16xf32> to vector<16xf32>
      %swap3A_459 = vector.shape_cast %add3A_454 : vector<16xf32> to vector<1x16xf32>
      tpu.vector_store %arg10[%swap3A_455, %swap3A_456], %swap3A_459 {strides = array<i32>} : memref<32x768xf32, #tpu.memory_space<vmem>>, vector<1x16xf32>,
      %get3A_460 = arith.index_cast %scan3A_152 : i32 to index
      %get3A_461 = arith.constant 352 : index
      %get3A_462 = tpu.vector_load %arg10[%get3A_460, %get3A_461] {strides = array<i32>} : memref<32x768xf32, #tpu.memory_space<vmem>>, vector<1x16xf32>,
      %get3A_463 = vector.shape_cast %get3A_462 : vector<1x16xf32> to vector<16xf32>
      %get3A_464 = arith.index_cast %scan3A_152 : i32 to index
      %get3A_465 = arith.constant 352 : index
      %get3A_466 = tpu.vector_load %arg11[%get3A_464, %get3A_465] {strides = array<i32>} : memref<32x768xf32, #tpu.memory_space<vmem>>, vector<1x16xf32>,
      %get3A_467 = vector.shape_cast %get3A_466 : vector<1x16xf32> to vector<16xf32>
      %add3A_468 = arith.addf %get3A_463, %get3A_467 : vector<16xf32>
      %swap3A_469 = arith.index_cast %scan3A_152 : i32 to index
      %swap3A_470 = arith.constant 352 : index
      %swap3A_471 = tpu.vector_load %arg10[%swap3A_469, %swap3A_470] {strides = array<i32>} : memref<32x768xf32, #tpu.memory_space<vmem>>, vector<1x16xf32>,
      %swap3A_472 = vector.shape_cast %swap3A_471 : vector<1x16xf32> to vector<16xf32>
      %swap3A_473 = vector.shape_cast %add3A_468 : vector<16xf32> to vector<1x16xf32>
      tpu.vector_store %arg10[%swap3A_469, %swap3A_470], %swap3A_473 {strides = array<i32>} : memref<32x768xf32, #tpu.memory_space<vmem>>, vector<1x16xf32>,
      %get3A_474 = arith.index_cast %scan3A_152 : i32 to index
      %get3A_475 = arith.constant 368 : index
      %get3A_476 = tpu.vector_load %arg10[%get3A_474, %get3A_475] {strides = array<i32>} : memref<32x768xf32, #tpu.memory_space<vmem>>, vector<1x16xf32>,
      %get3A_477 = vector.shape_cast %get3A_476 : vector<1x16xf32> to vector<16xf32>
      %get3A_478 = arith.index_cast %scan3A_152 : i32 to index
      %get3A_479 = arith.constant 368 : index
      %get3A_480 = tpu.vector_load %arg11[%get3A_478, %get3A_479] {strides = array<i32>} : memref<32x768xf32, #tpu.memory_space<vmem>>, vector<1x16xf32>,
      %get3A_481 = vector.shape_cast %get3A_480 : vector<1x16xf32> to vector<16xf32>
      %add3A_482 = arith.addf %get3A_477, %get3A_481 : vector<16xf32>
      %swap3A_483 = arith.index_cast %scan3A_152 : i32 to index
      %swap3A_484 = arith.constant 368 : index
      %swap3A_485 = tpu.vector_load %arg10[%swap3A_483, %swap3A_484] {strides = array<i32>} : memref<32x768xf32, #tpu.memory_space<vmem>>, vector<1x16xf32>,
      %swap3A_486 = vector.shape_cast %swap3A_485 : vector<1x16xf32> to vector<16xf32>
      %swap3A_487 = vector.shape_cast %add3A_482 : vector<16xf32> to vector<1x16xf32>
      tpu.vector_store %arg10[%swap3A_483, %swap3A_484], %swap3A_487 {strides = array<i32>} : memref<32x768xf32, #tpu.memory_space<vmem>>, vector<1x16xf32>,
      %get3A_488 = arith.index_cast %scan3A_152 : i32 to index
      %get3A_489 = arith.constant 384 : index
      %get3A_490 = tpu.vector_load %arg10[%get3A_488, %get3A_489] {strides = array<i32>} : memref<32x768xf32, #tpu.memory_space<vmem>>, vector<1x16xf32>,
      %get3A_491 = vector.shape_cast %get3A_490 : vector<1x16xf32> to vector<16xf32>
      %get3A_492 = arith.index_cast %scan3A_152 : i32 to index
      %get3A_493 = arith.constant 384 : index
      %get3A_494 = tpu.vector_load %arg11[%get3A_492, %get3A_493] {strides = array<i32>} : memref<32x768xf32, #tpu.memory_space<vmem>>, vector<1x16xf32>,
      %get3A_495 = vector.shape_cast %get3A_494 : vector<1x16xf32> to vector<16xf32>
      %add3A_496 = arith.addf %get3A_491, %get3A_495 : vector<16xf32>
      %swap3A_497 = arith.index_cast %scan3A_152 : i32 to index
      %swap3A_498 = arith.constant 384 : index
      %swap3A_499 = tpu.vector_load %arg10[%swap3A_497, %swap3A_498] {strides = array<i32>} : memref<32x768xf32, #tpu.memory_space<vmem>>, vector<1x16xf32>,
      %swap3A_500 = vector.shape_cast %swap3A_499 : vector<1x16xf32> to vector<16xf32>
      %swap3A_501 = vector.shape_cast %add3A_496 : vector<16xf32> to vector<1x16xf32>
      tpu.vector_store %arg10[%swap3A_497, %swap3A_498], %swap3A_501 {strides = array<i32>} : memref<32x768xf32, #tpu.memory_space<vmem>>, vector<1x16xf32>,
      %get3A_502 = arith.index_cast %scan3A_152 : i32 to index
      %get3A_503 = arith.constant 400 : index
      %get3A_504 = tpu.vector_load %arg10[%get3A_502, %get3A_503] {strides = array<i32>} : memref<32x768xf32, #tpu.memory_space<vmem>>, vector<1x16xf32>,
      %get3A_505 = vector.shape_cast %get3A_504 : vector<1x16xf32> to vector<16xf32>
      %get3A_506 = arith.index_cast %scan3A_152 : i32 to index
      %get3A_507 = arith.constant 400 : index
      %get3A_508 = tpu.vector_load %arg11[%get3A_506, %get3A_507] {strides = array<i32>} : memref<32x768xf32, #tpu.memory_space<vmem>>, vector<1x16xf32>,
      %get3A_509 = vector.shape_cast %get3A_508 : vector<1x16xf32> to vector<16xf32>
      %add3A_510 = arith.addf %get3A_505, %get3A_509 : vector<16xf32>
      %swap3A_511 = arith.index_cast %scan3A_152 : i32 to index
      %swap3A_512 = arith.constant 400 : index
      %swap3A_513 = tpu.vector_load %arg10[%swap3A_511, %swap3A_512] {strides = array<i32>} : memref<32x768xf32, #tpu.memory_space<vmem>>, vector<1x16xf32>,
      %swap3A_514 = vector.shape_cast %swap3A_513 : vector<1x16xf32> to vector<16xf32>
      %swap3A_515 = vector.shape_cast %add3A_510 : vector<16xf32> to vector<1x16xf32>
      tpu.vector_store %arg10[%swap3A_511, %swap3A_512], %swap3A_515 {strides = array<i32>} : memref<32x768xf32, #tpu.memory_space<vmem>>, vector<1x16xf32>,
      %get3A_516 = arith.index_cast %scan3A_152 : i32 to index
      %get3A_517 = arith.constant 416 : index
      %get3A_518 = tpu.vector_load %arg10[%get3A_516, %get3A_517] {strides = array<i32>} : memref<32x768xf32, #tpu.memory_space<vmem>>, vector<1x16xf32>,
      %get3A_519 = vector.shape_cast %get3A_518 : vector<1x16xf32> to vector<16xf32>
      %get3A_520 = arith.index_cast %scan3A_152 : i32 to index
      %get3A_521 = arith.constant 416 : index
      %get3A_522 = tpu.vector_load %arg11[%get3A_520, %get3A_521] {strides = array<i32>} : memref<32x768xf32, #tpu.memory_space<vmem>>, vector<1x16xf32>,
      %get3A_523 = vector.shape_cast %get3A_522 : vector<1x16xf32> to vector<16xf32>
      %add3A_524 = arith.addf %get3A_519, %get3A_523 : vector<16xf32>
      %swap3A_525 = arith.index_cast %scan3A_152 : i32 to index
      %swap3A_526 = arith.constant 416 : index
      %swap3A_527 = tpu.vector_load %arg10[%swap3A_525, %swap3A_526] {strides = array<i32>} : memref<32x768xf32, #tpu.memory_space<vmem>>, vector<1x16xf32>,
      %swap3A_528 = vector.shape_cast %swap3A_527 : vector<1x16xf32> to vector<16xf32>
      %swap3A_529 = vector.shape_cast %add3A_524 : vector<16xf32> to vector<1x16xf32>
      tpu.vector_store %arg10[%swap3A_525, %swap3A_526], %swap3A_529 {strides = array<i32>} : memref<32x768xf32, #tpu.memory_space<vmem>>, vector<1x16xf32>,
      %get3A_530 = arith.index_cast %scan3A_152 : i32 to index
      %get3A_531 = arith.constant 432 : index
      %get3A_532 = tpu.vector_load %arg10[%get3A_530, %get3A_531] {strides = array<i32>} : memref<32x768xf32, #tpu.memory_space<vmem>>, vector<1x16xf32>,
      %get3A_533 = vector.shape_cast %get3A_532 : vector<1x16xf32> to vector<16xf32>
      %get3A_534 = arith.index_cast %scan3A_152 : i32 to index
      %get3A_535 = arith.constant 432 : index
      %get3A_536 = tpu.vector_load %arg11[%get3A_534, %get3A_535] {strides = array<i32>} : memref<32x768xf32, #tpu.memory_space<vmem>>, vector<1x16xf32>,
      %get3A_537 = vector.shape_cast %get3A_536 : vector<1x16xf32> to vector<16xf32>
      %add3A_538 = arith.addf %get3A_533, %get3A_537 : vector<16xf32>
      %swap3A_539 = arith.index_cast %scan3A_152 : i32 to index
      %swap3A_540 = arith.constant 432 : index
      %swap3A_541 = tpu.vector_load %arg10[%swap3A_539, %swap3A_540] {strides = array<i32>} : memref<32x768xf32, #tpu.memory_space<vmem>>, vector<1x16xf32>,
      %swap3A_542 = vector.shape_cast %swap3A_541 : vector<1x16xf32> to vector<16xf32>
      %swap3A_543 = vector.shape_cast %add3A_538 : vector<16xf32> to vector<1x16xf32>
      tpu.vector_store %arg10[%swap3A_539, %swap3A_540], %swap3A_543 {strides = array<i32>} : memref<32x768xf32, #tpu.memory_space<vmem>>, vector<1x16xf32>,
      %get3A_544 = arith.index_cast %scan3A_152 : i32 to index
      %get3A_545 = arith.constant 448 : index
      %get3A_546 = tpu.vector_load %arg10[%get3A_544, %get3A_545] {strides = array<i32>} : memref<32x768xf32, #tpu.memory_space<vmem>>, vector<1x16xf32>,
      %get3A_547 = vector.shape_cast %get3A_546 : vector<1x16xf32> to vector<16xf32>
      %get3A_548 = arith.index_cast %scan3A_152 : i32 to index
      %get3A_549 = arith.constant 448 : index
      %get3A_550 = tpu.vector_load %arg11[%get3A_548, %get3A_549] {strides = array<i32>} : memref<32x768xf32, #tpu.memory_space<vmem>>, vector<1x16xf32>,
      %get3A_551 = vector.shape_cast %get3A_550 : vector<1x16xf32> to vector<16xf32>
      %add3A_552 = arith.addf %get3A_547, %get3A_551 : vector<16xf32>
      %swap3A_553 = arith.index_cast %scan3A_152 : i32 to index
      %swap3A_554 = arith.constant 448 : index
      %swap3A_555 = tpu.vector_load %arg10[%swap3A_553, %swap3A_554] {strides = array<i32>} : memref<32x768xf32, #tpu.memory_space<vmem>>, vector<1x16xf32>,
      %swap3A_556 = vector.shape_cast %swap3A_555 : vector<1x16xf32> to vector<16xf32>
      %swap3A_557 = vector.shape_cast %add3A_552 : vector<16xf32> to vector<1x16xf32>
      tpu.vector_store %arg10[%swap3A_553, %swap3A_554], %swap3A_557 {strides = array<i32>} : memref<32x768xf32, #tpu.memory_space<vmem>>, vector<1x16xf32>,
      %get3A_558 = arith.index_cast %scan3A_152 : i32 to index
      %get3A_559 = arith.constant 464 : index
      %get3A_560 = tpu.vector_load %arg10[%get3A_558, %get3A_559] {strides = array<i32>} : memref<32x768xf32, #tpu.memory_space<vmem>>, vector<1x16xf32>,
      %get3A_561 = vector.shape_cast %get3A_560 : vector<1x16xf32> to vector<16xf32>
      %get3A_562 = arith.index_cast %scan3A_152 : i32 to index
      %get3A_563 = arith.constant 464 : index
      %get3A_564 = tpu.vector_load %arg11[%get3A_562, %get3A_563] {strides = array<i32>} : memref<32x768xf32, #tpu.memory_space<vmem>>, vector<1x16xf32>,
      %get3A_565 = vector.shape_cast %get3A_564 : vector<1x16xf32> to vector<16xf32>
      %add3A_566 = arith.addf %get3A_561, %get3A_565 : vector<16xf32>
      %swap3A_567 = arith.index_cast %scan3A_152 : i32 to index
      %swap3A_568 = arith.constant 464 : index
      %swap3A_569 = tpu.vector_load %arg10[%swap3A_567, %swap3A_568] {strides = array<i32>} : memref<32x768xf32, #tpu.memory_space<vmem>>, vector<1x16xf32>,
      %swap3A_570 = vector.shape_cast %swap3A_569 : vector<1x16xf32> to vector<16xf32>
      %swap3A_571 = vector.shape_cast %add3A_566 : vector<16xf32> to vector<1x16xf32>
      tpu.vector_store %arg10[%swap3A_567, %swap3A_568], %swap3A_571 {strides = array<i32>} : memref<32x768xf32, #tpu.memory_space<vmem>>, vector<1x16xf32>,
      %get3A_572 = arith.index_cast %scan3A_152 : i32 to index
      %get3A_573 = arith.constant 480 : index
      %get3A_574 = tpu.vector_load %arg10[%get3A_572, %get3A_573] {strides = array<i32>} : memref<32x768xf32, #tpu.memory_space<vmem>>, vector<1x16xf32>,
      %get3A_575 = vector.shape_cast %get3A_574 : vector<1x16xf32> to vector<16xf32>
      %get3A_576 = arith.index_cast %scan3A_152 : i32 to index
      %get3A_577 = arith.constant 480 : index
      %get3A_578 = tpu.vector_load %arg11[%get3A_576, %get3A_577] {strides = array<i32>} : memref<32x768xf32, #tpu.memory_space<vmem>>, vector<1x16xf32>,
      %get3A_579 = vector.shape_cast %get3A_578 : vector<1x16xf32> to vector<16xf32>
      %add3A_580 = arith.addf %get3A_575, %get3A_579 : vector<16xf32>
      %swap3A_581 = arith.index_cast %scan3A_152 : i32 to index
      %swap3A_582 = arith.constant 480 : index
      %swap3A_583 = tpu.vector_load %arg10[%swap3A_581, %swap3A_582] {strides = array<i32>} : memref<32x768xf32, #tpu.memory_space<vmem>>, vector<1x16xf32>,
      %swap3A_584 = vector.shape_cast %swap3A_583 : vector<1x16xf32> to vector<16xf32>
      %swap3A_585 = vector.shape_cast %add3A_580 : vector<16xf32> to vector<1x16xf32>
      tpu.vector_store %arg10[%swap3A_581, %swap3A_582], %swap3A_585 {strides = array<i32>} : memref<32x768xf32, #tpu.memory_space<vmem>>, vector<1x16xf32>,
      %get3A_586 = arith.index_cast %scan3A_152 : i32 to index
      %get3A_587 = arith.constant 496 : index
      %get3A_588 = tpu.vector_load %arg10[%get3A_586, %get3A_587] {strides = array<i32>} : memref<32x768xf32, #tpu.memory_space<vmem>>, vector<1x16xf32>,
      %get3A_589 = vector.shape_cast %get3A_588 : vector<1x16xf32> to vector<16xf32>
      %get3A_590 = arith.index_cast %scan3A_152 : i32 to index
      %get3A_591 = arith.constant 496 : index
      %get3A_592 = tpu.vector_load %arg11[%get3A_590, %get3A_591] {strides = array<i32>} : memref<32x768xf32, #tpu.memory_space<vmem>>, vector<1x16xf32>,
      %get3A_593 = vector.shape_cast %get3A_592 : vector<1x16xf32> to vector<16xf32>
      %add3A_594 = arith.addf %get3A_589, %get3A_593 : vector<16xf32>
      %swap3A_595 = arith.index_cast %scan3A_152 : i32 to index
      %swap3A_596 = arith.constant 496 : index
      %swap3A_597 = tpu.vector_load %arg10[%swap3A_595, %swap3A_596] {strides = array<i32>} : memref<32x768xf32, #tpu.memory_space<vmem>>, vector<1x16xf32>,
      %swap3A_598 = vector.shape_cast %swap3A_597 : vector<1x16xf32> to vector<16xf32>
      %swap3A_599 = vector.shape_cast %add3A_594 : vector<16xf32> to vector<1x16xf32>
      tpu.vector_store %arg10[%swap3A_595, %swap3A_596], %swap3A_599 {strides = array<i32>} : memref<32x768xf32, #tpu.memory_space<vmem>>, vector<1x16xf32>,
      %get3A_600 = arith.index_cast %scan3A_152 : i32 to index
      %get3A_601 = arith.constant 512 : index
      %get3A_602 = tpu.vector_load %arg10[%get3A_600, %get3A_601] {strides = array<i32>} : memref<32x768xf32, #tpu.memory_space<vmem>>, vector<1x16xf32>,
      %get3A_603 = vector.shape_cast %get3A_602 : vector<1x16xf32> to vector<16xf32>
      %get3A_604 = arith.index_cast %scan3A_152 : i32 to index
      %get3A_605 = arith.constant 512 : index
      %get3A_606 = tpu.vector_load %arg11[%get3A_604, %get3A_605] {strides = array<i32>} : memref<32x768xf32, #tpu.memory_space<vmem>>, vector<1x16xf32>,
      %get3A_607 = vector.shape_cast %get3A_606 : vector<1x16xf32> to vector<16xf32>
      %add3A_608 = arith.addf %get3A_603, %get3A_607 : vector<16xf32>
      %swap3A_609 = arith.index_cast %scan3A_152 : i32 to index
      %swap3A_610 = arith.constant 512 : index
      %swap3A_611 = tpu.vector_load %arg10[%swap3A_609, %swap3A_610] {strides = array<i32>} : memref<32x768xf32, #tpu.memory_space<vmem>>, vector<1x16xf32>,
      %swap3A_612 = vector.shape_cast %swap3A_611 : vector<1x16xf32> to vector<16xf32>
      %swap3A_613 = vector.shape_cast %add3A_608 : vector<16xf32> to vector<1x16xf32>
      tpu.vector_store %arg10[%swap3A_609, %swap3A_610], %swap3A_613 {strides = array<i32>} : memref<32x768xf32, #tpu.memory_space<vmem>>, vector<1x16xf32>,
      %get3A_614 = arith.index_cast %scan3A_152 : i32 to index
      %get3A_615 = arith.constant 528 : index
      %get3A_616 = tpu.vector_load %arg10[%get3A_614, %get3A_615] {strides = array<i32>} : memref<32x768xf32, #tpu.memory_space<vmem>>, vector<1x16xf32>,
      %get3A_617 = vector.shape_cast %get3A_616 : vector<1x16xf32> to vector<16xf32>
      %get3A_618 = arith.index_cast %scan3A_152 : i32 to index
      %get3A_619 = arith.constant 528 : index
      %get3A_620 = tpu.vector_load %arg11[%get3A_618, %get3A_619] {strides = array<i32>} : memref<32x768xf32, #tpu.memory_space<vmem>>, vector<1x16xf32>,
      %get3A_621 = vector.shape_cast %get3A_620 : vector<1x16xf32> to vector<16xf32>
      %add3A_622 = arith.addf %get3A_617, %get3A_621 : vector<16xf32>
      %swap3A_623 = arith.index_cast %scan3A_152 : i32 to index
      %swap3A_624 = arith.constant 528 : index
      %swap3A_625 = tpu.vector_load %arg10[%swap3A_623, %swap3A_624] {strides = array<i32>} : memref<32x768xf32, #tpu.memory_space<vmem>>, vector<1x16xf32>,
      %swap3A_626 = vector.shape_cast %swap3A_625 : vector<1x16xf32> to vector<16xf32>
      %swap3A_627 = vector.shape_cast %add3A_622 : vector<16xf32> to vector<1x16xf32>
      tpu.vector_store %arg10[%swap3A_623, %swap3A_624], %swap3A_627 {strides = array<i32>} : memref<32x768xf32, #tpu.memory_space<vmem>>, vector<1x16xf32>,
      %get3A_628 = arith.index_cast %scan3A_152 : i32 to index
      %get3A_629 = arith.constant 544 : index
      %get3A_630 = tpu.vector_load %arg10[%get3A_628, %get3A_629] {strides = array<i32>} : memref<32x768xf32, #tpu.memory_space<vmem>>, vector<1x16xf32>,
      %get3A_631 = vector.shape_cast %get3A_630 : vector<1x16xf32> to vector<16xf32>
      %get3A_632 = arith.index_cast %scan3A_152 : i32 to index
      %get3A_633 = arith.constant 544 : index
      %get3A_634 = tpu.vector_load %arg11[%get3A_632, %get3A_633] {strides = array<i32>} : memref<32x768xf32, #tpu.memory_space<vmem>>, vector<1x16xf32>,
      %get3A_635 = vector.shape_cast %get3A_634 : vector<1x16xf32> to vector<16xf32>
      %add3A_636 = arith.addf %get3A_631, %get3A_635 : vector<16xf32>
      %swap3A_637 = arith.index_cast %scan3A_152 : i32 to index
      %swap3A_638 = arith.constant 544 : index
      %swap3A_639 = tpu.vector_load %arg10[%swap3A_637, %swap3A_638] {strides = array<i32>} : memref<32x768xf32, #tpu.memory_space<vmem>>, vector<1x16xf32>,
      %swap3A_640 = vector.shape_cast %swap3A_639 : vector<1x16xf32> to vector<16xf32>
      %swap3A_641 = vector.shape_cast %add3A_636 : vector<16xf32> to vector<1x16xf32>
      tpu.vector_store %arg10[%swap3A_637, %swap3A_638], %swap3A_641 {strides = array<i32>} : memref<32x768xf32, #tpu.memory_space<vmem>>, vector<1x16xf32>,
      %get3A_642 = arith.index_cast %scan3A_152 : i32 to index
      %get3A_643 = arith.constant 560 : index
      %get3A_644 = tpu.vector_load %arg10[%get3A_642, %get3A_643] {strides = array<i32>} : memref<32x768xf32, #tpu.memory_space<vmem>>, vector<1x16xf32>,
      %get3A_645 = vector.shape_cast %get3A_644 : vector<1x16xf32> to vector<16xf32>
      %get3A_646 = arith.index_cast %scan3A_152 : i32 to index
      %get3A_647 = arith.constant 560 : index
      %get3A_648 = tpu.vector_load %arg11[%get3A_646, %get3A_647] {strides = array<i32>} : memref<32x768xf32, #tpu.memory_space<vmem>>, vector<1x16xf32>,
      %get3A_649 = vector.shape_cast %get3A_648 : vector<1x16xf32> to vector<16xf32>
      %add3A_650 = arith.addf %get3A_645, %get3A_649 : vector<16xf32>
      %swap3A_651 = arith.index_cast %scan3A_152 : i32 to index
      %swap3A_652 = arith.constant 560 : index
      %swap3A_653 = tpu.vector_load %arg10[%swap3A_651, %swap3A_652] {strides = array<i32>} : memref<32x768xf32, #tpu.memory_space<vmem>>, vector<1x16xf32>,
      %swap3A_654 = vector.shape_cast %swap3A_653 : vector<1x16xf32> to vector<16xf32>
      %swap3A_655 = vector.shape_cast %add3A_650 : vector<16xf32> to vector<1x16xf32>
      tpu.vector_store %arg10[%swap3A_651, %swap3A_652], %swap3A_655 {strides = array<i32>} : memref<32x768xf32, #tpu.memory_space<vmem>>, vector<1x16xf32>,
      %get3A_656 = arith.index_cast %scan3A_152 : i32 to index
      %get3A_657 = arith.constant 576 : index
      %get3A_658 = tpu.vector_load %arg10[%get3A_656, %get3A_657] {strides = array<i32>} : memref<32x768xf32, #tpu.memory_space<vmem>>, vector<1x16xf32>,
      %get3A_659 = vector.shape_cast %get3A_658 : vector<1x16xf32> to vector<16xf32>
      %get3A_660 = arith.index_cast %scan3A_152 : i32 to index
      %get3A_661 = arith.constant 576 : index
      %get3A_662 = tpu.vector_load %arg11[%get3A_660, %get3A_661] {strides = array<i32>} : memref<32x768xf32, #tpu.memory_space<vmem>>, vector<1x16xf32>,
      %get3A_663 = vector.shape_cast %get3A_662 : vector<1x16xf32> to vector<16xf32>
      %add3A_664 = arith.addf %get3A_659, %get3A_663 : vector<16xf32>
      %swap3A_665 = arith.index_cast %scan3A_152 : i32 to index
      %swap3A_666 = arith.constant 576 : index
      %swap3A_667 = tpu.vector_load %arg10[%swap3A_665, %swap3A_666] {strides = array<i32>} : memref<32x768xf32, #tpu.memory_space<vmem>>, vector<1x16xf32>,
      %swap3A_668 = vector.shape_cast %swap3A_667 : vector<1x16xf32> to vector<16xf32>
      %swap3A_669 = vector.shape_cast %add3A_664 : vector<16xf32> to vector<1x16xf32>
      tpu.vector_store %arg10[%swap3A_665, %swap3A_666], %swap3A_669 {strides = array<i32>} : memref<32x768xf32, #tpu.memory_space<vmem>>, vector<1x16xf32>,
      %get3A_670 = arith.index_cast %scan3A_152 : i32 to index
      %get3A_671 = arith.constant 592 : index
      %get3A_672 = tpu.vector_load %arg10[%get3A_670, %get3A_671] {strides = array<i32>} : memref<32x768xf32, #tpu.memory_space<vmem>>, vector<1x16xf32>,
      %get3A_673 = vector.shape_cast %get3A_672 : vector<1x16xf32> to vector<16xf32>
      %get3A_674 = arith.index_cast %scan3A_152 : i32 to index
      %get3A_675 = arith.constant 592 : index
      %get3A_676 = tpu.vector_load %arg11[%get3A_674, %get3A_675] {strides = array<i32>} : memref<32x768xf32, #tpu.memory_space<vmem>>, vector<1x16xf32>,
      %get3A_677 = vector.shape_cast %get3A_676 : vector<1x16xf32> to vector<16xf32>
      %add3A_678 = arith.addf %get3A_673, %get3A_677 : vector<16xf32>
      %swap3A_679 = arith.index_cast %scan3A_152 : i32 to index
      %swap3A_680 = arith.constant 592 : index
      %swap3A_681 = tpu.vector_load %arg10[%swap3A_679, %swap3A_680] {strides = array<i32>} : memref<32x768xf32, #tpu.memory_space<vmem>>, vector<1x16xf32>,
      %swap3A_682 = vector.shape_cast %swap3A_681 : vector<1x16xf32> to vector<16xf32>
      %swap3A_683 = vector.shape_cast %add3A_678 : vector<16xf32> to vector<1x16xf32>
      tpu.vector_store %arg10[%swap3A_679, %swap3A_680], %swap3A_683 {strides = array<i32>} : memref<32x768xf32, #tpu.memory_space<vmem>>, vector<1x16xf32>,
      %get3A_684 = arith.index_cast %scan3A_152 : i32 to index
      %get3A_685 = arith.constant 608 : index
      %get3A_686 = tpu.vector_load %arg10[%get3A_684, %get3A_685] {strides = array<i32>} : memref<32x768xf32, #tpu.memory_space<vmem>>, vector<1x16xf32>,
      %get3A_687 = vector.shape_cast %get3A_686 : vector<1x16xf32> to vector<16xf32>
      %get3A_688 = arith.index_cast %scan3A_152 : i32 to index
      %get3A_689 = arith.constant 608 : index
      %get3A_690 = tpu.vector_load %arg11[%get3A_688, %get3A_689] {strides = array<i32>} : memref<32x768xf32, #tpu.memory_space<vmem>>, vector<1x16xf32>,
      %get3A_691 = vector.shape_cast %get3A_690 : vector<1x16xf32> to vector<16xf32>
      %add3A_692 = arith.addf %get3A_687, %get3A_691 : vector<16xf32>
      %swap3A_693 = arith.index_cast %scan3A_152 : i32 to index
      %swap3A_694 = arith.constant 608 : index
      %swap3A_695 = tpu.vector_load %arg10[%swap3A_693, %swap3A_694] {strides = array<i32>} : memref<32x768xf32, #tpu.memory_space<vmem>>, vector<1x16xf32>,
      %swap3A_696 = vector.shape_cast %swap3A_695 : vector<1x16xf32> to vector<16xf32>
      %swap3A_697 = vector.shape_cast %add3A_692 : vector<16xf32> to vector<1x16xf32>
      tpu.vector_store %arg10[%swap3A_693, %swap3A_694], %swap3A_697 {strides = array<i32>} : memref<32x768xf32, #tpu.memory_space<vmem>>, vector<1x16xf32>,
      %get3A_698 = arith.index_cast %scan3A_152 : i32 to index
      %get3A_699 = arith.constant 624 : index
      %get3A_700 = tpu.vector_load %arg10[%get3A_698, %get3A_699] {strides = array<i32>} : memref<32x768xf32, #tpu.memory_space<vmem>>, vector<1x16xf32>,
      %get3A_701 = vector.shape_cast %get3A_700 : vector<1x16xf32> to vector<16xf32>
      %get3A_702 = arith.index_cast %scan3A_152 : i32 to index
      %get3A_703 = arith.constant 624 : index
      %get3A_704 = tpu.vector_load %arg11[%get3A_702, %get3A_703] {strides = array<i32>} : memref<32x768xf32, #tpu.memory_space<vmem>>, vector<1x16xf32>,
      %get3A_705 = vector.shape_cast %get3A_704 : vector<1x16xf32> to vector<16xf32>
      %add3A_706 = arith.addf %get3A_701, %get3A_705 : vector<16xf32>
      %swap3A_707 = arith.index_cast %scan3A_152 : i32 to index
      %swap3A_708 = arith.constant 624 : index
      %swap3A_709 = tpu.vector_load %arg10[%swap3A_707, %swap3A_708] {strides = array<i32>} : memref<32x768xf32, #tpu.memory_space<vmem>>, vector<1x16xf32>,
      %swap3A_710 = vector.shape_cast %swap3A_709 : vector<1x16xf32> to vector<16xf32>
      %swap3A_711 = vector.shape_cast %add3A_706 : vector<16xf32> to vector<1x16xf32>
      tpu.vector_store %arg10[%swap3A_707, %swap3A_708], %swap3A_711 {strides = array<i32>} : memref<32x768xf32, #tpu.memory_space<vmem>>, vector<1x16xf32>,
      %get3A_712 = arith.index_cast %scan3A_152 : i32 to index
      %get3A_713 = arith.constant 640 : index
      %get3A_714 = tpu.vector_load %arg10[%get3A_712, %get3A_713] {strides = array<i32>} : memref<32x768xf32, #tpu.memory_space<vmem>>, vector<1x16xf32>,
      %get3A_715 = vector.shape_cast %get3A_714 : vector<1x16xf32> to vector<16xf32>
      %get3A_716 = arith.index_cast %scan3A_152 : i32 to index
      %get3A_717 = arith.constant 640 : index
      %get3A_718 = tpu.vector_load %arg11[%get3A_716, %get3A_717] {strides = array<i32>} : memref<32x768xf32, #tpu.memory_space<vmem>>, vector<1x16xf32>,
      %get3A_719 = vector.shape_cast %get3A_718 : vector<1x16xf32> to vector<16xf32>
      %add3A_720 = arith.addf %get3A_715, %get3A_719 : vector<16xf32>
      %swap3A_721 = arith.index_cast %scan3A_152 : i32 to index
      %swap3A_722 = arith.constant 640 : index
      %swap3A_723 = tpu.vector_load %arg10[%swap3A_721, %swap3A_722] {strides = array<i32>} : memref<32x768xf32, #tpu.memory_space<vmem>>, vector<1x16xf32>,
      %swap3A_724 = vector.shape_cast %swap3A_723 : vector<1x16xf32> to vector<16xf32>
      %swap3A_725 = vector.shape_cast %add3A_720 : vector<16xf32> to vector<1x16xf32>
      tpu.vector_store %arg10[%swap3A_721, %swap3A_722], %swap3A_725 {strides = array<i32>} : memref<32x768xf32, #tpu.memory_space<vmem>>, vector<1x16xf32>,
      %get3A_726 = arith.index_cast %scan3A_152 : i32 to index
      %get3A_727 = arith.constant 656 : index
      %get3A_728 = tpu.vector_load %arg10[%get3A_726, %get3A_727] {strides = array<i32>} : memref<32x768xf32, #tpu.memory_space<vmem>>, vector<1x16xf32>,
      %get3A_729 = vector.shape_cast %get3A_728 : vector<1x16xf32> to vector<16xf32>
      %get3A_730 = arith.index_cast %scan3A_152 : i32 to index
      %get3A_731 = arith.constant 656 : index
      %get3A_732 = tpu.vector_load %arg11[%get3A_730, %get3A_731] {strides = array<i32>} : memref<32x768xf32, #tpu.memory_space<vmem>>, vector<1x16xf32>,
      %get3A_733 = vector.shape_cast %get3A_732 : vector<1x16xf32> to vector<16xf32>
      %add3A_734 = arith.addf %get3A_729, %get3A_733 : vector<16xf32>
      %swap3A_735 = arith.index_cast %scan3A_152 : i32 to index
      %swap3A_736 = arith.constant 656 : index
      %swap3A_737 = tpu.vector_load %arg10[%swap3A_735, %swap3A_736] {strides = array<i32>} : memref<32x768xf32, #tpu.memory_space<vmem>>, vector<1x16xf32>,
      %swap3A_738 = vector.shape_cast %swap3A_737 : vector<1x16xf32> to vector<16xf32>
      %swap3A_739 = vector.shape_cast %add3A_734 : vector<16xf32> to vector<1x16xf32>
      tpu.vector_store %arg10[%swap3A_735, %swap3A_736], %swap3A_739 {strides = array<i32>} : memref<32x768xf32, #tpu.memory_space<vmem>>, vector<1x16xf32>,
      %get3A_740 = arith.index_cast %scan3A_152 : i32 to index
      %get3A_741 = arith.constant 672 : index
      %get3A_742 = tpu.vector_load %arg10[%get3A_740, %get3A_741] {strides = array<i32>} : memref<32x768xf32, #tpu.memory_space<vmem>>, vector<1x16xf32>,
      %get3A_743 = vector.shape_cast %get3A_742 : vector<1x16xf32> to vector<16xf32>
      %get3A_744 = arith.index_cast %scan3A_152 : i32 to index
      %get3A_745 = arith.constant 672 : index
      %get3A_746 = tpu.vector_load %arg11[%get3A_744, %get3A_745] {strides = array<i32>} : memref<32x768xf32, #tpu.memory_space<vmem>>, vector<1x16xf32>,
      %get3A_747 = vector.shape_cast %get3A_746 : vector<1x16xf32> to vector<16xf32>
      %add3A_748 = arith.addf %get3A_743, %get3A_747 : vector<16xf32>
      %swap3A_749 = arith.index_cast %scan3A_152 : i32 to index
      %swap3A_750 = arith.constant 672 : index
      %swap3A_751 = tpu.vector_load %arg10[%swap3A_749, %swap3A_750] {strides = array<i32>} : memref<32x768xf32, #tpu.memory_space<vmem>>, vector<1x16xf32>,
      %swap3A_752 = vector.shape_cast %swap3A_751 : vector<1x16xf32> to vector<16xf32>
      %swap3A_753 = vector.shape_cast %add3A_748 : vector<16xf32> to vector<1x16xf32>
      tpu.vector_store %arg10[%swap3A_749, %swap3A_750], %swap3A_753 {strides = array<i32>} : memref<32x768xf32, #tpu.memory_space<vmem>>, vector<1x16xf32>,
      %get3A_754 = arith.index_cast %scan3A_152 : i32 to index
      %get3A_755 = arith.constant 688 : index
      %get3A_756 = tpu.vector_load %arg10[%get3A_754, %get3A_755] {strides = array<i32>} : memref<32x768xf32, #tpu.memory_space<vmem>>, vector<1x16xf32>,
      %get3A_757 = vector.shape_cast %get3A_756 : vector<1x16xf32> to vector<16xf32>
      %get3A_758 = arith.index_cast %scan3A_152 : i32 to index
      %get3A_759 = arith.constant 688 : index
      %get3A_760 = tpu.vector_load %arg11[%get3A_758, %get3A_759] {strides = array<i32>} : memref<32x768xf32, #tpu.memory_space<vmem>>, vector<1x16xf32>,
      %get3A_761 = vector.shape_cast %get3A_760 : vector<1x16xf32> to vector<16xf32>
      %add3A_762 = arith.addf %get3A_757, %get3A_761 : vector<16xf32>
      %swap3A_763 = arith.index_cast %scan3A_152 : i32 to index
      %swap3A_764 = arith.constant 688 : index
      %swap3A_765 = tpu.vector_load %arg10[%swap3A_763, %swap3A_764] {strides = array<i32>} : memref<32x768xf32, #tpu.memory_space<vmem>>, vector<1x16xf32>,
      %swap3A_766 = vector.shape_cast %swap3A_765 : vector<1x16xf32> to vector<16xf32>
      %swap3A_767 = vector.shape_cast %add3A_762 : vector<16xf32> to vector<1x16xf32>
      tpu.vector_store %arg10[%swap3A_763, %swap3A_764], %swap3A_767 {strides = array<i32>} : memref<32x768xf32, #tpu.memory_space<vmem>>, vector<1x16xf32>,
      %get3A_768 = arith.index_cast %scan3A_152 : i32 to index
      %get3A_769 = arith.constant 704 : index
      %get3A_770 = tpu.vector_load %arg10[%get3A_768, %get3A_769] {strides = array<i32>} : memref<32x768xf32, #tpu.memory_space<vmem>>, vector<1x16xf32>,
      %get3A_771 = vector.shape_cast %get3A_770 : vector<1x16xf32> to vector<16xf32>
      %get3A_772 = arith.index_cast %scan3A_152 : i32 to index
      %get3A_773 = arith.constant 704 : index
      %get3A_774 = tpu.vector_load %arg11[%get3A_772, %get3A_773] {strides = array<i32>} : memref<32x768xf32, #tpu.memory_space<vmem>>, vector<1x16xf32>,
      %get3A_775 = vector.shape_cast %get3A_774 : vector<1x16xf32> to vector<16xf32>
      %add3A_776 = arith.addf %get3A_771, %get3A_775 : vector<16xf32>
      %swap3A_777 = arith.index_cast %scan3A_152 : i32 to index
      %swap3A_778 = arith.constant 704 : index
      %swap3A_779 = tpu.vector_load %arg10[%swap3A_777, %swap3A_778] {strides = array<i32>} : memref<32x768xf32, #tpu.memory_space<vmem>>, vector<1x16xf32>,
      %swap3A_780 = vector.shape_cast %swap3A_779 : vector<1x16xf32> to vector<16xf32>
      %swap3A_781 = vector.shape_cast %add3A_776 : vector<16xf32> to vector<1x16xf32>
      tpu.vector_store %arg10[%swap3A_777, %swap3A_778], %swap3A_781 {strides = array<i32>} : memref<32x768xf32, #tpu.memory_space<vmem>>, vector<1x16xf32>,
      %get3A_782 = arith.index_cast %scan3A_152 : i32 to index
      %get3A_783 = arith.constant 720 : index
      %get3A_784 = tpu.vector_load %arg10[%get3A_782, %get3A_783] {strides = array<i32>} : memref<32x768xf32, #tpu.memory_space<vmem>>, vector<1x16xf32>,
      %get3A_785 = vector.shape_cast %get3A_784 : vector<1x16xf32> to vector<16xf32>
      %get3A_786 = arith.index_cast %scan3A_152 : i32 to index
      %get3A_787 = arith.constant 720 : index
      %get3A_788 = tpu.vector_load %arg11[%get3A_786, %get3A_787] {strides = array<i32>} : memref<32x768xf32, #tpu.memory_space<vmem>>, vector<1x16xf32>,
      %get3A_789 = vector.shape_cast %get3A_788 : vector<1x16xf32> to vector<16xf32>
      %add3A_790 = arith.addf %get3A_785, %get3A_789 : vector<16xf32>
      %swap3A_791 = arith.index_cast %scan3A_152 : i32 to index
      %swap3A_792 = arith.constant 720 : index
      %swap3A_793 = tpu.vector_load %arg10[%swap3A_791, %swap3A_792] {strides = array<i32>} : memref<32x768xf32, #tpu.memory_space<vmem>>, vector<1x16xf32>,
      %swap3A_794 = vector.shape_cast %swap3A_793 : vector<1x16xf32> to vector<16xf32>
      %swap3A_795 = vector.shape_cast %add3A_790 : vector<16xf32> to vector<1x16xf32>
      tpu.vector_store %arg10[%swap3A_791, %swap3A_792], %swap3A_795 {strides = array<i32>} : memref<32x768xf32, #tpu.memory_space<vmem>>, vector<1x16xf32>,
      %get3A_796 = arith.index_cast %scan3A_152 : i32 to index
      %get3A_797 = arith.constant 736 : index
      %get3A_798 = tpu.vector_load %arg10[%get3A_796, %get3A_797] {strides = array<i32>} : memref<32x768xf32, #tpu.memory_space<vmem>>, vector<1x16xf32>,
      %get3A_799 = vector.shape_cast %get3A_798 : vector<1x16xf32> to vector<16xf32>
      %get3A_800 = arith.index_cast %scan3A_152 : i32 to index
      %get3A_801 = arith.constant 736 : index
      %get3A_802 = tpu.vector_load %arg11[%get3A_800, %get3A_801] {strides = array<i32>} : memref<32x768xf32, #tpu.memory_space<vmem>>, vector<1x16xf32>,
      %get3A_803 = vector.shape_cast %get3A_802 : vector<1x16xf32> to vector<16xf32>
      %add3A_804 = arith.addf %get3A_799, %get3A_803 : vector<16xf32>
      %swap3A_805 = arith.index_cast %scan3A_152 : i32 to index
      %swap3A_806 = arith.constant 736 : index
      %swap3A_807 = tpu.vector_load %arg10[%swap3A_805, %swap3A_806] {strides = array<i32>} : memref<32x768xf32, #tpu.memory_space<vmem>>, vector<1x16xf32>,
      %swap3A_808 = vector.shape_cast %swap3A_807 : vector<1x16xf32> to vector<16xf32>
      %swap3A_809 = vector.shape_cast %add3A_804 : vector<16xf32> to vector<1x16xf32>
      tpu.vector_store %arg10[%swap3A_805, %swap3A_806], %swap3A_809 {strides = array<i32>} : memref<32x768xf32, #tpu.memory_space<vmem>>, vector<1x16xf32>,
      %get3A_810 = arith.index_cast %scan3A_152 : i32 to index
      %get3A_811 = arith.constant 752 : index
      %get3A_812 = tpu.vector_load %arg10[%get3A_810, %get3A_811] {strides = array<i32>} : memref<32x768xf32, #tpu.memory_space<vmem>>, vector<1x16xf32>,
      %get3A_813 = vector.shape_cast %get3A_812 : vector<1x16xf32> to vector<16xf32>
      %get3A_814 = arith.index_cast %scan3A_152 : i32 to index
      %get3A_815 = arith.constant 752 : index
      %get3A_816 = tpu.vector_load %arg11[%get3A_814, %get3A_815] {strides = array<i32>} : memref<32x768xf32, #tpu.memory_space<vmem>>, vector<1x16xf32>,
      %get3A_817 = vector.shape_cast %get3A_816 : vector<1x16xf32> to vector<16xf32>
      %add3A_818 = arith.addf %get3A_813, %get3A_817 : vector<16xf32>
      %swap3A_819 = arith.index_cast %scan3A_152 : i32 to index
      %swap3A_820 = arith.constant 752 : index
      %swap3A_821 = tpu.vector_load %arg10[%swap3A_819, %swap3A_820] {strides = array<i32>} : memref<32x768xf32, #tpu.memory_space<vmem>>, vector<1x16xf32>,
      %swap3A_822 = vector.shape_cast %swap3A_821 : vector<1x16xf32> to vector<16xf32>
      %swap3A_823 = vector.shape_cast %add3A_818 : vector<16xf32> to vector<1x16xf32>
      tpu.vector_store %arg10[%swap3A_819, %swap3A_820], %swap3A_823 {strides = array<i32>} : memref<32x768xf32, #tpu.memory_space<vmem>>, vector<1x16xf32>,
      %scan3A_824 = arith.constant 0 : i32
      scf.yield %scan3A_824 : i32
    }
    %scan3A_40 = arith.constant 32 : i32
    %add3A_41 = arith.constant 0 : i32
    %add3A_42 = arith.addi %mul3A_2, %add3A_41 : i32
    %dma_start3A_43 = arith.constant 0 : i32
    %dma_start3A_44 = tpu.memref_slice %arg6[%add3A_42, %dma_start3A_43] : memref<4096x768xf32, #tpu.memory_space<hbm>> -> memref<32x768xf32, #tpu.memory_space<hbm>>
    %dma_start3A_45 = arith.constant 0 : i32
    %dma_start3A_46 = tpu.memref_slice %arg6[%add3A_42, %dma_start3A_45] : memref<4096x768xf32, #tpu.memory_space<hbm>> -> memref<32x768xf32, #tpu.memory_space<hbm>>
    tpu.enqueue_dma source(%arg10 : memref<32x768xf32, #tpu.memory_space<vmem>>) target(%dma_start3A_46 : memref<32x768xf32, #tpu.memory_space<hbm>>) target_semaphore(%arg16 : memref<!tpu.dma_semaphore, #tpu.memory_space<semaphore_mem>>)
    %dma_wait3A_47 = arith.constant 32 : i32
    %dma_wait3A_48 = tpu.memref_slice %arg8[%dma_wait3A_47] : memref<128xi32, #tpu.memory_space<vmem>> -> memref<32xi32, #tpu.memory_space<vmem>>
    %dma_wait3A_49 = arith.constant 0 : i32
    %dma_wait3A_50 = arith.constant 0 : i32
    %dma_wait3A_51 = tpu.memref_slice %arg3[%dma_wait3A_49, %dma_wait3A_50] : memref<16384x768xf32, #tpu.memory_space<hbm>> -> memref<16384x768xf32, #tpu.memory_space<hbm>>
    tpu.wait_indirect_dma semaphore(%arg14 : memref<!tpu.dma_semaphore, #tpu.memory_space<semaphore_mem>>) src(%dma_wait3A_51 : memref<16384x768xf32, #tpu.memory_space<hbm>>) dst(%arg12 : memref<32x768xf32, #tpu.memory_space<vmem>>)
    %dma_wait3A_52 = arith.constant 32 : i32
    %dma_wait3A_53 = tpu.memref_slice %arg9[%dma_wait3A_52] : memref<128xi32, #tpu.memory_space<vmem>> -> memref<32xi32, #tpu.memory_space<vmem>>
    %dma_wait3A_54 = arith.constant 0 : i32
    %dma_wait3A_55 = arith.constant 0 : i32
    %dma_wait3A_56 = tpu.memref_slice %arg5[%dma_wait3A_54, %dma_wait3A_55] : memref<4096x768xf32, #tpu.memory_space<hbm>> -> memref<4096x768xf32, #tpu.memory_space<hbm>>
    tpu.wait_indirect_dma semaphore(%arg15 : memref<!tpu.dma_semaphore, #tpu.memory_space<semaphore_mem>>) src(%dma_wait3A_56 : memref<4096x768xf32, #tpu.memory_space<hbm>>) dst(%arg13 : memref<32x768xf32, #tpu.memory_space<vmem>>)
    %dma_wait3A_57 = arith.constant 0 : i32
    %dma_wait3A_58 = tpu.memref_slice %arg6[%add3A_42, %dma_wait3A_57] : memref<4096x768xf32, #tpu.memory_space<hbm>> -> memref<32x768xf32, #tpu.memory_space<hbm>>
    %dma_wait3A_59 = arith.constant 0 : i32
    %dma_wait3A_60 = tpu.memref_slice %arg6[%add3A_42, %dma_wait3A_59] : memref<4096x768xf32, #tpu.memory_space<hbm>> -> memref<32x768xf32, #tpu.memory_space<hbm>>
    tpu.wait_dma2 semaphore(%arg16 : memref<!tpu.dma_semaphore, #tpu.memory_space<semaphore_mem>>) src(%arg10 : memref<32x768xf32, #tpu.memory_space<vmem>>) dst(%dma_wait3A_60 : memref<32x768xf32, #tpu.memory_space<hbm>>)
    %dma_start3A_61 = arith.constant 64 : i32
    %dma_start3A_62 = tpu.memref_slice %arg8[%dma_start3A_61] : memref<128xi32, #tpu.memory_space<vmem>> -> memref<32xi32, #tpu.memory_space<vmem>>
    %dma_start3A_63 = arith.constant 0 : i32
    %dma_start3A_64 = arith.constant 0 : i32
    %dma_start3A_65 = tpu.memref_slice %arg3[%dma_start3A_63, %dma_start3A_64] : memref<16384x768xf32, #tpu.memory_space<hbm>> -> memref<16384x768xf32, #tpu.memory_space<hbm>>
    tpu.enqueue_indirect_dma source(%dma_start3A_65 : memref<16384x768xf32, #tpu.memory_space<hbm>>) target(%arg10 : memref<32x768xf32, #tpu.memory_space<vmem>>) offsets(%dma_start3A_62 : memref<32xi32, #tpu.memory_space<vmem>>) semaphore(%arg14 : memref<!tpu.dma_semaphore, #tpu.memory_space<semaphore_mem>>)
    %dma_start3A_66 = arith.constant 64 : i32
    %dma_start3A_67 = tpu.memref_slice %arg9[%dma_start3A_66] : memref<128xi32, #tpu.memory_space<vmem>> -> memref<32xi32, #tpu.memory_space<vmem>>
    %dma_start3A_68 = arith.constant 0 : i32
    %dma_start3A_69 = arith.constant 0 : i32
    %dma_start3A_70 = tpu.memref_slice %arg5[%dma_start3A_68, %dma_start3A_69] : memref<4096x768xf32, #tpu.memory_space<hbm>> -> memref<4096x768xf32, #tpu.memory_space<hbm>>
    tpu.enqueue_indirect_dma source(%dma_start3A_70 : memref<4096x768xf32, #tpu.memory_space<hbm>>) target(%arg11 : memref<32x768xf32, #tpu.memory_space<vmem>>) offsets(%dma_start3A_67 : memref<32xi32, #tpu.memory_space<vmem>>) semaphore(%arg15 : memref<!tpu.dma_semaphore, #tpu.memory_space<semaphore_mem>>)
    %scan3A_71 = arith.constant 0 : i32
    %scan3A_72 = arith.constant 0 : i32
    %scan3A_73 = arith.constant 32 : i32
    %scan3A_74 = arith.addi %scan3A_72, %scan3A_73 : i32
    %scan3A_75 = arith.constant 1 : i32
    %scan3A_76 = scf.for %scan3A_152 = %scan3A_72 to %scan3A_74 step %scan3A_75 iter_args(%scan3A_153 = %scan3A_71) -> (i32)  : i32 {
      %get3A = arith.index_cast %scan3A_152 : i32 to index
      %get3A_154 = arith.constant 0 : index
      %get3A_155 = tpu.vector_load %arg12[%get3A, %get3A_154] {strides = array<i32>} : memref<32x768xf32, #tpu.memory_space<vmem>>, vector<1x16xf32>,
      %get3A_156 = vector.shape_cast %get3A_155 : vector<1x16xf32> to vector<16xf32>
      %get3A_157 = arith.index_cast %scan3A_152 : i32 to index
      %get3A_158 = arith.constant 0 : index
      %get3A_159 = tpu.vector_load %arg13[%get3A_157, %get3A_158] {strides = array<i32>} : memref<32x768xf32, #tpu.memory_space<vmem>>, vector<1x16xf32>,
      %get3A_160 = vector.shape_cast %get3A_159 : vector<1x16xf32> to vector<16xf32>
      %add3A_161 = arith.addf %get3A_156, %get3A_160 : vector<16xf32>
      %swap3A = arith.index_cast %scan3A_152 : i32 to index
      %swap3A_162 = arith.constant 0 : index
      %swap3A_163 = tpu.vector_load %arg12[%swap3A, %swap3A_162] {strides = array<i32>} : memref<32x768xf32, #tpu.memory_space<vmem>>, vector<1x16xf32>,
      %swap3A_164 = vector.shape_cast %swap3A_163 : vector<1x16xf32> to vector<16xf32>
      %swap3A_165 = vector.shape_cast %add3A_161 : vector<16xf32> to vector<1x16xf32>
      tpu.vector_store %arg12[%swap3A, %swap3A_162], %swap3A_165 {strides = array<i32>} : memref<32x768xf32, #tpu.memory_space<vmem>>, vector<1x16xf32>,
      %get3A_166 = arith.index_cast %scan3A_152 : i32 to index
      %get3A_167 = arith.constant 16 : index
      %get3A_168 = tpu.vector_load %arg12[%get3A_166, %get3A_167] {strides = array<i32>} : memref<32x768xf32, #tpu.memory_space<vmem>>, vector<1x16xf32>,
      %get3A_169 = vector.shape_cast %get3A_168 : vector<1x16xf32> to vector<16xf32>
      %get3A_170 = arith.index_cast %scan3A_152 : i32 to index
      %get3A_171 = arith.constant 16 : index
      %get3A_172 = tpu.vector_load %arg13[%get3A_170, %get3A_171] {strides = array<i32>} : memref<32x768xf32, #tpu.memory_space<vmem>>, vector<1x16xf32>,
      %get3A_173 = vector.shape_cast %get3A_172 : vector<1x16xf32> to vector<16xf32>
      %add3A_174 = arith.addf %get3A_169, %get3A_173 : vector<16xf32>
      %swap3A_175 = arith.index_cast %scan3A_152 : i32 to index
      %swap3A_176 = arith.constant 16 : index
      %swap3A_177 = tpu.vector_load %arg12[%swap3A_175, %swap3A_176] {strides = array<i32>} : memref<32x768xf32, #tpu.memory_space<vmem>>, vector<1x16xf32>,
      %swap3A_178 = vector.shape_cast %swap3A_177 : vector<1x16xf32> to vector<16xf32>
      %swap3A_179 = vector.shape_cast %add3A_174 : vector<16xf32> to vector<1x16xf32>
      tpu.vector_store %arg12[%swap3A_175, %swap3A_176], %swap3A_179 {strides = array<i32>} : memref<32x768xf32, #tpu.memory_space<vmem>>, vector<1x16xf32>,
      %get3A_180 = arith.index_cast %scan3A_152 : i32 to index
      %get3A_181 = arith.constant 32 : index
      %get3A_182 = tpu.vector_load %arg12[%get3A_180, %get3A_181] {strides = array<i32>} : memref<32x768xf32, #tpu.memory_space<vmem>>, vector<1x16xf32>,
      %get3A_183 = vector.shape_cast %get3A_182 : vector<1x16xf32> to vector<16xf32>
      %get3A_184 = arith.index_cast %scan3A_152 : i32 to index
      %get3A_185 = arith.constant 32 : index
      %get3A_186 = tpu.vector_load %arg13[%get3A_184, %get3A_185] {strides = array<i32>} : memref<32x768xf32, #tpu.memory_space<vmem>>, vector<1x16xf32>,
      %get3A_187 = vector.shape_cast %get3A_186 : vector<1x16xf32> to vector<16xf32>
      %add3A_188 = arith.addf %get3A_183, %get3A_187 : vector<16xf32>
      %swap3A_189 = arith.index_cast %scan3A_152 : i32 to index
      %swap3A_190 = arith.constant 32 : index
      %swap3A_191 = tpu.vector_load %arg12[%swap3A_189, %swap3A_190] {strides = array<i32>} : memref<32x768xf32, #tpu.memory_space<vmem>>, vector<1x16xf32>,
      %swap3A_192 = vector.shape_cast %swap3A_191 : vector<1x16xf32> to vector<16xf32>
      %swap3A_193 = vector.shape_cast %add3A_188 : vector<16xf32> to vector<1x16xf32>
      tpu.vector_store %arg12[%swap3A_189, %swap3A_190], %swap3A_193 {strides = array<i32>} : memref<32x768xf32, #tpu.memory_space<vmem>>, vector<1x16xf32>,
      %get3A_194 = arith.index_cast %scan3A_152 : i32 to index
      %get3A_195 = arith.constant 48 : index
      %get3A_196 = tpu.vector_load %arg12[%get3A_194, %get3A_195] {strides = array<i32>} : memref<32x768xf32, #tpu.memory_space<vmem>>, vector<1x16xf32>,
      %get3A_197 = vector.shape_cast %get3A_196 : vector<1x16xf32> to vector<16xf32>
      %get3A_198 = arith.index_cast %scan3A_152 : i32 to index
      %get3A_199 = arith.constant 48 : index
      %get3A_200 = tpu.vector_load %arg13[%get3A_198, %get3A_199] {strides = array<i32>} : memref<32x768xf32, #tpu.memory_space<vmem>>, vector<1x16xf32>,
      %get3A_201 = vector.shape_cast %get3A_200 : vector<1x16xf32> to vector<16xf32>
      %add3A_202 = arith.addf %get3A_197, %get3A_201 : vector<16xf32>
      %swap3A_203 = arith.index_cast %scan3A_152 : i32 to index
      %swap3A_204 = arith.constant 48 : index
      %swap3A_205 = tpu.vector_load %arg12[%swap3A_203, %swap3A_204] {strides = array<i32>} : memref<32x768xf32, #tpu.memory_space<vmem>>, vector<1x16xf32>,
      %swap3A_206 = vector.shape_cast %swap3A_205 : vector<1x16xf32> to vector<16xf32>
      %swap3A_207 = vector.shape_cast %add3A_202 : vector<16xf32> to vector<1x16xf32>
      tpu.vector_store %arg12[%swap3A_203, %swap3A_204], %swap3A_207 {strides = array<i32>} : memref<32x768xf32, #tpu.memory_space<vmem>>, vector<1x16xf32>,
      %get3A_208 = arith.index_cast %scan3A_152 : i32 to index
      %get3A_209 = arith.constant 64 : index
      %get3A_210 = tpu.vector_load %arg12[%get3A_208, %get3A_209] {strides = array<i32>} : memref<32x768xf32, #tpu.memory_space<vmem>>, vector<1x16xf32>,
      %get3A_211 = vector.shape_cast %get3A_210 : vector<1x16xf32> to vector<16xf32>
      %get3A_212 = arith.index_cast %scan3A_152 : i32 to index
      %get3A_213 = arith.constant 64 : index
      %get3A_214 = tpu.vector_load %arg13[%get3A_212, %get3A_213] {strides = array<i32>} : memref<32x768xf32, #tpu.memory_space<vmem>>, vector<1x16xf32>,
      %get3A_215 = vector.shape_cast %get3A_214 : vector<1x16xf32> to vector<16xf32>
      %add3A_216 = arith.addf %get3A_211, %get3A_215 : vector<16xf32>
      %swap3A_217 = arith.index_cast %scan3A_152 : i32 to index
      %swap3A_218 = arith.constant 64 : index
      %swap3A_219 = tpu.vector_load %arg12[%swap3A_217, %swap3A_218] {strides = array<i32>} : memref<32x768xf32, #tpu.memory_space<vmem>>, vector<1x16xf32>,
      %swap3A_220 = vector.shape_cast %swap3A_219 : vector<1x16xf32> to vector<16xf32>
      %swap3A_221 = vector.shape_cast %add3A_216 : vector<16xf32> to vector<1x16xf32>
      tpu.vector_store %arg12[%swap3A_217, %swap3A_218], %swap3A_221 {strides = array<i32>} : memref<32x768xf32, #tpu.memory_space<vmem>>, vector<1x16xf32>,
      %get3A_222 = arith.index_cast %scan3A_152 : i32 to index
      %get3A_223 = arith.constant 80 : index
      %get3A_224 = tpu.vector_load %arg12[%get3A_222, %get3A_223] {strides = array<i32>} : memref<32x768xf32, #tpu.memory_space<vmem>>, vector<1x16xf32>,
      %get3A_225 = vector.shape_cast %get3A_224 : vector<1x16xf32> to vector<16xf32>
      %get3A_226 = arith.index_cast %scan3A_152 : i32 to index
      %get3A_227 = arith.constant 80 : index
      %get3A_228 = tpu.vector_load %arg13[%get3A_226, %get3A_227] {strides = array<i32>} : memref<32x768xf32, #tpu.memory_space<vmem>>, vector<1x16xf32>,
      %get3A_229 = vector.shape_cast %get3A_228 : vector<1x16xf32> to vector<16xf32>
      %add3A_230 = arith.addf %get3A_225, %get3A_229 : vector<16xf32>
      %swap3A_231 = arith.index_cast %scan3A_152 : i32 to index
      %swap3A_232 = arith.constant 80 : index
      %swap3A_233 = tpu.vector_load %arg12[%swap3A_231, %swap3A_232] {strides = array<i32>} : memref<32x768xf32, #tpu.memory_space<vmem>>, vector<1x16xf32>,
      %swap3A_234 = vector.shape_cast %swap3A_233 : vector<1x16xf32> to vector<16xf32>
      %swap3A_235 = vector.shape_cast %add3A_230 : vector<16xf32> to vector<1x16xf32>
      tpu.vector_store %arg12[%swap3A_231, %swap3A_232], %swap3A_235 {strides = array<i32>} : memref<32x768xf32, #tpu.memory_space<vmem>>, vector<1x16xf32>,
      %get3A_236 = arith.index_cast %scan3A_152 : i32 to index
      %get3A_237 = arith.constant 96 : index
      %get3A_238 = tpu.vector_load %arg12[%get3A_236, %get3A_237] {strides = array<i32>} : memref<32x768xf32, #tpu.memory_space<vmem>>, vector<1x16xf32>,
      %get3A_239 = vector.shape_cast %get3A_238 : vector<1x16xf32> to vector<16xf32>
      %get3A_240 = arith.index_cast %scan3A_152 : i32 to index
      %get3A_241 = arith.constant 96 : index
      %get3A_242 = tpu.vector_load %arg13[%get3A_240, %get3A_241] {strides = array<i32>} : memref<32x768xf32, #tpu.memory_space<vmem>>, vector<1x16xf32>,
      %get3A_243 = vector.shape_cast %get3A_242 : vector<1x16xf32> to vector<16xf32>
      %add3A_244 = arith.addf %get3A_239, %get3A_243 : vector<16xf32>
      %swap3A_245 = arith.index_cast %scan3A_152 : i32 to index
      %swap3A_246 = arith.constant 96 : index
      %swap3A_247 = tpu.vector_load %arg12[%swap3A_245, %swap3A_246] {strides = array<i32>} : memref<32x768xf32, #tpu.memory_space<vmem>>, vector<1x16xf32>,
      %swap3A_248 = vector.shape_cast %swap3A_247 : vector<1x16xf32> to vector<16xf32>
      %swap3A_249 = vector.shape_cast %add3A_244 : vector<16xf32> to vector<1x16xf32>
      tpu.vector_store %arg12[%swap3A_245, %swap3A_246], %swap3A_249 {strides = array<i32>} : memref<32x768xf32, #tpu.memory_space<vmem>>, vector<1x16xf32>,
      %get3A_250 = arith.index_cast %scan3A_152 : i32 to index
      %get3A_251 = arith.constant 112 : index
      %get3A_252 = tpu.vector_load %arg12[%get3A_250, %get3A_251] {strides = array<i32>} : memref<32x768xf32, #tpu.memory_space<vmem>>, vector<1x16xf32>,
      %get3A_253 = vector.shape_cast %get3A_252 : vector<1x16xf32> to vector<16xf32>
      %get3A_254 = arith.index_cast %scan3A_152 : i32 to index
      %get3A_255 = arith.constant 112 : index
      %get3A_256 = tpu.vector_load %arg13[%get3A_254, %get3A_255] {strides = array<i32>} : memref<32x768xf32, #tpu.memory_space<vmem>>, vector<1x16xf32>,
      %get3A_257 = vector.shape_cast %get3A_256 : vector<1x16xf32> to vector<16xf32>
      %add3A_258 = arith.addf %get3A_253, %get3A_257 : vector<16xf32>
      %swap3A_259 = arith.index_cast %scan3A_152 : i32 to index
      %swap3A_260 = arith.constant 112 : index
      %swap3A_261 = tpu.vector_load %arg12[%swap3A_259, %swap3A_260] {strides = array<i32>} : memref<32x768xf32, #tpu.memory_space<vmem>>, vector<1x16xf32>,
      %swap3A_262 = vector.shape_cast %swap3A_261 : vector<1x16xf32> to vector<16xf32>
      %swap3A_263 = vector.shape_cast %add3A_258 : vector<16xf32> to vector<1x16xf32>
      tpu.vector_store %arg12[%swap3A_259, %swap3A_260], %swap3A_263 {strides = array<i32>} : memref<32x768xf32, #tpu.memory_space<vmem>>, vector<1x16xf32>,
      %get3A_264 = arith.index_cast %scan3A_152 : i32 to index
      %get3A_265 = arith.constant 128 : index
      %get3A_266 = tpu.vector_load %arg12[%get3A_264, %get3A_265] {strides = array<i32>} : memref<32x768xf32, #tpu.memory_space<vmem>>, vector<1x16xf32>,
      %get3A_267 = vector.shape_cast %get3A_266 : vector<1x16xf32> to vector<16xf32>
      %get3A_268 = arith.index_cast %scan3A_152 : i32 to index
      %get3A_269 = arith.constant 128 : index
      %get3A_270 = tpu.vector_load %arg13[%get3A_268, %get3A_269] {strides = array<i32>} : memref<32x768xf32, #tpu.memory_space<vmem>>, vector<1x16xf32>,
      %get3A_271 = vector.shape_cast %get3A_270 : vector<1x16xf32> to vector<16xf32>
      %add3A_272 = arith.addf %get3A_267, %get3A_271 : vector<16xf32>
      %swap3A_273 = arith.index_cast %scan3A_152 : i32 to index
      %swap3A_274 = arith.constant 128 : index
      %swap3A_275 = tpu.vector_load %arg12[%swap3A_273, %swap3A_274] {strides = array<i32>} : memref<32x768xf32, #tpu.memory_space<vmem>>, vector<1x16xf32>,
      %swap3A_276 = vector.shape_cast %swap3A_275 : vector<1x16xf32> to vector<16xf32>
      %swap3A_277 = vector.shape_cast %add3A_272 : vector<16xf32> to vector<1x16xf32>
      tpu.vector_store %arg12[%swap3A_273, %swap3A_274], %swap3A_277 {strides = array<i32>} : memref<32x768xf32, #tpu.memory_space<vmem>>, vector<1x16xf32>,
      %get3A_278 = arith.index_cast %scan3A_152 : i32 to index
      %get3A_279 = arith.constant 144 : index
      %get3A_280 = tpu.vector_load %arg12[%get3A_278, %get3A_279] {strides = array<i32>} : memref<32x768xf32, #tpu.memory_space<vmem>>, vector<1x16xf32>,
      %get3A_281 = vector.shape_cast %get3A_280 : vector<1x16xf32> to vector<16xf32>
      %get3A_282 = arith.index_cast %scan3A_152 : i32 to index
      %get3A_283 = arith.constant 144 : index
      %get3A_284 = tpu.vector_load %arg13[%get3A_282, %get3A_283] {strides = array<i32>} : memref<32x768xf32, #tpu.memory_space<vmem>>, vector<1x16xf32>,
      %get3A_285 = vector.shape_cast %get3A_284 : vector<1x16xf32> to vector<16xf32>
      %add3A_286 = arith.addf %get3A_281, %get3A_285 : vector<16xf32>
      %swap3A_287 = arith.index_cast %scan3A_152 : i32 to index
      %swap3A_288 = arith.constant 144 : index
      %swap3A_289 = tpu.vector_load %arg12[%swap3A_287, %swap3A_288] {strides = array<i32>} : memref<32x768xf32, #tpu.memory_space<vmem>>, vector<1x16xf32>,
      %swap3A_290 = vector.shape_cast %swap3A_289 : vector<1x16xf32> to vector<16xf32>
      %swap3A_291 = vector.shape_cast %add3A_286 : vector<16xf32> to vector<1x16xf32>
      tpu.vector_store %arg12[%swap3A_287, %swap3A_288], %swap3A_291 {strides = array<i32>} : memref<32x768xf32, #tpu.memory_space<vmem>>, vector<1x16xf32>,
      %get3A_292 = arith.index_cast %scan3A_152 : i32 to index
      %get3A_293 = arith.constant 160 : index
      %get3A_294 = tpu.vector_load %arg12[%get3A_292, %get3A_293] {strides = array<i32>} : memref<32x768xf32, #tpu.memory_space<vmem>>, vector<1x16xf32>,
      %get3A_295 = vector.shape_cast %get3A_294 : vector<1x16xf32> to vector<16xf32>
      %get3A_296 = arith.index_cast %scan3A_152 : i32 to index
      %get3A_297 = arith.constant 160 : index
      %get3A_298 = tpu.vector_load %arg13[%get3A_296, %get3A_297] {strides = array<i32>} : memref<32x768xf32, #tpu.memory_space<vmem>>, vector<1x16xf32>,
      %get3A_299 = vector.shape_cast %get3A_298 : vector<1x16xf32> to vector<16xf32>
      %add3A_300 = arith.addf %get3A_295, %get3A_299 : vector<16xf32>
      %swap3A_301 = arith.index_cast %scan3A_152 : i32 to index
      %swap3A_302 = arith.constant 160 : index
      %swap3A_303 = tpu.vector_load %arg12[%swap3A_301, %swap3A_302] {strides = array<i32>} : memref<32x768xf32, #tpu.memory_space<vmem>>, vector<1x16xf32>,
      %swap3A_304 = vector.shape_cast %swap3A_303 : vector<1x16xf32> to vector<16xf32>
      %swap3A_305 = vector.shape_cast %add3A_300 : vector<16xf32> to vector<1x16xf32>
      tpu.vector_store %arg12[%swap3A_301, %swap3A_302], %swap3A_305 {strides = array<i32>} : memref<32x768xf32, #tpu.memory_space<vmem>>, vector<1x16xf32>,
      %get3A_306 = arith.index_cast %scan3A_152 : i32 to index
      %get3A_307 = arith.constant 176 : index
      %get3A_308 = tpu.vector_load %arg12[%get3A_306, %get3A_307] {strides = array<i32>} : memref<32x768xf32, #tpu.memory_space<vmem>>, vector<1x16xf32>,
      %get3A_309 = vector.shape_cast %get3A_308 : vector<1x16xf32> to vector<16xf32>
      %get3A_310 = arith.index_cast %scan3A_152 : i32 to index
      %get3A_311 = arith.constant 176 : index
      %get3A_312 = tpu.vector_load %arg13[%get3A_310, %get3A_311] {strides = array<i32>} : memref<32x768xf32, #tpu.memory_space<vmem>>, vector<1x16xf32>,
      %get3A_313 = vector.shape_cast %get3A_312 : vector<1x16xf32> to vector<16xf32>
      %add3A_314 = arith.addf %get3A_309, %get3A_313 : vector<16xf32>
      %swap3A_315 = arith.index_cast %scan3A_152 : i32 to index
      %swap3A_316 = arith.constant 176 : index
      %swap3A_317 = tpu.vector_load %arg12[%swap3A_315, %swap3A_316] {strides = array<i32>} : memref<32x768xf32, #tpu.memory_space<vmem>>, vector<1x16xf32>,
      %swap3A_318 = vector.shape_cast %swap3A_317 : vector<1x16xf32> to vector<16xf32>
      %swap3A_319 = vector.shape_cast %add3A_314 : vector<16xf32> to vector<1x16xf32>
      tpu.vector_store %arg12[%swap3A_315, %swap3A_316], %swap3A_319 {strides = array<i32>} : memref<32x768xf32, #tpu.memory_space<vmem>>, vector<1x16xf32>,
      %get3A_320 = arith.index_cast %scan3A_152 : i32 to index
      %get3A_321 = arith.constant 192 : index
      %get3A_322 = tpu.vector_load %arg12[%get3A_320, %get3A_321] {strides = array<i32>} : memref<32x768xf32, #tpu.memory_space<vmem>>, vector<1x16xf32>,
      %get3A_323 = vector.shape_cast %get3A_322 : vector<1x16xf32> to vector<16xf32>
      %get3A_324 = arith.index_cast %scan3A_152 : i32 to index
      %get3A_325 = arith.constant 192 : index
      %get3A_326 = tpu.vector_load %arg13[%get3A_324, %get3A_325] {strides = array<i32>} : memref<32x768xf32, #tpu.memory_space<vmem>>, vector<1x16xf32>,
      %get3A_327 = vector.shape_cast %get3A_326 : vector<1x16xf32> to vector<16xf32>
      %add3A_328 = arith.addf %get3A_323, %get3A_327 : vector<16xf32>
      %swap3A_329 = arith.index_cast %scan3A_152 : i32 to index
      %swap3A_330 = arith.constant 192 : index
      %swap3A_331 = tpu.vector_load %arg12[%swap3A_329, %swap3A_330] {strides = array<i32>} : memref<32x768xf32, #tpu.memory_space<vmem>>, vector<1x16xf32>,
      %swap3A_332 = vector.shape_cast %swap3A_331 : vector<1x16xf32> to vector<16xf32>
      %swap3A_333 = vector.shape_cast %add3A_328 : vector<16xf32> to vector<1x16xf32>
      tpu.vector_store %arg12[%swap3A_329, %swap3A_330], %swap3A_333 {strides = array<i32>} : memref<32x768xf32, #tpu.memory_space<vmem>>, vector<1x16xf32>,
      %get3A_334 = arith.index_cast %scan3A_152 : i32 to index
      %get3A_335 = arith.constant 208 : index
      %get3A_336 = tpu.vector_load %arg12[%get3A_334, %get3A_335] {strides = array<i32>} : memref<32x768xf32, #tpu.memory_space<vmem>>, vector<1x16xf32>,
      %get3A_337 = vector.shape_cast %get3A_336 : vector<1x16xf32> to vector<16xf32>
      %get3A_338 = arith.index_cast %scan3A_152 : i32 to index
      %get3A_339 = arith.constant 208 : index
      %get3A_340 = tpu.vector_load %arg13[%get3A_338, %get3A_339] {strides = array<i32>} : memref<32x768xf32, #tpu.memory_space<vmem>>, vector<1x16xf32>,
      %get3A_341 = vector.shape_cast %get3A_340 : vector<1x16xf32> to vector<16xf32>
      %add3A_342 = arith.addf %get3A_337, %get3A_341 : vector<16xf32>
      %swap3A_343 = arith.index_cast %scan3A_152 : i32 to index
      %swap3A_344 = arith.constant 208 : index
      %swap3A_345 = tpu.vector_load %arg12[%swap3A_343, %swap3A_344] {strides = array<i32>} : memref<32x768xf32, #tpu.memory_space<vmem>>, vector<1x16xf32>,
      %swap3A_346 = vector.shape_cast %swap3A_345 : vector<1x16xf32> to vector<16xf32>
      %swap3A_347 = vector.shape_cast %add3A_342 : vector<16xf32> to vector<1x16xf32>
      tpu.vector_store %arg12[%swap3A_343, %swap3A_344], %swap3A_347 {strides = array<i32>} : memref<32x768xf32, #tpu.memory_space<vmem>>, vector<1x16xf32>,
      %get3A_348 = arith.index_cast %scan3A_152 : i32 to index
      %get3A_349 = arith.constant 224 : index
      %get3A_350 = tpu.vector_load %arg12[%get3A_348, %get3A_349] {strides = array<i32>} : memref<32x768xf32, #tpu.memory_space<vmem>>, vector<1x16xf32>,
      %get3A_351 = vector.shape_cast %get3A_350 : vector<1x16xf32> to vector<16xf32>
      %get3A_352 = arith.index_cast %scan3A_152 : i32 to index
      %get3A_353 = arith.constant 224 : index
      %get3A_354 = tpu.vector_load %arg13[%get3A_352, %get3A_353] {strides = array<i32>} : memref<32x768xf32, #tpu.memory_space<vmem>>, vector<1x16xf32>,
      %get3A_355 = vector.shape_cast %get3A_354 : vector<1x16xf32> to vector<16xf32>
      %add3A_356 = arith.addf %get3A_351, %get3A_355 : vector<16xf32>
      %swap3A_357 = arith.index_cast %scan3A_152 : i32 to index
      %swap3A_358 = arith.constant 224 : index
      %swap3A_359 = tpu.vector_load %arg12[%swap3A_357, %swap3A_358] {strides = array<i32>} : memref<32x768xf32, #tpu.memory_space<vmem>>, vector<1x16xf32>,
      %swap3A_360 = vector.shape_cast %swap3A_359 : vector<1x16xf32> to vector<16xf32>
      %swap3A_361 = vector.shape_cast %add3A_356 : vector<16xf32> to vector<1x16xf32>
      tpu.vector_store %arg12[%swap3A_357, %swap3A_358], %swap3A_361 {strides = array<i32>} : memref<32x768xf32, #tpu.memory_space<vmem>>, vector<1x16xf32>,
      %get3A_362 = arith.index_cast %scan3A_152 : i32 to index
      %get3A_363 = arith.constant 240 : index
      %get3A_364 = tpu.vector_load %arg12[%get3A_362, %get3A_363] {strides = array<i32>} : memref<32x768xf32, #tpu.memory_space<vmem>>, vector<1x16xf32>,
      %get3A_365 = vector.shape_cast %get3A_364 : vector<1x16xf32> to vector<16xf32>
      %get3A_366 = arith.index_cast %scan3A_152 : i32 to index
      %get3A_367 = arith.constant 240 : index
      %get3A_368 = tpu.vector_load %arg13[%get3A_366, %get3A_367] {strides = array<i32>} : memref<32x768xf32, #tpu.memory_space<vmem>>, vector<1x16xf32>,
      %get3A_369 = vector.shape_cast %get3A_368 : vector<1x16xf32> to vector<16xf32>
      %add3A_370 = arith.addf %get3A_365, %get3A_369 : vector<16xf32>
      %swap3A_371 = arith.index_cast %scan3A_152 : i32 to index
      %swap3A_372 = arith.constant 240 : index
      %swap3A_373 = tpu.vector_load %arg12[%swap3A_371, %swap3A_372] {strides = array<i32>} : memref<32x768xf32, #tpu.memory_space<vmem>>, vector<1x16xf32>,
      %swap3A_374 = vector.shape_cast %swap3A_373 : vector<1x16xf32> to vector<16xf32>
      %swap3A_375 = vector.shape_cast %add3A_370 : vector<16xf32> to vector<1x16xf32>
      tpu.vector_store %arg12[%swap3A_371, %swap3A_372], %swap3A_375 {strides = array<i32>} : memref<32x768xf32, #tpu.memory_space<vmem>>, vector<1x16xf32>,
      %get3A_376 = arith.index_cast %scan3A_152 : i32 to index
      %get3A_377 = arith.constant 256 : index
      %get3A_378 = tpu.vector_load %arg12[%get3A_376, %get3A_377] {strides = array<i32>} : memref<32x768xf32, #tpu.memory_space<vmem>>, vector<1x16xf32>,
      %get3A_379 = vector.shape_cast %get3A_378 : vector<1x16xf32> to vector<16xf32>
      %get3A_380 = arith.index_cast %scan3A_152 : i32 to index
      %get3A_381 = arith.constant 256 : index
      %get3A_382 = tpu.vector_load %arg13[%get3A_380, %get3A_381] {strides = array<i32>} : memref<32x768xf32, #tpu.memory_space<vmem>>, vector<1x16xf32>,
      %get3A_383 = vector.shape_cast %get3A_382 : vector<1x16xf32> to vector<16xf32>
      %add3A_384 = arith.addf %get3A_379, %get3A_383 : vector<16xf32>
      %swap3A_385 = arith.index_cast %scan3A_152 : i32 to index
      %swap3A_386 = arith.constant 256 : index
      %swap3A_387 = tpu.vector_load %arg12[%swap3A_385, %swap3A_386] {strides = array<i32>} : memref<32x768xf32, #tpu.memory_space<vmem>>, vector<1x16xf32>,
      %swap3A_388 = vector.shape_cast %swap3A_387 : vector<1x16xf32> to vector<16xf32>
      %swap3A_389 = vector.shape_cast %add3A_384 : vector<16xf32> to vector<1x16xf32>
      tpu.vector_store %arg12[%swap3A_385, %swap3A_386], %swap3A_389 {strides = array<i32>} : memref<32x768xf32, #tpu.memory_space<vmem>>, vector<1x16xf32>,
      %get3A_390 = arith.index_cast %scan3A_152 : i32 to index
      %get3A_391 = arith.constant 272 : index
      %get3A_392 = tpu.vector_load %arg12[%get3A_390, %get3A_391] {strides = array<i32>} : memref<32x768xf32, #tpu.memory_space<vmem>>, vector<1x16xf32>,
      %get3A_393 = vector.shape_cast %get3A_392 : vector<1x16xf32> to vector<16xf32>
      %get3A_394 = arith.index_cast %scan3A_152 : i32 to index
      %get3A_395 = arith.constant 272 : index
      %get3A_396 = tpu.vector_load %arg13[%get3A_394, %get3A_395] {strides = array<i32>} : memref<32x768xf32, #tpu.memory_space<vmem>>, vector<1x16xf32>,
      %get3A_397 = vector.shape_cast %get3A_396 : vector<1x16xf32> to vector<16xf32>
      %add3A_398 = arith.addf %get3A_393, %get3A_397 : vector<16xf32>
      %swap3A_399 = arith.index_cast %scan3A_152 : i32 to index
      %swap3A_400 = arith.constant 272 : index
      %swap3A_401 = tpu.vector_load %arg12[%swap3A_399, %swap3A_400] {strides = array<i32>} : memref<32x768xf32, #tpu.memory_space<vmem>>, vector<1x16xf32>,
      %swap3A_402 = vector.shape_cast %swap3A_401 : vector<1x16xf32> to vector<16xf32>
      %swap3A_403 = vector.shape_cast %add3A_398 : vector<16xf32> to vector<1x16xf32>
      tpu.vector_store %arg12[%swap3A_399, %swap3A_400], %swap3A_403 {strides = array<i32>} : memref<32x768xf32, #tpu.memory_space<vmem>>, vector<1x16xf32>,
      %get3A_404 = arith.index_cast %scan3A_152 : i32 to index
      %get3A_405 = arith.constant 288 : index
      %get3A_406 = tpu.vector_load %arg12[%get3A_404, %get3A_405] {strides = array<i32>} : memref<32x768xf32, #tpu.memory_space<vmem>>, vector<1x16xf32>,
      %get3A_407 = vector.shape_cast %get3A_406 : vector<1x16xf32> to vector<16xf32>
      %get3A_408 = arith.index_cast %scan3A_152 : i32 to index
      %get3A_409 = arith.constant 288 : index
      %get3A_410 = tpu.vector_load %arg13[%get3A_408, %get3A_409] {strides = array<i32>} : memref<32x768xf32, #tpu.memory_space<vmem>>, vector<1x16xf32>,
      %get3A_411 = vector.shape_cast %get3A_410 : vector<1x16xf32> to vector<16xf32>
      %add3A_412 = arith.addf %get3A_407, %get3A_411 : vector<16xf32>
      %swap3A_413 = arith.index_cast %scan3A_152 : i32 to index
      %swap3A_414 = arith.constant 288 : index
      %swap3A_415 = tpu.vector_load %arg12[%swap3A_413, %swap3A_414] {strides = array<i32>} : memref<32x768xf32, #tpu.memory_space<vmem>>, vector<1x16xf32>,
      %swap3A_416 = vector.shape_cast %swap3A_415 : vector<1x16xf32> to vector<16xf32>
      %swap3A_417 = vector.shape_cast %add3A_412 : vector<16xf32> to vector<1x16xf32>
      tpu.vector_store %arg12[%swap3A_413, %swap3A_414], %swap3A_417 {strides = array<i32>} : memref<32x768xf32, #tpu.memory_space<vmem>>, vector<1x16xf32>,
      %get3A_418 = arith.index_cast %scan3A_152 : i32 to index
      %get3A_419 = arith.constant 304 : index
      %get3A_420 = tpu.vector_load %arg12[%get3A_418, %get3A_419] {strides = array<i32>} : memref<32x768xf32, #tpu.memory_space<vmem>>, vector<1x16xf32>,
      %get3A_421 = vector.shape_cast %get3A_420 : vector<1x16xf32> to vector<16xf32>
      %get3A_422 = arith.index_cast %scan3A_152 : i32 to index
      %get3A_423 = arith.constant 304 : index
      %get3A_424 = tpu.vector_load %arg13[%get3A_422, %get3A_423] {strides = array<i32>} : memref<32x768xf32, #tpu.memory_space<vmem>>, vector<1x16xf32>,
      %get3A_425 = vector.shape_cast %get3A_424 : vector<1x16xf32> to vector<16xf32>
      %add3A_426 = arith.addf %get3A_421, %get3A_425 : vector<16xf32>
      %swap3A_427 = arith.index_cast %scan3A_152 : i32 to index
      %swap3A_428 = arith.constant 304 : index
      %swap3A_429 = tpu.vector_load %arg12[%swap3A_427, %swap3A_428] {strides = array<i32>} : memref<32x768xf32, #tpu.memory_space<vmem>>, vector<1x16xf32>,
      %swap3A_430 = vector.shape_cast %swap3A_429 : vector<1x16xf32> to vector<16xf32>
      %swap3A_431 = vector.shape_cast %add3A_426 : vector<16xf32> to vector<1x16xf32>
      tpu.vector_store %arg12[%swap3A_427, %swap3A_428], %swap3A_431 {strides = array<i32>} : memref<32x768xf32, #tpu.memory_space<vmem>>, vector<1x16xf32>,
      %get3A_432 = arith.index_cast %scan3A_152 : i32 to index
      %get3A_433 = arith.constant 320 : index
      %get3A_434 = tpu.vector_load %arg12[%get3A_432, %get3A_433] {strides = array<i32>} : memref<32x768xf32, #tpu.memory_space<vmem>>, vector<1x16xf32>,
      %get3A_435 = vector.shape_cast %get3A_434 : vector<1x16xf32> to vector<16xf32>
      %get3A_436 = arith.index_cast %scan3A_152 : i32 to index
      %get3A_437 = arith.constant 320 : index
      %get3A_438 = tpu.vector_load %arg13[%get3A_436, %get3A_437] {strides = array<i32>} : memref<32x768xf32, #tpu.memory_space<vmem>>, vector<1x16xf32>,
      %get3A_439 = vector.shape_cast %get3A_438 : vector<1x16xf32> to vector<16xf32>
      %add3A_440 = arith.addf %get3A_435, %get3A_439 : vector<16xf32>
      %swap3A_441 = arith.index_cast %scan3A_152 : i32 to index
      %swap3A_442 = arith.constant 320 : index
      %swap3A_443 = tpu.vector_load %arg12[%swap3A_441, %swap3A_442] {strides = array<i32>} : memref<32x768xf32, #tpu.memory_space<vmem>>, vector<1x16xf32>,
      %swap3A_444 = vector.shape_cast %swap3A_443 : vector<1x16xf32> to vector<16xf32>
      %swap3A_445 = vector.shape_cast %add3A_440 : vector<16xf32> to vector<1x16xf32>
      tpu.vector_store %arg12[%swap3A_441, %swap3A_442], %swap3A_445 {strides = array<i32>} : memref<32x768xf32, #tpu.memory_space<vmem>>, vector<1x16xf32>,
      %get3A_446 = arith.index_cast %scan3A_152 : i32 to index
      %get3A_447 = arith.constant 336 : index
      %get3A_448 = tpu.vector_load %arg12[%get3A_446, %get3A_447] {strides = array<i32>} : memref<32x768xf32, #tpu.memory_space<vmem>>, vector<1x16xf32>,
      %get3A_449 = vector.shape_cast %get3A_448 : vector<1x16xf32> to vector<16xf32>
      %get3A_450 = arith.index_cast %scan3A_152 : i32 to index
      %get3A_451 = arith.constant 336 : index
      %get3A_452 = tpu.vector_load %arg13[%get3A_450, %get3A_451] {strides = array<i32>} : memref<32x768xf32, #tpu.memory_space<vmem>>, vector<1x16xf32>,
      %get3A_453 = vector.shape_cast %get3A_452 : vector<1x16xf32> to vector<16xf32>
      %add3A_454 = arith.addf %get3A_449, %get3A_453 : vector<16xf32>
      %swap3A_455 = arith.index_cast %scan3A_152 : i32 to index
      %swap3A_456 = arith.constant 336 : index
      %swap3A_457 = tpu.vector_load %arg12[%swap3A_455, %swap3A_456] {strides = array<i32>} : memref<32x768xf32, #tpu.memory_space<vmem>>, vector<1x16xf32>,
      %swap3A_458 = vector.shape_cast %swap3A_457 : vector<1x16xf32> to vector<16xf32>
      %swap3A_459 = vector.shape_cast %add3A_454 : vector<16xf32> to vector<1x16xf32>
      tpu.vector_store %arg12[%swap3A_455, %swap3A_456], %swap3A_459 {strides = array<i32>} : memref<32x768xf32, #tpu.memory_space<vmem>>, vector<1x16xf32>,
      %get3A_460 = arith.index_cast %scan3A_152 : i32 to index
      %get3A_461 = arith.constant 352 : index
      %get3A_462 = tpu.vector_load %arg12[%get3A_460, %get3A_461] {strides = array<i32>} : memref<32x768xf32, #tpu.memory_space<vmem>>, vector<1x16xf32>,
      %get3A_463 = vector.shape_cast %get3A_462 : vector<1x16xf32> to vector<16xf32>
      %get3A_464 = arith.index_cast %scan3A_152 : i32 to index
      %get3A_465 = arith.constant 352 : index
      %get3A_466 = tpu.vector_load %arg13[%get3A_464, %get3A_465] {strides = array<i32>} : memref<32x768xf32, #tpu.memory_space<vmem>>, vector<1x16xf32>,
      %get3A_467 = vector.shape_cast %get3A_466 : vector<1x16xf32> to vector<16xf32>
      %add3A_468 = arith.addf %get3A_463, %get3A_467 : vector<16xf32>
      %swap3A_469 = arith.index_cast %scan3A_152 : i32 to index
      %swap3A_470 = arith.constant 352 : index
      %swap3A_471 = tpu.vector_load %arg12[%swap3A_469, %swap3A_470] {strides = array<i32>} : memref<32x768xf32, #tpu.memory_space<vmem>>, vector<1x16xf32>,
      %swap3A_472 = vector.shape_cast %swap3A_471 : vector<1x16xf32> to vector<16xf32>
      %swap3A_473 = vector.shape_cast %add3A_468 : vector<16xf32> to vector<1x16xf32>
      tpu.vector_store %arg12[%swap3A_469, %swap3A_470], %swap3A_473 {strides = array<i32>} : memref<32x768xf32, #tpu.memory_space<vmem>>, vector<1x16xf32>,
      %get3A_474 = arith.index_cast %scan3A_152 : i32 to index
      %get3A_475 = arith.constant 368 : index
      %get3A_476 = tpu.vector_load %arg12[%get3A_474, %get3A_475] {strides = array<i32>} : memref<32x768xf32, #tpu.memory_space<vmem>>, vector<1x16xf32>,
      %get3A_477 = vector.shape_cast %get3A_476 : vector<1x16xf32> to vector<16xf32>
      %get3A_478 = arith.index_cast %scan3A_152 : i32 to index
      %get3A_479 = arith.constant 368 : index
      %get3A_480 = tpu.vector_load %arg13[%get3A_478, %get3A_479] {strides = array<i32>} : memref<32x768xf32, #tpu.memory_space<vmem>>, vector<1x16xf32>,
      %get3A_481 = vector.shape_cast %get3A_480 : vector<1x16xf32> to vector<16xf32>
      %add3A_482 = arith.addf %get3A_477, %get3A_481 : vector<16xf32>
      %swap3A_483 = arith.index_cast %scan3A_152 : i32 to index
      %swap3A_484 = arith.constant 368 : index
      %swap3A_485 = tpu.vector_load %arg12[%swap3A_483, %swap3A_484] {strides = array<i32>} : memref<32x768xf32, #tpu.memory_space<vmem>>, vector<1x16xf32>,
      %swap3A_486 = vector.shape_cast %swap3A_485 : vector<1x16xf32> to vector<16xf32>
      %swap3A_487 = vector.shape_cast %add3A_482 : vector<16xf32> to vector<1x16xf32>
      tpu.vector_store %arg12[%swap3A_483, %swap3A_484], %swap3A_487 {strides = array<i32>} : memref<32x768xf32, #tpu.memory_space<vmem>>, vector<1x16xf32>,
      %get3A_488 = arith.index_cast %scan3A_152 : i32 to index
      %get3A_489 = arith.constant 384 : index
      %get3A_490 = tpu.vector_load %arg12[%get3A_488, %get3A_489] {strides = array<i32>} : memref<32x768xf32, #tpu.memory_space<vmem>>, vector<1x16xf32>,
      %get3A_491 = vector.shape_cast %get3A_490 : vector<1x16xf32> to vector<16xf32>
      %get3A_492 = arith.index_cast %scan3A_152 : i32 to index
      %get3A_493 = arith.constant 384 : index
      %get3A_494 = tpu.vector_load %arg13[%get3A_492, %get3A_493] {strides = array<i32>} : memref<32x768xf32, #tpu.memory_space<vmem>>, vector<1x16xf32>,
      %get3A_495 = vector.shape_cast %get3A_494 : vector<1x16xf32> to vector<16xf32>
      %add3A_496 = arith.addf %get3A_491, %get3A_495 : vector<16xf32>
      %swap3A_497 = arith.index_cast %scan3A_152 : i32 to index
      %swap3A_498 = arith.constant 384 : index
      %swap3A_499 = tpu.vector_load %arg12[%swap3A_497, %swap3A_498] {strides = array<i32>} : memref<32x768xf32, #tpu.memory_space<vmem>>, vector<1x16xf32>,
      %swap3A_500 = vector.shape_cast %swap3A_499 : vector<1x16xf32> to vector<16xf32>
      %swap3A_501 = vector.shape_cast %add3A_496 : vector<16xf32> to vector<1x16xf32>
      tpu.vector_store %arg12[%swap3A_497, %swap3A_498], %swap3A_501 {strides = array<i32>} : memref<32x768xf32, #tpu.memory_space<vmem>>, vector<1x16xf32>,
      %get3A_502 = arith.index_cast %scan3A_152 : i32 to index
      %get3A_503 = arith.constant 400 : index
      %get3A_504 = tpu.vector_load %arg12[%get3A_502, %get3A_503] {strides = array<i32>} : memref<32x768xf32, #tpu.memory_space<vmem>>, vector<1x16xf32>,
      %get3A_505 = vector.shape_cast %get3A_504 : vector<1x16xf32> to vector<16xf32>
      %get3A_506 = arith.index_cast %scan3A_152 : i32 to index
      %get3A_507 = arith.constant 400 : index
      %get3A_508 = tpu.vector_load %arg13[%get3A_506, %get3A_507] {strides = array<i32>} : memref<32x768xf32, #tpu.memory_space<vmem>>, vector<1x16xf32>,
      %get3A_509 = vector.shape_cast %get3A_508 : vector<1x16xf32> to vector<16xf32>
      %add3A_510 = arith.addf %get3A_505, %get3A_509 : vector<16xf32>
      %swap3A_511 = arith.index_cast %scan3A_152 : i32 to index
      %swap3A_512 = arith.constant 400 : index
      %swap3A_513 = tpu.vector_load %arg12[%swap3A_511, %swap3A_512] {strides = array<i32>} : memref<32x768xf32, #tpu.memory_space<vmem>>, vector<1x16xf32>,
      %swap3A_514 = vector.shape_cast %swap3A_513 : vector<1x16xf32> to vector<16xf32>
      %swap3A_515 = vector.shape_cast %add3A_510 : vector<16xf32> to vector<1x16xf32>
      tpu.vector_store %arg12[%swap3A_511, %swap3A_512], %swap3A_515 {strides = array<i32>} : memref<32x768xf32, #tpu.memory_space<vmem>>, vector<1x16xf32>,
      %get3A_516 = arith.index_cast %scan3A_152 : i32 to index
      %get3A_517 = arith.constant 416 : index
      %get3A_518 = tpu.vector_load %arg12[%get3A_516, %get3A_517] {strides = array<i32>} : memref<32x768xf32, #tpu.memory_space<vmem>>, vector<1x16xf32>,
      %get3A_519 = vector.shape_cast %get3A_518 : vector<1x16xf32> to vector<16xf32>
      %get3A_520 = arith.index_cast %scan3A_152 : i32 to index
      %get3A_521 = arith.constant 416 : index
      %get3A_522 = tpu.vector_load %arg13[%get3A_520, %get3A_521] {strides = array<i32>} : memref<32x768xf32, #tpu.memory_space<vmem>>, vector<1x16xf32>,
      %get3A_523 = vector.shape_cast %get3A_522 : vector<1x16xf32> to vector<16xf32>
      %add3A_524 = arith.addf %get3A_519, %get3A_523 : vector<16xf32>
      %swap3A_525 = arith.index_cast %scan3A_152 : i32 to index
      %swap3A_526 = arith.constant 416 : index
      %swap3A_527 = tpu.vector_load %arg12[%swap3A_525, %swap3A_526] {strides = array<i32>} : memref<32x768xf32, #tpu.memory_space<vmem>>, vector<1x16xf32>,
      %swap3A_528 = vector.shape_cast %swap3A_527 : vector<1x16xf32> to vector<16xf32>
      %swap3A_529 = vector.shape_cast %add3A_524 : vector<16xf32> to vector<1x16xf32>
      tpu.vector_store %arg12[%swap3A_525, %swap3A_526], %swap3A_529 {strides = array<i32>} : memref<32x768xf32, #tpu.memory_space<vmem>>, vector<1x16xf32>,
      %get3A_530 = arith.index_cast %scan3A_152 : i32 to index
      %get3A_531 = arith.constant 432 : index
      %get3A_532 = tpu.vector_load %arg12[%get3A_530, %get3A_531] {strides = array<i32>} : memref<32x768xf32, #tpu.memory_space<vmem>>, vector<1x16xf32>,
      %get3A_533 = vector.shape_cast %get3A_532 : vector<1x16xf32> to vector<16xf32>
      %get3A_534 = arith.index_cast %scan3A_152 : i32 to index
      %get3A_535 = arith.constant 432 : index
      %get3A_536 = tpu.vector_load %arg13[%get3A_534, %get3A_535] {strides = array<i32>} : memref<32x768xf32, #tpu.memory_space<vmem>>, vector<1x16xf32>,
      %get3A_537 = vector.shape_cast %get3A_536 : vector<1x16xf32> to vector<16xf32>
      %add3A_538 = arith.addf %get3A_533, %get3A_537 : vector<16xf32>
      %swap3A_539 = arith.index_cast %scan3A_152 : i32 to index
      %swap3A_540 = arith.constant 432 : index
      %swap3A_541 = tpu.vector_load %arg12[%swap3A_539, %swap3A_540] {strides = array<i32>} : memref<32x768xf32, #tpu.memory_space<vmem>>, vector<1x16xf32>,
      %swap3A_542 = vector.shape_cast %swap3A_541 : vector<1x16xf32> to vector<16xf32>
      %swap3A_543 = vector.shape_cast %add3A_538 : vector<16xf32> to vector<1x16xf32>
      tpu.vector_store %arg12[%swap3A_539, %swap3A_540], %swap3A_543 {strides = array<i32>} : memref<32x768xf32, #tpu.memory_space<vmem>>, vector<1x16xf32>,
      %get3A_544 = arith.index_cast %scan3A_152 : i32 to index
      %get3A_545 = arith.constant 448 : index
      %get3A_546 = tpu.vector_load %arg12[%get3A_544, %get3A_545] {strides = array<i32>} : memref<32x768xf32, #tpu.memory_space<vmem>>, vector<1x16xf32>,
      %get3A_547 = vector.shape_cast %get3A_546 : vector<1x16xf32> to vector<16xf32>
      %get3A_548 = arith.index_cast %scan3A_152 : i32 to index
      %get3A_549 = arith.constant 448 : index
      %get3A_550 = tpu.vector_load %arg13[%get3A_548, %get3A_549] {strides = array<i32>} : memref<32x768xf32, #tpu.memory_space<vmem>>, vector<1x16xf32>,
      %get3A_551 = vector.shape_cast %get3A_550 : vector<1x16xf32> to vector<16xf32>
      %add3A_552 = arith.addf %get3A_547, %get3A_551 : vector<16xf32>
      %swap3A_553 = arith.index_cast %scan3A_152 : i32 to index
      %swap3A_554 = arith.constant 448 : index
      %swap3A_555 = tpu.vector_load %arg12[%swap3A_553, %swap3A_554] {strides = array<i32>} : memref<32x768xf32, #tpu.memory_space<vmem>>, vector<1x16xf32>,
      %swap3A_556 = vector.shape_cast %swap3A_555 : vector<1x16xf32> to vector<16xf32>
      %swap3A_557 = vector.shape_cast %add3A_552 : vector<16xf32> to vector<1x16xf32>
      tpu.vector_store %arg12[%swap3A_553, %swap3A_554], %swap3A_557 {strides = array<i32>} : memref<32x768xf32, #tpu.memory_space<vmem>>, vector<1x16xf32>,
      %get3A_558 = arith.index_cast %scan3A_152 : i32 to index
      %get3A_559 = arith.constant 464 : index
      %get3A_560 = tpu.vector_load %arg12[%get3A_558, %get3A_559] {strides = array<i32>} : memref<32x768xf32, #tpu.memory_space<vmem>>, vector<1x16xf32>,
      %get3A_561 = vector.shape_cast %get3A_560 : vector<1x16xf32> to vector<16xf32>
      %get3A_562 = arith.index_cast %scan3A_152 : i32 to index
      %get3A_563 = arith.constant 464 : index
      %get3A_564 = tpu.vector_load %arg13[%get3A_562, %get3A_563] {strides = array<i32>} : memref<32x768xf32, #tpu.memory_space<vmem>>, vector<1x16xf32>,
      %get3A_565 = vector.shape_cast %get3A_564 : vector<1x16xf32> to vector<16xf32>
      %add3A_566 = arith.addf %get3A_561, %get3A_565 : vector<16xf32>
      %swap3A_567 = arith.index_cast %scan3A_152 : i32 to index
      %swap3A_568 = arith.constant 464 : index
      %swap3A_569 = tpu.vector_load %arg12[%swap3A_567, %swap3A_568] {strides = array<i32>} : memref<32x768xf32, #tpu.memory_space<vmem>>, vector<1x16xf32>,
      %swap3A_570 = vector.shape_cast %swap3A_569 : vector<1x16xf32> to vector<16xf32>
      %swap3A_571 = vector.shape_cast %add3A_566 : vector<16xf32> to vector<1x16xf32>
      tpu.vector_store %arg12[%swap3A_567, %swap3A_568], %swap3A_571 {strides = array<i32>} : memref<32x768xf32, #tpu.memory_space<vmem>>, vector<1x16xf32>,
      %get3A_572 = arith.index_cast %scan3A_152 : i32 to index
      %get3A_573 = arith.constant 480 : index
      %get3A_574 = tpu.vector_load %arg12[%get3A_572, %get3A_573] {strides = array<i32>} : memref<32x768xf32, #tpu.memory_space<vmem>>, vector<1x16xf32>,
      %get3A_575 = vector.shape_cast %get3A_574 : vector<1x16xf32> to vector<16xf32>
      %get3A_576 = arith.index_cast %scan3A_152 : i32 to index
      %get3A_577 = arith.constant 480 : index
      %get3A_578 = tpu.vector_load %arg13[%get3A_576, %get3A_577] {strides = array<i32>} : memref<32x768xf32, #tpu.memory_space<vmem>>, vector<1x16xf32>,
      %get3A_579 = vector.shape_cast %get3A_578 : vector<1x16xf32> to vector<16xf32>
      %add3A_580 = arith.addf %get3A_575, %get3A_579 : vector<16xf32>
      %swap3A_581 = arith.index_cast %scan3A_152 : i32 to index
      %swap3A_582 = arith.constant 480 : index
      %swap3A_583 = tpu.vector_load %arg12[%swap3A_581, %swap3A_582] {strides = array<i32>} : memref<32x768xf32, #tpu.memory_space<vmem>>, vector<1x16xf32>,
      %swap3A_584 = vector.shape_cast %swap3A_583 : vector<1x16xf32> to vector<16xf32>
      %swap3A_585 = vector.shape_cast %add3A_580 : vector<16xf32> to vector<1x16xf32>
      tpu.vector_store %arg12[%swap3A_581, %swap3A_582], %swap3A_585 {strides = array<i32>} : memref<32x768xf32, #tpu.memory_space<vmem>>, vector<1x16xf32>,
      %get3A_586 = arith.index_cast %scan3A_152 : i32 to index
      %get3A_587 = arith.constant 496 : index
      %get3A_588 = tpu.vector_load %arg12[%get3A_586, %get3A_587] {strides = array<i32>} : memref<32x768xf32, #tpu.memory_space<vmem>>, vector<1x16xf32>,
      %get3A_589 = vector.shape_cast %get3A_588 : vector<1x16xf32> to vector<16xf32>
      %get3A_590 = arith.index_cast %scan3A_152 : i32 to index
      %get3A_591 = arith.constant 496 : index
      %get3A_592 = tpu.vector_load %arg13[%get3A_590, %get3A_591] {strides = array<i32>} : memref<32x768xf32, #tpu.memory_space<vmem>>, vector<1x16xf32>,
      %get3A_593 = vector.shape_cast %get3A_592 : vector<1x16xf32> to vector<16xf32>
      %add3A_594 = arith.addf %get3A_589, %get3A_593 : vector<16xf32>
      %swap3A_595 = arith.index_cast %scan3A_152 : i32 to index
      %swap3A_596 = arith.constant 496 : index
      %swap3A_597 = tpu.vector_load %arg12[%swap3A_595, %swap3A_596] {strides = array<i32>} : memref<32x768xf32, #tpu.memory_space<vmem>>, vector<1x16xf32>,
      %swap3A_598 = vector.shape_cast %swap3A_597 : vector<1x16xf32> to vector<16xf32>
      %swap3A_599 = vector.shape_cast %add3A_594 : vector<16xf32> to vector<1x16xf32>
      tpu.vector_store %arg12[%swap3A_595, %swap3A_596], %swap3A_599 {strides = array<i32>} : memref<32x768xf32, #tpu.memory_space<vmem>>, vector<1x16xf32>,
      %get3A_600 = arith.index_cast %scan3A_152 : i32 to index
      %get3A_601 = arith.constant 512 : index
      %get3A_602 = tpu.vector_load %arg12[%get3A_600, %get3A_601] {strides = array<i32>} : memref<32x768xf32, #tpu.memory_space<vmem>>, vector<1x16xf32>,
      %get3A_603 = vector.shape_cast %get3A_602 : vector<1x16xf32> to vector<16xf32>
      %get3A_604 = arith.index_cast %scan3A_152 : i32 to index
      %get3A_605 = arith.constant 512 : index
      %get3A_606 = tpu.vector_load %arg13[%get3A_604, %get3A_605] {strides = array<i32>} : memref<32x768xf32, #tpu.memory_space<vmem>>, vector<1x16xf32>,
      %get3A_607 = vector.shape_cast %get3A_606 : vector<1x16xf32> to vector<16xf32>
      %add3A_608 = arith.addf %get3A_603, %get3A_607 : vector<16xf32>
      %swap3A_609 = arith.index_cast %scan3A_152 : i32 to index
      %swap3A_610 = arith.constant 512 : index
      %swap3A_611 = tpu.vector_load %arg12[%swap3A_609, %swap3A_610] {strides = array<i32>} : memref<32x768xf32, #tpu.memory_space<vmem>>, vector<1x16xf32>,
      %swap3A_612 = vector.shape_cast %swap3A_611 : vector<1x16xf32> to vector<16xf32>
      %swap3A_613 = vector.shape_cast %add3A_608 : vector<16xf32> to vector<1x16xf32>
      tpu.vector_store %arg12[%swap3A_609, %swap3A_610], %swap3A_613 {strides = array<i32>} : memref<32x768xf32, #tpu.memory_space<vmem>>, vector<1x16xf32>,
      %get3A_614 = arith.index_cast %scan3A_152 : i32 to index
      %get3A_615 = arith.constant 528 : index
      %get3A_616 = tpu.vector_load %arg12[%get3A_614, %get3A_615] {strides = array<i32>} : memref<32x768xf32, #tpu.memory_space<vmem>>, vector<1x16xf32>,
      %get3A_617 = vector.shape_cast %get3A_616 : vector<1x16xf32> to vector<16xf32>
      %get3A_618 = arith.index_cast %scan3A_152 : i32 to index
      %get3A_619 = arith.constant 528 : index
      %get3A_620 = tpu.vector_load %arg13[%get3A_618, %get3A_619] {strides = array<i32>} : memref<32x768xf32, #tpu.memory_space<vmem>>, vector<1x16xf32>,
      %get3A_621 = vector.shape_cast %get3A_620 : vector<1x16xf32> to vector<16xf32>
      %add3A_622 = arith.addf %get3A_617, %get3A_621 : vector<16xf32>
      %swap3A_623 = arith.index_cast %scan3A_152 : i32 to index
      %swap3A_624 = arith.constant 528 : index
      %swap3A_625 = tpu.vector_load %arg12[%swap3A_623, %swap3A_624] {strides = array<i32>} : memref<32x768xf32, #tpu.memory_space<vmem>>, vector<1x16xf32>,
      %swap3A_626 = vector.shape_cast %swap3A_625 : vector<1x16xf32> to vector<16xf32>
      %swap3A_627 = vector.shape_cast %add3A_622 : vector<16xf32> to vector<1x16xf32>
      tpu.vector_store %arg12[%swap3A_623, %swap3A_624], %swap3A_627 {strides = array<i32>} : memref<32x768xf32, #tpu.memory_space<vmem>>, vector<1x16xf32>,
      %get3A_628 = arith.index_cast %scan3A_152 : i32 to index
      %get3A_629 = arith.constant 544 : index
      %get3A_630 = tpu.vector_load %arg12[%get3A_628, %get3A_629] {strides = array<i32>} : memref<32x768xf32, #tpu.memory_space<vmem>>, vector<1x16xf32>,
      %get3A_631 = vector.shape_cast %get3A_630 : vector<1x16xf32> to vector<16xf32>
      %get3A_632 = arith.index_cast %scan3A_152 : i32 to index
      %get3A_633 = arith.constant 544 : index
      %get3A_634 = tpu.vector_load %arg13[%get3A_632, %get3A_633] {strides = array<i32>} : memref<32x768xf32, #tpu.memory_space<vmem>>, vector<1x16xf32>,
      %get3A_635 = vector.shape_cast %get3A_634 : vector<1x16xf32> to vector<16xf32>
      %add3A_636 = arith.addf %get3A_631, %get3A_635 : vector<16xf32>
      %swap3A_637 = arith.index_cast %scan3A_152 : i32 to index
      %swap3A_638 = arith.constant 544 : index
      %swap3A_639 = tpu.vector_load %arg12[%swap3A_637, %swap3A_638] {strides = array<i32>} : memref<32x768xf32, #tpu.memory_space<vmem>>, vector<1x16xf32>,
      %swap3A_640 = vector.shape_cast %swap3A_639 : vector<1x16xf32> to vector<16xf32>
      %swap3A_641 = vector.shape_cast %add3A_636 : vector<16xf32> to vector<1x16xf32>
      tpu.vector_store %arg12[%swap3A_637, %swap3A_638], %swap3A_641 {strides = array<i32>} : memref<32x768xf32, #tpu.memory_space<vmem>>, vector<1x16xf32>,
      %get3A_642 = arith.index_cast %scan3A_152 : i32 to index
      %get3A_643 = arith.constant 560 : index
      %get3A_644 = tpu.vector_load %arg12[%get3A_642, %get3A_643] {strides = array<i32>} : memref<32x768xf32, #tpu.memory_space<vmem>>, vector<1x16xf32>,
      %get3A_645 = vector.shape_cast %get3A_644 : vector<1x16xf32> to vector<16xf32>
      %get3A_646 = arith.index_cast %scan3A_152 : i32 to index
      %get3A_647 = arith.constant 560 : index
      %get3A_648 = tpu.vector_load %arg13[%get3A_646, %get3A_647] {strides = array<i32>} : memref<32x768xf32, #tpu.memory_space<vmem>>, vector<1x16xf32>,
      %get3A_649 = vector.shape_cast %get3A_648 : vector<1x16xf32> to vector<16xf32>
      %add3A_650 = arith.addf %get3A_645, %get3A_649 : vector<16xf32>
      %swap3A_651 = arith.index_cast %scan3A_152 : i32 to index
      %swap3A_652 = arith.constant 560 : index
      %swap3A_653 = tpu.vector_load %arg12[%swap3A_651, %swap3A_652] {strides = array<i32>} : memref<32x768xf32, #tpu.memory_space<vmem>>, vector<1x16xf32>,
      %swap3A_654 = vector.shape_cast %swap3A_653 : vector<1x16xf32> to vector<16xf32>
      %swap3A_655 = vector.shape_cast %add3A_650 : vector<16xf32> to vector<1x16xf32>
      tpu.vector_store %arg12[%swap3A_651, %swap3A_652], %swap3A_655 {strides = array<i32>} : memref<32x768xf32, #tpu.memory_space<vmem>>, vector<1x16xf32>,
      %get3A_656 = arith.index_cast %scan3A_152 : i32 to index
      %get3A_657 = arith.constant 576 : index
      %get3A_658 = tpu.vector_load %arg12[%get3A_656, %get3A_657] {strides = array<i32>} : memref<32x768xf32, #tpu.memory_space<vmem>>, vector<1x16xf32>,
      %get3A_659 = vector.shape_cast %get3A_658 : vector<1x16xf32> to vector<16xf32>
      %get3A_660 = arith.index_cast %scan3A_152 : i32 to index
      %get3A_661 = arith.constant 576 : index
      %get3A_662 = tpu.vector_load %arg13[%get3A_660, %get3A_661] {strides = array<i32>} : memref<32x768xf32, #tpu.memory_space<vmem>>, vector<1x16xf32>,
      %get3A_663 = vector.shape_cast %get3A_662 : vector<1x16xf32> to vector<16xf32>
      %add3A_664 = arith.addf %get3A_659, %get3A_663 : vector<16xf32>
      %swap3A_665 = arith.index_cast %scan3A_152 : i32 to index
      %swap3A_666 = arith.constant 576 : index
      %swap3A_667 = tpu.vector_load %arg12[%swap3A_665, %swap3A_666] {strides = array<i32>} : memref<32x768xf32, #tpu.memory_space<vmem>>, vector<1x16xf32>,
      %swap3A_668 = vector.shape_cast %swap3A_667 : vector<1x16xf32> to vector<16xf32>
      %swap3A_669 = vector.shape_cast %add3A_664 : vector<16xf32> to vector<1x16xf32>
      tpu.vector_store %arg12[%swap3A_665, %swap3A_666], %swap3A_669 {strides = array<i32>} : memref<32x768xf32, #tpu.memory_space<vmem>>, vector<1x16xf32>,
      %get3A_670 = arith.index_cast %scan3A_152 : i32 to index
      %get3A_671 = arith.constant 592 : index
      %get3A_672 = tpu.vector_load %arg12[%get3A_670, %get3A_671] {strides = array<i32>} : memref<32x768xf32, #tpu.memory_space<vmem>>, vector<1x16xf32>,
      %get3A_673 = vector.shape_cast %get3A_672 : vector<1x16xf32> to vector<16xf32>
      %get3A_674 = arith.index_cast %scan3A_152 : i32 to index
      %get3A_675 = arith.constant 592 : index
      %get3A_676 = tpu.vector_load %arg13[%get3A_674, %get3A_675] {strides = array<i32>} : memref<32x768xf32, #tpu.memory_space<vmem>>, vector<1x16xf32>,
      %get3A_677 = vector.shape_cast %get3A_676 : vector<1x16xf32> to vector<16xf32>
      %add3A_678 = arith.addf %get3A_673, %get3A_677 : vector<16xf32>
      %swap3A_679 = arith.index_cast %scan3A_152 : i32 to index
      %swap3A_680 = arith.constant 592 : index
      %swap3A_681 = tpu.vector_load %arg12[%swap3A_679, %swap3A_680] {strides = array<i32>} : memref<32x768xf32, #tpu.memory_space<vmem>>, vector<1x16xf32>,
      %swap3A_682 = vector.shape_cast %swap3A_681 : vector<1x16xf32> to vector<16xf32>
      %swap3A_683 = vector.shape_cast %add3A_678 : vector<16xf32> to vector<1x16xf32>
      tpu.vector_store %arg12[%swap3A_679, %swap3A_680], %swap3A_683 {strides = array<i32>} : memref<32x768xf32, #tpu.memory_space<vmem>>, vector<1x16xf32>,
      %get3A_684 = arith.index_cast %scan3A_152 : i32 to index
      %get3A_685 = arith.constant 608 : index
      %get3A_686 = tpu.vector_load %arg12[%get3A_684, %get3A_685] {strides = array<i32>} : memref<32x768xf32, #tpu.memory_space<vmem>>, vector<1x16xf32>,
      %get3A_687 = vector.shape_cast %get3A_686 : vector<1x16xf32> to vector<16xf32>
      %get3A_688 = arith.index_cast %scan3A_152 : i32 to index
      %get3A_689 = arith.constant 608 : index
      %get3A_690 = tpu.vector_load %arg13[%get3A_688, %get3A_689] {strides = array<i32>} : memref<32x768xf32, #tpu.memory_space<vmem>>, vector<1x16xf32>,
      %get3A_691 = vector.shape_cast %get3A_690 : vector<1x16xf32> to vector<16xf32>
      %add3A_692 = arith.addf %get3A_687, %get3A_691 : vector<16xf32>
      %swap3A_693 = arith.index_cast %scan3A_152 : i32 to index
      %swap3A_694 = arith.constant 608 : index
      %swap3A_695 = tpu.vector_load %arg12[%swap3A_693, %swap3A_694] {strides = array<i32>} : memref<32x768xf32, #tpu.memory_space<vmem>>, vector<1x16xf32>,
      %swap3A_696 = vector.shape_cast %swap3A_695 : vector<1x16xf32> to vector<16xf32>
      %swap3A_697 = vector.shape_cast %add3A_692 : vector<16xf32> to vector<1x16xf32>
      tpu.vector_store %arg12[%swap3A_693, %swap3A_694], %swap3A_697 {strides = array<i32>} : memref<32x768xf32, #tpu.memory_space<vmem>>, vector<1x16xf32>,
      %get3A_698 = arith.index_cast %scan3A_152 : i32 to index
      %get3A_699 = arith.constant 624 : index
      %get3A_700 = tpu.vector_load %arg12[%get3A_698, %get3A_699] {strides = array<i32>} : memref<32x768xf32, #tpu.memory_space<vmem>>, vector<1x16xf32>,
      %get3A_701 = vector.shape_cast %get3A_700 : vector<1x16xf32> to vector<16xf32>
      %get3A_702 = arith.index_cast %scan3A_152 : i32 to index
      %get3A_703 = arith.constant 624 : index
      %get3A_704 = tpu.vector_load %arg13[%get3A_702, %get3A_703] {strides = array<i32>} : memref<32x768xf32, #tpu.memory_space<vmem>>, vector<1x16xf32>,
      %get3A_705 = vector.shape_cast %get3A_704 : vector<1x16xf32> to vector<16xf32>
      %add3A_706 = arith.addf %get3A_701, %get3A_705 : vector<16xf32>
      %swap3A_707 = arith.index_cast %scan3A_152 : i32 to index
      %swap3A_708 = arith.constant 624 : index
      %swap3A_709 = tpu.vector_load %arg12[%swap3A_707, %swap3A_708] {strides = array<i32>} : memref<32x768xf32, #tpu.memory_space<vmem>>, vector<1x16xf32>,
      %swap3A_710 = vector.shape_cast %swap3A_709 : vector<1x16xf32> to vector<16xf32>
      %swap3A_711 = vector.shape_cast %add3A_706 : vector<16xf32> to vector<1x16xf32>
      tpu.vector_store %arg12[%swap3A_707, %swap3A_708], %swap3A_711 {strides = array<i32>} : memref<32x768xf32, #tpu.memory_space<vmem>>, vector<1x16xf32>,
      %get3A_712 = arith.index_cast %scan3A_152 : i32 to index
      %get3A_713 = arith.constant 640 : index
      %get3A_714 = tpu.vector_load %arg12[%get3A_712, %get3A_713] {strides = array<i32>} : memref<32x768xf32, #tpu.memory_space<vmem>>, vector<1x16xf32>,
      %get3A_715 = vector.shape_cast %get3A_714 : vector<1x16xf32> to vector<16xf32>
      %get3A_716 = arith.index_cast %scan3A_152 : i32 to index
      %get3A_717 = arith.constant 640 : index
      %get3A_718 = tpu.vector_load %arg13[%get3A_716, %get3A_717] {strides = array<i32>} : memref<32x768xf32, #tpu.memory_space<vmem>>, vector<1x16xf32>,
      %get3A_719 = vector.shape_cast %get3A_718 : vector<1x16xf32> to vector<16xf32>
      %add3A_720 = arith.addf %get3A_715, %get3A_719 : vector<16xf32>
      %swap3A_721 = arith.index_cast %scan3A_152 : i32 to index
      %swap3A_722 = arith.constant 640 : index
      %swap3A_723 = tpu.vector_load %arg12[%swap3A_721, %swap3A_722] {strides = array<i32>} : memref<32x768xf32, #tpu.memory_space<vmem>>, vector<1x16xf32>,
      %swap3A_724 = vector.shape_cast %swap3A_723 : vector<1x16xf32> to vector<16xf32>
      %swap3A_725 = vector.shape_cast %add3A_720 : vector<16xf32> to vector<1x16xf32>
      tpu.vector_store %arg12[%swap3A_721, %swap3A_722], %swap3A_725 {strides = array<i32>} : memref<32x768xf32, #tpu.memory_space<vmem>>, vector<1x16xf32>,
      %get3A_726 = arith.index_cast %scan3A_152 : i32 to index
      %get3A_727 = arith.constant 656 : index
      %get3A_728 = tpu.vector_load %arg12[%get3A_726, %get3A_727] {strides = array<i32>} : memref<32x768xf32, #tpu.memory_space<vmem>>, vector<1x16xf32>,
      %get3A_729 = vector.shape_cast %get3A_728 : vector<1x16xf32> to vector<16xf32>
      %get3A_730 = arith.index_cast %scan3A_152 : i32 to index
      %get3A_731 = arith.constant 656 : index
      %get3A_732 = tpu.vector_load %arg13[%get3A_730, %get3A_731] {strides = array<i32>} : memref<32x768xf32, #tpu.memory_space<vmem>>, vector<1x16xf32>,
      %get3A_733 = vector.shape_cast %get3A_732 : vector<1x16xf32> to vector<16xf32>
      %add3A_734 = arith.addf %get3A_729, %get3A_733 : vector<16xf32>
      %swap3A_735 = arith.index_cast %scan3A_152 : i32 to index
      %swap3A_736 = arith.constant 656 : index
      %swap3A_737 = tpu.vector_load %arg12[%swap3A_735, %swap3A_736] {strides = array<i32>} : memref<32x768xf32, #tpu.memory_space<vmem>>, vector<1x16xf32>,
      %swap3A_738 = vector.shape_cast %swap3A_737 : vector<1x16xf32> to vector<16xf32>
      %swap3A_739 = vector.shape_cast %add3A_734 : vector<16xf32> to vector<1x16xf32>
      tpu.vector_store %arg12[%swap3A_735, %swap3A_736], %swap3A_739 {strides = array<i32>} : memref<32x768xf32, #tpu.memory_space<vmem>>, vector<1x16xf32>,
      %get3A_740 = arith.index_cast %scan3A_152 : i32 to index
      %get3A_741 = arith.constant 672 : index
      %get3A_742 = tpu.vector_load %arg12[%get3A_740, %get3A_741] {strides = array<i32>} : memref<32x768xf32, #tpu.memory_space<vmem>>, vector<1x16xf32>,
      %get3A_743 = vector.shape_cast %get3A_742 : vector<1x16xf32> to vector<16xf32>
      %get3A_744 = arith.index_cast %scan3A_152 : i32 to index
      %get3A_745 = arith.constant 672 : index
      %get3A_746 = tpu.vector_load %arg13[%get3A_744, %get3A_745] {strides = array<i32>} : memref<32x768xf32, #tpu.memory_space<vmem>>, vector<1x16xf32>,
      %get3A_747 = vector.shape_cast %get3A_746 : vector<1x16xf32> to vector<16xf32>
      %add3A_748 = arith.addf %get3A_743, %get3A_747 : vector<16xf32>
      %swap3A_749 = arith.index_cast %scan3A_152 : i32 to index
      %swap3A_750 = arith.constant 672 : index
      %swap3A_751 = tpu.vector_load %arg12[%swap3A_749, %swap3A_750] {strides = array<i32>} : memref<32x768xf32, #tpu.memory_space<vmem>>, vector<1x16xf32>,
      %swap3A_752 = vector.shape_cast %swap3A_751 : vector<1x16xf32> to vector<16xf32>
      %swap3A_753 = vector.shape_cast %add3A_748 : vector<16xf32> to vector<1x16xf32>
      tpu.vector_store %arg12[%swap3A_749, %swap3A_750], %swap3A_753 {strides = array<i32>} : memref<32x768xf32, #tpu.memory_space<vmem>>, vector<1x16xf32>,
      %get3A_754 = arith.index_cast %scan3A_152 : i32 to index
      %get3A_755 = arith.constant 688 : index
      %get3A_756 = tpu.vector_load %arg12[%get3A_754, %get3A_755] {strides = array<i32>} : memref<32x768xf32, #tpu.memory_space<vmem>>, vector<1x16xf32>,
      %get3A_757 = vector.shape_cast %get3A_756 : vector<1x16xf32> to vector<16xf32>
      %get3A_758 = arith.index_cast %scan3A_152 : i32 to index
      %get3A_759 = arith.constant 688 : index
      %get3A_760 = tpu.vector_load %arg13[%get3A_758, %get3A_759] {strides = array<i32>} : memref<32x768xf32, #tpu.memory_space<vmem>>, vector<1x16xf32>,
      %get3A_761 = vector.shape_cast %get3A_760 : vector<1x16xf32> to vector<16xf32>
      %add3A_762 = arith.addf %get3A_757, %get3A_761 : vector<16xf32>
      %swap3A_763 = arith.index_cast %scan3A_152 : i32 to index
      %swap3A_764 = arith.constant 688 : index
      %swap3A_765 = tpu.vector_load %arg12[%swap3A_763, %swap3A_764] {strides = array<i32>} : memref<32x768xf32, #tpu.memory_space<vmem>>, vector<1x16xf32>,
      %swap3A_766 = vector.shape_cast %swap3A_765 : vector<1x16xf32> to vector<16xf32>
      %swap3A_767 = vector.shape_cast %add3A_762 : vector<16xf32> to vector<1x16xf32>
      tpu.vector_store %arg12[%swap3A_763, %swap3A_764], %swap3A_767 {strides = array<i32>} : memref<32x768xf32, #tpu.memory_space<vmem>>, vector<1x16xf32>,
      %get3A_768 = arith.index_cast %scan3A_152 : i32 to index
      %get3A_769 = arith.constant 704 : index
      %get3A_770 = tpu.vector_load %arg12[%get3A_768, %get3A_769] {strides = array<i32>} : memref<32x768xf32, #tpu.memory_space<vmem>>, vector<1x16xf32>,
      %get3A_771 = vector.shape_cast %get3A_770 : vector<1x16xf32> to vector<16xf32>
      %get3A_772 = arith.index_cast %scan3A_152 : i32 to index
      %get3A_773 = arith.constant 704 : index
      %get3A_774 = tpu.vector_load %arg13[%get3A_772, %get3A_773] {strides = array<i32>} : memref<32x768xf32, #tpu.memory_space<vmem>>, vector<1x16xf32>,
      %get3A_775 = vector.shape_cast %get3A_774 : vector<1x16xf32> to vector<16xf32>
      %add3A_776 = arith.addf %get3A_771, %get3A_775 : vector<16xf32>
      %swap3A_777 = arith.index_cast %scan3A_152 : i32 to index
      %swap3A_778 = arith.constant 704 : index
      %swap3A_779 = tpu.vector_load %arg12[%swap3A_777, %swap3A_778] {strides = array<i32>} : memref<32x768xf32, #tpu.memory_space<vmem>>, vector<1x16xf32>,
      %swap3A_780 = vector.shape_cast %swap3A_779 : vector<1x16xf32> to vector<16xf32>
      %swap3A_781 = vector.shape_cast %add3A_776 : vector<16xf32> to vector<1x16xf32>
      tpu.vector_store %arg12[%swap3A_777, %swap3A_778], %swap3A_781 {strides = array<i32>} : memref<32x768xf32, #tpu.memory_space<vmem>>, vector<1x16xf32>,
      %get3A_782 = arith.index_cast %scan3A_152 : i32 to index
      %get3A_783 = arith.constant 720 : index
      %get3A_784 = tpu.vector_load %arg12[%get3A_782, %get3A_783] {strides = array<i32>} : memref<32x768xf32, #tpu.memory_space<vmem>>, vector<1x16xf32>,
      %get3A_785 = vector.shape_cast %get3A_784 : vector<1x16xf32> to vector<16xf32>
      %get3A_786 = arith.index_cast %scan3A_152 : i32 to index
      %get3A_787 = arith.constant 720 : index
      %get3A_788 = tpu.vector_load %arg13[%get3A_786, %get3A_787] {strides = array<i32>} : memref<32x768xf32, #tpu.memory_space<vmem>>, vector<1x16xf32>,
      %get3A_789 = vector.shape_cast %get3A_788 : vector<1x16xf32> to vector<16xf32>
      %add3A_790 = arith.addf %get3A_785, %get3A_789 : vector<16xf32>
      %swap3A_791 = arith.index_cast %scan3A_152 : i32 to index
      %swap3A_792 = arith.constant 720 : index
      %swap3A_793 = tpu.vector_load %arg12[%swap3A_791, %swap3A_792] {strides = array<i32>} : memref<32x768xf32, #tpu.memory_space<vmem>>, vector<1x16xf32>,
      %swap3A_794 = vector.shape_cast %swap3A_793 : vector<1x16xf32> to vector<16xf32>
      %swap3A_795 = vector.shape_cast %add3A_790 : vector<16xf32> to vector<1x16xf32>
      tpu.vector_store %arg12[%swap3A_791, %swap3A_792], %swap3A_795 {strides = array<i32>} : memref<32x768xf32, #tpu.memory_space<vmem>>, vector<1x16xf32>,
      %get3A_796 = arith.index_cast %scan3A_152 : i32 to index
      %get3A_797 = arith.constant 736 : index
      %get3A_798 = tpu.vector_load %arg12[%get3A_796, %get3A_797] {strides = array<i32>} : memref<32x768xf32, #tpu.memory_space<vmem>>, vector<1x16xf32>,
      %get3A_799 = vector.shape_cast %get3A_798 : vector<1x16xf32> to vector<16xf32>
      %get3A_800 = arith.index_cast %scan3A_152 : i32 to index
      %get3A_801 = arith.constant 736 : index
      %get3A_802 = tpu.vector_load %arg13[%get3A_800, %get3A_801] {strides = array<i32>} : memref<32x768xf32, #tpu.memory_space<vmem>>, vector<1x16xf32>,
      %get3A_803 = vector.shape_cast %get3A_802 : vector<1x16xf32> to vector<16xf32>
      %add3A_804 = arith.addf %get3A_799, %get3A_803 : vector<16xf32>
      %swap3A_805 = arith.index_cast %scan3A_152 : i32 to index
      %swap3A_806 = arith.constant 736 : index
      %swap3A_807 = tpu.vector_load %arg12[%swap3A_805, %swap3A_806] {strides = array<i32>} : memref<32x768xf32, #tpu.memory_space<vmem>>, vector<1x16xf32>,
      %swap3A_808 = vector.shape_cast %swap3A_807 : vector<1x16xf32> to vector<16xf32>
      %swap3A_809 = vector.shape_cast %add3A_804 : vector<16xf32> to vector<1x16xf32>
      tpu.vector_store %arg12[%swap3A_805, %swap3A_806], %swap3A_809 {strides = array<i32>} : memref<32x768xf32, #tpu.memory_space<vmem>>, vector<1x16xf32>,
      %get3A_810 = arith.index_cast %scan3A_152 : i32 to index
      %get3A_811 = arith.constant 752 : index
      %get3A_812 = tpu.vector_load %arg12[%get3A_810, %get3A_811] {strides = array<i32>} : memref<32x768xf32, #tpu.memory_space<vmem>>, vector<1x16xf32>,
      %get3A_813 = vector.shape_cast %get3A_812 : vector<1x16xf32> to vector<16xf32>
      %get3A_814 = arith.index_cast %scan3A_152 : i32 to index
      %get3A_815 = arith.constant 752 : index
      %get3A_816 = tpu.vector_load %arg13[%get3A_814, %get3A_815] {strides = array<i32>} : memref<32x768xf32, #tpu.memory_space<vmem>>, vector<1x16xf32>,
      %get3A_817 = vector.shape_cast %get3A_816 : vector<1x16xf32> to vector<16xf32>
      %add3A_818 = arith.addf %get3A_813, %get3A_817 : vector<16xf32>
      %swap3A_819 = arith.index_cast %scan3A_152 : i32 to index
      %swap3A_820 = arith.constant 752 : index
      %swap3A_821 = tpu.vector_load %arg12[%swap3A_819, %swap3A_820] {strides = array<i32>} : memref<32x768xf32, #tpu.memory_space<vmem>>, vector<1x16xf32>,
      %swap3A_822 = vector.shape_cast %swap3A_821 : vector<1x16xf32> to vector<16xf32>
      %swap3A_823 = vector.shape_cast %add3A_818 : vector<16xf32> to vector<1x16xf32>
      tpu.vector_store %arg12[%swap3A_819, %swap3A_820], %swap3A_823 {strides = array<i32>} : memref<32x768xf32, #tpu.memory_space<vmem>>, vector<1x16xf32>,
      %scan3A_824 = arith.constant 0 : i32
      scf.yield %scan3A_824 : i32
    }
    %scan3A_77 = arith.constant 32 : i32
    %add3A_78 = arith.constant 32 : i32
    %add3A_79 = arith.addi %mul3A_2, %add3A_78 : i32
    %dma_start3A_80 = arith.constant 0 : i32
    %dma_start3A_81 = tpu.memref_slice %arg6[%add3A_79, %dma_start3A_80] : memref<4096x768xf32, #tpu.memory_space<hbm>> -> memref<32x768xf32, #tpu.memory_space<hbm>>
    %dma_start3A_82 = arith.constant 0 : i32
    %dma_start3A_83 = tpu.memref_slice %arg6[%add3A_79, %dma_start3A_82] : memref<4096x768xf32, #tpu.memory_space<hbm>> -> memref<32x768xf32, #tpu.memory_space<hbm>>
    tpu.enqueue_dma source(%arg12 : memref<32x768xf32, #tpu.memory_space<vmem>>) target(%dma_start3A_83 : memref<32x768xf32, #tpu.memory_space<hbm>>) target_semaphore(%arg17 : memref<!tpu.dma_semaphore, #tpu.memory_space<semaphore_mem>>)
    %dma_wait3A_84 = arith.constant 64 : i32
    %dma_wait3A_85 = tpu.memref_slice %arg8[%dma_wait3A_84] : memref<128xi32, #tpu.memory_space<vmem>> -> memref<32xi32, #tpu.memory_space<vmem>>
    %dma_wait3A_86 = arith.constant 0 : i32
    %dma_wait3A_87 = arith.constant 0 : i32
    %dma_wait3A_88 = tpu.memref_slice %arg3[%dma_wait3A_86, %dma_wait3A_87] : memref<16384x768xf32, #tpu.memory_space<hbm>> -> memref<16384x768xf32, #tpu.memory_space<hbm>>
    tpu.wait_indirect_dma semaphore(%arg14 : memref<!tpu.dma_semaphore, #tpu.memory_space<semaphore_mem>>) src(%dma_wait3A_88 : memref<16384x768xf32, #tpu.memory_space<hbm>>) dst(%arg10 : memref<32x768xf32, #tpu.memory_space<vmem>>)
    %dma_wait3A_89 = arith.constant 64 : i32
    %dma_wait3A_90 = tpu.memref_slice %arg9[%dma_wait3A_89] : memref<128xi32, #tpu.memory_space<vmem>> -> memref<32xi32, #tpu.memory_space<vmem>>
    %dma_wait3A_91 = arith.constant 0 : i32
    %dma_wait3A_92 = arith.constant 0 : i32
    %dma_wait3A_93 = tpu.memref_slice %arg5[%dma_wait3A_91, %dma_wait3A_92] : memref<4096x768xf32, #tpu.memory_space<hbm>> -> memref<4096x768xf32, #tpu.memory_space<hbm>>
    tpu.wait_indirect_dma semaphore(%arg15 : memref<!tpu.dma_semaphore, #tpu.memory_space<semaphore_mem>>) src(%dma_wait3A_93 : memref<4096x768xf32, #tpu.memory_space<hbm>>) dst(%arg11 : memref<32x768xf32, #tpu.memory_space<vmem>>)
    %dma_wait3A_94 = arith.constant 0 : i32
    %dma_wait3A_95 = tpu.memref_slice %arg6[%add3A_79, %dma_wait3A_94] : memref<4096x768xf32, #tpu.memory_space<hbm>> -> memref<32x768xf32, #tpu.memory_space<hbm>>
    %dma_wait3A_96 = arith.constant 0 : i32
    %dma_wait3A_97 = tpu.memref_slice %arg6[%add3A_79, %dma_wait3A_96] : memref<4096x768xf32, #tpu.memory_space<hbm>> -> memref<32x768xf32, #tpu.memory_space<hbm>>
    tpu.wait_dma2 semaphore(%arg17 : memref<!tpu.dma_semaphore, #tpu.memory_space<semaphore_mem>>) src(%arg12 : memref<32x768xf32, #tpu.memory_space<vmem>>) dst(%dma_wait3A_97 : memref<32x768xf32, #tpu.memory_space<hbm>>)
    %dma_start3A_98 = arith.constant 96 : i32
    %dma_start3A_99 = tpu.memref_slice %arg8[%dma_start3A_98] : memref<128xi32, #tpu.memory_space<vmem>> -> memref<32xi32, #tpu.memory_space<vmem>>
    %dma_start3A_100 = arith.constant 0 : i32
    %dma_start3A_101 = arith.constant 0 : i32
    %dma_start3A_102 = tpu.memref_slice %arg3[%dma_start3A_100, %dma_start3A_101] : memref<16384x768xf32, #tpu.memory_space<hbm>> -> memref<16384x768xf32, #tpu.memory_space<hbm>>
    tpu.enqueue_indirect_dma source(%dma_start3A_102 : memref<16384x768xf32, #tpu.memory_space<hbm>>) target(%arg12 : memref<32x768xf32, #tpu.memory_space<vmem>>) offsets(%dma_start3A_99 : memref<32xi32, #tpu.memory_space<vmem>>) semaphore(%arg14 : memref<!tpu.dma_semaphore, #tpu.memory_space<semaphore_mem>>)
    %dma_start3A_103 = arith.constant 96 : i32
    %dma_start3A_104 = tpu.memref_slice %arg9[%dma_start3A_103] : memref<128xi32, #tpu.memory_space<vmem>> -> memref<32xi32, #tpu.memory_space<vmem>>
    %dma_start3A_105 = arith.constant 0 : i32
    %dma_start3A_106 = arith.constant 0 : i32
    %dma_start3A_107 = tpu.memref_slice %arg5[%dma_start3A_105, %dma_start3A_106] : memref<4096x768xf32, #tpu.memory_space<hbm>> -> memref<4096x768xf32, #tpu.memory_space<hbm>>
    tpu.enqueue_indirect_dma source(%dma_start3A_107 : memref<4096x768xf32, #tpu.memory_space<hbm>>) target(%arg13 : memref<32x768xf32, #tpu.memory_space<vmem>>) offsets(%dma_start3A_104 : memref<32xi32, #tpu.memory_space<vmem>>) semaphore(%arg15 : memref<!tpu.dma_semaphore, #tpu.memory_space<semaphore_mem>>)
    %scan3A_108 = arith.constant 0 : i32
    %scan3A_109 = arith.constant 0 : i32
    %scan3A_110 = arith.constant 32 : i32
    %scan3A_111 = arith.addi %scan3A_109, %scan3A_110 : i32
    %scan3A_112 = arith.constant 1 : i32
    %scan3A_113 = scf.for %scan3A_152 = %scan3A_109 to %scan3A_111 step %scan3A_112 iter_args(%scan3A_153 = %scan3A_108) -> (i32)  : i32 {
      %get3A = arith.index_cast %scan3A_152 : i32 to index
      %get3A_154 = arith.constant 0 : index
      %get3A_155 = tpu.vector_load %arg10[%get3A, %get3A_154] {strides = array<i32>} : memref<32x768xf32, #tpu.memory_space<vmem>>, vector<1x16xf32>,
      %get3A_156 = vector.shape_cast %get3A_155 : vector<1x16xf32> to vector<16xf32>
      %get3A_157 = arith.index_cast %scan3A_152 : i32 to index
      %get3A_158 = arith.constant 0 : index
      %get3A_159 = tpu.vector_load %arg11[%get3A_157, %get3A_158] {strides = array<i32>} : memref<32x768xf32, #tpu.memory_space<vmem>>, vector<1x16xf32>,
      %get3A_160 = vector.shape_cast %get3A_159 : vector<1x16xf32> to vector<16xf32>
      %add3A_161 = arith.addf %get3A_156, %get3A_160 : vector<16xf32>
      %swap3A = arith.index_cast %scan3A_152 : i32 to index
      %swap3A_162 = arith.constant 0 : index
      %swap3A_163 = tpu.vector_load %arg10[%swap3A, %swap3A_162] {strides = array<i32>} : memref<32x768xf32, #tpu.memory_space<vmem>>, vector<1x16xf32>,
      %swap3A_164 = vector.shape_cast %swap3A_163 : vector<1x16xf32> to vector<16xf32>
      %swap3A_165 = vector.shape_cast %add3A_161 : vector<16xf32> to vector<1x16xf32>
      tpu.vector_store %arg10[%swap3A, %swap3A_162], %swap3A_165 {strides = array<i32>} : memref<32x768xf32, #tpu.memory_space<vmem>>, vector<1x16xf32>,
      %get3A_166 = arith.index_cast %scan3A_152 : i32 to index
      %get3A_167 = arith.constant 16 : index
      %get3A_168 = tpu.vector_load %arg10[%get3A_166, %get3A_167] {strides = array<i32>} : memref<32x768xf32, #tpu.memory_space<vmem>>, vector<1x16xf32>,
      %get3A_169 = vector.shape_cast %get3A_168 : vector<1x16xf32> to vector<16xf32>
      %get3A_170 = arith.index_cast %scan3A_152 : i32 to index
      %get3A_171 = arith.constant 16 : index
      %get3A_172 = tpu.vector_load %arg11[%get3A_170, %get3A_171] {strides = array<i32>} : memref<32x768xf32, #tpu.memory_space<vmem>>, vector<1x16xf32>,
      %get3A_173 = vector.shape_cast %get3A_172 : vector<1x16xf32> to vector<16xf32>
      %add3A_174 = arith.addf %get3A_169, %get3A_173 : vector<16xf32>
      %swap3A_175 = arith.index_cast %scan3A_152 : i32 to index
      %swap3A_176 = arith.constant 16 : index
      %swap3A_177 = tpu.vector_load %arg10[%swap3A_175, %swap3A_176] {strides = array<i32>} : memref<32x768xf32, #tpu.memory_space<vmem>>, vector<1x16xf32>,
      %swap3A_178 = vector.shape_cast %swap3A_177 : vector<1x16xf32> to vector<16xf32>
      %swap3A_179 = vector.shape_cast %add3A_174 : vector<16xf32> to vector<1x16xf32>
      tpu.vector_store %arg10[%swap3A_175, %swap3A_176], %swap3A_179 {strides = array<i32>} : memref<32x768xf32, #tpu.memory_space<vmem>>, vector<1x16xf32>,
      %get3A_180 = arith.index_cast %scan3A_152 : i32 to index
      %get3A_181 = arith.constant 32 : index
      %get3A_182 = tpu.vector_load %arg10[%get3A_180, %get3A_181] {strides = array<i32>} : memref<32x768xf32, #tpu.memory_space<vmem>>, vector<1x16xf32>,
      %get3A_183 = vector.shape_cast %get3A_182 : vector<1x16xf32> to vector<16xf32>
      %get3A_184 = arith.index_cast %scan3A_152 : i32 to index
      %get3A_185 = arith.constant 32 : index
      %get3A_186 = tpu.vector_load %arg11[%get3A_184, %get3A_185] {strides = array<i32>} : memref<32x768xf32, #tpu.memory_space<vmem>>, vector<1x16xf32>,
      %get3A_187 = vector.shape_cast %get3A_186 : vector<1x16xf32> to vector<16xf32>
      %add3A_188 = arith.addf %get3A_183, %get3A_187 : vector<16xf32>
      %swap3A_189 = arith.index_cast %scan3A_152 : i32 to index
      %swap3A_190 = arith.constant 32 : index
      %swap3A_191 = tpu.vector_load %arg10[%swap3A_189, %swap3A_190] {strides = array<i32>} : memref<32x768xf32, #tpu.memory_space<vmem>>, vector<1x16xf32>,
      %swap3A_192 = vector.shape_cast %swap3A_191 : vector<1x16xf32> to vector<16xf32>
      %swap3A_193 = vector.shape_cast %add3A_188 : vector<16xf32> to vector<1x16xf32>
      tpu.vector_store %arg10[%swap3A_189, %swap3A_190], %swap3A_193 {strides = array<i32>} : memref<32x768xf32, #tpu.memory_space<vmem>>, vector<1x16xf32>,
      %get3A_194 = arith.index_cast %scan3A_152 : i32 to index
      %get3A_195 = arith.constant 48 : index
      %get3A_196 = tpu.vector_load %arg10[%get3A_194, %get3A_195] {strides = array<i32>} : memref<32x768xf32, #tpu.memory_space<vmem>>, vector<1x16xf32>,
      %get3A_197 = vector.shape_cast %get3A_196 : vector<1x16xf32> to vector<16xf32>
      %get3A_198 = arith.index_cast %scan3A_152 : i32 to index
      %get3A_199 = arith.constant 48 : index
      %get3A_200 = tpu.vector_load %arg11[%get3A_198, %get3A_199] {strides = array<i32>} : memref<32x768xf32, #tpu.memory_space<vmem>>, vector<1x16xf32>,
      %get3A_201 = vector.shape_cast %get3A_200 : vector<1x16xf32> to vector<16xf32>
      %add3A_202 = arith.addf %get3A_197, %get3A_201 : vector<16xf32>
      %swap3A_203 = arith.index_cast %scan3A_152 : i32 to index
      %swap3A_204 = arith.constant 48 : index
      %swap3A_205 = tpu.vector_load %arg10[%swap3A_203, %swap3A_204] {strides = array<i32>} : memref<32x768xf32, #tpu.memory_space<vmem>>, vector<1x16xf32>,
      %swap3A_206 = vector.shape_cast %swap3A_205 : vector<1x16xf32> to vector<16xf32>
      %swap3A_207 = vector.shape_cast %add3A_202 : vector<16xf32> to vector<1x16xf32>
      tpu.vector_store %arg10[%swap3A_203, %swap3A_204], %swap3A_207 {strides = array<i32>} : memref<32x768xf32, #tpu.memory_space<vmem>>, vector<1x16xf32>,
      %get3A_208 = arith.index_cast %scan3A_152 : i32 to index
      %get3A_209 = arith.constant 64 : index
      %get3A_210 = tpu.vector_load %arg10[%get3A_208, %get3A_209] {strides = array<i32>} : memref<32x768xf32, #tpu.memory_space<vmem>>, vector<1x16xf32>,
      %get3A_211 = vector.shape_cast %get3A_210 : vector<1x16xf32> to vector<16xf32>
      %get3A_212 = arith.index_cast %scan3A_152 : i32 to index
      %get3A_213 = arith.constant 64 : index
      %get3A_214 = tpu.vector_load %arg11[%get3A_212, %get3A_213] {strides = array<i32>} : memref<32x768xf32, #tpu.memory_space<vmem>>, vector<1x16xf32>,
      %get3A_215 = vector.shape_cast %get3A_214 : vector<1x16xf32> to vector<16xf32>
      %add3A_216 = arith.addf %get3A_211, %get3A_215 : vector<16xf32>
      %swap3A_217 = arith.index_cast %scan3A_152 : i32 to index
      %swap3A_218 = arith.constant 64 : index
      %swap3A_219 = tpu.vector_load %arg10[%swap3A_217, %swap3A_218] {strides = array<i32>} : memref<32x768xf32, #tpu.memory_space<vmem>>, vector<1x16xf32>,
      %swap3A_220 = vector.shape_cast %swap3A_219 : vector<1x16xf32> to vector<16xf32>
      %swap3A_221 = vector.shape_cast %add3A_216 : vector<16xf32> to vector<1x16xf32>
      tpu.vector_store %arg10[%swap3A_217, %swap3A_218], %swap3A_221 {strides = array<i32>} : memref<32x768xf32, #tpu.memory_space<vmem>>, vector<1x16xf32>,
      %get3A_222 = arith.index_cast %scan3A_152 : i32 to index
      %get3A_223 = arith.constant 80 : index
      %get3A_224 = tpu.vector_load %arg10[%get3A_222, %get3A_223] {strides = array<i32>} : memref<32x768xf32, #tpu.memory_space<vmem>>, vector<1x16xf32>,
      %get3A_225 = vector.shape_cast %get3A_224 : vector<1x16xf32> to vector<16xf32>
      %get3A_226 = arith.index_cast %scan3A_152 : i32 to index
      %get3A_227 = arith.constant 80 : index
      %get3A_228 = tpu.vector_load %arg11[%get3A_226, %get3A_227] {strides = array<i32>} : memref<32x768xf32, #tpu.memory_space<vmem>>, vector<1x16xf32>,
      %get3A_229 = vector.shape_cast %get3A_228 : vector<1x16xf32> to vector<16xf32>
      %add3A_230 = arith.addf %get3A_225, %get3A_229 : vector<16xf32>
      %swap3A_231 = arith.index_cast %scan3A_152 : i32 to index
      %swap3A_232 = arith.constant 80 : index
      %swap3A_233 = tpu.vector_load %arg10[%swap3A_231, %swap3A_232] {strides = array<i32>} : memref<32x768xf32, #tpu.memory_space<vmem>>, vector<1x16xf32>,
      %swap3A_234 = vector.shape_cast %swap3A_233 : vector<1x16xf32> to vector<16xf32>
      %swap3A_235 = vector.shape_cast %add3A_230 : vector<16xf32> to vector<1x16xf32>
      tpu.vector_store %arg10[%swap3A_231, %swap3A_232], %swap3A_235 {strides = array<i32>} : memref<32x768xf32, #tpu.memory_space<vmem>>, vector<1x16xf32>,
      %get3A_236 = arith.index_cast %scan3A_152 : i32 to index
      %get3A_237 = arith.constant 96 : index
      %get3A_238 = tpu.vector_load %arg10[%get3A_236, %get3A_237] {strides = array<i32>} : memref<32x768xf32, #tpu.memory_space<vmem>>, vector<1x16xf32>,
      %get3A_239 = vector.shape_cast %get3A_238 : vector<1x16xf32> to vector<16xf32>
      %get3A_240 = arith.index_cast %scan3A_152 : i32 to index
      %get3A_241 = arith.constant 96 : index
      %get3A_242 = tpu.vector_load %arg11[%get3A_240, %get3A_241] {strides = array<i32>} : memref<32x768xf32, #tpu.memory_space<vmem>>, vector<1x16xf32>,
      %get3A_243 = vector.shape_cast %get3A_242 : vector<1x16xf32> to vector<16xf32>
      %add3A_244 = arith.addf %get3A_239, %get3A_243 : vector<16xf32>
      %swap3A_245 = arith.index_cast %scan3A_152 : i32 to index
      %swap3A_246 = arith.constant 96 : index
      %swap3A_247 = tpu.vector_load %arg10[%swap3A_245, %swap3A_246] {strides = array<i32>} : memref<32x768xf32, #tpu.memory_space<vmem>>, vector<1x16xf32>,
      %swap3A_248 = vector.shape_cast %swap3A_247 : vector<1x16xf32> to vector<16xf32>
      %swap3A_249 = vector.shape_cast %add3A_244 : vector<16xf32> to vector<1x16xf32>
      tpu.vector_store %arg10[%swap3A_245, %swap3A_246], %swap3A_249 {strides = array<i32>} : memref<32x768xf32, #tpu.memory_space<vmem>>, vector<1x16xf32>,
      %get3A_250 = arith.index_cast %scan3A_152 : i32 to index
      %get3A_251 = arith.constant 112 : index
      %get3A_252 = tpu.vector_load %arg10[%get3A_250, %get3A_251] {strides = array<i32>} : memref<32x768xf32, #tpu.memory_space<vmem>>, vector<1x16xf32>,
      %get3A_253 = vector.shape_cast %get3A_252 : vector<1x16xf32> to vector<16xf32>
      %get3A_254 = arith.index_cast %scan3A_152 : i32 to index
      %get3A_255 = arith.constant 112 : index
      %get3A_256 = tpu.vector_load %arg11[%get3A_254, %get3A_255] {strides = array<i32>} : memref<32x768xf32, #tpu.memory_space<vmem>>, vector<1x16xf32>,
      %get3A_257 = vector.shape_cast %get3A_256 : vector<1x16xf32> to vector<16xf32>
      %add3A_258 = arith.addf %get3A_253, %get3A_257 : vector<16xf32>
      %swap3A_259 = arith.index_cast %scan3A_152 : i32 to index
      %swap3A_260 = arith.constant 112 : index
      %swap3A_261 = tpu.vector_load %arg10[%swap3A_259, %swap3A_260] {strides = array<i32>} : memref<32x768xf32, #tpu.memory_space<vmem>>, vector<1x16xf32>,
      %swap3A_262 = vector.shape_cast %swap3A_261 : vector<1x16xf32> to vector<16xf32>
      %swap3A_263 = vector.shape_cast %add3A_258 : vector<16xf32> to vector<1x16xf32>
      tpu.vector_store %arg10[%swap3A_259, %swap3A_260], %swap3A_263 {strides = array<i32>} : memref<32x768xf32, #tpu.memory_space<vmem>>, vector<1x16xf32>,
      %get3A_264 = arith.index_cast %scan3A_152 : i32 to index
      %get3A_265 = arith.constant 128 : index
      %get3A_266 = tpu.vector_load %arg10[%get3A_264, %get3A_265] {strides = array<i32>} : memref<32x768xf32, #tpu.memory_space<vmem>>, vector<1x16xf32>,
      %get3A_267 = vector.shape_cast %get3A_266 : vector<1x16xf32> to vector<16xf32>
      %get3A_268 = arith.index_cast %scan3A_152 : i32 to index
      %get3A_269 = arith.constant 128 : index
      %get3A_270 = tpu.vector_load %arg11[%get3A_268, %get3A_269] {strides = array<i32>} : memref<32x768xf32, #tpu.memory_space<vmem>>, vector<1x16xf32>,
      %get3A_271 = vector.shape_cast %get3A_270 : vector<1x16xf32> to vector<16xf32>
      %add3A_272 = arith.addf %get3A_267, %get3A_271 : vector<16xf32>
      %swap3A_273 = arith.index_cast %scan3A_152 : i32 to index
      %swap3A_274 = arith.constant 128 : index
      %swap3A_275 = tpu.vector_load %arg10[%swap3A_273, %swap3A_274] {strides = array<i32>} : memref<32x768xf32, #tpu.memory_space<vmem>>, vector<1x16xf32>,
      %swap3A_276 = vector.shape_cast %swap3A_275 : vector<1x16xf32> to vector<16xf32>
      %swap3A_277 = vector.shape_cast %add3A_272 : vector<16xf32> to vector<1x16xf32>
      tpu.vector_store %arg10[%swap3A_273, %swap3A_274], %swap3A_277 {strides = array<i32>} : memref<32x768xf32, #tpu.memory_space<vmem>>, vector<1x16xf32>,
      %get3A_278 = arith.index_cast %scan3A_152 : i32 to index
      %get3A_279 = arith.constant 144 : index
      %get3A_280 = tpu.vector_load %arg10[%get3A_278, %get3A_279] {strides = array<i32>} : memref<32x768xf32, #tpu.memory_space<vmem>>, vector<1x16xf32>,
      %get3A_281 = vector.shape_cast %get3A_280 : vector<1x16xf32> to vector<16xf32>
      %get3A_282 = arith.index_cast %scan3A_152 : i32 to index
      %get3A_283 = arith.constant 144 : index
      %get3A_284 = tpu.vector_load %arg11[%get3A_282, %get3A_283] {strides = array<i32>} : memref<32x768xf32, #tpu.memory_space<vmem>>, vector<1x16xf32>,
      %get3A_285 = vector.shape_cast %get3A_284 : vector<1x16xf32> to vector<16xf32>
      %add3A_286 = arith.addf %get3A_281, %get3A_285 : vector<16xf32>
      %swap3A_287 = arith.index_cast %scan3A_152 : i32 to index
      %swap3A_288 = arith.constant 144 : index
      %swap3A_289 = tpu.vector_load %arg10[%swap3A_287, %swap3A_288] {strides = array<i32>} : memref<32x768xf32, #tpu.memory_space<vmem>>, vector<1x16xf32>,
      %swap3A_290 = vector.shape_cast %swap3A_289 : vector<1x16xf32> to vector<16xf32>
      %swap3A_291 = vector.shape_cast %add3A_286 : vector<16xf32> to vector<1x16xf32>
      tpu.vector_store %arg10[%swap3A_287, %swap3A_288], %swap3A_291 {strides = array<i32>} : memref<32x768xf32, #tpu.memory_space<vmem>>, vector<1x16xf32>,
      %get3A_292 = arith.index_cast %scan3A_152 : i32 to index
      %get3A_293 = arith.constant 160 : index
      %get3A_294 = tpu.vector_load %arg10[%get3A_292, %get3A_293] {strides = array<i32>} : memref<32x768xf32, #tpu.memory_space<vmem>>, vector<1x16xf32>,
      %get3A_295 = vector.shape_cast %get3A_294 : vector<1x16xf32> to vector<16xf32>
      %get3A_296 = arith.index_cast %scan3A_152 : i32 to index
      %get3A_297 = arith.constant 160 : index
      %get3A_298 = tpu.vector_load %arg11[%get3A_296, %get3A_297] {strides = array<i32>} : memref<32x768xf32, #tpu.memory_space<vmem>>, vector<1x16xf32>,
      %get3A_299 = vector.shape_cast %get3A_298 : vector<1x16xf32> to vector<16xf32>
      %add3A_300 = arith.addf %get3A_295, %get3A_299 : vector<16xf32>
      %swap3A_301 = arith.index_cast %scan3A_152 : i32 to index
      %swap3A_302 = arith.constant 160 : index
      %swap3A_303 = tpu.vector_load %arg10[%swap3A_301, %swap3A_302] {strides = array<i32>} : memref<32x768xf32, #tpu.memory_space<vmem>>, vector<1x16xf32>,
      %swap3A_304 = vector.shape_cast %swap3A_303 : vector<1x16xf32> to vector<16xf32>
      %swap3A_305 = vector.shape_cast %add3A_300 : vector<16xf32> to vector<1x16xf32>
      tpu.vector_store %arg10[%swap3A_301, %swap3A_302], %swap3A_305 {strides = array<i32>} : memref<32x768xf32, #tpu.memory_space<vmem>>, vector<1x16xf32>,
      %get3A_306 = arith.index_cast %scan3A_152 : i32 to index
      %get3A_307 = arith.constant 176 : index
      %get3A_308 = tpu.vector_load %arg10[%get3A_306, %get3A_307] {strides = array<i32>} : memref<32x768xf32, #tpu.memory_space<vmem>>, vector<1x16xf32>,
      %get3A_309 = vector.shape_cast %get3A_308 : vector<1x16xf32> to vector<16xf32>
      %get3A_310 = arith.index_cast %scan3A_152 : i32 to index
      %get3A_311 = arith.constant 176 : index
      %get3A_312 = tpu.vector_load %arg11[%get3A_310, %get3A_311] {strides = array<i32>} : memref<32x768xf32, #tpu.memory_space<vmem>>, vector<1x16xf32>,
      %get3A_313 = vector.shape_cast %get3A_312 : vector<1x16xf32> to vector<16xf32>
      %add3A_314 = arith.addf %get3A_309, %get3A_313 : vector<16xf32>
      %swap3A_315 = arith.index_cast %scan3A_152 : i32 to index
      %swap3A_316 = arith.constant 176 : index
      %swap3A_317 = tpu.vector_load %arg10[%swap3A_315, %swap3A_316] {strides = array<i32>} : memref<32x768xf32, #tpu.memory_space<vmem>>, vector<1x16xf32>,
      %swap3A_318 = vector.shape_cast %swap3A_317 : vector<1x16xf32> to vector<16xf32>
      %swap3A_319 = vector.shape_cast %add3A_314 : vector<16xf32> to vector<1x16xf32>
      tpu.vector_store %arg10[%swap3A_315, %swap3A_316], %swap3A_319 {strides = array<i32>} : memref<32x768xf32, #tpu.memory_space<vmem>>, vector<1x16xf32>,
      %get3A_320 = arith.index_cast %scan3A_152 : i32 to index
      %get3A_321 = arith.constant 192 : index
      %get3A_322 = tpu.vector_load %arg10[%get3A_320, %get3A_321] {strides = array<i32>} : memref<32x768xf32, #tpu.memory_space<vmem>>, vector<1x16xf32>,
      %get3A_323 = vector.shape_cast %get3A_322 : vector<1x16xf32> to vector<16xf32>
      %get3A_324 = arith.index_cast %scan3A_152 : i32 to index
      %get3A_325 = arith.constant 192 : index
      %get3A_326 = tpu.vector_load %arg11[%get3A_324, %get3A_325] {strides = array<i32>} : memref<32x768xf32, #tpu.memory_space<vmem>>, vector<1x16xf32>,
      %get3A_327 = vector.shape_cast %get3A_326 : vector<1x16xf32> to vector<16xf32>
      %add3A_328 = arith.addf %get3A_323, %get3A_327 : vector<16xf32>
      %swap3A_329 = arith.index_cast %scan3A_152 : i32 to index
      %swap3A_330 = arith.constant 192 : index
      %swap3A_331 = tpu.vector_load %arg10[%swap3A_329, %swap3A_330] {strides = array<i32>} : memref<32x768xf32, #tpu.memory_space<vmem>>, vector<1x16xf32>,
      %swap3A_332 = vector.shape_cast %swap3A_331 : vector<1x16xf32> to vector<16xf32>
      %swap3A_333 = vector.shape_cast %add3A_328 : vector<16xf32> to vector<1x16xf32>
      tpu.vector_store %arg10[%swap3A_329, %swap3A_330], %swap3A_333 {strides = array<i32>} : memref<32x768xf32, #tpu.memory_space<vmem>>, vector<1x16xf32>,
      %get3A_334 = arith.index_cast %scan3A_152 : i32 to index
      %get3A_335 = arith.constant 208 : index
      %get3A_336 = tpu.vector_load %arg10[%get3A_334, %get3A_335] {strides = array<i32>} : memref<32x768xf32, #tpu.memory_space<vmem>>, vector<1x16xf32>,
      %get3A_337 = vector.shape_cast %get3A_336 : vector<1x16xf32> to vector<16xf32>
      %get3A_338 = arith.index_cast %scan3A_152 : i32 to index
      %get3A_339 = arith.constant 208 : index
      %get3A_340 = tpu.vector_load %arg11[%get3A_338, %get3A_339] {strides = array<i32>} : memref<32x768xf32, #tpu.memory_space<vmem>>, vector<1x16xf32>,
      %get3A_341 = vector.shape_cast %get3A_340 : vector<1x16xf32> to vector<16xf32>
      %add3A_342 = arith.addf %get3A_337, %get3A_341 : vector<16xf32>
      %swap3A_343 = arith.index_cast %scan3A_152 : i32 to index
      %swap3A_344 = arith.constant 208 : index
      %swap3A_345 = tpu.vector_load %arg10[%swap3A_343, %swap3A_344] {strides = array<i32>} : memref<32x768xf32, #tpu.memory_space<vmem>>, vector<1x16xf32>,
      %swap3A_346 = vector.shape_cast %swap3A_345 : vector<1x16xf32> to vector<16xf32>
      %swap3A_347 = vector.shape_cast %add3A_342 : vector<16xf32> to vector<1x16xf32>
      tpu.vector_store %arg10[%swap3A_343, %swap3A_344], %swap3A_347 {strides = array<i32>} : memref<32x768xf32, #tpu.memory_space<vmem>>, vector<1x16xf32>,
      %get3A_348 = arith.index_cast %scan3A_152 : i32 to index
      %get3A_349 = arith.constant 224 : index
      %get3A_350 = tpu.vector_load %arg10[%get3A_348, %get3A_349] {strides = array<i32>} : memref<32x768xf32, #tpu.memory_space<vmem>>, vector<1x16xf32>,
      %get3A_351 = vector.shape_cast %get3A_350 : vector<1x16xf32> to vector<16xf32>
      %get3A_352 = arith.index_cast %scan3A_152 : i32 to index
      %get3A_353 = arith.constant 224 : index
      %get3A_354 = tpu.vector_load %arg11[%get3A_352, %get3A_353] {strides = array<i32>} : memref<32x768xf32, #tpu.memory_space<vmem>>, vector<1x16xf32>,
      %get3A_355 = vector.shape_cast %get3A_354 : vector<1x16xf32> to vector<16xf32>
      %add3A_356 = arith.addf %get3A_351, %get3A_355 : vector<16xf32>
      %swap3A_357 = arith.index_cast %scan3A_152 : i32 to index
      %swap3A_358 = arith.constant 224 : index
      %swap3A_359 = tpu.vector_load %arg10[%swap3A_357, %swap3A_358] {strides = array<i32>} : memref<32x768xf32, #tpu.memory_space<vmem>>, vector<1x16xf32>,
      %swap3A_360 = vector.shape_cast %swap3A_359 : vector<1x16xf32> to vector<16xf32>
      %swap3A_361 = vector.shape_cast %add3A_356 : vector<16xf32> to vector<1x16xf32>
      tpu.vector_store %arg10[%swap3A_357, %swap3A_358], %swap3A_361 {strides = array<i32>} : memref<32x768xf32, #tpu.memory_space<vmem>>, vector<1x16xf32>,
      %get3A_362 = arith.index_cast %scan3A_152 : i32 to index
      %get3A_363 = arith.constant 240 : index
      %get3A_364 = tpu.vector_load %arg10[%get3A_362, %get3A_363] {strides = array<i32>} : memref<32x768xf32, #tpu.memory_space<vmem>>, vector<1x16xf32>,
      %get3A_365 = vector.shape_cast %get3A_364 : vector<1x16xf32> to vector<16xf32>
      %get3A_366 = arith.index_cast %scan3A_152 : i32 to index
      %get3A_367 = arith.constant 240 : index
      %get3A_368 = tpu.vector_load %arg11[%get3A_366, %get3A_367] {strides = array<i32>} : memref<32x768xf32, #tpu.memory_space<vmem>>, vector<1x16xf32>,
      %get3A_369 = vector.shape_cast %get3A_368 : vector<1x16xf32> to vector<16xf32>
      %add3A_370 = arith.addf %get3A_365, %get3A_369 : vector<16xf32>
      %swap3A_371 = arith.index_cast %scan3A_152 : i32 to index
      %swap3A_372 = arith.constant 240 : index
      %swap3A_373 = tpu.vector_load %arg10[%swap3A_371, %swap3A_372] {strides = array<i32>} : memref<32x768xf32, #tpu.memory_space<vmem>>, vector<1x16xf32>,
      %swap3A_374 = vector.shape_cast %swap3A_373 : vector<1x16xf32> to vector<16xf32>
      %swap3A_375 = vector.shape_cast %add3A_370 : vector<16xf32> to vector<1x16xf32>
      tpu.vector_store %arg10[%swap3A_371, %swap3A_372], %swap3A_375 {strides = array<i32>} : memref<32x768xf32, #tpu.memory_space<vmem>>, vector<1x16xf32>,
      %get3A_376 = arith.index_cast %scan3A_152 : i32 to index
      %get3A_377 = arith.constant 256 : index
      %get3A_378 = tpu.vector_load %arg10[%get3A_376, %get3A_377] {strides = array<i32>} : memref<32x768xf32, #tpu.memory_space<vmem>>, vector<1x16xf32>,
      %get3A_379 = vector.shape_cast %get3A_378 : vector<1x16xf32> to vector<16xf32>
      %get3A_380 = arith.index_cast %scan3A_152 : i32 to index
      %get3A_381 = arith.constant 256 : index
      %get3A_382 = tpu.vector_load %arg11[%get3A_380, %get3A_381] {strides = array<i32>} : memref<32x768xf32, #tpu.memory_space<vmem>>, vector<1x16xf32>,
      %get3A_383 = vector.shape_cast %get3A_382 : vector<1x16xf32> to vector<16xf32>
      %add3A_384 = arith.addf %get3A_379, %get3A_383 : vector<16xf32>
      %swap3A_385 = arith.index_cast %scan3A_152 : i32 to index
      %swap3A_386 = arith.constant 256 : index
      %swap3A_387 = tpu.vector_load %arg10[%swap3A_385, %swap3A_386] {strides = array<i32>} : memref<32x768xf32, #tpu.memory_space<vmem>>, vector<1x16xf32>,
      %swap3A_388 = vector.shape_cast %swap3A_387 : vector<1x16xf32> to vector<16xf32>
      %swap3A_389 = vector.shape_cast %add3A_384 : vector<16xf32> to vector<1x16xf32>
      tpu.vector_store %arg10[%swap3A_385, %swap3A_386], %swap3A_389 {strides = array<i32>} : memref<32x768xf32, #tpu.memory_space<vmem>>, vector<1x16xf32>,
      %get3A_390 = arith.index_cast %scan3A_152 : i32 to index
      %get3A_391 = arith.constant 272 : index
      %get3A_392 = tpu.vector_load %arg10[%get3A_390, %get3A_391] {strides = array<i32>} : memref<32x768xf32, #tpu.memory_space<vmem>>, vector<1x16xf32>,
      %get3A_393 = vector.shape_cast %get3A_392 : vector<1x16xf32> to vector<16xf32>
      %get3A_394 = arith.index_cast %scan3A_152 : i32 to index
      %get3A_395 = arith.constant 272 : index
      %get3A_396 = tpu.vector_load %arg11[%get3A_394, %get3A_395] {strides = array<i32>} : memref<32x768xf32, #tpu.memory_space<vmem>>, vector<1x16xf32>,
      %get3A_397 = vector.shape_cast %get3A_396 : vector<1x16xf32> to vector<16xf32>
      %add3A_398 = arith.addf %get3A_393, %get3A_397 : vector<16xf32>
      %swap3A_399 = arith.index_cast %scan3A_152 : i32 to index
      %swap3A_400 = arith.constant 272 : index
      %swap3A_401 = tpu.vector_load %arg10[%swap3A_399, %swap3A_400] {strides = array<i32>} : memref<32x768xf32, #tpu.memory_space<vmem>>, vector<1x16xf32>,
      %swap3A_402 = vector.shape_cast %swap3A_401 : vector<1x16xf32> to vector<16xf32>
      %swap3A_403 = vector.shape_cast %add3A_398 : vector<16xf32> to vector<1x16xf32>
      tpu.vector_store %arg10[%swap3A_399, %swap3A_400], %swap3A_403 {strides = array<i32>} : memref<32x768xf32, #tpu.memory_space<vmem>>, vector<1x16xf32>,
      %get3A_404 = arith.index_cast %scan3A_152 : i32 to index
      %get3A_405 = arith.constant 288 : index
      %get3A_406 = tpu.vector_load %arg10[%get3A_404, %get3A_405] {strides = array<i32>} : memref<32x768xf32, #tpu.memory_space<vmem>>, vector<1x16xf32>,
      %get3A_407 = vector.shape_cast %get3A_406 : vector<1x16xf32> to vector<16xf32>
      %get3A_408 = arith.index_cast %scan3A_152 : i32 to index
      %get3A_409 = arith.constant 288 : index
      %get3A_410 = tpu.vector_load %arg11[%get3A_408, %get3A_409] {strides = array<i32>} : memref<32x768xf32, #tpu.memory_space<vmem>>, vector<1x16xf32>,
      %get3A_411 = vector.shape_cast %get3A_410 : vector<1x16xf32> to vector<16xf32>
      %add3A_412 = arith.addf %get3A_407, %get3A_411 : vector<16xf32>
      %swap3A_413 = arith.index_cast %scan3A_152 : i32 to index
      %swap3A_414 = arith.constant 288 : index
      %swap3A_415 = tpu.vector_load %arg10[%swap3A_413, %swap3A_414] {strides = array<i32>} : memref<32x768xf32, #tpu.memory_space<vmem>>, vector<1x16xf32>,
      %swap3A_416 = vector.shape_cast %swap3A_415 : vector<1x16xf32> to vector<16xf32>
      %swap3A_417 = vector.shape_cast %add3A_412 : vector<16xf32> to vector<1x16xf32>
      tpu.vector_store %arg10[%swap3A_413, %swap3A_414], %swap3A_417 {strides = array<i32>} : memref<32x768xf32, #tpu.memory_space<vmem>>, vector<1x16xf32>,
      %get3A_418 = arith.index_cast %scan3A_152 : i32 to index
      %get3A_419 = arith.constant 304 : index
      %get3A_420 = tpu.vector_load %arg10[%get3A_418, %get3A_419] {strides = array<i32>} : memref<32x768xf32, #tpu.memory_space<vmem>>, vector<1x16xf32>,
      %get3A_421 = vector.shape_cast %get3A_420 : vector<1x16xf32> to vector<16xf32>
      %get3A_422 = arith.index_cast %scan3A_152 : i32 to index
      %get3A_423 = arith.constant 304 : index
      %get3A_424 = tpu.vector_load %arg11[%get3A_422, %get3A_423] {strides = array<i32>} : memref<32x768xf32, #tpu.memory_space<vmem>>, vector<1x16xf32>,
      %get3A_425 = vector.shape_cast %get3A_424 : vector<1x16xf32> to vector<16xf32>
      %add3A_426 = arith.addf %get3A_421, %get3A_425 : vector<16xf32>
      %swap3A_427 = arith.index_cast %scan3A_152 : i32 to index
      %swap3A_428 = arith.constant 304 : index
      %swap3A_429 = tpu.vector_load %arg10[%swap3A_427, %swap3A_428] {strides = array<i32>} : memref<32x768xf32, #tpu.memory_space<vmem>>, vector<1x16xf32>,
      %swap3A_430 = vector.shape_cast %swap3A_429 : vector<1x16xf32> to vector<16xf32>
      %swap3A_431 = vector.shape_cast %add3A_426 : vector<16xf32> to vector<1x16xf32>
      tpu.vector_store %arg10[%swap3A_427, %swap3A_428], %swap3A_431 {strides = array<i32>} : memref<32x768xf32, #tpu.memory_space<vmem>>, vector<1x16xf32>,
      %get3A_432 = arith.index_cast %scan3A_152 : i32 to index
      %get3A_433 = arith.constant 320 : index
      %get3A_434 = tpu.vector_load %arg10[%get3A_432, %get3A_433] {strides = array<i32>} : memref<32x768xf32, #tpu.memory_space<vmem>>, vector<1x16xf32>,
      %get3A_435 = vector.shape_cast %get3A_434 : vector<1x16xf32> to vector<16xf32>
      %get3A_436 = arith.index_cast %scan3A_152 : i32 to index
      %get3A_437 = arith.constant 320 : index
      %get3A_438 = tpu.vector_load %arg11[%get3A_436, %get3A_437] {strides = array<i32>} : memref<32x768xf32, #tpu.memory_space<vmem>>, vector<1x16xf32>,
      %get3A_439 = vector.shape_cast %get3A_438 : vector<1x16xf32> to vector<16xf32>
      %add3A_440 = arith.addf %get3A_435, %get3A_439 : vector<16xf32>
      %swap3A_441 = arith.index_cast %scan3A_152 : i32 to index
      %swap3A_442 = arith.constant 320 : index
      %swap3A_443 = tpu.vector_load %arg10[%swap3A_441, %swap3A_442] {strides = array<i32>} : memref<32x768xf32, #tpu.memory_space<vmem>>, vector<1x16xf32>,
      %swap3A_444 = vector.shape_cast %swap3A_443 : vector<1x16xf32> to vector<16xf32>
      %swap3A_445 = vector.shape_cast %add3A_440 : vector<16xf32> to vector<1x16xf32>
      tpu.vector_store %arg10[%swap3A_441, %swap3A_442], %swap3A_445 {strides = array<i32>} : memref<32x768xf32, #tpu.memory_space<vmem>>, vector<1x16xf32>,
      %get3A_446 = arith.index_cast %scan3A_152 : i32 to index
      %get3A_447 = arith.constant 336 : index
      %get3A_448 = tpu.vector_load %arg10[%get3A_446, %get3A_447] {strides = array<i32>} : memref<32x768xf32, #tpu.memory_space<vmem>>, vector<1x16xf32>,
      %get3A_449 = vector.shape_cast %get3A_448 : vector<1x16xf32> to vector<16xf32>
      %get3A_450 = arith.index_cast %scan3A_152 : i32 to index
      %get3A_451 = arith.constant 336 : index
      %get3A_452 = tpu.vector_load %arg11[%get3A_450, %get3A_451] {strides = array<i32>} : memref<32x768xf32, #tpu.memory_space<vmem>>, vector<1x16xf32>,
      %get3A_453 = vector.shape_cast %get3A_452 : vector<1x16xf32> to vector<16xf32>
      %add3A_454 = arith.addf %get3A_449, %get3A_453 : vector<16xf32>
      %swap3A_455 = arith.index_cast %scan3A_152 : i32 to index
      %swap3A_456 = arith.constant 336 : index
      %swap3A_457 = tpu.vector_load %arg10[%swap3A_455, %swap3A_456] {strides = array<i32>} : memref<32x768xf32, #tpu.memory_space<vmem>>, vector<1x16xf32>,
      %swap3A_458 = vector.shape_cast %swap3A_457 : vector<1x16xf32> to vector<16xf32>
      %swap3A_459 = vector.shape_cast %add3A_454 : vector<16xf32> to vector<1x16xf32>
      tpu.vector_store %arg10[%swap3A_455, %swap3A_456], %swap3A_459 {strides = array<i32>} : memref<32x768xf32, #tpu.memory_space<vmem>>, vector<1x16xf32>,
      %get3A_460 = arith.index_cast %scan3A_152 : i32 to index
      %get3A_461 = arith.constant 352 : index
      %get3A_462 = tpu.vector_load %arg10[%get3A_460, %get3A_461] {strides = array<i32>} : memref<32x768xf32, #tpu.memory_space<vmem>>, vector<1x16xf32>,
      %get3A_463 = vector.shape_cast %get3A_462 : vector<1x16xf32> to vector<16xf32>
      %get3A_464 = arith.index_cast %scan3A_152 : i32 to index
      %get3A_465 = arith.constant 352 : index
      %get3A_466 = tpu.vector_load %arg11[%get3A_464, %get3A_465] {strides = array<i32>} : memref<32x768xf32, #tpu.memory_space<vmem>>, vector<1x16xf32>,
      %get3A_467 = vector.shape_cast %get3A_466 : vector<1x16xf32> to vector<16xf32>
      %add3A_468 = arith.addf %get3A_463, %get3A_467 : vector<16xf32>
      %swap3A_469 = arith.index_cast %scan3A_152 : i32 to index
      %swap3A_470 = arith.constant 352 : index
      %swap3A_471 = tpu.vector_load %arg10[%swap3A_469, %swap3A_470] {strides = array<i32>} : memref<32x768xf32, #tpu.memory_space<vmem>>, vector<1x16xf32>,
      %swap3A_472 = vector.shape_cast %swap3A_471 : vector<1x16xf32> to vector<16xf32>
      %swap3A_473 = vector.shape_cast %add3A_468 : vector<16xf32> to vector<1x16xf32>
      tpu.vector_store %arg10[%swap3A_469, %swap3A_470], %swap3A_473 {strides = array<i32>} : memref<32x768xf32, #tpu.memory_space<vmem>>, vector<1x16xf32>,
      %get3A_474 = arith.index_cast %scan3A_152 : i32 to index
      %get3A_475 = arith.constant 368 : index
      %get3A_476 = tpu.vector_load %arg10[%get3A_474, %get3A_475] {strides = array<i32>} : memref<32x768xf32, #tpu.memory_space<vmem>>, vector<1x16xf32>,
      %get3A_477 = vector.shape_cast %get3A_476 : vector<1x16xf32> to vector<16xf32>
      %get3A_478 = arith.index_cast %scan3A_152 : i32 to index
      %get3A_479 = arith.constant 368 : index
      %get3A_480 = tpu.vector_load %arg11[%get3A_478, %get3A_479] {strides = array<i32>} : memref<32x768xf32, #tpu.memory_space<vmem>>, vector<1x16xf32>,
      %get3A_481 = vector.shape_cast %get3A_480 : vector<1x16xf32> to vector<16xf32>
      %add3A_482 = arith.addf %get3A_477, %get3A_481 : vector<16xf32>
      %swap3A_483 = arith.index_cast %scan3A_152 : i32 to index
      %swap3A_484 = arith.constant 368 : index
      %swap3A_485 = tpu.vector_load %arg10[%swap3A_483, %swap3A_484] {strides = array<i32>} : memref<32x768xf32, #tpu.memory_space<vmem>>, vector<1x16xf32>,
      %swap3A_486 = vector.shape_cast %swap3A_485 : vector<1x16xf32> to vector<16xf32>
      %swap3A_487 = vector.shape_cast %add3A_482 : vector<16xf32> to vector<1x16xf32>
      tpu.vector_store %arg10[%swap3A_483, %swap3A_484], %swap3A_487 {strides = array<i32>} : memref<32x768xf32, #tpu.memory_space<vmem>>, vector<1x16xf32>,
      %get3A_488 = arith.index_cast %scan3A_152 : i32 to index
      %get3A_489 = arith.constant 384 : index
      %get3A_490 = tpu.vector_load %arg10[%get3A_488, %get3A_489] {strides = array<i32>} : memref<32x768xf32, #tpu.memory_space<vmem>>, vector<1x16xf32>,
      %get3A_491 = vector.shape_cast %get3A_490 : vector<1x16xf32> to vector<16xf32>
      %get3A_492 = arith.index_cast %scan3A_152 : i32 to index
      %get3A_493 = arith.constant 384 : index
      %get3A_494 = tpu.vector_load %arg11[%get3A_492, %get3A_493] {strides = array<i32>} : memref<32x768xf32, #tpu.memory_space<vmem>>, vector<1x16xf32>,
      %get3A_495 = vector.shape_cast %get3A_494 : vector<1x16xf32> to vector<16xf32>
      %add3A_496 = arith.addf %get3A_491, %get3A_495 : vector<16xf32>
      %swap3A_497 = arith.index_cast %scan3A_152 : i32 to index
      %swap3A_498 = arith.constant 384 : index
      %swap3A_499 = tpu.vector_load %arg10[%swap3A_497, %swap3A_498] {strides = array<i32>} : memref<32x768xf32, #tpu.memory_space<vmem>>, vector<1x16xf32>,
      %swap3A_500 = vector.shape_cast %swap3A_499 : vector<1x16xf32> to vector<16xf32>
      %swap3A_501 = vector.shape_cast %add3A_496 : vector<16xf32> to vector<1x16xf32>
      tpu.vector_store %arg10[%swap3A_497, %swap3A_498], %swap3A_501 {strides = array<i32>} : memref<32x768xf32, #tpu.memory_space<vmem>>, vector<1x16xf32>,
      %get3A_502 = arith.index_cast %scan3A_152 : i32 to index
      %get3A_503 = arith.constant 400 : index
      %get3A_504 = tpu.vector_load %arg10[%get3A_502, %get3A_503] {strides = array<i32>} : memref<32x768xf32, #tpu.memory_space<vmem>>, vector<1x16xf32>,
      %get3A_505 = vector.shape_cast %get3A_504 : vector<1x16xf32> to vector<16xf32>
      %get3A_506 = arith.index_cast %scan3A_152 : i32 to index
      %get3A_507 = arith.constant 400 : index
      %get3A_508 = tpu.vector_load %arg11[%get3A_506, %get3A_507] {strides = array<i32>} : memref<32x768xf32, #tpu.memory_space<vmem>>, vector<1x16xf32>,
      %get3A_509 = vector.shape_cast %get3A_508 : vector<1x16xf32> to vector<16xf32>
      %add3A_510 = arith.addf %get3A_505, %get3A_509 : vector<16xf32>
      %swap3A_511 = arith.index_cast %scan3A_152 : i32 to index
      %swap3A_512 = arith.constant 400 : index
      %swap3A_513 = tpu.vector_load %arg10[%swap3A_511, %swap3A_512] {strides = array<i32>} : memref<32x768xf32, #tpu.memory_space<vmem>>, vector<1x16xf32>,
      %swap3A_514 = vector.shape_cast %swap3A_513 : vector<1x16xf32> to vector<16xf32>
      %swap3A_515 = vector.shape_cast %add3A_510 : vector<16xf32> to vector<1x16xf32>
      tpu.vector_store %arg10[%swap3A_511, %swap3A_512], %swap3A_515 {strides = array<i32>} : memref<32x768xf32, #tpu.memory_space<vmem>>, vector<1x16xf32>,
      %get3A_516 = arith.index_cast %scan3A_152 : i32 to index
      %get3A_517 = arith.constant 416 : index
      %get3A_518 = tpu.vector_load %arg10[%get3A_516, %get3A_517] {strides = array<i32>} : memref<32x768xf32, #tpu.memory_space<vmem>>, vector<1x16xf32>,
      %get3A_519 = vector.shape_cast %get3A_518 : vector<1x16xf32> to vector<16xf32>
      %get3A_520 = arith.index_cast %scan3A_152 : i32 to index
      %get3A_521 = arith.constant 416 : index
      %get3A_522 = tpu.vector_load %arg11[%get3A_520, %get3A_521] {strides = array<i32>} : memref<32x768xf32, #tpu.memory_space<vmem>>, vector<1x16xf32>,
      %get3A_523 = vector.shape_cast %get3A_522 : vector<1x16xf32> to vector<16xf32>
      %add3A_524 = arith.addf %get3A_519, %get3A_523 : vector<16xf32>
      %swap3A_525 = arith.index_cast %scan3A_152 : i32 to index
      %swap3A_526 = arith.constant 416 : index
      %swap3A_527 = tpu.vector_load %arg10[%swap3A_525, %swap3A_526] {strides = array<i32>} : memref<32x768xf32, #tpu.memory_space<vmem>>, vector<1x16xf32>,
      %swap3A_528 = vector.shape_cast %swap3A_527 : vector<1x16xf32> to vector<16xf32>
      %swap3A_529 = vector.shape_cast %add3A_524 : vector<16xf32> to vector<1x16xf32>
      tpu.vector_store %arg10[%swap3A_525, %swap3A_526], %swap3A_529 {strides = array<i32>} : memref<32x768xf32, #tpu.memory_space<vmem>>, vector<1x16xf32>,
      %get3A_530 = arith.index_cast %scan3A_152 : i32 to index
      %get3A_531 = arith.constant 432 : index
      %get3A_532 = tpu.vector_load %arg10[%get3A_530, %get3A_531] {strides = array<i32>} : memref<32x768xf32, #tpu.memory_space<vmem>>, vector<1x16xf32>,
      %get3A_533 = vector.shape_cast %get3A_532 : vector<1x16xf32> to vector<16xf32>
      %get3A_534 = arith.index_cast %scan3A_152 : i32 to index
      %get3A_535 = arith.constant 432 : index
      %get3A_536 = tpu.vector_load %arg11[%get3A_534, %get3A_535] {strides = array<i32>} : memref<32x768xf32, #tpu.memory_space<vmem>>, vector<1x16xf32>,
      %get3A_537 = vector.shape_cast %get3A_536 : vector<1x16xf32> to vector<16xf32>
      %add3A_538 = arith.addf %get3A_533, %get3A_537 : vector<16xf32>
      %swap3A_539 = arith.index_cast %scan3A_152 : i32 to index
      %swap3A_540 = arith.constant 432 : index
      %swap3A_541 = tpu.vector_load %arg10[%swap3A_539, %swap3A_540] {strides = array<i32>} : memref<32x768xf32, #tpu.memory_space<vmem>>, vector<1x16xf32>,
      %swap3A_542 = vector.shape_cast %swap3A_541 : vector<1x16xf32> to vector<16xf32>
      %swap3A_543 = vector.shape_cast %add3A_538 : vector<16xf32> to vector<1x16xf32>
      tpu.vector_store %arg10[%swap3A_539, %swap3A_540], %swap3A_543 {strides = array<i32>} : memref<32x768xf32, #tpu.memory_space<vmem>>, vector<1x16xf32>,
      %get3A_544 = arith.index_cast %scan3A_152 : i32 to index
      %get3A_545 = arith.constant 448 : index
      %get3A_546 = tpu.vector_load %arg10[%get3A_544, %get3A_545] {strides = array<i32>} : memref<32x768xf32, #tpu.memory_space<vmem>>, vector<1x16xf32>,
      %get3A_547 = vector.shape_cast %get3A_546 : vector<1x16xf32> to vector<16xf32>
      %get3A_548 = arith.index_cast %scan3A_152 : i32 to index
      %get3A_549 = arith.constant 448 : index
      %get3A_550 = tpu.vector_load %arg11[%get3A_548, %get3A_549] {strides = array<i32>} : memref<32x768xf32, #tpu.memory_space<vmem>>, vector<1x16xf32>,
      %get3A_551 = vector.shape_cast %get3A_550 : vector<1x16xf32> to vector<16xf32>
      %add3A_552 = arith.addf %get3A_547, %get3A_551 : vector<16xf32>
      %swap3A_553 = arith.index_cast %scan3A_152 : i32 to index
      %swap3A_554 = arith.constant 448 : index
      %swap3A_555 = tpu.vector_load %arg10[%swap3A_553, %swap3A_554] {strides = array<i32>} : memref<32x768xf32, #tpu.memory_space<vmem>>, vector<1x16xf32>,
      %swap3A_556 = vector.shape_cast %swap3A_555 : vector<1x16xf32> to vector<16xf32>
      %swap3A_557 = vector.shape_cast %add3A_552 : vector<16xf32> to vector<1x16xf32>
      tpu.vector_store %arg10[%swap3A_553, %swap3A_554], %swap3A_557 {strides = array<i32>} : memref<32x768xf32, #tpu.memory_space<vmem>>, vector<1x16xf32>,
      %get3A_558 = arith.index_cast %scan3A_152 : i32 to index
      %get3A_559 = arith.constant 464 : index
      %get3A_560 = tpu.vector_load %arg10[%get3A_558, %get3A_559] {strides = array<i32>} : memref<32x768xf32, #tpu.memory_space<vmem>>, vector<1x16xf32>,
      %get3A_561 = vector.shape_cast %get3A_560 : vector<1x16xf32> to vector<16xf32>
      %get3A_562 = arith.index_cast %scan3A_152 : i32 to index
      %get3A_563 = arith.constant 464 : index
      %get3A_564 = tpu.vector_load %arg11[%get3A_562, %get3A_563] {strides = array<i32>} : memref<32x768xf32, #tpu.memory_space<vmem>>, vector<1x16xf32>,
      %get3A_565 = vector.shape_cast %get3A_564 : vector<1x16xf32> to vector<16xf32>
      %add3A_566 = arith.addf %get3A_561, %get3A_565 : vector<16xf32>
      %swap3A_567 = arith.index_cast %scan3A_152 : i32 to index
      %swap3A_568 = arith.constant 464 : index
      %swap3A_569 = tpu.vector_load %arg10[%swap3A_567, %swap3A_568] {strides = array<i32>} : memref<32x768xf32, #tpu.memory_space<vmem>>, vector<1x16xf32>,
      %swap3A_570 = vector.shape_cast %swap3A_569 : vector<1x16xf32> to vector<16xf32>
      %swap3A_571 = vector.shape_cast %add3A_566 : vector<16xf32> to vector<1x16xf32>
      tpu.vector_store %arg10[%swap3A_567, %swap3A_568], %swap3A_571 {strides = array<i32>} : memref<32x768xf32, #tpu.memory_space<vmem>>, vector<1x16xf32>,
      %get3A_572 = arith.index_cast %scan3A_152 : i32 to index
      %get3A_573 = arith.constant 480 : index
      %get3A_574 = tpu.vector_load %arg10[%get3A_572, %get3A_573] {strides = array<i32>} : memref<32x768xf32, #tpu.memory_space<vmem>>, vector<1x16xf32>,
      %get3A_575 = vector.shape_cast %get3A_574 : vector<1x16xf32> to vector<16xf32>
      %get3A_576 = arith.index_cast %scan3A_152 : i32 to index
      %get3A_577 = arith.constant 480 : index
      %get3A_578 = tpu.vector_load %arg11[%get3A_576, %get3A_577] {strides = array<i32>} : memref<32x768xf32, #tpu.memory_space<vmem>>, vector<1x16xf32>,
      %get3A_579 = vector.shape_cast %get3A_578 : vector<1x16xf32> to vector<16xf32>
      %add3A_580 = arith.addf %get3A_575, %get3A_579 : vector<16xf32>
      %swap3A_581 = arith.index_cast %scan3A_152 : i32 to index
      %swap3A_582 = arith.constant 480 : index
      %swap3A_583 = tpu.vector_load %arg10[%swap3A_581, %swap3A_582] {strides = array<i32>} : memref<32x768xf32, #tpu.memory_space<vmem>>, vector<1x16xf32>,
      %swap3A_584 = vector.shape_cast %swap3A_583 : vector<1x16xf32> to vector<16xf32>
      %swap3A_585 = vector.shape_cast %add3A_580 : vector<16xf32> to vector<1x16xf32>
      tpu.vector_store %arg10[%swap3A_581, %swap3A_582], %swap3A_585 {strides = array<i32>} : memref<32x768xf32, #tpu.memory_space<vmem>>, vector<1x16xf32>,
      %get3A_586 = arith.index_cast %scan3A_152 : i32 to index
      %get3A_587 = arith.constant 496 : index
      %get3A_588 = tpu.vector_load %arg10[%get3A_586, %get3A_587] {strides = array<i32>} : memref<32x768xf32, #tpu.memory_space<vmem>>, vector<1x16xf32>,
      %get3A_589 = vector.shape_cast %get3A_588 : vector<1x16xf32> to vector<16xf32>
      %get3A_590 = arith.index_cast %scan3A_152 : i32 to index
      %get3A_591 = arith.constant 496 : index
      %get3A_592 = tpu.vector_load %arg11[%get3A_590, %get3A_591] {strides = array<i32>} : memref<32x768xf32, #tpu.memory_space<vmem>>, vector<1x16xf32>,
      %get3A_593 = vector.shape_cast %get3A_592 : vector<1x16xf32> to vector<16xf32>
      %add3A_594 = arith.addf %get3A_589, %get3A_593 : vector<16xf32>
      %swap3A_595 = arith.index_cast %scan3A_152 : i32 to index
      %swap3A_596 = arith.constant 496 : index
      %swap3A_597 = tpu.vector_load %arg10[%swap3A_595, %swap3A_596] {strides = array<i32>} : memref<32x768xf32, #tpu.memory_space<vmem>>, vector<1x16xf32>,
      %swap3A_598 = vector.shape_cast %swap3A_597 : vector<1x16xf32> to vector<16xf32>
      %swap3A_599 = vector.shape_cast %add3A_594 : vector<16xf32> to vector<1x16xf32>
      tpu.vector_store %arg10[%swap3A_595, %swap3A_596], %swap3A_599 {strides = array<i32>} : memref<32x768xf32, #tpu.memory_space<vmem>>, vector<1x16xf32>,
      %get3A_600 = arith.index_cast %scan3A_152 : i32 to index
      %get3A_601 = arith.constant 512 : index
      %get3A_602 = tpu.vector_load %arg10[%get3A_600, %get3A_601] {strides = array<i32>} : memref<32x768xf32, #tpu.memory_space<vmem>>, vector<1x16xf32>,
      %get3A_603 = vector.shape_cast %get3A_602 : vector<1x16xf32> to vector<16xf32>
      %get3A_604 = arith.index_cast %scan3A_152 : i32 to index
      %get3A_605 = arith.constant 512 : index
      %get3A_606 = tpu.vector_load %arg11[%get3A_604, %get3A_605] {strides = array<i32>} : memref<32x768xf32, #tpu.memory_space<vmem>>, vector<1x16xf32>,
      %get3A_607 = vector.shape_cast %get3A_606 : vector<1x16xf32> to vector<16xf32>
      %add3A_608 = arith.addf %get3A_603, %get3A_607 : vector<16xf32>
      %swap3A_609 = arith.index_cast %scan3A_152 : i32 to index
      %swap3A_610 = arith.constant 512 : index
      %swap3A_611 = tpu.vector_load %arg10[%swap3A_609, %swap3A_610] {strides = array<i32>} : memref<32x768xf32, #tpu.memory_space<vmem>>, vector<1x16xf32>,
      %swap3A_612 = vector.shape_cast %swap3A_611 : vector<1x16xf32> to vector<16xf32>
      %swap3A_613 = vector.shape_cast %add3A_608 : vector<16xf32> to vector<1x16xf32>
      tpu.vector_store %arg10[%swap3A_609, %swap3A_610], %swap3A_613 {strides = array<i32>} : memref<32x768xf32, #tpu.memory_space<vmem>>, vector<1x16xf32>,
      %get3A_614 = arith.index_cast %scan3A_152 : i32 to index
      %get3A_615 = arith.constant 528 : index
      %get3A_616 = tpu.vector_load %arg10[%get3A_614, %get3A_615] {strides = array<i32>} : memref<32x768xf32, #tpu.memory_space<vmem>>, vector<1x16xf32>,
      %get3A_617 = vector.shape_cast %get3A_616 : vector<1x16xf32> to vector<16xf32>
      %get3A_618 = arith.index_cast %scan3A_152 : i32 to index
      %get3A_619 = arith.constant 528 : index
      %get3A_620 = tpu.vector_load %arg11[%get3A_618, %get3A_619] {strides = array<i32>} : memref<32x768xf32, #tpu.memory_space<vmem>>, vector<1x16xf32>,
      %get3A_621 = vector.shape_cast %get3A_620 : vector<1x16xf32> to vector<16xf32>
      %add3A_622 = arith.addf %get3A_617, %get3A_621 : vector<16xf32>
      %swap3A_623 = arith.index_cast %scan3A_152 : i32 to index
      %swap3A_624 = arith.constant 528 : index
      %swap3A_625 = tpu.vector_load %arg10[%swap3A_623, %swap3A_624] {strides = array<i32>} : memref<32x768xf32, #tpu.memory_space<vmem>>, vector<1x16xf32>,
      %swap3A_626 = vector.shape_cast %swap3A_625 : vector<1x16xf32> to vector<16xf32>
      %swap3A_627 = vector.shape_cast %add3A_622 : vector<16xf32> to vector<1x16xf32>
      tpu.vector_store %arg10[%swap3A_623, %swap3A_624], %swap3A_627 {strides = array<i32>} : memref<32x768xf32, #tpu.memory_space<vmem>>, vector<1x16xf32>,
      %get3A_628 = arith.index_cast %scan3A_152 : i32 to index
      %get3A_629 = arith.constant 544 : index
      %get3A_630 = tpu.vector_load %arg10[%get3A_628, %get3A_629] {strides = array<i32>} : memref<32x768xf32, #tpu.memory_space<vmem>>, vector<1x16xf32>,
      %get3A_631 = vector.shape_cast %get3A_630 : vector<1x16xf32> to vector<16xf32>
      %get3A_632 = arith.index_cast %scan3A_152 : i32 to index
      %get3A_633 = arith.constant 544 : index
      %get3A_634 = tpu.vector_load %arg11[%get3A_632, %get3A_633] {strides = array<i32>} : memref<32x768xf32, #tpu.memory_space<vmem>>, vector<1x16xf32>,
      %get3A_635 = vector.shape_cast %get3A_634 : vector<1x16xf32> to vector<16xf32>
      %add3A_636 = arith.addf %get3A_631, %get3A_635 : vector<16xf32>
      %swap3A_637 = arith.index_cast %scan3A_152 : i32 to index
      %swap3A_638 = arith.constant 544 : index
      %swap3A_639 = tpu.vector_load %arg10[%swap3A_637, %swap3A_638] {strides = array<i32>} : memref<32x768xf32, #tpu.memory_space<vmem>>, vector<1x16xf32>,
      %swap3A_640 = vector.shape_cast %swap3A_639 : vector<1x16xf32> to vector<16xf32>
      %swap3A_641 = vector.shape_cast %add3A_636 : vector<16xf32> to vector<1x16xf32>
      tpu.vector_store %arg10[%swap3A_637, %swap3A_638], %swap3A_641 {strides = array<i32>} : memref<32x768xf32, #tpu.memory_space<vmem>>, vector<1x16xf32>,
      %get3A_642 = arith.index_cast %scan3A_152 : i32 to index
      %get3A_643 = arith.constant 560 : index
      %get3A_644 = tpu.vector_load %arg10[%get3A_642, %get3A_643] {strides = array<i32>} : memref<32x768xf32, #tpu.memory_space<vmem>>, vector<1x16xf32>,
      %get3A_645 = vector.shape_cast %get3A_644 : vector<1x16xf32> to vector<16xf32>
      %get3A_646 = arith.index_cast %scan3A_152 : i32 to index
      %get3A_647 = arith.constant 560 : index
      %get3A_648 = tpu.vector_load %arg11[%get3A_646, %get3A_647] {strides = array<i32>} : memref<32x768xf32, #tpu.memory_space<vmem>>, vector<1x16xf32>,
      %get3A_649 = vector.shape_cast %get3A_648 : vector<1x16xf32> to vector<16xf32>
      %add3A_650 = arith.addf %get3A_645, %get3A_649 : vector<16xf32>
      %swap3A_651 = arith.index_cast %scan3A_152 : i32 to index
      %swap3A_652 = arith.constant 560 : index
      %swap3A_653 = tpu.vector_load %arg10[%swap3A_651, %swap3A_652] {strides = array<i32>} : memref<32x768xf32, #tpu.memory_space<vmem>>, vector<1x16xf32>,
      %swap3A_654 = vector.shape_cast %swap3A_653 : vector<1x16xf32> to vector<16xf32>
      %swap3A_655 = vector.shape_cast %add3A_650 : vector<16xf32> to vector<1x16xf32>
      tpu.vector_store %arg10[%swap3A_651, %swap3A_652], %swap3A_655 {strides = array<i32>} : memref<32x768xf32, #tpu.memory_space<vmem>>, vector<1x16xf32>,
      %get3A_656 = arith.index_cast %scan3A_152 : i32 to index
      %get3A_657 = arith.constant 576 : index
      %get3A_658 = tpu.vector_load %arg10[%get3A_656, %get3A_657] {strides = array<i32>} : memref<32x768xf32, #tpu.memory_space<vmem>>, vector<1x16xf32>,
      %get3A_659 = vector.shape_cast %get3A_658 : vector<1x16xf32> to vector<16xf32>
      %get3A_660 = arith.index_cast %scan3A_152 : i32 to index
      %get3A_661 = arith.constant 576 : index
      %get3A_662 = tpu.vector_load %arg11[%get3A_660, %get3A_661] {strides = array<i32>} : memref<32x768xf32, #tpu.memory_space<vmem>>, vector<1x16xf32>,
      %get3A_663 = vector.shape_cast %get3A_662 : vector<1x16xf32> to vector<16xf32>
      %add3A_664 = arith.addf %get3A_659, %get3A_663 : vector<16xf32>
      %swap3A_665 = arith.index_cast %scan3A_152 : i32 to index
      %swap3A_666 = arith.constant 576 : index
      %swap3A_667 = tpu.vector_load %arg10[%swap3A_665, %swap3A_666] {strides = array<i32>} : memref<32x768xf32, #tpu.memory_space<vmem>>, vector<1x16xf32>,
      %swap3A_668 = vector.shape_cast %swap3A_667 : vector<1x16xf32> to vector<16xf32>
      %swap3A_669 = vector.shape_cast %add3A_664 : vector<16xf32> to vector<1x16xf32>
      tpu.vector_store %arg10[%swap3A_665, %swap3A_666], %swap3A_669 {strides = array<i32>} : memref<32x768xf32, #tpu.memory_space<vmem>>, vector<1x16xf32>,
      %get3A_670 = arith.index_cast %scan3A_152 : i32 to index
      %get3A_671 = arith.constant 592 : index
      %get3A_672 = tpu.vector_load %arg10[%get3A_670, %get3A_671] {strides = array<i32>} : memref<32x768xf32, #tpu.memory_space<vmem>>, vector<1x16xf32>,
      %get3A_673 = vector.shape_cast %get3A_672 : vector<1x16xf32> to vector<16xf32>
      %get3A_674 = arith.index_cast %scan3A_152 : i32 to index
      %get3A_675 = arith.constant 592 : index
      %get3A_676 = tpu.vector_load %arg11[%get3A_674, %get3A_675] {strides = array<i32>} : memref<32x768xf32, #tpu.memory_space<vmem>>, vector<1x16xf32>,
      %get3A_677 = vector.shape_cast %get3A_676 : vector<1x16xf32> to vector<16xf32>
      %add3A_678 = arith.addf %get3A_673, %get3A_677 : vector<16xf32>
      %swap3A_679 = arith.index_cast %scan3A_152 : i32 to index
      %swap3A_680 = arith.constant 592 : index
      %swap3A_681 = tpu.vector_load %arg10[%swap3A_679, %swap3A_680] {strides = array<i32>} : memref<32x768xf32, #tpu.memory_space<vmem>>, vector<1x16xf32>,
      %swap3A_682 = vector.shape_cast %swap3A_681 : vector<1x16xf32> to vector<16xf32>
      %swap3A_683 = vector.shape_cast %add3A_678 : vector<16xf32> to vector<1x16xf32>
      tpu.vector_store %arg10[%swap3A_679, %swap3A_680], %swap3A_683 {strides = array<i32>} : memref<32x768xf32, #tpu.memory_space<vmem>>, vector<1x16xf32>,
      %get3A_684 = arith.index_cast %scan3A_152 : i32 to index
      %get3A_685 = arith.constant 608 : index
      %get3A_686 = tpu.vector_load %arg10[%get3A_684, %get3A_685] {strides = array<i32>} : memref<32x768xf32, #tpu.memory_space<vmem>>, vector<1x16xf32>,
      %get3A_687 = vector.shape_cast %get3A_686 : vector<1x16xf32> to vector<16xf32>
      %get3A_688 = arith.index_cast %scan3A_152 : i32 to index
      %get3A_689 = arith.constant 608 : index
      %get3A_690 = tpu.vector_load %arg11[%get3A_688, %get3A_689] {strides = array<i32>} : memref<32x768xf32, #tpu.memory_space<vmem>>, vector<1x16xf32>,
      %get3A_691 = vector.shape_cast %get3A_690 : vector<1x16xf32> to vector<16xf32>
      %add3A_692 = arith.addf %get3A_687, %get3A_691 : vector<16xf32>
      %swap3A_693 = arith.index_cast %scan3A_152 : i32 to index
      %swap3A_694 = arith.constant 608 : index
      %swap3A_695 = tpu.vector_load %arg10[%swap3A_693, %swap3A_694] {strides = array<i32>} : memref<32x768xf32, #tpu.memory_space<vmem>>, vector<1x16xf32>,
      %swap3A_696 = vector.shape_cast %swap3A_695 : vector<1x16xf32> to vector<16xf32>
      %swap3A_697 = vector.shape_cast %add3A_692 : vector<16xf32> to vector<1x16xf32>
      tpu.vector_store %arg10[%swap3A_693, %swap3A_694], %swap3A_697 {strides = array<i32>} : memref<32x768xf32, #tpu.memory_space<vmem>>, vector<1x16xf32>,
      %get3A_698 = arith.index_cast %scan3A_152 : i32 to index
      %get3A_699 = arith.constant 624 : index
      %get3A_700 = tpu.vector_load %arg10[%get3A_698, %get3A_699] {strides = array<i32>} : memref<32x768xf32, #tpu.memory_space<vmem>>, vector<1x16xf32>,
      %get3A_701 = vector.shape_cast %get3A_700 : vector<1x16xf32> to vector<16xf32>
      %get3A_702 = arith.index_cast %scan3A_152 : i32 to index
      %get3A_703 = arith.constant 624 : index
      %get3A_704 = tpu.vector_load %arg11[%get3A_702, %get3A_703] {strides = array<i32>} : memref<32x768xf32, #tpu.memory_space<vmem>>, vector<1x16xf32>,
      %get3A_705 = vector.shape_cast %get3A_704 : vector<1x16xf32> to vector<16xf32>
      %add3A_706 = arith.addf %get3A_701, %get3A_705 : vector<16xf32>
      %swap3A_707 = arith.index_cast %scan3A_152 : i32 to index
      %swap3A_708 = arith.constant 624 : index
      %swap3A_709 = tpu.vector_load %arg10[%swap3A_707, %swap3A_708] {strides = array<i32>} : memref<32x768xf32, #tpu.memory_space<vmem>>, vector<1x16xf32>,
      %swap3A_710 = vector.shape_cast %swap3A_709 : vector<1x16xf32> to vector<16xf32>
      %swap3A_711 = vector.shape_cast %add3A_706 : vector<16xf32> to vector<1x16xf32>
      tpu.vector_store %arg10[%swap3A_707, %swap3A_708], %swap3A_711 {strides = array<i32>} : memref<32x768xf32, #tpu.memory_space<vmem>>, vector<1x16xf32>,
      %get3A_712 = arith.index_cast %scan3A_152 : i32 to index
      %get3A_713 = arith.constant 640 : index
      %get3A_714 = tpu.vector_load %arg10[%get3A_712, %get3A_713] {strides = array<i32>} : memref<32x768xf32, #tpu.memory_space<vmem>>, vector<1x16xf32>,
      %get3A_715 = vector.shape_cast %get3A_714 : vector<1x16xf32> to vector<16xf32>
      %get3A_716 = arith.index_cast %scan3A_152 : i32 to index
      %get3A_717 = arith.constant 640 : index
      %get3A_718 = tpu.vector_load %arg11[%get3A_716, %get3A_717] {strides = array<i32>} : memref<32x768xf32, #tpu.memory_space<vmem>>, vector<1x16xf32>,
      %get3A_719 = vector.shape_cast %get3A_718 : vector<1x16xf32> to vector<16xf32>
      %add3A_720 = arith.addf %get3A_715, %get3A_719 : vector<16xf32>
      %swap3A_721 = arith.index_cast %scan3A_152 : i32 to index
      %swap3A_722 = arith.constant 640 : index
      %swap3A_723 = tpu.vector_load %arg10[%swap3A_721, %swap3A_722] {strides = array<i32>} : memref<32x768xf32, #tpu.memory_space<vmem>>, vector<1x16xf32>,
      %swap3A_724 = vector.shape_cast %swap3A_723 : vector<1x16xf32> to vector<16xf32>
      %swap3A_725 = vector.shape_cast %add3A_720 : vector<16xf32> to vector<1x16xf32>
      tpu.vector_store %arg10[%swap3A_721, %swap3A_722], %swap3A_725 {strides = array<i32>} : memref<32x768xf32, #tpu.memory_space<vmem>>, vector<1x16xf32>,
      %get3A_726 = arith.index_cast %scan3A_152 : i32 to index
      %get3A_727 = arith.constant 656 : index
      %get3A_728 = tpu.vector_load %arg10[%get3A_726, %get3A_727] {strides = array<i32>} : memref<32x768xf32, #tpu.memory_space<vmem>>, vector<1x16xf32>,
      %get3A_729 = vector.shape_cast %get3A_728 : vector<1x16xf32> to vector<16xf32>
      %get3A_730 = arith.index_cast %scan3A_152 : i32 to index
      %get3A_731 = arith.constant 656 : index
      %get3A_732 = tpu.vector_load %arg11[%get3A_730, %get3A_731] {strides = array<i32>} : memref<32x768xf32, #tpu.memory_space<vmem>>, vector<1x16xf32>,
      %get3A_733 = vector.shape_cast %get3A_732 : vector<1x16xf32> to vector<16xf32>
      %add3A_734 = arith.addf %get3A_729, %get3A_733 : vector<16xf32>
      %swap3A_735 = arith.index_cast %scan3A_152 : i32 to index
      %swap3A_736 = arith.constant 656 : index
      %swap3A_737 = tpu.vector_load %arg10[%swap3A_735, %swap3A_736] {strides = array<i32>} : memref<32x768xf32, #tpu.memory_space<vmem>>, vector<1x16xf32>,
      %swap3A_738 = vector.shape_cast %swap3A_737 : vector<1x16xf32> to vector<16xf32>
      %swap3A_739 = vector.shape_cast %add3A_734 : vector<16xf32> to vector<1x16xf32>
      tpu.vector_store %arg10[%swap3A_735, %swap3A_736], %swap3A_739 {strides = array<i32>} : memref<32x768xf32, #tpu.memory_space<vmem>>, vector<1x16xf32>,
      %get3A_740 = arith.index_cast %scan3A_152 : i32 to index
      %get3A_741 = arith.constant 672 : index
      %get3A_742 = tpu.vector_load %arg10[%get3A_740, %get3A_741] {strides = array<i32>} : memref<32x768xf32, #tpu.memory_space<vmem>>, vector<1x16xf32>,
      %get3A_743 = vector.shape_cast %get3A_742 : vector<1x16xf32> to vector<16xf32>
      %get3A_744 = arith.index_cast %scan3A_152 : i32 to index
      %get3A_745 = arith.constant 672 : index
      %get3A_746 = tpu.vector_load %arg11[%get3A_744, %get3A_745] {strides = array<i32>} : memref<32x768xf32, #tpu.memory_space<vmem>>, vector<1x16xf32>,
      %get3A_747 = vector.shape_cast %get3A_746 : vector<1x16xf32> to vector<16xf32>
      %add3A_748 = arith.addf %get3A_743, %get3A_747 : vector<16xf32>
      %swap3A_749 = arith.index_cast %scan3A_152 : i32 to index
      %swap3A_750 = arith.constant 672 : index
      %swap3A_751 = tpu.vector_load %arg10[%swap3A_749, %swap3A_750] {strides = array<i32>} : memref<32x768xf32, #tpu.memory_space<vmem>>, vector<1x16xf32>,
      %swap3A_752 = vector.shape_cast %swap3A_751 : vector<1x16xf32> to vector<16xf32>
      %swap3A_753 = vector.shape_cast %add3A_748 : vector<16xf32> to vector<1x16xf32>
      tpu.vector_store %arg10[%swap3A_749, %swap3A_750], %swap3A_753 {strides = array<i32>} : memref<32x768xf32, #tpu.memory_space<vmem>>, vector<1x16xf32>,
      %get3A_754 = arith.index_cast %scan3A_152 : i32 to index
      %get3A_755 = arith.constant 688 : index
      %get3A_756 = tpu.vector_load %arg10[%get3A_754, %get3A_755] {strides = array<i32>} : memref<32x768xf32, #tpu.memory_space<vmem>>, vector<1x16xf32>,
      %get3A_757 = vector.shape_cast %get3A_756 : vector<1x16xf32> to vector<16xf32>
      %get3A_758 = arith.index_cast %scan3A_152 : i32 to index
      %get3A_759 = arith.constant 688 : index
      %get3A_760 = tpu.vector_load %arg11[%get3A_758, %get3A_759] {strides = array<i32>} : memref<32x768xf32, #tpu.memory_space<vmem>>, vector<1x16xf32>,
      %get3A_761 = vector.shape_cast %get3A_760 : vector<1x16xf32> to vector<16xf32>
      %add3A_762 = arith.addf %get3A_757, %get3A_761 : vector<16xf32>
      %swap3A_763 = arith.index_cast %scan3A_152 : i32 to index
      %swap3A_764 = arith.constant 688 : index
      %swap3A_765 = tpu.vector_load %arg10[%swap3A_763, %swap3A_764] {strides = array<i32>} : memref<32x768xf32, #tpu.memory_space<vmem>>, vector<1x16xf32>,
      %swap3A_766 = vector.shape_cast %swap3A_765 : vector<1x16xf32> to vector<16xf32>
      %swap3A_767 = vector.shape_cast %add3A_762 : vector<16xf32> to vector<1x16xf32>
      tpu.vector_store %arg10[%swap3A_763, %swap3A_764], %swap3A_767 {strides = array<i32>} : memref<32x768xf32, #tpu.memory_space<vmem>>, vector<1x16xf32>,
      %get3A_768 = arith.index_cast %scan3A_152 : i32 to index
      %get3A_769 = arith.constant 704 : index
      %get3A_770 = tpu.vector_load %arg10[%get3A_768, %get3A_769] {strides = array<i32>} : memref<32x768xf32, #tpu.memory_space<vmem>>, vector<1x16xf32>,
      %get3A_771 = vector.shape_cast %get3A_770 : vector<1x16xf32> to vector<16xf32>
      %get3A_772 = arith.index_cast %scan3A_152 : i32 to index
      %get3A_773 = arith.constant 704 : index
      %get3A_774 = tpu.vector_load %arg11[%get3A_772, %get3A_773] {strides = array<i32>} : memref<32x768xf32, #tpu.memory_space<vmem>>, vector<1x16xf32>,
      %get3A_775 = vector.shape_cast %get3A_774 : vector<1x16xf32> to vector<16xf32>
      %add3A_776 = arith.addf %get3A_771, %get3A_775 : vector<16xf32>
      %swap3A_777 = arith.index_cast %scan3A_152 : i32 to index
      %swap3A_778 = arith.constant 704 : index
      %swap3A_779 = tpu.vector_load %arg10[%swap3A_777, %swap3A_778] {strides = array<i32>} : memref<32x768xf32, #tpu.memory_space<vmem>>, vector<1x16xf32>,
      %swap3A_780 = vector.shape_cast %swap3A_779 : vector<1x16xf32> to vector<16xf32>
      %swap3A_781 = vector.shape_cast %add3A_776 : vector<16xf32> to vector<1x16xf32>
      tpu.vector_store %arg10[%swap3A_777, %swap3A_778], %swap3A_781 {strides = array<i32>} : memref<32x768xf32, #tpu.memory_space<vmem>>, vector<1x16xf32>,
      %get3A_782 = arith.index_cast %scan3A_152 : i32 to index
      %get3A_783 = arith.constant 720 : index
      %get3A_784 = tpu.vector_load %arg10[%get3A_782, %get3A_783] {strides = array<i32>} : memref<32x768xf32, #tpu.memory_space<vmem>>, vector<1x16xf32>,
      %get3A_785 = vector.shape_cast %get3A_784 : vector<1x16xf32> to vector<16xf32>
      %get3A_786 = arith.index_cast %scan3A_152 : i32 to index
      %get3A_787 = arith.constant 720 : index
      %get3A_788 = tpu.vector_load %arg11[%get3A_786, %get3A_787] {strides = array<i32>} : memref<32x768xf32, #tpu.memory_space<vmem>>, vector<1x16xf32>,
      %get3A_789 = vector.shape_cast %get3A_788 : vector<1x16xf32> to vector<16xf32>
      %add3A_790 = arith.addf %get3A_785, %get3A_789 : vector<16xf32>
      %swap3A_791 = arith.index_cast %scan3A_152 : i32 to index
      %swap3A_792 = arith.constant 720 : index
      %swap3A_793 = tpu.vector_load %arg10[%swap3A_791, %swap3A_792] {strides = array<i32>} : memref<32x768xf32, #tpu.memory_space<vmem>>, vector<1x16xf32>,
      %swap3A_794 = vector.shape_cast %swap3A_793 : vector<1x16xf32> to vector<16xf32>
      %swap3A_795 = vector.shape_cast %add3A_790 : vector<16xf32> to vector<1x16xf32>
      tpu.vector_store %arg10[%swap3A_791, %swap3A_792], %swap3A_795 {strides = array<i32>} : memref<32x768xf32, #tpu.memory_space<vmem>>, vector<1x16xf32>,
      %get3A_796 = arith.index_cast %scan3A_152 : i32 to index
      %get3A_797 = arith.constant 736 : index
      %get3A_798 = tpu.vector_load %arg10[%get3A_796, %get3A_797] {strides = array<i32>} : memref<32x768xf32, #tpu.memory_space<vmem>>, vector<1x16xf32>,
      %get3A_799 = vector.shape_cast %get3A_798 : vector<1x16xf32> to vector<16xf32>
      %get3A_800 = arith.index_cast %scan3A_152 : i32 to index
      %get3A_801 = arith.constant 736 : index
      %get3A_802 = tpu.vector_load %arg11[%get3A_800, %get3A_801] {strides = array<i32>} : memref<32x768xf32, #tpu.memory_space<vmem>>, vector<1x16xf32>,
      %get3A_803 = vector.shape_cast %get3A_802 : vector<1x16xf32> to vector<16xf32>
      %add3A_804 = arith.addf %get3A_799, %get3A_803 : vector<16xf32>
      %swap3A_805 = arith.index_cast %scan3A_152 : i32 to index
      %swap3A_806 = arith.constant 736 : index
      %swap3A_807 = tpu.vector_load %arg10[%swap3A_805, %swap3A_806] {strides = array<i32>} : memref<32x768xf32, #tpu.memory_space<vmem>>, vector<1x16xf32>,
      %swap3A_808 = vector.shape_cast %swap3A_807 : vector<1x16xf32> to vector<16xf32>
      %swap3A_809 = vector.shape_cast %add3A_804 : vector<16xf32> to vector<1x16xf32>
      tpu.vector_store %arg10[%swap3A_805, %swap3A_806], %swap3A_809 {strides = array<i32>} : memref<32x768xf32, #tpu.memory_space<vmem>>, vector<1x16xf32>,
      %get3A_810 = arith.index_cast %scan3A_152 : i32 to index
      %get3A_811 = arith.constant 752 : index
      %get3A_812 = tpu.vector_load %arg10[%get3A_810, %get3A_811] {strides = array<i32>} : memref<32x768xf32, #tpu.memory_space<vmem>>, vector<1x16xf32>,
      %get3A_813 = vector.shape_cast %get3A_812 : vector<1x16xf32> to vector<16xf32>
      %get3A_814 = arith.index_cast %scan3A_152 : i32 to index
      %get3A_815 = arith.constant 752 : index
      %get3A_816 = tpu.vector_load %arg11[%get3A_814, %get3A_815] {strides = array<i32>} : memref<32x768xf32, #tpu.memory_space<vmem>>, vector<1x16xf32>,
      %get3A_817 = vector.shape_cast %get3A_816 : vector<1x16xf32> to vector<16xf32>
      %add3A_818 = arith.addf %get3A_813, %get3A_817 : vector<16xf32>
      %swap3A_819 = arith.index_cast %scan3A_152 : i32 to index
      %swap3A_820 = arith.constant 752 : index
      %swap3A_821 = tpu.vector_load %arg10[%swap3A_819, %swap3A_820] {strides = array<i32>} : memref<32x768xf32, #tpu.memory_space<vmem>>, vector<1x16xf32>,
      %swap3A_822 = vector.shape_cast %swap3A_821 : vector<1x16xf32> to vector<16xf32>
      %swap3A_823 = vector.shape_cast %add3A_818 : vector<16xf32> to vector<1x16xf32>
      tpu.vector_store %arg10[%swap3A_819, %swap3A_820], %swap3A_823 {strides = array<i32>} : memref<32x768xf32, #tpu.memory_space<vmem>>, vector<1x16xf32>,
      %scan3A_824 = arith.constant 0 : i32
      scf.yield %scan3A_824 : i32
    }
    %scan3A_114 = arith.constant 32 : i32
    %add3A_115 = arith.constant 64 : i32
    %add3A_116 = arith.addi %mul3A_2, %add3A_115 : i32
    %dma_start3A_117 = arith.constant 0 : i32
    %dma_start3A_118 = tpu.memref_slice %arg6[%add3A_116, %dma_start3A_117] : memref<4096x768xf32, #tpu.memory_space<hbm>> -> memref<32x768xf32, #tpu.memory_space<hbm>>
    %dma_start3A_119 = arith.constant 0 : i32
    %dma_start3A_120 = tpu.memref_slice %arg6[%add3A_116, %dma_start3A_119] : memref<4096x768xf32, #tpu.memory_space<hbm>> -> memref<32x768xf32, #tpu.memory_space<hbm>>
    tpu.enqueue_dma source(%arg10 : memref<32x768xf32, #tpu.memory_space<vmem>>) target(%dma_start3A_120 : memref<32x768xf32, #tpu.memory_space<hbm>>) target_semaphore(%arg16 : memref<!tpu.dma_semaphore, #tpu.memory_space<semaphore_mem>>)
    %dma_wait3A_121 = arith.constant 96 : i32
    %dma_wait3A_122 = tpu.memref_slice %arg8[%dma_wait3A_121] : memref<128xi32, #tpu.memory_space<vmem>> -> memref<32xi32, #tpu.memory_space<vmem>>
    %dma_wait3A_123 = arith.constant 0 : i32
    %dma_wait3A_124 = arith.constant 0 : i32
    %dma_wait3A_125 = tpu.memref_slice %arg3[%dma_wait3A_123, %dma_wait3A_124] : memref<16384x768xf32, #tpu.memory_space<hbm>> -> memref<16384x768xf32, #tpu.memory_space<hbm>>
    tpu.wait_indirect_dma semaphore(%arg14 : memref<!tpu.dma_semaphore, #tpu.memory_space<semaphore_mem>>) src(%dma_wait3A_125 : memref<16384x768xf32, #tpu.memory_space<hbm>>) dst(%arg12 : memref<32x768xf32, #tpu.memory_space<vmem>>)
    %dma_wait3A_126 = arith.constant 96 : i32
    %dma_wait3A_127 = tpu.memref_slice %arg9[%dma_wait3A_126] : memref<128xi32, #tpu.memory_space<vmem>> -> memref<32xi32, #tpu.memory_space<vmem>>
    %dma_wait3A_128 = arith.constant 0 : i32
    %dma_wait3A_129 = arith.constant 0 : i32
    %dma_wait3A_130 = tpu.memref_slice %arg5[%dma_wait3A_128, %dma_wait3A_129] : memref<4096x768xf32, #tpu.memory_space<hbm>> -> memref<4096x768xf32, #tpu.memory_space<hbm>>
    tpu.wait_indirect_dma semaphore(%arg15 : memref<!tpu.dma_semaphore, #tpu.memory_space<semaphore_mem>>) src(%dma_wait3A_130 : memref<4096x768xf32, #tpu.memory_space<hbm>>) dst(%arg13 : memref<32x768xf32, #tpu.memory_space<vmem>>)
    %scan3A_131 = arith.constant 0 : i32
    %scan3A_132 = arith.constant 0 : i32
    %scan3A_133 = arith.constant 32 : i32
    %scan3A_134 = arith.addi %scan3A_132, %scan3A_133 : i32
    %scan3A_135 = arith.constant 1 : i32
    %scan3A_136 = scf.for %scan3A_152 = %scan3A_132 to %scan3A_134 step %scan3A_135 iter_args(%scan3A_153 = %scan3A_131) -> (i32)  : i32 {
      %get3A = arith.index_cast %scan3A_152 : i32 to index
      %get3A_154 = arith.constant 0 : index
      %get3A_155 = tpu.vector_load %arg12[%get3A, %get3A_154] {strides = array<i32>} : memref<32x768xf32, #tpu.memory_space<vmem>>, vector<1x16xf32>,
      %get3A_156 = vector.shape_cast %get3A_155 : vector<1x16xf32> to vector<16xf32>
      %get3A_157 = arith.index_cast %scan3A_152 : i32 to index
      %get3A_158 = arith.constant 0 : index
      %get3A_159 = tpu.vector_load %arg13[%get3A_157, %get3A_158] {strides = array<i32>} : memref<32x768xf32, #tpu.memory_space<vmem>>, vector<1x16xf32>,
      %get3A_160 = vector.shape_cast %get3A_159 : vector<1x16xf32> to vector<16xf32>
      %add3A_161 = arith.addf %get3A_156, %get3A_160 : vector<16xf32>
      %swap3A = arith.index_cast %scan3A_152 : i32 to index
      %swap3A_162 = arith.constant 0 : index
      %swap3A_163 = tpu.vector_load %arg12[%swap3A, %swap3A_162] {strides = array<i32>} : memref<32x768xf32, #tpu.memory_space<vmem>>, vector<1x16xf32>,
      %swap3A_164 = vector.shape_cast %swap3A_163 : vector<1x16xf32> to vector<16xf32>
      %swap3A_165 = vector.shape_cast %add3A_161 : vector<16xf32> to vector<1x16xf32>
      tpu.vector_store %arg12[%swap3A, %swap3A_162], %swap3A_165 {strides = array<i32>} : memref<32x768xf32, #tpu.memory_space<vmem>>, vector<1x16xf32>,
      %get3A_166 = arith.index_cast %scan3A_152 : i32 to index
      %get3A_167 = arith.constant 16 : index
      %get3A_168 = tpu.vector_load %arg12[%get3A_166, %get3A_167] {strides = array<i32>} : memref<32x768xf32, #tpu.memory_space<vmem>>, vector<1x16xf32>,
      %get3A_169 = vector.shape_cast %get3A_168 : vector<1x16xf32> to vector<16xf32>
      %get3A_170 = arith.index_cast %scan3A_152 : i32 to index
      %get3A_171 = arith.constant 16 : index
      %get3A_172 = tpu.vector_load %arg13[%get3A_170, %get3A_171] {strides = array<i32>} : memref<32x768xf32, #tpu.memory_space<vmem>>, vector<1x16xf32>,
      %get3A_173 = vector.shape_cast %get3A_172 : vector<1x16xf32> to vector<16xf32>
      %add3A_174 = arith.addf %get3A_169, %get3A_173 : vector<16xf32>
      %swap3A_175 = arith.index_cast %scan3A_152 : i32 to index
      %swap3A_176 = arith.constant 16 : index
      %swap3A_177 = tpu.vector_load %arg12[%swap3A_175, %swap3A_176] {strides = array<i32>} : memref<32x768xf32, #tpu.memory_space<vmem>>, vector<1x16xf32>,
      %swap3A_178 = vector.shape_cast %swap3A_177 : vector<1x16xf32> to vector<16xf32>
      %swap3A_179 = vector.shape_cast %add3A_174 : vector<16xf32> to vector<1x16xf32>
      tpu.vector_store %arg12[%swap3A_175, %swap3A_176], %swap3A_179 {strides = array<i32>} : memref<32x768xf32, #tpu.memory_space<vmem>>, vector<1x16xf32>,
      %get3A_180 = arith.index_cast %scan3A_152 : i32 to index
      %get3A_181 = arith.constant 32 : index
      %get3A_182 = tpu.vector_load %arg12[%get3A_180, %get3A_181] {strides = array<i32>} : memref<32x768xf32, #tpu.memory_space<vmem>>, vector<1x16xf32>,
      %get3A_183 = vector.shape_cast %get3A_182 : vector<1x16xf32> to vector<16xf32>
      %get3A_184 = arith.index_cast %scan3A_152 : i32 to index
      %get3A_185 = arith.constant 32 : index
      %get3A_186 = tpu.vector_load %arg13[%get3A_184, %get3A_185] {strides = array<i32>} : memref<32x768xf32, #tpu.memory_space<vmem>>, vector<1x16xf32>,
      %get3A_187 = vector.shape_cast %get3A_186 : vector<1x16xf32> to vector<16xf32>
      %add3A_188 = arith.addf %get3A_183, %get3A_187 : vector<16xf32>
      %swap3A_189 = arith.index_cast %scan3A_152 : i32 to index
      %swap3A_190 = arith.constant 32 : index
      %swap3A_191 = tpu.vector_load %arg12[%swap3A_189, %swap3A_190] {strides = array<i32>} : memref<32x768xf32, #tpu.memory_space<vmem>>, vector<1x16xf32>,
      %swap3A_192 = vector.shape_cast %swap3A_191 : vector<1x16xf32> to vector<16xf32>
      %swap3A_193 = vector.shape_cast %add3A_188 : vector<16xf32> to vector<1x16xf32>
      tpu.vector_store %arg12[%swap3A_189, %swap3A_190], %swap3A_193 {strides = array<i32>} : memref<32x768xf32, #tpu.memory_space<vmem>>, vector<1x16xf32>,
      %get3A_194 = arith.index_cast %scan3A_152 : i32 to index
      %get3A_195 = arith.constant 48 : index
      %get3A_196 = tpu.vector_load %arg12[%get3A_194, %get3A_195] {strides = array<i32>} : memref<32x768xf32, #tpu.memory_space<vmem>>, vector<1x16xf32>,
      %get3A_197 = vector.shape_cast %get3A_196 : vector<1x16xf32> to vector<16xf32>
      %get3A_198 = arith.index_cast %scan3A_152 : i32 to index
      %get3A_199 = arith.constant 48 : index
      %get3A_200 = tpu.vector_load %arg13[%get3A_198, %get3A_199] {strides = array<i32>} : memref<32x768xf32, #tpu.memory_space<vmem>>, vector<1x16xf32>,
      %get3A_201 = vector.shape_cast %get3A_200 : vector<1x16xf32> to vector<16xf32>
      %add3A_202 = arith.addf %get3A_197, %get3A_201 : vector<16xf32>
      %swap3A_203 = arith.index_cast %scan3A_152 : i32 to index
      %swap3A_204 = arith.constant 48 : index
      %swap3A_205 = tpu.vector_load %arg12[%swap3A_203, %swap3A_204] {strides = array<i32>} : memref<32x768xf32, #tpu.memory_space<vmem>>, vector<1x16xf32>,
      %swap3A_206 = vector.shape_cast %swap3A_205 : vector<1x16xf32> to vector<16xf32>
      %swap3A_207 = vector.shape_cast %add3A_202 : vector<16xf32> to vector<1x16xf32>
      tpu.vector_store %arg12[%swap3A_203, %swap3A_204], %swap3A_207 {strides = array<i32>} : memref<32x768xf32, #tpu.memory_space<vmem>>, vector<1x16xf32>,
      %get3A_208 = arith.index_cast %scan3A_152 : i32 to index
      %get3A_209 = arith.constant 64 : index
      %get3A_210 = tpu.vector_load %arg12[%get3A_208, %get3A_209] {strides = array<i32>} : memref<32x768xf32, #tpu.memory_space<vmem>>, vector<1x16xf32>,
      %get3A_211 = vector.shape_cast %get3A_210 : vector<1x16xf32> to vector<16xf32>
      %get3A_212 = arith.index_cast %scan3A_152 : i32 to index
      %get3A_213 = arith.constant 64 : index
      %get3A_214 = tpu.vector_load %arg13[%get3A_212, %get3A_213] {strides = array<i32>} : memref<32x768xf32, #tpu.memory_space<vmem>>, vector<1x16xf32>,
      %get3A_215 = vector.shape_cast %get3A_214 : vector<1x16xf32> to vector<16xf32>
      %add3A_216 = arith.addf %get3A_211, %get3A_215 : vector<16xf32>
      %swap3A_217 = arith.index_cast %scan3A_152 : i32 to index
      %swap3A_218 = arith.constant 64 : index
      %swap3A_219 = tpu.vector_load %arg12[%swap3A_217, %swap3A_218] {strides = array<i32>} : memref<32x768xf32, #tpu.memory_space<vmem>>, vector<1x16xf32>,
      %swap3A_220 = vector.shape_cast %swap3A_219 : vector<1x16xf32> to vector<16xf32>
      %swap3A_221 = vector.shape_cast %add3A_216 : vector<16xf32> to vector<1x16xf32>
      tpu.vector_store %arg12[%swap3A_217, %swap3A_218], %swap3A_221 {strides = array<i32>} : memref<32x768xf32, #tpu.memory_space<vmem>>, vector<1x16xf32>,
      %get3A_222 = arith.index_cast %scan3A_152 : i32 to index
      %get3A_223 = arith.constant 80 : index
      %get3A_224 = tpu.vector_load %arg12[%get3A_222, %get3A_223] {strides = array<i32>} : memref<32x768xf32, #tpu.memory_space<vmem>>, vector<1x16xf32>,
      %get3A_225 = vector.shape_cast %get3A_224 : vector<1x16xf32> to vector<16xf32>
      %get3A_226 = arith.index_cast %scan3A_152 : i32 to index
      %get3A_227 = arith.constant 80 : index
      %get3A_228 = tpu.vector_load %arg13[%get3A_226, %get3A_227] {strides = array<i32>} : memref<32x768xf32, #tpu.memory_space<vmem>>, vector<1x16xf32>,
      %get3A_229 = vector.shape_cast %get3A_228 : vector<1x16xf32> to vector<16xf32>
      %add3A_230 = arith.addf %get3A_225, %get3A_229 : vector<16xf32>
      %swap3A_231 = arith.index_cast %scan3A_152 : i32 to index
      %swap3A_232 = arith.constant 80 : index
      %swap3A_233 = tpu.vector_load %arg12[%swap3A_231, %swap3A_232] {strides = array<i32>} : memref<32x768xf32, #tpu.memory_space<vmem>>, vector<1x16xf32>,
      %swap3A_234 = vector.shape_cast %swap3A_233 : vector<1x16xf32> to vector<16xf32>
      %swap3A_235 = vector.shape_cast %add3A_230 : vector<16xf32> to vector<1x16xf32>
      tpu.vector_store %arg12[%swap3A_231, %swap3A_232], %swap3A_235 {strides = array<i32>} : memref<32x768xf32, #tpu.memory_space<vmem>>, vector<1x16xf32>,
      %get3A_236 = arith.index_cast %scan3A_152 : i32 to index
      %get3A_237 = arith.constant 96 : index
      %get3A_238 = tpu.vector_load %arg12[%get3A_236, %get3A_237] {strides = array<i32>} : memref<32x768xf32, #tpu.memory_space<vmem>>, vector<1x16xf32>,
      %get3A_239 = vector.shape_cast %get3A_238 : vector<1x16xf32> to vector<16xf32>
      %get3A_240 = arith.index_cast %scan3A_152 : i32 to index
      %get3A_241 = arith.constant 96 : index
      %get3A_242 = tpu.vector_load %arg13[%get3A_240, %get3A_241] {strides = array<i32>} : memref<32x768xf32, #tpu.memory_space<vmem>>, vector<1x16xf32>,
      %get3A_243 = vector.shape_cast %get3A_242 : vector<1x16xf32> to vector<16xf32>
      %add3A_244 = arith.addf %get3A_239, %get3A_243 : vector<16xf32>
      %swap3A_245 = arith.index_cast %scan3A_152 : i32 to index
      %swap3A_246 = arith.constant 96 : index
      %swap3A_247 = tpu.vector_load %arg12[%swap3A_245, %swap3A_246] {strides = array<i32>} : memref<32x768xf32, #tpu.memory_space<vmem>>, vector<1x16xf32>,
      %swap3A_248 = vector.shape_cast %swap3A_247 : vector<1x16xf32> to vector<16xf32>
      %swap3A_249 = vector.shape_cast %add3A_244 : vector<16xf32> to vector<1x16xf32>
      tpu.vector_store %arg12[%swap3A_245, %swap3A_246], %swap3A_249 {strides = array<i32>} : memref<32x768xf32, #tpu.memory_space<vmem>>, vector<1x16xf32>,
      %get3A_250 = arith.index_cast %scan3A_152 : i32 to index
      %get3A_251 = arith.constant 112 : index
      %get3A_252 = tpu.vector_load %arg12[%get3A_250, %get3A_251] {strides = array<i32>} : memref<32x768xf32, #tpu.memory_space<vmem>>, vector<1x16xf32>,
      %get3A_253 = vector.shape_cast %get3A_252 : vector<1x16xf32> to vector<16xf32>
      %get3A_254 = arith.index_cast %scan3A_152 : i32 to index
      %get3A_255 = arith.constant 112 : index
      %get3A_256 = tpu.vector_load %arg13[%get3A_254, %get3A_255] {strides = array<i32>} : memref<32x768xf32, #tpu.memory_space<vmem>>, vector<1x16xf32>,
      %get3A_257 = vector.shape_cast %get3A_256 : vector<1x16xf32> to vector<16xf32>
      %add3A_258 = arith.addf %get3A_253, %get3A_257 : vector<16xf32>
      %swap3A_259 = arith.index_cast %scan3A_152 : i32 to index
      %swap3A_260 = arith.constant 112 : index
      %swap3A_261 = tpu.vector_load %arg12[%swap3A_259, %swap3A_260] {strides = array<i32>} : memref<32x768xf32, #tpu.memory_space<vmem>>, vector<1x16xf32>,
      %swap3A_262 = vector.shape_cast %swap3A_261 : vector<1x16xf32> to vector<16xf32>
      %swap3A_263 = vector.shape_cast %add3A_258 : vector<16xf32> to vector<1x16xf32>
      tpu.vector_store %arg12[%swap3A_259, %swap3A_260], %swap3A_263 {strides = array<i32>} : memref<32x768xf32, #tpu.memory_space<vmem>>, vector<1x16xf32>,
      %get3A_264 = arith.index_cast %scan3A_152 : i32 to index
      %get3A_265 = arith.constant 128 : index
      %get3A_266 = tpu.vector_load %arg12[%get3A_264, %get3A_265] {strides = array<i32>} : memref<32x768xf32, #tpu.memory_space<vmem>>, vector<1x16xf32>,
      %get3A_267 = vector.shape_cast %get3A_266 : vector<1x16xf32> to vector<16xf32>
      %get3A_268 = arith.index_cast %scan3A_152 : i32 to index
      %get3A_269 = arith.constant 128 : index
      %get3A_270 = tpu.vector_load %arg13[%get3A_268, %get3A_269] {strides = array<i32>} : memref<32x768xf32, #tpu.memory_space<vmem>>, vector<1x16xf32>,
      %get3A_271 = vector.shape_cast %get3A_270 : vector<1x16xf32> to vector<16xf32>
      %add3A_272 = arith.addf %get3A_267, %get3A_271 : vector<16xf32>
      %swap3A_273 = arith.index_cast %scan3A_152 : i32 to index
      %swap3A_274 = arith.constant 128 : index
      %swap3A_275 = tpu.vector_load %arg12[%swap3A_273, %swap3A_274] {strides = array<i32>} : memref<32x768xf32, #tpu.memory_space<vmem>>, vector<1x16xf32>,
      %swap3A_276 = vector.shape_cast %swap3A_275 : vector<1x16xf32> to vector<16xf32>
      %swap3A_277 = vector.shape_cast %add3A_272 : vector<16xf32> to vector<1x16xf32>
      tpu.vector_store %arg12[%swap3A_273, %swap3A_274], %swap3A_277 {strides = array<i32>} : memref<32x768xf32, #tpu.memory_space<vmem>>, vector<1x16xf32>,
      %get3A_278 = arith.index_cast %scan3A_152 : i32 to index
      %get3A_279 = arith.constant 144 : index
      %get3A_280 = tpu.vector_load %arg12[%get3A_278, %get3A_279] {strides = array<i32>} : memref<32x768xf32, #tpu.memory_space<vmem>>, vector<1x16xf32>,
      %get3A_281 = vector.shape_cast %get3A_280 : vector<1x16xf32> to vector<16xf32>
      %get3A_282 = arith.index_cast %scan3A_152 : i32 to index
      %get3A_283 = arith.constant 144 : index
      %get3A_284 = tpu.vector_load %arg13[%get3A_282, %get3A_283] {strides = array<i32>} : memref<32x768xf32, #tpu.memory_space<vmem>>, vector<1x16xf32>,
      %get3A_285 = vector.shape_cast %get3A_284 : vector<1x16xf32> to vector<16xf32>
      %add3A_286 = arith.addf %get3A_281, %get3A_285 : vector<16xf32>
      %swap3A_287 = arith.index_cast %scan3A_152 : i32 to index
      %swap3A_288 = arith.constant 144 : index
      %swap3A_289 = tpu.vector_load %arg12[%swap3A_287, %swap3A_288] {strides = array<i32>} : memref<32x768xf32, #tpu.memory_space<vmem>>, vector<1x16xf32>,
      %swap3A_290 = vector.shape_cast %swap3A_289 : vector<1x16xf32> to vector<16xf32>
      %swap3A_291 = vector.shape_cast %add3A_286 : vector<16xf32> to vector<1x16xf32>
      tpu.vector_store %arg12[%swap3A_287, %swap3A_288], %swap3A_291 {strides = array<i32>} : memref<32x768xf32, #tpu.memory_space<vmem>>, vector<1x16xf32>,
      %get3A_292 = arith.index_cast %scan3A_152 : i32 to index
      %get3A_293 = arith.constant 160 : index
      %get3A_294 = tpu.vector_load %arg12[%get3A_292, %get3A_293] {strides = array<i32>} : memref<32x768xf32, #tpu.memory_space<vmem>>, vector<1x16xf32>,
      %get3A_295 = vector.shape_cast %get3A_294 : vector<1x16xf32> to vector<16xf32>
      %get3A_296 = arith.index_cast %scan3A_152 : i32 to index
      %get3A_297 = arith.constant 160 : index
      %get3A_298 = tpu.vector_load %arg13[%get3A_296, %get3A_297] {strides = array<i32>} : memref<32x768xf32, #tpu.memory_space<vmem>>, vector<1x16xf32>,
      %get3A_299 = vector.shape_cast %get3A_298 : vector<1x16xf32> to vector<16xf32>
      %add3A_300 = arith.addf %get3A_295, %get3A_299 : vector<16xf32>
      %swap3A_301 = arith.index_cast %scan3A_152 : i32 to index
      %swap3A_302 = arith.constant 160 : index
      %swap3A_303 = tpu.vector_load %arg12[%swap3A_301, %swap3A_302] {strides = array<i32>} : memref<32x768xf32, #tpu.memory_space<vmem>>, vector<1x16xf32>,
      %swap3A_304 = vector.shape_cast %swap3A_303 : vector<1x16xf32> to vector<16xf32>
      %swap3A_305 = vector.shape_cast %add3A_300 : vector<16xf32> to vector<1x16xf32>
      tpu.vector_store %arg12[%swap3A_301, %swap3A_302], %swap3A_305 {strides = array<i32>} : memref<32x768xf32, #tpu.memory_space<vmem>>, vector<1x16xf32>,
      %get3A_306 = arith.index_cast %scan3A_152 : i32 to index
      %get3A_307 = arith.constant 176 : index
      %get3A_308 = tpu.vector_load %arg12[%get3A_306, %get3A_307] {strides = array<i32>} : memref<32x768xf32, #tpu.memory_space<vmem>>, vector<1x16xf32>,
      %get3A_309 = vector.shape_cast %get3A_308 : vector<1x16xf32> to vector<16xf32>
      %get3A_310 = arith.index_cast %scan3A_152 : i32 to index
      %get3A_311 = arith.constant 176 : index
      %get3A_312 = tpu.vector_load %arg13[%get3A_310, %get3A_311] {strides = array<i32>} : memref<32x768xf32, #tpu.memory_space<vmem>>, vector<1x16xf32>,
      %get3A_313 = vector.shape_cast %get3A_312 : vector<1x16xf32> to vector<16xf32>
      %add3A_314 = arith.addf %get3A_309, %get3A_313 : vector<16xf32>
      %swap3A_315 = arith.index_cast %scan3A_152 : i32 to index
      %swap3A_316 = arith.constant 176 : index
      %swap3A_317 = tpu.vector_load %arg12[%swap3A_315, %swap3A_316] {strides = array<i32>} : memref<32x768xf32, #tpu.memory_space<vmem>>, vector<1x16xf32>,
      %swap3A_318 = vector.shape_cast %swap3A_317 : vector<1x16xf32> to vector<16xf32>
      %swap3A_319 = vector.shape_cast %add3A_314 : vector<16xf32> to vector<1x16xf32>
      tpu.vector_store %arg12[%swap3A_315, %swap3A_316], %swap3A_319 {strides = array<i32>} : memref<32x768xf32, #tpu.memory_space<vmem>>, vector<1x16xf32>,
      %get3A_320 = arith.index_cast %scan3A_152 : i32 to index
      %get3A_321 = arith.constant 192 : index
      %get3A_322 = tpu.vector_load %arg12[%get3A_320, %get3A_321] {strides = array<i32>} : memref<32x768xf32, #tpu.memory_space<vmem>>, vector<1x16xf32>,
      %get3A_323 = vector.shape_cast %get3A_322 : vector<1x16xf32> to vector<16xf32>
      %get3A_324 = arith.index_cast %scan3A_152 : i32 to index
      %get3A_325 = arith.constant 192 : index
      %get3A_326 = tpu.vector_load %arg13[%get3A_324, %get3A_325] {strides = array<i32>} : memref<32x768xf32, #tpu.memory_space<vmem>>, vector<1x16xf32>,
      %get3A_327 = vector.shape_cast %get3A_326 : vector<1x16xf32> to vector<16xf32>
      %add3A_328 = arith.addf %get3A_323, %get3A_327 : vector<16xf32>
      %swap3A_329 = arith.index_cast %scan3A_152 : i32 to index
      %swap3A_330 = arith.constant 192 : index
      %swap3A_331 = tpu.vector_load %arg12[%swap3A_329, %swap3A_330] {strides = array<i32>} : memref<32x768xf32, #tpu.memory_space<vmem>>, vector<1x16xf32>,
      %swap3A_332 = vector.shape_cast %swap3A_331 : vector<1x16xf32> to vector<16xf32>
      %swap3A_333 = vector.shape_cast %add3A_328 : vector<16xf32> to vector<1x16xf32>
      tpu.vector_store %arg12[%swap3A_329, %swap3A_330], %swap3A_333 {strides = array<i32>} : memref<32x768xf32, #tpu.memory_space<vmem>>, vector<1x16xf32>,
      %get3A_334 = arith.index_cast %scan3A_152 : i32 to index
      %get3A_335 = arith.constant 208 : index
      %get3A_336 = tpu.vector_load %arg12[%get3A_334, %get3A_335] {strides = array<i32>} : memref<32x768xf32, #tpu.memory_space<vmem>>, vector<1x16xf32>,
      %get3A_337 = vector.shape_cast %get3A_336 : vector<1x16xf32> to vector<16xf32>
      %get3A_338 = arith.index_cast %scan3A_152 : i32 to index
      %get3A_339 = arith.constant 208 : index
      %get3A_340 = tpu.vector_load %arg13[%get3A_338, %get3A_339] {strides = array<i32>} : memref<32x768xf32, #tpu.memory_space<vmem>>, vector<1x16xf32>,
      %get3A_341 = vector.shape_cast %get3A_340 : vector<1x16xf32> to vector<16xf32>
      %add3A_342 = arith.addf %get3A_337, %get3A_341 : vector<16xf32>
      %swap3A_343 = arith.index_cast %scan3A_152 : i32 to index
      %swap3A_344 = arith.constant 208 : index
      %swap3A_345 = tpu.vector_load %arg12[%swap3A_343, %swap3A_344] {strides = array<i32>} : memref<32x768xf32, #tpu.memory_space<vmem>>, vector<1x16xf32>,
      %swap3A_346 = vector.shape_cast %swap3A_345 : vector<1x16xf32> to vector<16xf32>
      %swap3A_347 = vector.shape_cast %add3A_342 : vector<16xf32> to vector<1x16xf32>
      tpu.vector_store %arg12[%swap3A_343, %swap3A_344], %swap3A_347 {strides = array<i32>} : memref<32x768xf32, #tpu.memory_space<vmem>>, vector<1x16xf32>,
      %get3A_348 = arith.index_cast %scan3A_152 : i32 to index
      %get3A_349 = arith.constant 224 : index
      %get3A_350 = tpu.vector_load %arg12[%get3A_348, %get3A_349] {strides = array<i32>} : memref<32x768xf32, #tpu.memory_space<vmem>>, vector<1x16xf32>,
      %get3A_351 = vector.shape_cast %get3A_350 : vector<1x16xf32> to vector<16xf32>
      %get3A_352 = arith.index_cast %scan3A_152 : i32 to index
      %get3A_353 = arith.constant 224 : index
      %get3A_354 = tpu.vector_load %arg13[%get3A_352, %get3A_353] {strides = array<i32>} : memref<32x768xf32, #tpu.memory_space<vmem>>, vector<1x16xf32>,
      %get3A_355 = vector.shape_cast %get3A_354 : vector<1x16xf32> to vector<16xf32>
      %add3A_356 = arith.addf %get3A_351, %get3A_355 : vector<16xf32>
      %swap3A_357 = arith.index_cast %scan3A_152 : i32 to index
      %swap3A_358 = arith.constant 224 : index
      %swap3A_359 = tpu.vector_load %arg12[%swap3A_357, %swap3A_358] {strides = array<i32>} : memref<32x768xf32, #tpu.memory_space<vmem>>, vector<1x16xf32>,
      %swap3A_360 = vector.shape_cast %swap3A_359 : vector<1x16xf32> to vector<16xf32>
      %swap3A_361 = vector.shape_cast %add3A_356 : vector<16xf32> to vector<1x16xf32>
      tpu.vector_store %arg12[%swap3A_357, %swap3A_358], %swap3A_361 {strides = array<i32>} : memref<32x768xf32, #tpu.memory_space<vmem>>, vector<1x16xf32>,
      %get3A_362 = arith.index_cast %scan3A_152 : i32 to index
      %get3A_363 = arith.constant 240 : index
      %get3A_364 = tpu.vector_load %arg12[%get3A_362, %get3A_363] {strides = array<i32>} : memref<32x768xf32, #tpu.memory_space<vmem>>, vector<1x16xf32>,
      %get3A_365 = vector.shape_cast %get3A_364 : vector<1x16xf32> to vector<16xf32>
      %get3A_366 = arith.index_cast %scan3A_152 : i32 to index
      %get3A_367 = arith.constant 240 : index
      %get3A_368 = tpu.vector_load %arg13[%get3A_366, %get3A_367] {strides = array<i32>} : memref<32x768xf32, #tpu.memory_space<vmem>>, vector<1x16xf32>,
      %get3A_369 = vector.shape_cast %get3A_368 : vector<1x16xf32> to vector<16xf32>
      %add3A_370 = arith.addf %get3A_365, %get3A_369 : vector<16xf32>
      %swap3A_371 = arith.index_cast %scan3A_152 : i32 to index
      %swap3A_372 = arith.constant 240 : index
      %swap3A_373 = tpu.vector_load %arg12[%swap3A_371, %swap3A_372] {strides = array<i32>} : memref<32x768xf32, #tpu.memory_space<vmem>>, vector<1x16xf32>,
      %swap3A_374 = vector.shape_cast %swap3A_373 : vector<1x16xf32> to vector<16xf32>
      %swap3A_375 = vector.shape_cast %add3A_370 : vector<16xf32> to vector<1x16xf32>
      tpu.vector_store %arg12[%swap3A_371, %swap3A_372], %swap3A_375 {strides = array<i32>} : memref<32x768xf32, #tpu.memory_space<vmem>>, vector<1x16xf32>,
      %get3A_376 = arith.index_cast %scan3A_152 : i32 to index
      %get3A_377 = arith.constant 256 : index
      %get3A_378 = tpu.vector_load %arg12[%get3A_376, %get3A_377] {strides = array<i32>} : memref<32x768xf32, #tpu.memory_space<vmem>>, vector<1x16xf32>,
      %get3A_379 = vector.shape_cast %get3A_378 : vector<1x16xf32> to vector<16xf32>
      %get3A_380 = arith.index_cast %scan3A_152 : i32 to index
      %get3A_381 = arith.constant 256 : index
      %get3A_382 = tpu.vector_load %arg13[%get3A_380, %get3A_381] {strides = array<i32>} : memref<32x768xf32, #tpu.memory_space<vmem>>, vector<1x16xf32>,
      %get3A_383 = vector.shape_cast %get3A_382 : vector<1x16xf32> to vector<16xf32>
      %add3A_384 = arith.addf %get3A_379, %get3A_383 : vector<16xf32>
      %swap3A_385 = arith.index_cast %scan3A_152 : i32 to index
      %swap3A_386 = arith.constant 256 : index
      %swap3A_387 = tpu.vector_load %arg12[%swap3A_385, %swap3A_386] {strides = array<i32>} : memref<32x768xf32, #tpu.memory_space<vmem>>, vector<1x16xf32>,
      %swap3A_388 = vector.shape_cast %swap3A_387 : vector<1x16xf32> to vector<16xf32>
      %swap3A_389 = vector.shape_cast %add3A_384 : vector<16xf32> to vector<1x16xf32>
      tpu.vector_store %arg12[%swap3A_385, %swap3A_386], %swap3A_389 {strides = array<i32>} : memref<32x768xf32, #tpu.memory_space<vmem>>, vector<1x16xf32>,
      %get3A_390 = arith.index_cast %scan3A_152 : i32 to index
      %get3A_391 = arith.constant 272 : index
      %get3A_392 = tpu.vector_load %arg12[%get3A_390, %get3A_391] {strides = array<i32>} : memref<32x768xf32, #tpu.memory_space<vmem>>, vector<1x16xf32>,
      %get3A_393 = vector.shape_cast %get3A_392 : vector<1x16xf32> to vector<16xf32>
      %get3A_394 = arith.index_cast %scan3A_152 : i32 to index
      %get3A_395 = arith.constant 272 : index
      %get3A_396 = tpu.vector_load %arg13[%get3A_394, %get3A_395] {strides = array<i32>} : memref<32x768xf32, #tpu.memory_space<vmem>>, vector<1x16xf32>,
      %get3A_397 = vector.shape_cast %get3A_396 : vector<1x16xf32> to vector<16xf32>
      %add3A_398 = arith.addf %get3A_393, %get3A_397 : vector<16xf32>
      %swap3A_399 = arith.index_cast %scan3A_152 : i32 to index
      %swap3A_400 = arith.constant 272 : index
      %swap3A_401 = tpu.vector_load %arg12[%swap3A_399, %swap3A_400] {strides = array<i32>} : memref<32x768xf32, #tpu.memory_space<vmem>>, vector<1x16xf32>,
      %swap3A_402 = vector.shape_cast %swap3A_401 : vector<1x16xf32> to vector<16xf32>
      %swap3A_403 = vector.shape_cast %add3A_398 : vector<16xf32> to vector<1x16xf32>
      tpu.vector_store %arg12[%swap3A_399, %swap3A_400], %swap3A_403 {strides = array<i32>} : memref<32x768xf32, #tpu.memory_space<vmem>>, vector<1x16xf32>,
      %get3A_404 = arith.index_cast %scan3A_152 : i32 to index
      %get3A_405 = arith.constant 288 : index
      %get3A_406 = tpu.vector_load %arg12[%get3A_404, %get3A_405] {strides = array<i32>} : memref<32x768xf32, #tpu.memory_space<vmem>>, vector<1x16xf32>,
      %get3A_407 = vector.shape_cast %get3A_406 : vector<1x16xf32> to vector<16xf32>
      %get3A_408 = arith.index_cast %scan3A_152 : i32 to index
      %get3A_409 = arith.constant 288 : index
      %get3A_410 = tpu.vector_load %arg13[%get3A_408, %get3A_409] {strides = array<i32>} : memref<32x768xf32, #tpu.memory_space<vmem>>, vector<1x16xf32>,
      %get3A_411 = vector.shape_cast %get3A_410 : vector<1x16xf32> to vector<16xf32>
      %add3A_412 = arith.addf %get3A_407, %get3A_411 : vector<16xf32>
      %swap3A_413 = arith.index_cast %scan3A_152 : i32 to index
      %swap3A_414 = arith.constant 288 : index
      %swap3A_415 = tpu.vector_load %arg12[%swap3A_413, %swap3A_414] {strides = array<i32>} : memref<32x768xf32, #tpu.memory_space<vmem>>, vector<1x16xf32>,
      %swap3A_416 = vector.shape_cast %swap3A_415 : vector<1x16xf32> to vector<16xf32>
      %swap3A_417 = vector.shape_cast %add3A_412 : vector<16xf32> to vector<1x16xf32>
      tpu.vector_store %arg12[%swap3A_413, %swap3A_414], %swap3A_417 {strides = array<i32>} : memref<32x768xf32, #tpu.memory_space<vmem>>, vector<1x16xf32>,
      %get3A_418 = arith.index_cast %scan3A_152 : i32 to index
      %get3A_419 = arith.constant 304 : index
      %get3A_420 = tpu.vector_load %arg12[%get3A_418, %get3A_419] {strides = array<i32>} : memref<32x768xf32, #tpu.memory_space<vmem>>, vector<1x16xf32>,
      %get3A_421 = vector.shape_cast %get3A_420 : vector<1x16xf32> to vector<16xf32>
      %get3A_422 = arith.index_cast %scan3A_152 : i32 to index
      %get3A_423 = arith.constant 304 : index
      %get3A_424 = tpu.vector_load %arg13[%get3A_422, %get3A_423] {strides = array<i32>} : memref<32x768xf32, #tpu.memory_space<vmem>>, vector<1x16xf32>,
      %get3A_425 = vector.shape_cast %get3A_424 : vector<1x16xf32> to vector<16xf32>
      %add3A_426 = arith.addf %get3A_421, %get3A_425 : vector<16xf32>
      %swap3A_427 = arith.index_cast %scan3A_152 : i32 to index
      %swap3A_428 = arith.constant 304 : index
      %swap3A_429 = tpu.vector_load %arg12[%swap3A_427, %swap3A_428] {strides = array<i32>} : memref<32x768xf32, #tpu.memory_space<vmem>>, vector<1x16xf32>,
      %swap3A_430 = vector.shape_cast %swap3A_429 : vector<1x16xf32> to vector<16xf32>
      %swap3A_431 = vector.shape_cast %add3A_426 : vector<16xf32> to vector<1x16xf32>
      tpu.vector_store %arg12[%swap3A_427, %swap3A_428], %swap3A_431 {strides = array<i32>} : memref<32x768xf32, #tpu.memory_space<vmem>>, vector<1x16xf32>,
      %get3A_432 = arith.index_cast %scan3A_152 : i32 to index
      %get3A_433 = arith.constant 320 : index
      %get3A_434 = tpu.vector_load %arg12[%get3A_432, %get3A_433] {strides = array<i32>} : memref<32x768xf32, #tpu.memory_space<vmem>>, vector<1x16xf32>,
      %get3A_435 = vector.shape_cast %get3A_434 : vector<1x16xf32> to vector<16xf32>
      %get3A_436 = arith.index_cast %scan3A_152 : i32 to index
      %get3A_437 = arith.constant 320 : index
      %get3A_438 = tpu.vector_load %arg13[%get3A_436, %get3A_437] {strides = array<i32>} : memref<32x768xf32, #tpu.memory_space<vmem>>, vector<1x16xf32>,
      %get3A_439 = vector.shape_cast %get3A_438 : vector<1x16xf32> to vector<16xf32>
      %add3A_440 = arith.addf %get3A_435, %get3A_439 : vector<16xf32>
      %swap3A_441 = arith.index_cast %scan3A_152 : i32 to index
      %swap3A_442 = arith.constant 320 : index
      %swap3A_443 = tpu.vector_load %arg12[%swap3A_441, %swap3A_442] {strides = array<i32>} : memref<32x768xf32, #tpu.memory_space<vmem>>, vector<1x16xf32>,
      %swap3A_444 = vector.shape_cast %swap3A_443 : vector<1x16xf32> to vector<16xf32>
      %swap3A_445 = vector.shape_cast %add3A_440 : vector<16xf32> to vector<1x16xf32>
      tpu.vector_store %arg12[%swap3A_441, %swap3A_442], %swap3A_445 {strides = array<i32>} : memref<32x768xf32, #tpu.memory_space<vmem>>, vector<1x16xf32>,
      %get3A_446 = arith.index_cast %scan3A_152 : i32 to index
      %get3A_447 = arith.constant 336 : index
      %get3A_448 = tpu.vector_load %arg12[%get3A_446, %get3A_447] {strides = array<i32>} : memref<32x768xf32, #tpu.memory_space<vmem>>, vector<1x16xf32>,
      %get3A_449 = vector.shape_cast %get3A_448 : vector<1x16xf32> to vector<16xf32>
      %get3A_450 = arith.index_cast %scan3A_152 : i32 to index
      %get3A_451 = arith.constant 336 : index
      %get3A_452 = tpu.vector_load %arg13[%get3A_450, %get3A_451] {strides = array<i32>} : memref<32x768xf32, #tpu.memory_space<vmem>>, vector<1x16xf32>,
      %get3A_453 = vector.shape_cast %get3A_452 : vector<1x16xf32> to vector<16xf32>
      %add3A_454 = arith.addf %get3A_449, %get3A_453 : vector<16xf32>
      %swap3A_455 = arith.index_cast %scan3A_152 : i32 to index
      %swap3A_456 = arith.constant 336 : index
      %swap3A_457 = tpu.vector_load %arg12[%swap3A_455, %swap3A_456] {strides = array<i32>} : memref<32x768xf32, #tpu.memory_space<vmem>>, vector<1x16xf32>,
      %swap3A_458 = vector.shape_cast %swap3A_457 : vector<1x16xf32> to vector<16xf32>
      %swap3A_459 = vector.shape_cast %add3A_454 : vector<16xf32> to vector<1x16xf32>
      tpu.vector_store %arg12[%swap3A_455, %swap3A_456], %swap3A_459 {strides = array<i32>} : memref<32x768xf32, #tpu.memory_space<vmem>>, vector<1x16xf32>,
      %get3A_460 = arith.index_cast %scan3A_152 : i32 to index
      %get3A_461 = arith.constant 352 : index
      %get3A_462 = tpu.vector_load %arg12[%get3A_460, %get3A_461] {strides = array<i32>} : memref<32x768xf32, #tpu.memory_space<vmem>>, vector<1x16xf32>,
      %get3A_463 = vector.shape_cast %get3A_462 : vector<1x16xf32> to vector<16xf32>
      %get3A_464 = arith.index_cast %scan3A_152 : i32 to index
      %get3A_465 = arith.constant 352 : index
      %get3A_466 = tpu.vector_load %arg13[%get3A_464, %get3A_465] {strides = array<i32>} : memref<32x768xf32, #tpu.memory_space<vmem>>, vector<1x16xf32>,
      %get3A_467 = vector.shape_cast %get3A_466 : vector<1x16xf32> to vector<16xf32>
      %add3A_468 = arith.addf %get3A_463, %get3A_467 : vector<16xf32>
      %swap3A_469 = arith.index_cast %scan3A_152 : i32 to index
      %swap3A_470 = arith.constant 352 : index
      %swap3A_471 = tpu.vector_load %arg12[%swap3A_469, %swap3A_470] {strides = array<i32>} : memref<32x768xf32, #tpu.memory_space<vmem>>, vector<1x16xf32>,
      %swap3A_472 = vector.shape_cast %swap3A_471 : vector<1x16xf32> to vector<16xf32>
      %swap3A_473 = vector.shape_cast %add3A_468 : vector<16xf32> to vector<1x16xf32>
      tpu.vector_store %arg12[%swap3A_469, %swap3A_470], %swap3A_473 {strides = array<i32>} : memref<32x768xf32, #tpu.memory_space<vmem>>, vector<1x16xf32>,
      %get3A_474 = arith.index_cast %scan3A_152 : i32 to index
      %get3A_475 = arith.constant 368 : index
      %get3A_476 = tpu.vector_load %arg12[%get3A_474, %get3A_475] {strides = array<i32>} : memref<32x768xf32, #tpu.memory_space<vmem>>, vector<1x16xf32>,
      %get3A_477 = vector.shape_cast %get3A_476 : vector<1x16xf32> to vector<16xf32>
      %get3A_478 = arith.index_cast %scan3A_152 : i32 to index
      %get3A_479 = arith.constant 368 : index
      %get3A_480 = tpu.vector_load %arg13[%get3A_478, %get3A_479] {strides = array<i32>} : memref<32x768xf32, #tpu.memory_space<vmem>>, vector<1x16xf32>,
      %get3A_481 = vector.shape_cast %get3A_480 : vector<1x16xf32> to vector<16xf32>
      %add3A_482 = arith.addf %get3A_477, %get3A_481 : vector<16xf32>
      %swap3A_483 = arith.index_cast %scan3A_152 : i32 to index
      %swap3A_484 = arith.constant 368 : index
      %swap3A_485 = tpu.vector_load %arg12[%swap3A_483, %swap3A_484] {strides = array<i32>} : memref<32x768xf32, #tpu.memory_space<vmem>>, vector<1x16xf32>,
      %swap3A_486 = vector.shape_cast %swap3A_485 : vector<1x16xf32> to vector<16xf32>
      %swap3A_487 = vector.shape_cast %add3A_482 : vector<16xf32> to vector<1x16xf32>
      tpu.vector_store %arg12[%swap3A_483, %swap3A_484], %swap3A_487 {strides = array<i32>} : memref<32x768xf32, #tpu.memory_space<vmem>>, vector<1x16xf32>,
      %get3A_488 = arith.index_cast %scan3A_152 : i32 to index
      %get3A_489 = arith.constant 384 : index
      %get3A_490 = tpu.vector_load %arg12[%get3A_488, %get3A_489] {strides = array<i32>} : memref<32x768xf32, #tpu.memory_space<vmem>>, vector<1x16xf32>,
      %get3A_491 = vector.shape_cast %get3A_490 : vector<1x16xf32> to vector<16xf32>
      %get3A_492 = arith.index_cast %scan3A_152 : i32 to index
      %get3A_493 = arith.constant 384 : index
      %get3A_494 = tpu.vector_load %arg13[%get3A_492, %get3A_493] {strides = array<i32>} : memref<32x768xf32, #tpu.memory_space<vmem>>, vector<1x16xf32>,
      %get3A_495 = vector.shape_cast %get3A_494 : vector<1x16xf32> to vector<16xf32>
      %add3A_496 = arith.addf %get3A_491, %get3A_495 : vector<16xf32>
      %swap3A_497 = arith.index_cast %scan3A_152 : i32 to index
      %swap3A_498 = arith.constant 384 : index
      %swap3A_499 = tpu.vector_load %arg12[%swap3A_497, %swap3A_498] {strides = array<i32>} : memref<32x768xf32, #tpu.memory_space<vmem>>, vector<1x16xf32>,
      %swap3A_500 = vector.shape_cast %swap3A_499 : vector<1x16xf32> to vector<16xf32>
      %swap3A_501 = vector.shape_cast %add3A_496 : vector<16xf32> to vector<1x16xf32>
      tpu.vector_store %arg12[%swap3A_497, %swap3A_498], %swap3A_501 {strides = array<i32>} : memref<32x768xf32, #tpu.memory_space<vmem>>, vector<1x16xf32>,
      %get3A_502 = arith.index_cast %scan3A_152 : i32 to index
      %get3A_503 = arith.constant 400 : index
      %get3A_504 = tpu.vector_load %arg12[%get3A_502, %get3A_503] {strides = array<i32>} : memref<32x768xf32, #tpu.memory_space<vmem>>, vector<1x16xf32>,
      %get3A_505 = vector.shape_cast %get3A_504 : vector<1x16xf32> to vector<16xf32>
      %get3A_506 = arith.index_cast %scan3A_152 : i32 to index
      %get3A_507 = arith.constant 400 : index
      %get3A_508 = tpu.vector_load %arg13[%get3A_506, %get3A_507] {strides = array<i32>} : memref<32x768xf32, #tpu.memory_space<vmem>>, vector<1x16xf32>,
      %get3A_509 = vector.shape_cast %get3A_508 : vector<1x16xf32> to vector<16xf32>
      %add3A_510 = arith.addf %get3A_505, %get3A_509 : vector<16xf32>
      %swap3A_511 = arith.index_cast %scan3A_152 : i32 to index
      %swap3A_512 = arith.constant 400 : index
      %swap3A_513 = tpu.vector_load %arg12[%swap3A_511, %swap3A_512] {strides = array<i32>} : memref<32x768xf32, #tpu.memory_space<vmem>>, vector<1x16xf32>,
      %swap3A_514 = vector.shape_cast %swap3A_513 : vector<1x16xf32> to vector<16xf32>
      %swap3A_515 = vector.shape_cast %add3A_510 : vector<16xf32> to vector<1x16xf32>
      tpu.vector_store %arg12[%swap3A_511, %swap3A_512], %swap3A_515 {strides = array<i32>} : memref<32x768xf32, #tpu.memory_space<vmem>>, vector<1x16xf32>,
      %get3A_516 = arith.index_cast %scan3A_152 : i32 to index
      %get3A_517 = arith.constant 416 : index
      %get3A_518 = tpu.vector_load %arg12[%get3A_516, %get3A_517] {strides = array<i32>} : memref<32x768xf32, #tpu.memory_space<vmem>>, vector<1x16xf32>,
      %get3A_519 = vector.shape_cast %get3A_518 : vector<1x16xf32> to vector<16xf32>
      %get3A_520 = arith.index_cast %scan3A_152 : i32 to index
      %get3A_521 = arith.constant 416 : index
      %get3A_522 = tpu.vector_load %arg13[%get3A_520, %get3A_521] {strides = array<i32>} : memref<32x768xf32, #tpu.memory_space<vmem>>, vector<1x16xf32>,
      %get3A_523 = vector.shape_cast %get3A_522 : vector<1x16xf32> to vector<16xf32>
      %add3A_524 = arith.addf %get3A_519, %get3A_523 : vector<16xf32>
      %swap3A_525 = arith.index_cast %scan3A_152 : i32 to index
      %swap3A_526 = arith.constant 416 : index
      %swap3A_527 = tpu.vector_load %arg12[%swap3A_525, %swap3A_526] {strides = array<i32>} : memref<32x768xf32, #tpu.memory_space<vmem>>, vector<1x16xf32>,
      %swap3A_528 = vector.shape_cast %swap3A_527 : vector<1x16xf32> to vector<16xf32>
      %swap3A_529 = vector.shape_cast %add3A_524 : vector<16xf32> to vector<1x16xf32>
      tpu.vector_store %arg12[%swap3A_525, %swap3A_526], %swap3A_529 {strides = array<i32>} : memref<32x768xf32, #tpu.memory_space<vmem>>, vector<1x16xf32>,
      %get3A_530 = arith.index_cast %scan3A_152 : i32 to index
      %get3A_531 = arith.constant 432 : index
      %get3A_532 = tpu.vector_load %arg12[%get3A_530, %get3A_531] {strides = array<i32>} : memref<32x768xf32, #tpu.memory_space<vmem>>, vector<1x16xf32>,
      %get3A_533 = vector.shape_cast %get3A_532 : vector<1x16xf32> to vector<16xf32>
      %get3A_534 = arith.index_cast %scan3A_152 : i32 to index
      %get3A_535 = arith.constant 432 : index
      %get3A_536 = tpu.vector_load %arg13[%get3A_534, %get3A_535] {strides = array<i32>} : memref<32x768xf32, #tpu.memory_space<vmem>>, vector<1x16xf32>,
      %get3A_537 = vector.shape_cast %get3A_536 : vector<1x16xf32> to vector<16xf32>
      %add3A_538 = arith.addf %get3A_533, %get3A_537 : vector<16xf32>
      %swap3A_539 = arith.index_cast %scan3A_152 : i32 to index
      %swap3A_540 = arith.constant 432 : index
      %swap3A_541 = tpu.vector_load %arg12[%swap3A_539, %swap3A_540] {strides = array<i32>} : memref<32x768xf32, #tpu.memory_space<vmem>>, vector<1x16xf32>,
      %swap3A_542 = vector.shape_cast %swap3A_541 : vector<1x16xf32> to vector<16xf32>
      %swap3A_543 = vector.shape_cast %add3A_538 : vector<16xf32> to vector<1x16xf32>
      tpu.vector_store %arg12[%swap3A_539, %swap3A_540], %swap3A_543 {strides = array<i32>} : memref<32x768xf32, #tpu.memory_space<vmem>>, vector<1x16xf32>,
      %get3A_544 = arith.index_cast %scan3A_152 : i32 to index
      %get3A_545 = arith.constant 448 : index
      %get3A_546 = tpu.vector_load %arg12[%get3A_544, %get3A_545] {strides = array<i32>} : memref<32x768xf32, #tpu.memory_space<vmem>>, vector<1x16xf32>,
      %get3A_547 = vector.shape_cast %get3A_546 : vector<1x16xf32> to vector<16xf32>
      %get3A_548 = arith.index_cast %scan3A_152 : i32 to index
      %get3A_549 = arith.constant 448 : index
      %get3A_550 = tpu.vector_load %arg13[%get3A_548, %get3A_549] {strides = array<i32>} : memref<32x768xf32, #tpu.memory_space<vmem>>, vector<1x16xf32>,
      %get3A_551 = vector.shape_cast %get3A_550 : vector<1x16xf32> to vector<16xf32>
      %add3A_552 = arith.addf %get3A_547, %get3A_551 : vector<16xf32>
      %swap3A_553 = arith.index_cast %scan3A_152 : i32 to index
      %swap3A_554 = arith.constant 448 : index
      %swap3A_555 = tpu.vector_load %arg12[%swap3A_553, %swap3A_554] {strides = array<i32>} : memref<32x768xf32, #tpu.memory_space<vmem>>, vector<1x16xf32>,
      %swap3A_556 = vector.shape_cast %swap3A_555 : vector<1x16xf32> to vector<16xf32>
      %swap3A_557 = vector.shape_cast %add3A_552 : vector<16xf32> to vector<1x16xf32>
      tpu.vector_store %arg12[%swap3A_553, %swap3A_554], %swap3A_557 {strides = array<i32>} : memref<32x768xf32, #tpu.memory_space<vmem>>, vector<1x16xf32>,
      %get3A_558 = arith.index_cast %scan3A_152 : i32 to index
      %get3A_559 = arith.constant 464 : index
      %get3A_560 = tpu.vector_load %arg12[%get3A_558, %get3A_559] {strides = array<i32>} : memref<32x768xf32, #tpu.memory_space<vmem>>, vector<1x16xf32>,
      %get3A_561 = vector.shape_cast %get3A_560 : vector<1x16xf32> to vector<16xf32>
      %get3A_562 = arith.index_cast %scan3A_152 : i32 to index
      %get3A_563 = arith.constant 464 : index
      %get3A_564 = tpu.vector_load %arg13[%get3A_562, %get3A_563] {strides = array<i32>} : memref<32x768xf32, #tpu.memory_space<vmem>>, vector<1x16xf32>,
      %get3A_565 = vector.shape_cast %get3A_564 : vector<1x16xf32> to vector<16xf32>
      %add3A_566 = arith.addf %get3A_561, %get3A_565 : vector<16xf32>
      %swap3A_567 = arith.index_cast %scan3A_152 : i32 to index
      %swap3A_568 = arith.constant 464 : index
      %swap3A_569 = tpu.vector_load %arg12[%swap3A_567, %swap3A_568] {strides = array<i32>} : memref<32x768xf32, #tpu.memory_space<vmem>>, vector<1x16xf32>,
      %swap3A_570 = vector.shape_cast %swap3A_569 : vector<1x16xf32> to vector<16xf32>
      %swap3A_571 = vector.shape_cast %add3A_566 : vector<16xf32> to vector<1x16xf32>
      tpu.vector_store %arg12[%swap3A_567, %swap3A_568], %swap3A_571 {strides = array<i32>} : memref<32x768xf32, #tpu.memory_space<vmem>>, vector<1x16xf32>,
      %get3A_572 = arith.index_cast %scan3A_152 : i32 to index
      %get3A_573 = arith.constant 480 : index
      %get3A_574 = tpu.vector_load %arg12[%get3A_572, %get3A_573] {strides = array<i32>} : memref<32x768xf32, #tpu.memory_space<vmem>>, vector<1x16xf32>,
      %get3A_575 = vector.shape_cast %get3A_574 : vector<1x16xf32> to vector<16xf32>
      %get3A_576 = arith.index_cast %scan3A_152 : i32 to index
      %get3A_577 = arith.constant 480 : index
      %get3A_578 = tpu.vector_load %arg13[%get3A_576, %get3A_577] {strides = array<i32>} : memref<32x768xf32, #tpu.memory_space<vmem>>, vector<1x16xf32>,
      %get3A_579 = vector.shape_cast %get3A_578 : vector<1x16xf32> to vector<16xf32>
      %add3A_580 = arith.addf %get3A_575, %get3A_579 : vector<16xf32>
      %swap3A_581 = arith.index_cast %scan3A_152 : i32 to index
      %swap3A_582 = arith.constant 480 : index
      %swap3A_583 = tpu.vector_load %arg12[%swap3A_581, %swap3A_582] {strides = array<i32>} : memref<32x768xf32, #tpu.memory_space<vmem>>, vector<1x16xf32>,
      %swap3A_584 = vector.shape_cast %swap3A_583 : vector<1x16xf32> to vector<16xf32>
      %swap3A_585 = vector.shape_cast %add3A_580 : vector<16xf32> to vector<1x16xf32>
      tpu.vector_store %arg12[%swap3A_581, %swap3A_582], %swap3A_585 {strides = array<i32>} : memref<32x768xf32, #tpu.memory_space<vmem>>, vector<1x16xf32>,
      %get3A_586 = arith.index_cast %scan3A_152 : i32 to index
      %get3A_587 = arith.constant 496 : index
      %get3A_588 = tpu.vector_load %arg12[%get3A_586, %get3A_587] {strides = array<i32>} : memref<32x768xf32, #tpu.memory_space<vmem>>, vector<1x16xf32>,
      %get3A_589 = vector.shape_cast %get3A_588 : vector<1x16xf32> to vector<16xf32>
      %get3A_590 = arith.index_cast %scan3A_152 : i32 to index
      %get3A_591 = arith.constant 496 : index
      %get3A_592 = tpu.vector_load %arg13[%get3A_590, %get3A_591] {strides = array<i32>} : memref<32x768xf32, #tpu.memory_space<vmem>>, vector<1x16xf32>,
      %get3A_593 = vector.shape_cast %get3A_592 : vector<1x16xf32> to vector<16xf32>
      %add3A_594 = arith.addf %get3A_589, %get3A_593 : vector<16xf32>
      %swap3A_595 = arith.index_cast %scan3A_152 : i32 to index
      %swap3A_596 = arith.constant 496 : index
      %swap3A_597 = tpu.vector_load %arg12[%swap3A_595, %swap3A_596] {strides = array<i32>} : memref<32x768xf32, #tpu.memory_space<vmem>>, vector<1x16xf32>,
      %swap3A_598 = vector.shape_cast %swap3A_597 : vector<1x16xf32> to vector<16xf32>
      %swap3A_599 = vector.shape_cast %add3A_594 : vector<16xf32> to vector<1x16xf32>
      tpu.vector_store %arg12[%swap3A_595, %swap3A_596], %swap3A_599 {strides = array<i32>} : memref<32x768xf32, #tpu.memory_space<vmem>>, vector<1x16xf32>,
      %get3A_600 = arith.index_cast %scan3A_152 : i32 to index
      %get3A_601 = arith.constant 512 : index
      %get3A_602 = tpu.vector_load %arg12[%get3A_600, %get3A_601] {strides = array<i32>} : memref<32x768xf32, #tpu.memory_space<vmem>>, vector<1x16xf32>,
      %get3A_603 = vector.shape_cast %get3A_602 : vector<1x16xf32> to vector<16xf32>
      %get3A_604 = arith.index_cast %scan3A_152 : i32 to index
      %get3A_605 = arith.constant 512 : index
      %get3A_606 = tpu.vector_load %arg13[%get3A_604, %get3A_605] {strides = array<i32>} : memref<32x768xf32, #tpu.memory_space<vmem>>, vector<1x16xf32>,
      %get3A_607 = vector.shape_cast %get3A_606 : vector<1x16xf32> to vector<16xf32>
      %add3A_608 = arith.addf %get3A_603, %get3A_607 : vector<16xf32>
      %swap3A_609 = arith.index_cast %scan3A_152 : i32 to index
      %swap3A_610 = arith.constant 512 : index
      %swap3A_611 = tpu.vector_load %arg12[%swap3A_609, %swap3A_610] {strides = array<i32>} : memref<32x768xf32, #tpu.memory_space<vmem>>, vector<1x16xf32>,
      %swap3A_612 = vector.shape_cast %swap3A_611 : vector<1x16xf32> to vector<16xf32>
      %swap3A_613 = vector.shape_cast %add3A_608 : vector<16xf32> to vector<1x16xf32>
      tpu.vector_store %arg12[%swap3A_609, %swap3A_610], %swap3A_613 {strides = array<i32>} : memref<32x768xf32, #tpu.memory_space<vmem>>, vector<1x16xf32>,
      %get3A_614 = arith.index_cast %scan3A_152 : i32 to index
      %get3A_615 = arith.constant 528 : index
      %get3A_616 = tpu.vector_load %arg12[%get3A_614, %get3A_615] {strides = array<i32>} : memref<32x768xf32, #tpu.memory_space<vmem>>, vector<1x16xf32>,
      %get3A_617 = vector.shape_cast %get3A_616 : vector<1x16xf32> to vector<16xf32>
      %get3A_618 = arith.index_cast %scan3A_152 : i32 to index
      %get3A_619 = arith.constant 528 : index
      %get3A_620 = tpu.vector_load %arg13[%get3A_618, %get3A_619] {strides = array<i32>} : memref<32x768xf32, #tpu.memory_space<vmem>>, vector<1x16xf32>,
      %get3A_621 = vector.shape_cast %get3A_620 : vector<1x16xf32> to vector<16xf32>
      %add3A_622 = arith.addf %get3A_617, %get3A_621 : vector<16xf32>
      %swap3A_623 = arith.index_cast %scan3A_152 : i32 to index
      %swap3A_624 = arith.constant 528 : index
      %swap3A_625 = tpu.vector_load %arg12[%swap3A_623, %swap3A_624] {strides = array<i32>} : memref<32x768xf32, #tpu.memory_space<vmem>>, vector<1x16xf32>,
      %swap3A_626 = vector.shape_cast %swap3A_625 : vector<1x16xf32> to vector<16xf32>
      %swap3A_627 = vector.shape_cast %add3A_622 : vector<16xf32> to vector<1x16xf32>
      tpu.vector_store %arg12[%swap3A_623, %swap3A_624], %swap3A_627 {strides = array<i32>} : memref<32x768xf32, #tpu.memory_space<vmem>>, vector<1x16xf32>,
      %get3A_628 = arith.index_cast %scan3A_152 : i32 to index
      %get3A_629 = arith.constant 544 : index
      %get3A_630 = tpu.vector_load %arg12[%get3A_628, %get3A_629] {strides = array<i32>} : memref<32x768xf32, #tpu.memory_space<vmem>>, vector<1x16xf32>,
      %get3A_631 = vector.shape_cast %get3A_630 : vector<1x16xf32> to vector<16xf32>
      %get3A_632 = arith.index_cast %scan3A_152 : i32 to index
      %get3A_633 = arith.constant 544 : index
      %get3A_634 = tpu.vector_load %arg13[%get3A_632, %get3A_633] {strides = array<i32>} : memref<32x768xf32, #tpu.memory_space<vmem>>, vector<1x16xf32>,
      %get3A_635 = vector.shape_cast %get3A_634 : vector<1x16xf32> to vector<16xf32>
      %add3A_636 = arith.addf %get3A_631, %get3A_635 : vector<16xf32>
      %swap3A_637 = arith.index_cast %scan3A_152 : i32 to index
      %swap3A_638 = arith.constant 544 : index
      %swap3A_639 = tpu.vector_load %arg12[%swap3A_637, %swap3A_638] {strides = array<i32>} : memref<32x768xf32, #tpu.memory_space<vmem>>, vector<1x16xf32>,
      %swap3A_640 = vector.shape_cast %swap3A_639 : vector<1x16xf32> to vector<16xf32>
      %swap3A_641 = vector.shape_cast %add3A_636 : vector<16xf32> to vector<1x16xf32>
      tpu.vector_store %arg12[%swap3A_637, %swap3A_638], %swap3A_641 {strides = array<i32>} : memref<32x768xf32, #tpu.memory_space<vmem>>, vector<1x16xf32>,
      %get3A_642 = arith.index_cast %scan3A_152 : i32 to index
      %get3A_643 = arith.constant 560 : index
      %get3A_644 = tpu.vector_load %arg12[%get3A_642, %get3A_643] {strides = array<i32>} : memref<32x768xf32, #tpu.memory_space<vmem>>, vector<1x16xf32>,
      %get3A_645 = vector.shape_cast %get3A_644 : vector<1x16xf32> to vector<16xf32>
      %get3A_646 = arith.index_cast %scan3A_152 : i32 to index
      %get3A_647 = arith.constant 560 : index
      %get3A_648 = tpu.vector_load %arg13[%get3A_646, %get3A_647] {strides = array<i32>} : memref<32x768xf32, #tpu.memory_space<vmem>>, vector<1x16xf32>,
      %get3A_649 = vector.shape_cast %get3A_648 : vector<1x16xf32> to vector<16xf32>
      %add3A_650 = arith.addf %get3A_645, %get3A_649 : vector<16xf32>
      %swap3A_651 = arith.index_cast %scan3A_152 : i32 to index
      %swap3A_652 = arith.constant 560 : index
      %swap3A_653 = tpu.vector_load %arg12[%swap3A_651, %swap3A_652] {strides = array<i32>} : memref<32x768xf32, #tpu.memory_space<vmem>>, vector<1x16xf32>,
      %swap3A_654 = vector.shape_cast %swap3A_653 : vector<1x16xf32> to vector<16xf32>
      %swap3A_655 = vector.shape_cast %add3A_650 : vector<16xf32> to vector<1x16xf32>
      tpu.vector_store %arg12[%swap3A_651, %swap3A_652], %swap3A_655 {strides = array<i32>} : memref<32x768xf32, #tpu.memory_space<vmem>>, vector<1x16xf32>,
      %get3A_656 = arith.index_cast %scan3A_152 : i32 to index
      %get3A_657 = arith.constant 576 : index
      %get3A_658 = tpu.vector_load %arg12[%get3A_656, %get3A_657] {strides = array<i32>} : memref<32x768xf32, #tpu.memory_space<vmem>>, vector<1x16xf32>,
      %get3A_659 = vector.shape_cast %get3A_658 : vector<1x16xf32> to vector<16xf32>
      %get3A_660 = arith.index_cast %scan3A_152 : i32 to index
      %get3A_661 = arith.constant 576 : index
      %get3A_662 = tpu.vector_load %arg13[%get3A_660, %get3A_661] {strides = array<i32>} : memref<32x768xf32, #tpu.memory_space<vmem>>, vector<1x16xf32>,
      %get3A_663 = vector.shape_cast %get3A_662 : vector<1x16xf32> to vector<16xf32>
      %add3A_664 = arith.addf %get3A_659, %get3A_663 : vector<16xf32>
      %swap3A_665 = arith.index_cast %scan3A_152 : i32 to index
      %swap3A_666 = arith.constant 576 : index
      %swap3A_667 = tpu.vector_load %arg12[%swap3A_665, %swap3A_666] {strides = array<i32>} : memref<32x768xf32, #tpu.memory_space<vmem>>, vector<1x16xf32>,
      %swap3A_668 = vector.shape_cast %swap3A_667 : vector<1x16xf32> to vector<16xf32>
      %swap3A_669 = vector.shape_cast %add3A_664 : vector<16xf32> to vector<1x16xf32>
      tpu.vector_store %arg12[%swap3A_665, %swap3A_666], %swap3A_669 {strides = array<i32>} : memref<32x768xf32, #tpu.memory_space<vmem>>, vector<1x16xf32>,
      %get3A_670 = arith.index_cast %scan3A_152 : i32 to index
      %get3A_671 = arith.constant 592 : index
      %get3A_672 = tpu.vector_load %arg12[%get3A_670, %get3A_671] {strides = array<i32>} : memref<32x768xf32, #tpu.memory_space<vmem>>, vector<1x16xf32>,
      %get3A_673 = vector.shape_cast %get3A_672 : vector<1x16xf32> to vector<16xf32>
      %get3A_674 = arith.index_cast %scan3A_152 : i32 to index
      %get3A_675 = arith.constant 592 : index
      %get3A_676 = tpu.vector_load %arg13[%get3A_674, %get3A_675] {strides = array<i32>} : memref<32x768xf32, #tpu.memory_space<vmem>>, vector<1x16xf32>,
      %get3A_677 = vector.shape_cast %get3A_676 : vector<1x16xf32> to vector<16xf32>
      %add3A_678 = arith.addf %get3A_673, %get3A_677 : vector<16xf32>
      %swap3A_679 = arith.index_cast %scan3A_152 : i32 to index
      %swap3A_680 = arith.constant 592 : index
      %swap3A_681 = tpu.vector_load %arg12[%swap3A_679, %swap3A_680] {strides = array<i32>} : memref<32x768xf32, #tpu.memory_space<vmem>>, vector<1x16xf32>,
      %swap3A_682 = vector.shape_cast %swap3A_681 : vector<1x16xf32> to vector<16xf32>
      %swap3A_683 = vector.shape_cast %add3A_678 : vector<16xf32> to vector<1x16xf32>
      tpu.vector_store %arg12[%swap3A_679, %swap3A_680], %swap3A_683 {strides = array<i32>} : memref<32x768xf32, #tpu.memory_space<vmem>>, vector<1x16xf32>,
      %get3A_684 = arith.index_cast %scan3A_152 : i32 to index
      %get3A_685 = arith.constant 608 : index
      %get3A_686 = tpu.vector_load %arg12[%get3A_684, %get3A_685] {strides = array<i32>} : memref<32x768xf32, #tpu.memory_space<vmem>>, vector<1x16xf32>,
      %get3A_687 = vector.shape_cast %get3A_686 : vector<1x16xf32> to vector<16xf32>
      %get3A_688 = arith.index_cast %scan3A_152 : i32 to index
      %get3A_689 = arith.constant 608 : index
      %get3A_690 = tpu.vector_load %arg13[%get3A_688, %get3A_689] {strides = array<i32>} : memref<32x768xf32, #tpu.memory_space<vmem>>, vector<1x16xf32>,
      %get3A_691 = vector.shape_cast %get3A_690 : vector<1x16xf32> to vector<16xf32>
      %add3A_692 = arith.addf %get3A_687, %get3A_691 : vector<16xf32>
      %swap3A_693 = arith.index_cast %scan3A_152 : i32 to index
      %swap3A_694 = arith.constant 608 : index
      %swap3A_695 = tpu.vector_load %arg12[%swap3A_693, %swap3A_694] {strides = array<i32>} : memref<32x768xf32, #tpu.memory_space<vmem>>, vector<1x16xf32>,
      %swap3A_696 = vector.shape_cast %swap3A_695 : vector<1x16xf32> to vector<16xf32>
      %swap3A_697 = vector.shape_cast %add3A_692 : vector<16xf32> to vector<1x16xf32>
      tpu.vector_store %arg12[%swap3A_693, %swap3A_694], %swap3A_697 {strides = array<i32>} : memref<32x768xf32, #tpu.memory_space<vmem>>, vector<1x16xf32>,
      %get3A_698 = arith.index_cast %scan3A_152 : i32 to index
      %get3A_699 = arith.constant 624 : index
      %get3A_700 = tpu.vector_load %arg12[%get3A_698, %get3A_699] {strides = array<i32>} : memref<32x768xf32, #tpu.memory_space<vmem>>, vector<1x16xf32>,
      %get3A_701 = vector.shape_cast %get3A_700 : vector<1x16xf32> to vector<16xf32>
      %get3A_702 = arith.index_cast %scan3A_152 : i32 to index
      %get3A_703 = arith.constant 624 : index
      %get3A_704 = tpu.vector_load %arg13[%get3A_702, %get3A_703] {strides = array<i32>} : memref<32x768xf32, #tpu.memory_space<vmem>>, vector<1x16xf32>,
      %get3A_705 = vector.shape_cast %get3A_704 : vector<1x16xf32> to vector<16xf32>
      %add3A_706 = arith.addf %get3A_701, %get3A_705 : vector<16xf32>
      %swap3A_707 = arith.index_cast %scan3A_152 : i32 to index
      %swap3A_708 = arith.constant 624 : index
      %swap3A_709 = tpu.vector_load %arg12[%swap3A_707, %swap3A_708] {strides = array<i32>} : memref<32x768xf32, #tpu.memory_space<vmem>>, vector<1x16xf32>,
      %swap3A_710 = vector.shape_cast %swap3A_709 : vector<1x16xf32> to vector<16xf32>
      %swap3A_711 = vector.shape_cast %add3A_706 : vector<16xf32> to vector<1x16xf32>
      tpu.vector_store %arg12[%swap3A_707, %swap3A_708], %swap3A_711 {strides = array<i32>} : memref<32x768xf32, #tpu.memory_space<vmem>>, vector<1x16xf32>,
      %get3A_712 = arith.index_cast %scan3A_152 : i32 to index
      %get3A_713 = arith.constant 640 : index
      %get3A_714 = tpu.vector_load %arg12[%get3A_712, %get3A_713] {strides = array<i32>} : memref<32x768xf32, #tpu.memory_space<vmem>>, vector<1x16xf32>,
      %get3A_715 = vector.shape_cast %get3A_714 : vector<1x16xf32> to vector<16xf32>
      %get3A_716 = arith.index_cast %scan3A_152 : i32 to index
      %get3A_717 = arith.constant 640 : index
      %get3A_718 = tpu.vector_load %arg13[%get3A_716, %get3A_717] {strides = array<i32>} : memref<32x768xf32, #tpu.memory_space<vmem>>, vector<1x16xf32>,
      %get3A_719 = vector.shape_cast %get3A_718 : vector<1x16xf32> to vector<16xf32>
      %add3A_720 = arith.addf %get3A_715, %get3A_719 : vector<16xf32>
      %swap3A_721 = arith.index_cast %scan3A_152 : i32 to index
      %swap3A_722 = arith.constant 640 : index
      %swap3A_723 = tpu.vector_load %arg12[%swap3A_721, %swap3A_722] {strides = array<i32>} : memref<32x768xf32, #tpu.memory_space<vmem>>, vector<1x16xf32>,
      %swap3A_724 = vector.shape_cast %swap3A_723 : vector<1x16xf32> to vector<16xf32>
      %swap3A_725 = vector.shape_cast %add3A_720 : vector<16xf32> to vector<1x16xf32>
      tpu.vector_store %arg12[%swap3A_721, %swap3A_722], %swap3A_725 {strides = array<i32>} : memref<32x768xf32, #tpu.memory_space<vmem>>, vector<1x16xf32>,
      %get3A_726 = arith.index_cast %scan3A_152 : i32 to index
      %get3A_727 = arith.constant 656 : index
      %get3A_728 = tpu.vector_load %arg12[%get3A_726, %get3A_727] {strides = array<i32>} : memref<32x768xf32, #tpu.memory_space<vmem>>, vector<1x16xf32>,
      %get3A_729 = vector.shape_cast %get3A_728 : vector<1x16xf32> to vector<16xf32>
      %get3A_730 = arith.index_cast %scan3A_152 : i32 to index
      %get3A_731 = arith.constant 656 : index
      %get3A_732 = tpu.vector_load %arg13[%get3A_730, %get3A_731] {strides = array<i32>} : memref<32x768xf32, #tpu.memory_space<vmem>>, vector<1x16xf32>,
      %get3A_733 = vector.shape_cast %get3A_732 : vector<1x16xf32> to vector<16xf32>
      %add3A_734 = arith.addf %get3A_729, %get3A_733 : vector<16xf32>
      %swap3A_735 = arith.index_cast %scan3A_152 : i32 to index
      %swap3A_736 = arith.constant 656 : index
      %swap3A_737 = tpu.vector_load %arg12[%swap3A_735, %swap3A_736] {strides = array<i32>} : memref<32x768xf32, #tpu.memory_space<vmem>>, vector<1x16xf32>,
      %swap3A_738 = vector.shape_cast %swap3A_737 : vector<1x16xf32> to vector<16xf32>
      %swap3A_739 = vector.shape_cast %add3A_734 : vector<16xf32> to vector<1x16xf32>
      tpu.vector_store %arg12[%swap3A_735, %swap3A_736], %swap3A_739 {strides = array<i32>} : memref<32x768xf32, #tpu.memory_space<vmem>>, vector<1x16xf32>,
      %get3A_740 = arith.index_cast %scan3A_152 : i32 to index
      %get3A_741 = arith.constant 672 : index
      %get3A_742 = tpu.vector_load %arg12[%get3A_740, %get3A_741] {strides = array<i32>} : memref<32x768xf32, #tpu.memory_space<vmem>>, vector<1x16xf32>,
      %get3A_743 = vector.shape_cast %get3A_742 : vector<1x16xf32> to vector<16xf32>
      %get3A_744 = arith.index_cast %scan3A_152 : i32 to index
      %get3A_745 = arith.constant 672 : index
      %get3A_746 = tpu.vector_load %arg13[%get3A_744, %get3A_745] {strides = array<i32>} : memref<32x768xf32, #tpu.memory_space<vmem>>, vector<1x16xf32>,
      %get3A_747 = vector.shape_cast %get3A_746 : vector<1x16xf32> to vector<16xf32>
      %add3A_748 = arith.addf %get3A_743, %get3A_747 : vector<16xf32>
      %swap3A_749 = arith.index_cast %scan3A_152 : i32 to index
      %swap3A_750 = arith.constant 672 : index
      %swap3A_751 = tpu.vector_load %arg12[%swap3A_749, %swap3A_750] {strides = array<i32>} : memref<32x768xf32, #tpu.memory_space<vmem>>, vector<1x16xf32>,
      %swap3A_752 = vector.shape_cast %swap3A_751 : vector<1x16xf32> to vector<16xf32>
      %swap3A_753 = vector.shape_cast %add3A_748 : vector<16xf32> to vector<1x16xf32>
      tpu.vector_store %arg12[%swap3A_749, %swap3A_750], %swap3A_753 {strides = array<i32>} : memref<32x768xf32, #tpu.memory_space<vmem>>, vector<1x16xf32>,
      %get3A_754 = arith.index_cast %scan3A_152 : i32 to index
      %get3A_755 = arith.constant 688 : index
      %get3A_756 = tpu.vector_load %arg12[%get3A_754, %get3A_755] {strides = array<i32>} : memref<32x768xf32, #tpu.memory_space<vmem>>, vector<1x16xf32>,
      %get3A_757 = vector.shape_cast %get3A_756 : vector<1x16xf32> to vector<16xf32>
      %get3A_758 = arith.index_cast %scan3A_152 : i32 to index
      %get3A_759 = arith.constant 688 : index
      %get3A_760 = tpu.vector_load %arg13[%get3A_758, %get3A_759] {strides = array<i32>} : memref<32x768xf32, #tpu.memory_space<vmem>>, vector<1x16xf32>,
      %get3A_761 = vector.shape_cast %get3A_760 : vector<1x16xf32> to vector<16xf32>
      %add3A_762 = arith.addf %get3A_757, %get3A_761 : vector<16xf32>
      %swap3A_763 = arith.index_cast %scan3A_152 : i32 to index
      %swap3A_764 = arith.constant 688 : index
      %swap3A_765 = tpu.vector_load %arg12[%swap3A_763, %swap3A_764] {strides = array<i32>} : memref<32x768xf32, #tpu.memory_space<vmem>>, vector<1x16xf32>,
      %swap3A_766 = vector.shape_cast %swap3A_765 : vector<1x16xf32> to vector<16xf32>
      %swap3A_767 = vector.shape_cast %add3A_762 : vector<16xf32> to vector<1x16xf32>
      tpu.vector_store %arg12[%swap3A_763, %swap3A_764], %swap3A_767 {strides = array<i32>} : memref<32x768xf32, #tpu.memory_space<vmem>>, vector<1x16xf32>,
      %get3A_768 = arith.index_cast %scan3A_152 : i32 to index
      %get3A_769 = arith.constant 704 : index
      %get3A_770 = tpu.vector_load %arg12[%get3A_768, %get3A_769] {strides = array<i32>} : memref<32x768xf32, #tpu.memory_space<vmem>>, vector<1x16xf32>,
      %get3A_771 = vector.shape_cast %get3A_770 : vector<1x16xf32> to vector<16xf32>
      %get3A_772 = arith.index_cast %scan3A_152 : i32 to index
      %get3A_773 = arith.constant 704 : index
      %get3A_774 = tpu.vector_load %arg13[%get3A_772, %get3A_773] {strides = array<i32>} : memref<32x768xf32, #tpu.memory_space<vmem>>, vector<1x16xf32>,
      %get3A_775 = vector.shape_cast %get3A_774 : vector<1x16xf32> to vector<16xf32>
      %add3A_776 = arith.addf %get3A_771, %get3A_775 : vector<16xf32>
      %swap3A_777 = arith.index_cast %scan3A_152 : i32 to index
      %swap3A_778 = arith.constant 704 : index
      %swap3A_779 = tpu.vector_load %arg12[%swap3A_777, %swap3A_778] {strides = array<i32>} : memref<32x768xf32, #tpu.memory_space<vmem>>, vector<1x16xf32>,
      %swap3A_780 = vector.shape_cast %swap3A_779 : vector<1x16xf32> to vector<16xf32>
      %swap3A_781 = vector.shape_cast %add3A_776 : vector<16xf32> to vector<1x16xf32>
      tpu.vector_store %arg12[%swap3A_777, %swap3A_778], %swap3A_781 {strides = array<i32>} : memref<32x768xf32, #tpu.memory_space<vmem>>, vector<1x16xf32>,
      %get3A_782 = arith.index_cast %scan3A_152 : i32 to index
      %get3A_783 = arith.constant 720 : index
      %get3A_784 = tpu.vector_load %arg12[%get3A_782, %get3A_783] {strides = array<i32>} : memref<32x768xf32, #tpu.memory_space<vmem>>, vector<1x16xf32>,
      %get3A_785 = vector.shape_cast %get3A_784 : vector<1x16xf32> to vector<16xf32>
      %get3A_786 = arith.index_cast %scan3A_152 : i32 to index
      %get3A_787 = arith.constant 720 : index
      %get3A_788 = tpu.vector_load %arg13[%get3A_786, %get3A_787] {strides = array<i32>} : memref<32x768xf32, #tpu.memory_space<vmem>>, vector<1x16xf32>,
      %get3A_789 = vector.shape_cast %get3A_788 : vector<1x16xf32> to vector<16xf32>
      %add3A_790 = arith.addf %get3A_785, %get3A_789 : vector<16xf32>
      %swap3A_791 = arith.index_cast %scan3A_152 : i32 to index
      %swap3A_792 = arith.constant 720 : index
      %swap3A_793 = tpu.vector_load %arg12[%swap3A_791, %swap3A_792] {strides = array<i32>} : memref<32x768xf32, #tpu.memory_space<vmem>>, vector<1x16xf32>,
      %swap3A_794 = vector.shape_cast %swap3A_793 : vector<1x16xf32> to vector<16xf32>
      %swap3A_795 = vector.shape_cast %add3A_790 : vector<16xf32> to vector<1x16xf32>
      tpu.vector_store %arg12[%swap3A_791, %swap3A_792], %swap3A_795 {strides = array<i32>} : memref<32x768xf32, #tpu.memory_space<vmem>>, vector<1x16xf32>,
      %get3A_796 = arith.index_cast %scan3A_152 : i32 to index
      %get3A_797 = arith.constant 736 : index
      %get3A_798 = tpu.vector_load %arg12[%get3A_796, %get3A_797] {strides = array<i32>} : memref<32x768xf32, #tpu.memory_space<vmem>>, vector<1x16xf32>,
      %get3A_799 = vector.shape_cast %get3A_798 : vector<1x16xf32> to vector<16xf32>
      %get3A_800 = arith.index_cast %scan3A_152 : i32 to index
      %get3A_801 = arith.constant 736 : index
      %get3A_802 = tpu.vector_load %arg13[%get3A_800, %get3A_801] {strides = array<i32>} : memref<32x768xf32, #tpu.memory_space<vmem>>, vector<1x16xf32>,
      %get3A_803 = vector.shape_cast %get3A_802 : vector<1x16xf32> to vector<16xf32>
      %add3A_804 = arith.addf %get3A_799, %get3A_803 : vector<16xf32>
      %swap3A_805 = arith.index_cast %scan3A_152 : i32 to index
      %swap3A_806 = arith.constant 736 : index
      %swap3A_807 = tpu.vector_load %arg12[%swap3A_805, %swap3A_806] {strides = array<i32>} : memref<32x768xf32, #tpu.memory_space<vmem>>, vector<1x16xf32>,
      %swap3A_808 = vector.shape_cast %swap3A_807 : vector<1x16xf32> to vector<16xf32>
      %swap3A_809 = vector.shape_cast %add3A_804 : vector<16xf32> to vector<1x16xf32>
      tpu.vector_store %arg12[%swap3A_805, %swap3A_806], %swap3A_809 {strides = array<i32>} : memref<32x768xf32, #tpu.memory_space<vmem>>, vector<1x16xf32>,
      %get3A_810 = arith.index_cast %scan3A_152 : i32 to index
      %get3A_811 = arith.constant 752 : index
      %get3A_812 = tpu.vector_load %arg12[%get3A_810, %get3A_811] {strides = array<i32>} : memref<32x768xf32, #tpu.memory_space<vmem>>, vector<1x16xf32>,
      %get3A_813 = vector.shape_cast %get3A_812 : vector<1x16xf32> to vector<16xf32>
      %get3A_814 = arith.index_cast %scan3A_152 : i32 to index
      %get3A_815 = arith.constant 752 : index
      %get3A_816 = tpu.vector_load %arg13[%get3A_814, %get3A_815] {strides = array<i32>} : memref<32x768xf32, #tpu.memory_space<vmem>>, vector<1x16xf32>,
      %get3A_817 = vector.shape_cast %get3A_816 : vector<1x16xf32> to vector<16xf32>
      %add3A_818 = arith.addf %get3A_813, %get3A_817 : vector<16xf32>
      %swap3A_819 = arith.index_cast %scan3A_152 : i32 to index
      %swap3A_820 = arith.constant 752 : index
      %swap3A_821 = tpu.vector_load %arg12[%swap3A_819, %swap3A_820] {strides = array<i32>} : memref<32x768xf32, #tpu.memory_space<vmem>>, vector<1x16xf32>,
      %swap3A_822 = vector.shape_cast %swap3A_821 : vector<1x16xf32> to vector<16xf32>
      %swap3A_823 = vector.shape_cast %add3A_818 : vector<16xf32> to vector<1x16xf32>
      tpu.vector_store %arg12[%swap3A_819, %swap3A_820], %swap3A_823 {strides = array<i32>} : memref<32x768xf32, #tpu.memory_space<vmem>>, vector<1x16xf32>,
      %scan3A_824 = arith.constant 0 : i32
      scf.yield %scan3A_824 : i32
    }
    %scan3A_137 = arith.constant 32 : i32
    %add3A_138 = arith.constant 96 : i32
    %add3A_139 = arith.addi %mul3A_2, %add3A_138 : i32
    %dma_start3A_140 = arith.constant 0 : i32
    %dma_start3A_141 = tpu.memref_slice %arg6[%add3A_139, %dma_start3A_140] : memref<4096x768xf32, #tpu.memory_space<hbm>> -> memref<32x768xf32, #tpu.memory_space<hbm>>
    %dma_start3A_142 = arith.constant 0 : i32
    %dma_start3A_143 = tpu.memref_slice %arg6[%add3A_139, %dma_start3A_142] : memref<4096x768xf32, #tpu.memory_space<hbm>> -> memref<32x768xf32, #tpu.memory_space<hbm>>
    tpu.enqueue_dma source(%arg12 : memref<32x768xf32, #tpu.memory_space<vmem>>) target(%dma_start3A_143 : memref<32x768xf32, #tpu.memory_space<hbm>>) target_semaphore(%arg17 : memref<!tpu.dma_semaphore, #tpu.memory_space<semaphore_mem>>)
    %dma_wait3A_144 = arith.constant 0 : i32
    %dma_wait3A_145 = tpu.memref_slice %arg6[%add3A_116, %dma_wait3A_144] : memref<4096x768xf32, #tpu.memory_space<hbm>> -> memref<32x768xf32, #tpu.memory_space<hbm>>
    %dma_wait3A_146 = arith.constant 0 : i32
    %dma_wait3A_147 = tpu.memref_slice %arg6[%add3A_116, %dma_wait3A_146] : memref<4096x768xf32, #tpu.memory_space<hbm>> -> memref<32x768xf32, #tpu.memory_space<hbm>>
    tpu.wait_dma2 semaphore(%arg16 : memref<!tpu.dma_semaphore, #tpu.memory_space<semaphore_mem>>) src(%arg10 : memref<32x768xf32, #tpu.memory_space<vmem>>) dst(%dma_wait3A_147 : memref<32x768xf32, #tpu.memory_space<hbm>>)
    %dma_wait3A_148 = arith.constant 0 : i32
    %dma_wait3A_149 = tpu.memref_slice %arg6[%add3A_139, %dma_wait3A_148] : memref<4096x768xf32, #tpu.memory_space<hbm>> -> memref<32x768xf32, #tpu.memory_space<hbm>>
    %dma_wait3A_150 = arith.constant 0 : i32
    %dma_wait3A_151 = tpu.memref_slice %arg6[%add3A_139, %dma_wait3A_150] : memref<4096x768xf32, #tpu.memory_space<hbm>> -> memref<32x768xf32, #tpu.memory_space<hbm>>
    tpu.wait_dma2 semaphore(%arg17 : memref<!tpu.dma_semaphore, #tpu.memory_space<semaphore_mem>>) src(%arg12 : memref<32x768xf32, #tpu.memory_space<vmem>>) dst(%dma_wait3A_151 : memref<32x768xf32, #tpu.memory_space<hbm>>)
    return
  }
}

module attributes {stable_mosaic.version = 14 : i64} {
  func.func @_topk_body(%arg0: i32, %arg1: memref<1x1024x768xf32, #tpu.memory_space<vmem>>, %arg2: memref<1x768xf32, #tpu.memory_space<vmem>>, %arg3: memref<1x768xf32, #tpu.memory_space<vmem>>, %arg4: memref<1x768xf32, #tpu.memory_space<vmem>>, %arg5: memref<1x1xf32, #tpu.memory_space<vmem>>, %arg6: memref<1x1x256xi32, #tpu.memory_space<vmem>>) attributes {dimension_semantics = [#tpu.dimension_semantics<arbitrary>], iteration_bounds = array<i64: 16>, scalar_prefetch = 0 : i64, scratch_operands = 0 : i64, tpu.core_type = #tpu.core_type<tc>, window_params = [{transform_indices = @transform_0, window_bounds = array<i64: 1, 1024, 768>}, {pipeline_mode = #tpu.pipeline_mode<synchronous>, transform_indices = @transform_1, window_bounds = array<i64: 1, 768>}, {pipeline_mode = #tpu.pipeline_mode<synchronous>, transform_indices = @transform_2, window_bounds = array<i64: 1, 768>}, {pipeline_mode = #tpu.pipeline_mode<synchronous>, transform_indices = @transform_3, window_bounds = array<i64: 1, 768>}, {pipeline_mode = #tpu.pipeline_mode<synchronous>, transform_indices = @transform_4, window_bounds = array<i64: 1, 1>}, {transform_indices = @transform_5, window_bounds = array<i64: 1, 1, 256>}]} {
    %add3A = arith.constant 0 : i32
    %add3A_0 = arith.addi %arg0, %add3A : i32
    %get3A = arith.constant 0 : index
    %get3A_1 = arith.constant 0 : index
    %get3A_2 = arith.constant 0 : index
    %get3A_3 = vector.load %arg1[%get3A, %get3A_1, %get3A_2] : memref<1x1024x768xf32, #tpu.memory_space<vmem>>, vector<1x1024x768xf32>
    %get3A_4 = vector.shape_cast %get3A_3 : vector<1x1024x768xf32> to vector<1024x768xf32>
    %transpose3A = tpu.transpose %get3A_4, [1, 0] : vector<1024x768xf32> -> vector<768x1024xf32>
    %slice3A = vector.extract_strided_slice %transpose3A {offsets = [0, 0], sizes = [128, 1024], strides = [1, 1]} : vector<768x1024xf32> to vector<128x1024xf32>
    %slice3A_5 = vector.extract_strided_slice %transpose3A {offsets = [128, 0], sizes = [128, 1024], strides = [1, 1]} : vector<768x1024xf32> to vector<128x1024xf32>
    %add3A_6 = arith.addf %slice3A, %slice3A_5 : vector<128x1024xf32>
    %slice3A_7 = vector.extract_strided_slice %add3A_6 {offsets = [0, 0], sizes = [8, 1024], strides = [1, 1]} : vector<128x1024xf32> to vector<8x1024xf32>
    %slice3A_8 = vector.extract_strided_slice %add3A_6 {offsets = [8, 0], sizes = [8, 1024], strides = [1, 1]} : vector<128x1024xf32> to vector<8x1024xf32>
    %add3A_9 = arith.addf %slice3A_7, %slice3A_8 : vector<8x1024xf32>
    %slice3A_10 = vector.extract_strided_slice %add3A_6 {offsets = [16, 0], sizes = [8, 1024], strides = [1, 1]} : vector<128x1024xf32> to vector<8x1024xf32>
    %add3A_11 = arith.addf %add3A_9, %slice3A_10 : vector<8x1024xf32>
    %slice3A_12 = vector.extract_strided_slice %add3A_6 {offsets = [24, 0], sizes = [8, 1024], strides = [1, 1]} : vector<128x1024xf32> to vector<8x1024xf32>
    %add3A_13 = arith.addf %add3A_11, %slice3A_12 : vector<8x1024xf32>
    %slice3A_14 = vector.extract_strided_slice %add3A_6 {offsets = [32, 0], sizes = [8, 1024], strides = [1, 1]} : vector<128x1024xf32> to vector<8x1024xf32>
    %add3A_15 = arith.addf %add3A_13, %slice3A_14 : vector<8x1024xf32>
    %slice3A_16 = vector.extract_strided_slice %add3A_6 {offsets = [40, 0], sizes = [8, 1024], strides = [1, 1]} : vector<128x1024xf32> to vector<8x1024xf32>
    %add3A_17 = arith.addf %add3A_15, %slice3A_16 : vector<8x1024xf32>
    %slice3A_18 = vector.extract_strided_slice %add3A_6 {offsets = [48, 0], sizes = [8, 1024], strides = [1, 1]} : vector<128x1024xf32> to vector<8x1024xf32>
    %add3A_19 = arith.addf %add3A_17, %slice3A_18 : vector<8x1024xf32>
    %slice3A_20 = vector.extract_strided_slice %add3A_6 {offsets = [56, 0], sizes = [8, 1024], strides = [1, 1]} : vector<128x1024xf32> to vector<8x1024xf32>
    %add3A_21 = arith.addf %add3A_19, %slice3A_20 : vector<8x1024xf32>
    %slice3A_22 = vector.extract_strided_slice %add3A_6 {offsets = [64, 0], sizes = [8, 1024], strides = [1, 1]} : vector<128x1024xf32> to vector<8x1024xf32>
    %add3A_23 = arith.addf %add3A_21, %slice3A_22 : vector<8x1024xf32>
    %slice3A_24 = vector.extract_strided_slice %add3A_6 {offsets = [72, 0], sizes = [8, 1024], strides = [1, 1]} : vector<128x1024xf32> to vector<8x1024xf32>
    %add3A_25 = arith.addf %add3A_23, %slice3A_24 : vector<8x1024xf32>
    %slice3A_26 = vector.extract_strided_slice %add3A_6 {offsets = [80, 0], sizes = [8, 1024], strides = [1, 1]} : vector<128x1024xf32> to vector<8x1024xf32>
    %add3A_27 = arith.addf %add3A_25, %slice3A_26 : vector<8x1024xf32>
    %slice3A_28 = vector.extract_strided_slice %add3A_6 {offsets = [88, 0], sizes = [8, 1024], strides = [1, 1]} : vector<128x1024xf32> to vector<8x1024xf32>
    %add3A_29 = arith.addf %add3A_27, %slice3A_28 : vector<8x1024xf32>
    %slice3A_30 = vector.extract_strided_slice %add3A_6 {offsets = [96, 0], sizes = [8, 1024], strides = [1, 1]} : vector<128x1024xf32> to vector<8x1024xf32>
    %add3A_31 = arith.addf %add3A_29, %slice3A_30 : vector<8x1024xf32>
    %slice3A_32 = vector.extract_strided_slice %add3A_6 {offsets = [104, 0], sizes = [8, 1024], strides = [1, 1]} : vector<128x1024xf32> to vector<8x1024xf32>
    %add3A_33 = arith.addf %add3A_31, %slice3A_32 : vector<8x1024xf32>
    %slice3A_34 = vector.extract_strided_slice %add3A_6 {offsets = [112, 0], sizes = [8, 1024], strides = [1, 1]} : vector<128x1024xf32> to vector<8x1024xf32>
    %add3A_35 = arith.addf %add3A_33, %slice3A_34 : vector<8x1024xf32>
    %slice3A_36 = vector.extract_strided_slice %add3A_6 {offsets = [120, 0], sizes = [8, 1024], strides = [1, 1]} : vector<128x1024xf32> to vector<8x1024xf32>
    %add3A_37 = arith.addf %add3A_35, %slice3A_36 : vector<8x1024xf32>
    %slice3A_38 = vector.extract_strided_slice %add3A_37 {offsets = [0, 0], sizes = [4, 1024], strides = [1, 1]} : vector<8x1024xf32> to vector<4x1024xf32>
    %slice3A_39 = vector.extract_strided_slice %add3A_37 {offsets = [4, 0], sizes = [4, 1024], strides = [1, 1]} : vector<8x1024xf32> to vector<4x1024xf32>
    %add3A_40 = arith.addf %slice3A_38, %slice3A_39 : vector<4x1024xf32>
    %slice3A_41 = vector.extract_strided_slice %add3A_40 {offsets = [0, 0], sizes = [2, 1024], strides = [1, 1]} : vector<4x1024xf32> to vector<2x1024xf32>
    %slice3A_42 = vector.extract_strided_slice %add3A_40 {offsets = [2, 0], sizes = [2, 1024], strides = [1, 1]} : vector<4x1024xf32> to vector<2x1024xf32>
    %add3A_43 = arith.addf %slice3A_41, %slice3A_42 : vector<2x1024xf32>
    %slice3A_44 = vector.extract_strided_slice %add3A_43 {offsets = [0, 0], sizes = [1, 1024], strides = [1, 1]} : vector<2x1024xf32> to vector<1x1024xf32>
    %slice3A_45 = vector.extract_strided_slice %add3A_43 {offsets = [1, 0], sizes = [1, 1024], strides = [1, 1]} : vector<2x1024xf32> to vector<1x1024xf32>
    %add3A_46 = arith.addf %slice3A_44, %slice3A_45 : vector<1x1024xf32>
    %slice3A_47 = vector.extract_strided_slice %transpose3A {offsets = [256, 0], sizes = [128, 1024], strides = [1, 1]} : vector<768x1024xf32> to vector<128x1024xf32>
    %slice3A_48 = vector.extract_strided_slice %transpose3A {offsets = [384, 0], sizes = [128, 1024], strides = [1, 1]} : vector<768x1024xf32> to vector<128x1024xf32>
    %add3A_49 = arith.addf %slice3A_47, %slice3A_48 : vector<128x1024xf32>
    %slice3A_50 = vector.extract_strided_slice %add3A_49 {offsets = [0, 0], sizes = [8, 1024], strides = [1, 1]} : vector<128x1024xf32> to vector<8x1024xf32>
    %slice3A_51 = vector.extract_strided_slice %add3A_49 {offsets = [8, 0], sizes = [8, 1024], strides = [1, 1]} : vector<128x1024xf32> to vector<8x1024xf32>
    %add3A_52 = arith.addf %slice3A_50, %slice3A_51 : vector<8x1024xf32>
    %slice3A_53 = vector.extract_strided_slice %add3A_49 {offsets = [16, 0], sizes = [8, 1024], strides = [1, 1]} : vector<128x1024xf32> to vector<8x1024xf32>
    %add3A_54 = arith.addf %add3A_52, %slice3A_53 : vector<8x1024xf32>
    %slice3A_55 = vector.extract_strided_slice %add3A_49 {offsets = [24, 0], sizes = [8, 1024], strides = [1, 1]} : vector<128x1024xf32> to vector<8x1024xf32>
    %add3A_56 = arith.addf %add3A_54, %slice3A_55 : vector<8x1024xf32>
    %slice3A_57 = vector.extract_strided_slice %add3A_49 {offsets = [32, 0], sizes = [8, 1024], strides = [1, 1]} : vector<128x1024xf32> to vector<8x1024xf32>
    %add3A_58 = arith.addf %add3A_56, %slice3A_57 : vector<8x1024xf32>
    %slice3A_59 = vector.extract_strided_slice %add3A_49 {offsets = [40, 0], sizes = [8, 1024], strides = [1, 1]} : vector<128x1024xf32> to vector<8x1024xf32>
    %add3A_60 = arith.addf %add3A_58, %slice3A_59 : vector<8x1024xf32>
    %slice3A_61 = vector.extract_strided_slice %add3A_49 {offsets = [48, 0], sizes = [8, 1024], strides = [1, 1]} : vector<128x1024xf32> to vector<8x1024xf32>
    %add3A_62 = arith.addf %add3A_60, %slice3A_61 : vector<8x1024xf32>
    %slice3A_63 = vector.extract_strided_slice %add3A_49 {offsets = [56, 0], sizes = [8, 1024], strides = [1, 1]} : vector<128x1024xf32> to vector<8x1024xf32>
    %add3A_64 = arith.addf %add3A_62, %slice3A_63 : vector<8x1024xf32>
    %slice3A_65 = vector.extract_strided_slice %add3A_49 {offsets = [64, 0], sizes = [8, 1024], strides = [1, 1]} : vector<128x1024xf32> to vector<8x1024xf32>
    %add3A_66 = arith.addf %add3A_64, %slice3A_65 : vector<8x1024xf32>
    %slice3A_67 = vector.extract_strided_slice %add3A_49 {offsets = [72, 0], sizes = [8, 1024], strides = [1, 1]} : vector<128x1024xf32> to vector<8x1024xf32>
    %add3A_68 = arith.addf %add3A_66, %slice3A_67 : vector<8x1024xf32>
    %slice3A_69 = vector.extract_strided_slice %add3A_49 {offsets = [80, 0], sizes = [8, 1024], strides = [1, 1]} : vector<128x1024xf32> to vector<8x1024xf32>
    %add3A_70 = arith.addf %add3A_68, %slice3A_69 : vector<8x1024xf32>
    %slice3A_71 = vector.extract_strided_slice %add3A_49 {offsets = [88, 0], sizes = [8, 1024], strides = [1, 1]} : vector<128x1024xf32> to vector<8x1024xf32>
    %add3A_72 = arith.addf %add3A_70, %slice3A_71 : vector<8x1024xf32>
    %slice3A_73 = vector.extract_strided_slice %add3A_49 {offsets = [96, 0], sizes = [8, 1024], strides = [1, 1]} : vector<128x1024xf32> to vector<8x1024xf32>
    %add3A_74 = arith.addf %add3A_72, %slice3A_73 : vector<8x1024xf32>
    %slice3A_75 = vector.extract_strided_slice %add3A_49 {offsets = [104, 0], sizes = [8, 1024], strides = [1, 1]} : vector<128x1024xf32> to vector<8x1024xf32>
    %add3A_76 = arith.addf %add3A_74, %slice3A_75 : vector<8x1024xf32>
    %slice3A_77 = vector.extract_strided_slice %add3A_49 {offsets = [112, 0], sizes = [8, 1024], strides = [1, 1]} : vector<128x1024xf32> to vector<8x1024xf32>
    %add3A_78 = arith.addf %add3A_76, %slice3A_77 : vector<8x1024xf32>
    %slice3A_79 = vector.extract_strided_slice %add3A_49 {offsets = [120, 0], sizes = [8, 1024], strides = [1, 1]} : vector<128x1024xf32> to vector<8x1024xf32>
    %add3A_80 = arith.addf %add3A_78, %slice3A_79 : vector<8x1024xf32>
    %slice3A_81 = vector.extract_strided_slice %add3A_80 {offsets = [0, 0], sizes = [4, 1024], strides = [1, 1]} : vector<8x1024xf32> to vector<4x1024xf32>
    %slice3A_82 = vector.extract_strided_slice %add3A_80 {offsets = [4, 0], sizes = [4, 1024], strides = [1, 1]} : vector<8x1024xf32> to vector<4x1024xf32>
    %add3A_83 = arith.addf %slice3A_81, %slice3A_82 : vector<4x1024xf32>
    %slice3A_84 = vector.extract_strided_slice %add3A_83 {offsets = [0, 0], sizes = [2, 1024], strides = [1, 1]} : vector<4x1024xf32> to vector<2x1024xf32>
    %slice3A_85 = vector.extract_strided_slice %add3A_83 {offsets = [2, 0], sizes = [2, 1024], strides = [1, 1]} : vector<4x1024xf32> to vector<2x1024xf32>
    %add3A_86 = arith.addf %slice3A_84, %slice3A_85 : vector<2x1024xf32>
    %slice3A_87 = vector.extract_strided_slice %add3A_86 {offsets = [0, 0], sizes = [1, 1024], strides = [1, 1]} : vector<2x1024xf32> to vector<1x1024xf32>
    %slice3A_88 = vector.extract_strided_slice %add3A_86 {offsets = [1, 0], sizes = [1, 1024], strides = [1, 1]} : vector<2x1024xf32> to vector<1x1024xf32>
    %add3A_89 = arith.addf %slice3A_87, %slice3A_88 : vector<1x1024xf32>
    %add3A_90 = arith.addf %add3A_46, %add3A_89 : vector<1x1024xf32>
    %slice3A_91 = vector.extract_strided_slice %transpose3A {offsets = [512, 0], sizes = [128, 1024], strides = [1, 1]} : vector<768x1024xf32> to vector<128x1024xf32>
    %slice3A_92 = vector.extract_strided_slice %transpose3A {offsets = [640, 0], sizes = [128, 1024], strides = [1, 1]} : vector<768x1024xf32> to vector<128x1024xf32>
    %add3A_93 = arith.addf %slice3A_91, %slice3A_92 : vector<128x1024xf32>
    %slice3A_94 = vector.extract_strided_slice %add3A_93 {offsets = [0, 0], sizes = [8, 1024], strides = [1, 1]} : vector<128x1024xf32> to vector<8x1024xf32>
    %slice3A_95 = vector.extract_strided_slice %add3A_93 {offsets = [8, 0], sizes = [8, 1024], strides = [1, 1]} : vector<128x1024xf32> to vector<8x1024xf32>
    %add3A_96 = arith.addf %slice3A_94, %slice3A_95 : vector<8x1024xf32>
    %slice3A_97 = vector.extract_strided_slice %add3A_93 {offsets = [16, 0], sizes = [8, 1024], strides = [1, 1]} : vector<128x1024xf32> to vector<8x1024xf32>
    %add3A_98 = arith.addf %add3A_96, %slice3A_97 : vector<8x1024xf32>
    %slice3A_99 = vector.extract_strided_slice %add3A_93 {offsets = [24, 0], sizes = [8, 1024], strides = [1, 1]} : vector<128x1024xf32> to vector<8x1024xf32>
    %add3A_100 = arith.addf %add3A_98, %slice3A_99 : vector<8x1024xf32>
    %slice3A_101 = vector.extract_strided_slice %add3A_93 {offsets = [32, 0], sizes = [8, 1024], strides = [1, 1]} : vector<128x1024xf32> to vector<8x1024xf32>
    %add3A_102 = arith.addf %add3A_100, %slice3A_101 : vector<8x1024xf32>
    %slice3A_103 = vector.extract_strided_slice %add3A_93 {offsets = [40, 0], sizes = [8, 1024], strides = [1, 1]} : vector<128x1024xf32> to vector<8x1024xf32>
    %add3A_104 = arith.addf %add3A_102, %slice3A_103 : vector<8x1024xf32>
    %slice3A_105 = vector.extract_strided_slice %add3A_93 {offsets = [48, 0], sizes = [8, 1024], strides = [1, 1]} : vector<128x1024xf32> to vector<8x1024xf32>
    %add3A_106 = arith.addf %add3A_104, %slice3A_105 : vector<8x1024xf32>
    %slice3A_107 = vector.extract_strided_slice %add3A_93 {offsets = [56, 0], sizes = [8, 1024], strides = [1, 1]} : vector<128x1024xf32> to vector<8x1024xf32>
    %add3A_108 = arith.addf %add3A_106, %slice3A_107 : vector<8x1024xf32>
    %slice3A_109 = vector.extract_strided_slice %add3A_93 {offsets = [64, 0], sizes = [8, 1024], strides = [1, 1]} : vector<128x1024xf32> to vector<8x1024xf32>
    %add3A_110 = arith.addf %add3A_108, %slice3A_109 : vector<8x1024xf32>
    %slice3A_111 = vector.extract_strided_slice %add3A_93 {offsets = [72, 0], sizes = [8, 1024], strides = [1, 1]} : vector<128x1024xf32> to vector<8x1024xf32>
    %add3A_112 = arith.addf %add3A_110, %slice3A_111 : vector<8x1024xf32>
    %slice3A_113 = vector.extract_strided_slice %add3A_93 {offsets = [80, 0], sizes = [8, 1024], strides = [1, 1]} : vector<128x1024xf32> to vector<8x1024xf32>
    %add3A_114 = arith.addf %add3A_112, %slice3A_113 : vector<8x1024xf32>
    %slice3A_115 = vector.extract_strided_slice %add3A_93 {offsets = [88, 0], sizes = [8, 1024], strides = [1, 1]} : vector<128x1024xf32> to vector<8x1024xf32>
    %add3A_116 = arith.addf %add3A_114, %slice3A_115 : vector<8x1024xf32>
    %slice3A_117 = vector.extract_strided_slice %add3A_93 {offsets = [96, 0], sizes = [8, 1024], strides = [1, 1]} : vector<128x1024xf32> to vector<8x1024xf32>
    %add3A_118 = arith.addf %add3A_116, %slice3A_117 : vector<8x1024xf32>
    %slice3A_119 = vector.extract_strided_slice %add3A_93 {offsets = [104, 0], sizes = [8, 1024], strides = [1, 1]} : vector<128x1024xf32> to vector<8x1024xf32>
    %add3A_120 = arith.addf %add3A_118, %slice3A_119 : vector<8x1024xf32>
    %slice3A_121 = vector.extract_strided_slice %add3A_93 {offsets = [112, 0], sizes = [8, 1024], strides = [1, 1]} : vector<128x1024xf32> to vector<8x1024xf32>
    %add3A_122 = arith.addf %add3A_120, %slice3A_121 : vector<8x1024xf32>
    %slice3A_123 = vector.extract_strided_slice %add3A_93 {offsets = [120, 0], sizes = [8, 1024], strides = [1, 1]} : vector<128x1024xf32> to vector<8x1024xf32>
    %add3A_124 = arith.addf %add3A_122, %slice3A_123 : vector<8x1024xf32>
    %slice3A_125 = vector.extract_strided_slice %add3A_124 {offsets = [0, 0], sizes = [4, 1024], strides = [1, 1]} : vector<8x1024xf32> to vector<4x1024xf32>
    %slice3A_126 = vector.extract_strided_slice %add3A_124 {offsets = [4, 0], sizes = [4, 1024], strides = [1, 1]} : vector<8x1024xf32> to vector<4x1024xf32>
    %add3A_127 = arith.addf %slice3A_125, %slice3A_126 : vector<4x1024xf32>
    %slice3A_128 = vector.extract_strided_slice %add3A_127 {offsets = [0, 0], sizes = [2, 1024], strides = [1, 1]} : vector<4x1024xf32> to vector<2x1024xf32>
    %slice3A_129 = vector.extract_strided_slice %add3A_127 {offsets = [2, 0], sizes = [2, 1024], strides = [1, 1]} : vector<4x1024xf32> to vector<2x1024xf32>
    %add3A_130 = arith.addf %slice3A_128, %slice3A_129 : vector<2x1024xf32>
    %slice3A_131 = vector.extract_strided_slice %add3A_130 {offsets = [0, 0], sizes = [1, 1024], strides = [1, 1]} : vector<2x1024xf32> to vector<1x1024xf32>
    %slice3A_132 = vector.extract_strided_slice %add3A_130 {offsets = [1, 0], sizes = [1, 1024], strides = [1, 1]} : vector<2x1024xf32> to vector<1x1024xf32>
    %add3A_133 = arith.addf %slice3A_131, %slice3A_132 : vector<1x1024xf32>
    %add3A_134 = arith.addf %add3A_90, %add3A_133 : vector<1x1024xf32>
    %mul3A = arith.constant 0.00130208337 : f32
    %mul3A_135 = vector.broadcast %mul3A : f32 to vector<1x1024xf32>
    %mul3A_136 = arith.mulf %add3A_134, %mul3A_135 : vector<1x1024xf32>
    %sub3A = vector.broadcast %mul3A_136 : vector<1x1024xf32> to vector<768x1024xf32>
    %sub3A_137 = arith.subf %transpose3A, %sub3A : vector<768x1024xf32>
    %mul3A_138 = arith.mulf %sub3A_137, %sub3A_137 : vector<768x1024xf32>
    %slice3A_139 = vector.extract_strided_slice %mul3A_138 {offsets = [0, 0], sizes = [128, 1024], strides = [1, 1]} : vector<768x1024xf32> to vector<128x1024xf32>
    %slice3A_140 = vector.extract_strided_slice %mul3A_138 {offsets = [128, 0], sizes = [128, 1024], strides = [1, 1]} : vector<768x1024xf32> to vector<128x1024xf32>
    %add3A_141 = arith.addf %slice3A_139, %slice3A_140 : vector<128x1024xf32>
    %slice3A_142 = vector.extract_strided_slice %add3A_141 {offsets = [0, 0], sizes = [8, 1024], strides = [1, 1]} : vector<128x1024xf32> to vector<8x1024xf32>
    %slice3A_143 = vector.extract_strided_slice %add3A_141 {offsets = [8, 0], sizes = [8, 1024], strides = [1, 1]} : vector<128x1024xf32> to vector<8x1024xf32>
    %add3A_144 = arith.addf %slice3A_142, %slice3A_143 : vector<8x1024xf32>
    %slice3A_145 = vector.extract_strided_slice %add3A_141 {offsets = [16, 0], sizes = [8, 1024], strides = [1, 1]} : vector<128x1024xf32> to vector<8x1024xf32>
    %add3A_146 = arith.addf %add3A_144, %slice3A_145 : vector<8x1024xf32>
    %slice3A_147 = vector.extract_strided_slice %add3A_141 {offsets = [24, 0], sizes = [8, 1024], strides = [1, 1]} : vector<128x1024xf32> to vector<8x1024xf32>
    %add3A_148 = arith.addf %add3A_146, %slice3A_147 : vector<8x1024xf32>
    %slice3A_149 = vector.extract_strided_slice %add3A_141 {offsets = [32, 0], sizes = [8, 1024], strides = [1, 1]} : vector<128x1024xf32> to vector<8x1024xf32>
    %add3A_150 = arith.addf %add3A_148, %slice3A_149 : vector<8x1024xf32>
    %slice3A_151 = vector.extract_strided_slice %add3A_141 {offsets = [40, 0], sizes = [8, 1024], strides = [1, 1]} : vector<128x1024xf32> to vector<8x1024xf32>
    %add3A_152 = arith.addf %add3A_150, %slice3A_151 : vector<8x1024xf32>
    %slice3A_153 = vector.extract_strided_slice %add3A_141 {offsets = [48, 0], sizes = [8, 1024], strides = [1, 1]} : vector<128x1024xf32> to vector<8x1024xf32>
    %add3A_154 = arith.addf %add3A_152, %slice3A_153 : vector<8x1024xf32>
    %slice3A_155 = vector.extract_strided_slice %add3A_141 {offsets = [56, 0], sizes = [8, 1024], strides = [1, 1]} : vector<128x1024xf32> to vector<8x1024xf32>
    %add3A_156 = arith.addf %add3A_154, %slice3A_155 : vector<8x1024xf32>
    %slice3A_157 = vector.extract_strided_slice %add3A_141 {offsets = [64, 0], sizes = [8, 1024], strides = [1, 1]} : vector<128x1024xf32> to vector<8x1024xf32>
    %add3A_158 = arith.addf %add3A_156, %slice3A_157 : vector<8x1024xf32>
    %slice3A_159 = vector.extract_strided_slice %add3A_141 {offsets = [72, 0], sizes = [8, 1024], strides = [1, 1]} : vector<128x1024xf32> to vector<8x1024xf32>
    %add3A_160 = arith.addf %add3A_158, %slice3A_159 : vector<8x1024xf32>
    %slice3A_161 = vector.extract_strided_slice %add3A_141 {offsets = [80, 0], sizes = [8, 1024], strides = [1, 1]} : vector<128x1024xf32> to vector<8x1024xf32>
    %add3A_162 = arith.addf %add3A_160, %slice3A_161 : vector<8x1024xf32>
    %slice3A_163 = vector.extract_strided_slice %add3A_141 {offsets = [88, 0], sizes = [8, 1024], strides = [1, 1]} : vector<128x1024xf32> to vector<8x1024xf32>
    %add3A_164 = arith.addf %add3A_162, %slice3A_163 : vector<8x1024xf32>
    %slice3A_165 = vector.extract_strided_slice %add3A_141 {offsets = [96, 0], sizes = [8, 1024], strides = [1, 1]} : vector<128x1024xf32> to vector<8x1024xf32>
    %add3A_166 = arith.addf %add3A_164, %slice3A_165 : vector<8x1024xf32>
    %slice3A_167 = vector.extract_strided_slice %add3A_141 {offsets = [104, 0], sizes = [8, 1024], strides = [1, 1]} : vector<128x1024xf32> to vector<8x1024xf32>
    %add3A_168 = arith.addf %add3A_166, %slice3A_167 : vector<8x1024xf32>
    %slice3A_169 = vector.extract_strided_slice %add3A_141 {offsets = [112, 0], sizes = [8, 1024], strides = [1, 1]} : vector<128x1024xf32> to vector<8x1024xf32>
    %add3A_170 = arith.addf %add3A_168, %slice3A_169 : vector<8x1024xf32>
    %slice3A_171 = vector.extract_strided_slice %add3A_141 {offsets = [120, 0], sizes = [8, 1024], strides = [1, 1]} : vector<128x1024xf32> to vector<8x1024xf32>
    %add3A_172 = arith.addf %add3A_170, %slice3A_171 : vector<8x1024xf32>
    %slice3A_173 = vector.extract_strided_slice %add3A_172 {offsets = [0, 0], sizes = [4, 1024], strides = [1, 1]} : vector<8x1024xf32> to vector<4x1024xf32>
    %slice3A_174 = vector.extract_strided_slice %add3A_172 {offsets = [4, 0], sizes = [4, 1024], strides = [1, 1]} : vector<8x1024xf32> to vector<4x1024xf32>
    %add3A_175 = arith.addf %slice3A_173, %slice3A_174 : vector<4x1024xf32>
    %slice3A_176 = vector.extract_strided_slice %add3A_175 {offsets = [0, 0], sizes = [2, 1024], strides = [1, 1]} : vector<4x1024xf32> to vector<2x1024xf32>
    %slice3A_177 = vector.extract_strided_slice %add3A_175 {offsets = [2, 0], sizes = [2, 1024], strides = [1, 1]} : vector<4x1024xf32> to vector<2x1024xf32>
    %add3A_178 = arith.addf %slice3A_176, %slice3A_177 : vector<2x1024xf32>
    %slice3A_179 = vector.extract_strided_slice %add3A_178 {offsets = [0, 0], sizes = [1, 1024], strides = [1, 1]} : vector<2x1024xf32> to vector<1x1024xf32>
    %slice3A_180 = vector.extract_strided_slice %add3A_178 {offsets = [1, 0], sizes = [1, 1024], strides = [1, 1]} : vector<2x1024xf32> to vector<1x1024xf32>
    %add3A_181 = arith.addf %slice3A_179, %slice3A_180 : vector<1x1024xf32>
    %slice3A_182 = vector.extract_strided_slice %mul3A_138 {offsets = [256, 0], sizes = [128, 1024], strides = [1, 1]} : vector<768x1024xf32> to vector<128x1024xf32>
    %slice3A_183 = vector.extract_strided_slice %mul3A_138 {offsets = [384, 0], sizes = [128, 1024], strides = [1, 1]} : vector<768x1024xf32> to vector<128x1024xf32>
    %add3A_184 = arith.addf %slice3A_182, %slice3A_183 : vector<128x1024xf32>
    %slice3A_185 = vector.extract_strided_slice %add3A_184 {offsets = [0, 0], sizes = [8, 1024], strides = [1, 1]} : vector<128x1024xf32> to vector<8x1024xf32>
    %slice3A_186 = vector.extract_strided_slice %add3A_184 {offsets = [8, 0], sizes = [8, 1024], strides = [1, 1]} : vector<128x1024xf32> to vector<8x1024xf32>
    %add3A_187 = arith.addf %slice3A_185, %slice3A_186 : vector<8x1024xf32>
    %slice3A_188 = vector.extract_strided_slice %add3A_184 {offsets = [16, 0], sizes = [8, 1024], strides = [1, 1]} : vector<128x1024xf32> to vector<8x1024xf32>
    %add3A_189 = arith.addf %add3A_187, %slice3A_188 : vector<8x1024xf32>
    %slice3A_190 = vector.extract_strided_slice %add3A_184 {offsets = [24, 0], sizes = [8, 1024], strides = [1, 1]} : vector<128x1024xf32> to vector<8x1024xf32>
    %add3A_191 = arith.addf %add3A_189, %slice3A_190 : vector<8x1024xf32>
    %slice3A_192 = vector.extract_strided_slice %add3A_184 {offsets = [32, 0], sizes = [8, 1024], strides = [1, 1]} : vector<128x1024xf32> to vector<8x1024xf32>
    %add3A_193 = arith.addf %add3A_191, %slice3A_192 : vector<8x1024xf32>
    %slice3A_194 = vector.extract_strided_slice %add3A_184 {offsets = [40, 0], sizes = [8, 1024], strides = [1, 1]} : vector<128x1024xf32> to vector<8x1024xf32>
    %add3A_195 = arith.addf %add3A_193, %slice3A_194 : vector<8x1024xf32>
    %slice3A_196 = vector.extract_strided_slice %add3A_184 {offsets = [48, 0], sizes = [8, 1024], strides = [1, 1]} : vector<128x1024xf32> to vector<8x1024xf32>
    %add3A_197 = arith.addf %add3A_195, %slice3A_196 : vector<8x1024xf32>
    %slice3A_198 = vector.extract_strided_slice %add3A_184 {offsets = [56, 0], sizes = [8, 1024], strides = [1, 1]} : vector<128x1024xf32> to vector<8x1024xf32>
    %add3A_199 = arith.addf %add3A_197, %slice3A_198 : vector<8x1024xf32>
    %slice3A_200 = vector.extract_strided_slice %add3A_184 {offsets = [64, 0], sizes = [8, 1024], strides = [1, 1]} : vector<128x1024xf32> to vector<8x1024xf32>
    %add3A_201 = arith.addf %add3A_199, %slice3A_200 : vector<8x1024xf32>
    %slice3A_202 = vector.extract_strided_slice %add3A_184 {offsets = [72, 0], sizes = [8, 1024], strides = [1, 1]} : vector<128x1024xf32> to vector<8x1024xf32>
    %add3A_203 = arith.addf %add3A_201, %slice3A_202 : vector<8x1024xf32>
    %slice3A_204 = vector.extract_strided_slice %add3A_184 {offsets = [80, 0], sizes = [8, 1024], strides = [1, 1]} : vector<128x1024xf32> to vector<8x1024xf32>
    %add3A_205 = arith.addf %add3A_203, %slice3A_204 : vector<8x1024xf32>
    %slice3A_206 = vector.extract_strided_slice %add3A_184 {offsets = [88, 0], sizes = [8, 1024], strides = [1, 1]} : vector<128x1024xf32> to vector<8x1024xf32>
    %add3A_207 = arith.addf %add3A_205, %slice3A_206 : vector<8x1024xf32>
    %slice3A_208 = vector.extract_strided_slice %add3A_184 {offsets = [96, 0], sizes = [8, 1024], strides = [1, 1]} : vector<128x1024xf32> to vector<8x1024xf32>
    %add3A_209 = arith.addf %add3A_207, %slice3A_208 : vector<8x1024xf32>
    %slice3A_210 = vector.extract_strided_slice %add3A_184 {offsets = [104, 0], sizes = [8, 1024], strides = [1, 1]} : vector<128x1024xf32> to vector<8x1024xf32>
    %add3A_211 = arith.addf %add3A_209, %slice3A_210 : vector<8x1024xf32>
    %slice3A_212 = vector.extract_strided_slice %add3A_184 {offsets = [112, 0], sizes = [8, 1024], strides = [1, 1]} : vector<128x1024xf32> to vector<8x1024xf32>
    %add3A_213 = arith.addf %add3A_211, %slice3A_212 : vector<8x1024xf32>
    %slice3A_214 = vector.extract_strided_slice %add3A_184 {offsets = [120, 0], sizes = [8, 1024], strides = [1, 1]} : vector<128x1024xf32> to vector<8x1024xf32>
    %add3A_215 = arith.addf %add3A_213, %slice3A_214 : vector<8x1024xf32>
    %slice3A_216 = vector.extract_strided_slice %add3A_215 {offsets = [0, 0], sizes = [4, 1024], strides = [1, 1]} : vector<8x1024xf32> to vector<4x1024xf32>
    %slice3A_217 = vector.extract_strided_slice %add3A_215 {offsets = [4, 0], sizes = [4, 1024], strides = [1, 1]} : vector<8x1024xf32> to vector<4x1024xf32>
    %add3A_218 = arith.addf %slice3A_216, %slice3A_217 : vector<4x1024xf32>
    %slice3A_219 = vector.extract_strided_slice %add3A_218 {offsets = [0, 0], sizes = [2, 1024], strides = [1, 1]} : vector<4x1024xf32> to vector<2x1024xf32>
    %slice3A_220 = vector.extract_strided_slice %add3A_218 {offsets = [2, 0], sizes = [2, 1024], strides = [1, 1]} : vector<4x1024xf32> to vector<2x1024xf32>
    %add3A_221 = arith.addf %slice3A_219, %slice3A_220 : vector<2x1024xf32>
    %slice3A_222 = vector.extract_strided_slice %add3A_221 {offsets = [0, 0], sizes = [1, 1024], strides = [1, 1]} : vector<2x1024xf32> to vector<1x1024xf32>
    %slice3A_223 = vector.extract_strided_slice %add3A_221 {offsets = [1, 0], sizes = [1, 1024], strides = [1, 1]} : vector<2x1024xf32> to vector<1x1024xf32>
    %add3A_224 = arith.addf %slice3A_222, %slice3A_223 : vector<1x1024xf32>
    %add3A_225 = arith.addf %add3A_181, %add3A_224 : vector<1x1024xf32>
    %slice3A_226 = vector.extract_strided_slice %mul3A_138 {offsets = [512, 0], sizes = [128, 1024], strides = [1, 1]} : vector<768x1024xf32> to vector<128x1024xf32>
    %slice3A_227 = vector.extract_strided_slice %mul3A_138 {offsets = [640, 0], sizes = [128, 1024], strides = [1, 1]} : vector<768x1024xf32> to vector<128x1024xf32>
    %add3A_228 = arith.addf %slice3A_226, %slice3A_227 : vector<128x1024xf32>
    %slice3A_229 = vector.extract_strided_slice %add3A_228 {offsets = [0, 0], sizes = [8, 1024], strides = [1, 1]} : vector<128x1024xf32> to vector<8x1024xf32>
    %slice3A_230 = vector.extract_strided_slice %add3A_228 {offsets = [8, 0], sizes = [8, 1024], strides = [1, 1]} : vector<128x1024xf32> to vector<8x1024xf32>
    %add3A_231 = arith.addf %slice3A_229, %slice3A_230 : vector<8x1024xf32>
    %slice3A_232 = vector.extract_strided_slice %add3A_228 {offsets = [16, 0], sizes = [8, 1024], strides = [1, 1]} : vector<128x1024xf32> to vector<8x1024xf32>
    %add3A_233 = arith.addf %add3A_231, %slice3A_232 : vector<8x1024xf32>
    %slice3A_234 = vector.extract_strided_slice %add3A_228 {offsets = [24, 0], sizes = [8, 1024], strides = [1, 1]} : vector<128x1024xf32> to vector<8x1024xf32>
    %add3A_235 = arith.addf %add3A_233, %slice3A_234 : vector<8x1024xf32>
    %slice3A_236 = vector.extract_strided_slice %add3A_228 {offsets = [32, 0], sizes = [8, 1024], strides = [1, 1]} : vector<128x1024xf32> to vector<8x1024xf32>
    %add3A_237 = arith.addf %add3A_235, %slice3A_236 : vector<8x1024xf32>
    %slice3A_238 = vector.extract_strided_slice %add3A_228 {offsets = [40, 0], sizes = [8, 1024], strides = [1, 1]} : vector<128x1024xf32> to vector<8x1024xf32>
    %add3A_239 = arith.addf %add3A_237, %slice3A_238 : vector<8x1024xf32>
    %slice3A_240 = vector.extract_strided_slice %add3A_228 {offsets = [48, 0], sizes = [8, 1024], strides = [1, 1]} : vector<128x1024xf32> to vector<8x1024xf32>
    %add3A_241 = arith.addf %add3A_239, %slice3A_240 : vector<8x1024xf32>
    %slice3A_242 = vector.extract_strided_slice %add3A_228 {offsets = [56, 0], sizes = [8, 1024], strides = [1, 1]} : vector<128x1024xf32> to vector<8x1024xf32>
    %add3A_243 = arith.addf %add3A_241, %slice3A_242 : vector<8x1024xf32>
    %slice3A_244 = vector.extract_strided_slice %add3A_228 {offsets = [64, 0], sizes = [8, 1024], strides = [1, 1]} : vector<128x1024xf32> to vector<8x1024xf32>
    %add3A_245 = arith.addf %add3A_243, %slice3A_244 : vector<8x1024xf32>
    %slice3A_246 = vector.extract_strided_slice %add3A_228 {offsets = [72, 0], sizes = [8, 1024], strides = [1, 1]} : vector<128x1024xf32> to vector<8x1024xf32>
    %add3A_247 = arith.addf %add3A_245, %slice3A_246 : vector<8x1024xf32>
    %slice3A_248 = vector.extract_strided_slice %add3A_228 {offsets = [80, 0], sizes = [8, 1024], strides = [1, 1]} : vector<128x1024xf32> to vector<8x1024xf32>
    %add3A_249 = arith.addf %add3A_247, %slice3A_248 : vector<8x1024xf32>
    %slice3A_250 = vector.extract_strided_slice %add3A_228 {offsets = [88, 0], sizes = [8, 1024], strides = [1, 1]} : vector<128x1024xf32> to vector<8x1024xf32>
    %add3A_251 = arith.addf %add3A_249, %slice3A_250 : vector<8x1024xf32>
    %slice3A_252 = vector.extract_strided_slice %add3A_228 {offsets = [96, 0], sizes = [8, 1024], strides = [1, 1]} : vector<128x1024xf32> to vector<8x1024xf32>
    %add3A_253 = arith.addf %add3A_251, %slice3A_252 : vector<8x1024xf32>
    %slice3A_254 = vector.extract_strided_slice %add3A_228 {offsets = [104, 0], sizes = [8, 1024], strides = [1, 1]} : vector<128x1024xf32> to vector<8x1024xf32>
    %add3A_255 = arith.addf %add3A_253, %slice3A_254 : vector<8x1024xf32>
    %slice3A_256 = vector.extract_strided_slice %add3A_228 {offsets = [112, 0], sizes = [8, 1024], strides = [1, 1]} : vector<128x1024xf32> to vector<8x1024xf32>
    %add3A_257 = arith.addf %add3A_255, %slice3A_256 : vector<8x1024xf32>
    %slice3A_258 = vector.extract_strided_slice %add3A_228 {offsets = [120, 0], sizes = [8, 1024], strides = [1, 1]} : vector<128x1024xf32> to vector<8x1024xf32>
    %add3A_259 = arith.addf %add3A_257, %slice3A_258 : vector<8x1024xf32>
    %slice3A_260 = vector.extract_strided_slice %add3A_259 {offsets = [0, 0], sizes = [4, 1024], strides = [1, 1]} : vector<8x1024xf32> to vector<4x1024xf32>
    %slice3A_261 = vector.extract_strided_slice %add3A_259 {offsets = [4, 0], sizes = [4, 1024], strides = [1, 1]} : vector<8x1024xf32> to vector<4x1024xf32>
    %add3A_262 = arith.addf %slice3A_260, %slice3A_261 : vector<4x1024xf32>
    %slice3A_263 = vector.extract_strided_slice %add3A_262 {offsets = [0, 0], sizes = [2, 1024], strides = [1, 1]} : vector<4x1024xf32> to vector<2x1024xf32>
    %slice3A_264 = vector.extract_strided_slice %add3A_262 {offsets = [2, 0], sizes = [2, 1024], strides = [1, 1]} : vector<4x1024xf32> to vector<2x1024xf32>
    %add3A_265 = arith.addf %slice3A_263, %slice3A_264 : vector<2x1024xf32>
    %slice3A_266 = vector.extract_strided_slice %add3A_265 {offsets = [0, 0], sizes = [1, 1024], strides = [1, 1]} : vector<2x1024xf32> to vector<1x1024xf32>
    %slice3A_267 = vector.extract_strided_slice %add3A_265 {offsets = [1, 0], sizes = [1, 1024], strides = [1, 1]} : vector<2x1024xf32> to vector<1x1024xf32>
    %add3A_268 = arith.addf %slice3A_266, %slice3A_267 : vector<1x1024xf32>
    %add3A_269 = arith.addf %add3A_225, %add3A_268 : vector<1x1024xf32>
    %mul3A_270 = arith.constant 0.00130208337 : f32
    %mul3A_271 = vector.broadcast %mul3A_270 : f32 to vector<1x1024xf32>
    %mul3A_272 = arith.mulf %add3A_269, %mul3A_271 : vector<1x1024xf32>
    %get3A_273 = arith.constant 0 : index
    %get3A_274 = arith.constant 0 : index
    %get3A_275 = vector.load %arg2[%get3A_273, %get3A_274] : memref<1x768xf32, #tpu.memory_space<vmem>>, vector<1x768xf32>
    %transpose3A_276 = tpu.transpose %get3A_275, [1, 0] : vector<1x768xf32> -> vector<768x1xf32>
    %get3A_277 = arith.constant 0 : index
    %get3A_278 = arith.constant 0 : index
    %get3A_279 = vector.load %arg3[%get3A_277, %get3A_278] : memref<1x768xf32, #tpu.memory_space<vmem>>, vector<1x768xf32>
    %transpose3A_280 = tpu.transpose %get3A_279, [1, 0] : vector<1x768xf32> -> vector<768x1xf32>
    %add3A_281 = arith.constant 9.99999974E-6 : f32
    %add3A_282 = vector.broadcast %add3A_281 : f32 to vector<1x1024xf32>
    %add3A_283 = arith.addf %mul3A_272, %add3A_282 : vector<1x1024xf32>
    %sqrt3A = math.sqrt %add3A_283 : vector<1x1024xf32>
    %div3A = vector.broadcast %sqrt3A : vector<1x1024xf32> to vector<768x1024xf32>
    %div3A_284 = arith.divf %sub3A_137, %div3A : vector<768x1024xf32>
    %mul3A_285 = vector.broadcast %transpose3A_276 : vector<768x1xf32> to vector<768x1024xf32>
    %mul3A_286 = arith.mulf %div3A_284, %mul3A_285 : vector<768x1024xf32>
    %add3A_287 = vector.broadcast %transpose3A_280 : vector<768x1xf32> to vector<768x1024xf32>
    %add3A_288 = arith.addf %mul3A_286, %add3A_287 : vector<768x1024xf32>
    %get3A_289 = arith.constant 0 : index
    %get3A_290 = arith.constant 0 : index
    %get3A_291 = vector.load %arg4[%get3A_289, %get3A_290] : memref<1x768xf32, #tpu.memory_space<vmem>>, vector<1x768xf32>
    %transpose3A_292 = tpu.transpose %get3A_291, [1, 0] : vector<1x768xf32> -> vector<768x1xf32>
    %broadcast_in_dim3A = vector.shape_cast %transpose3A_292 : vector<768x1xf32> to vector<768x1xf32>
    %broadcast_in_dim3A_293 = vector.broadcast %broadcast_in_dim3A : vector<768x1xf32> to vector<768x128xf32>
    %convert_element_type3A = arith.truncf %add3A_288 : vector<768x1024xf32> to vector<768x1024xbf16>
    %convert_element_type3A_294 = arith.truncf %broadcast_in_dim3A_293 : vector<768x128xf32> to vector<768x128xbf16>
    %dot_general3A = arith.constant dense<0.000000e+00> : vector<1024x128xf32>
    %dot_general3A_295 = tpu.matmul %convert_element_type3A, %convert_element_type3A_294, %dot_general3A {dimension_numbers = #tpu.dot_dimension_numbers<[0], [0], [1], [1], [0, 1, 1, 1], [], []>, transpose_lhs_hint = false} : vector<768x1024xbf16>, vector<768x128xbf16>, vector<1024x128xf32> -> vector<1024x128xf32>
    %slice3A_296 = vector.extract_strided_slice %dot_general3A_295 {offsets = [0, 0], sizes = [1024, 1], strides = [1, 1]} : vector<1024x128xf32> to vector<1024x1xf32>
    %get3A_297 = arith.constant 0 : index
    %get3A_298 = arith.constant 0 : index
    %get3A_299 = vector.load %arg5[%get3A_297, %get3A_298] : memref<1x1xf32, #tpu.memory_space<vmem>>, vector<1x1xf32>
    %get3A_300 = vector.extract %get3A_299[0, 0] : f32 from vector<1x1xf32>
    %add3A_301 = vector.broadcast %get3A_300 : f32 to vector<1024x1xf32>
    %add3A_302 = arith.addf %slice3A_296, %add3A_301 : vector<1024x1xf32>
    %reduce_max3A = vector.shape_cast %add3A_302 : vector<1024x1xf32> to vector<1x1024x1xf32>
    %reduce_max3A_303 = arith.constant dense<0xFF800000> : vector<1xf32>
    %reduce_max3A_304 = vector.multi_reduction <maximumf>, %reduce_max3A, %reduce_max3A_303 [1, 2] : vector<1x1024x1xf32> to vector<1xf32>
    %reduce_max3A_305 = vector.shape_cast %reduce_max3A_304 : vector<1xf32> to vector<1x1x1xf32>
    %reduce_max3A_306 = vector.extract %reduce_max3A_305[0, 0, 0] : f32 from vector<1x1x1xf32>
    %sub3A_307 = vector.broadcast %reduce_max3A_306 : f32 to vector<1024x1xf32>
    %sub3A_308 = arith.subf %add3A_302, %sub3A_307 : vector<1024x1xf32>
    %exp3A = math.exp %sub3A_308 : vector<1024x1xf32>
    %reduce_sum3A = vector.shape_cast %exp3A : vector<1024x1xf32> to vector<1x1024x1xf32>
    %reduce_sum3A_309 = arith.constant dense<0.000000e+00> : vector<1xf32>
    %reduce_sum3A_310 = vector.multi_reduction <add>, %reduce_sum3A, %reduce_sum3A_309 [1, 2] : vector<1x1024x1xf32> to vector<1xf32>
    %reduce_sum3A_311 = vector.shape_cast %reduce_sum3A_310 : vector<1xf32> to vector<1x1x1xf32>
    %reduce_sum3A_312 = vector.extract %reduce_sum3A_311[0, 0, 0] : f32 from vector<1x1x1xf32>
    %div3A_313 = vector.broadcast %reduce_sum3A_312 : f32 to vector<1024x1xf32>
    %div3A_314 = arith.divf %exp3A, %div3A_313 : vector<1024x1xf32>
    %mul3A_315 = arith.constant 1.024000e+03 : f32
    %mul3A_316 = vector.broadcast %mul3A_315 : f32 to vector<1024x1xf32>
    %mul3A_317 = arith.mulf %div3A_314, %mul3A_316 : vector<1024x1xf32>
    %iota3A = tpu.iota {dimensions = array<i32: 0>} : vector<1024x1024xi32>
    %iota3A_318 = tpu.iota {dimensions = array<i32: 1>} : vector<1024x1024xi32>
    %transpose3A_319 = tpu.transpose %mul3A_317, [1, 0] : vector<1024x1xf32> -> vector<1x1024xf32>
    %gt3A = vector.broadcast %transpose3A_319 : vector<1x1024xf32> to vector<1024x1024xf32>
    %gt3A_320 = vector.broadcast %mul3A_317 : vector<1024x1xf32> to vector<1024x1024xf32>
    %gt3A_321 = arith.cmpf ogt, %gt3A, %gt3A_320 : vector<1024x1024xf32>
    %eq3A = vector.broadcast %transpose3A_319 : vector<1x1024xf32> to vector<1024x1024xf32>
    %eq3A_322 = vector.broadcast %mul3A_317 : vector<1024x1xf32> to vector<1024x1024xf32>
    %eq3A_323 = arith.cmpf oeq, %eq3A, %eq3A_322 : vector<1024x1024xf32>
    %lt3A = arith.cmpi slt, %iota3A_318, %iota3A : vector<1024x1024xi32>
    %and3A = arith.andi %eq3A_323, %lt3A : vector<1024x1024xi1>
    %or3A = arith.ori %gt3A_321, %and3A : vector<1024x1024xi1>
    %convert_element_type3A_324 = arith.extui %or3A : vector<1024x1024xi1> to vector<1024x1024xi32>
    %reduce_sum3A_325 = arith.constant dense<0> : vector<1024xi32>
    %reduce_sum3A_326 = vector.multi_reduction <add>, %convert_element_type3A_324, %reduce_sum3A_325 [1] : vector<1024x1024xi32> to vector<1024xi32>
    %broadcast_in_dim3A_327 = vector.shape_cast %reduce_sum3A_326 : vector<1024xi32> to vector<1024x1xi32>
    %iota3A_328 = tpu.iota {dimensions = array<i32: 1>} : vector<1024x256xi32>
    %eq3A_329 = vector.broadcast %broadcast_in_dim3A_327 : vector<1024x1xi32> to vector<1024x256xi32>
    %eq3A_330 = arith.cmpi eq, %eq3A_329, %iota3A_328 : vector<1024x256xi32>
    %iota3A_331 = tpu.iota {dimensions = array<i32: 0>} : vector<1024x256xi32>
    %jit3A = arith.constant 0 : i32
    %broadcast_in_dim3A_332 = vector.broadcast %jit3A : i32 to vector<1024x256xi32>
    %select_n3A = arith.select %eq3A_330, %iota3A_331, %broadcast_in_dim3A_332 : vector<1024x256xi1>, vector<1024x256xi32>
    %reduce_sum3A_333 = arith.constant dense<0> : vector<256xi32>
    %reduce_sum3A_334 = vector.multi_reduction <add>, %select_n3A, %reduce_sum3A_333 [0] : vector<1024x256xi32> to vector<256xi32>
    %broadcast_in_dim3A_335 = vector.shape_cast %reduce_sum3A_334 : vector<256xi32> to vector<1x256xi32>
    %mul3A_336 = arith.constant 1024 : i32
    %mul3A_337 = arith.muli %add3A_0, %mul3A_336 : i32
    %add3A_338 = vector.broadcast %mul3A_337 : i32 to vector<1x256xi32>
    %add3A_339 = arith.addi %broadcast_in_dim3A_335, %add3A_338 : vector<1x256xi32>
    %swap3A = arith.constant 0 : index
    %swap3A_340 = arith.constant 0 : index
    %swap3A_341 = arith.constant 0 : index
    %swap3A_342 = vector.load %arg6[%swap3A, %swap3A_340, %swap3A_341] : memref<1x1x256xi32, #tpu.memory_space<vmem>>, vector<1x1x256xi32>
    %swap3A_343 = vector.shape_cast %swap3A_342 : vector<1x1x256xi32> to vector<1x256xi32>
    %swap3A_344 = vector.shape_cast %add3A_339 : vector<1x256xi32> to vector<1x1x256xi32>
    tpu.vector_store %arg6[%swap3A, %swap3A_340, %swap3A_341], %swap3A_344 {strides = array<i32>} : memref<1x1x256xi32, #tpu.memory_space<vmem>>, vector<1x1x256xi32>,
    return
  }
  func.func @transform_0(%arg0: i32) -> (i32, i32, i32) {
    %c0_i32 = arith.constant 0 : i32
    %c0_i32_0 = arith.constant 0 : i32
    %c0_i32_1 = arith.constant 0 : i32
    return %arg0, %c0_i32, %c0_i32_0 : i32, i32, i32
  }
  func.func @transform_1(%arg0: i32) -> (i32, i32) {
    %c0_i32 = arith.constant 0 : i32
    %c0_i32_0 = arith.constant 0 : i32
    %c0_i32_1 = arith.constant 0 : i32
    return %c0_i32, %c0_i32_0 : i32, i32
  }
  func.func @transform_2(%arg0: i32) -> (i32, i32) {
    %c0_i32 = arith.constant 0 : i32
    %c0_i32_0 = arith.constant 0 : i32
    %c0_i32_1 = arith.constant 0 : i32
    return %c0_i32, %c0_i32_0 : i32, i32
  }
  func.func @transform_3(%arg0: i32) -> (i32, i32) {
    %c0_i32 = arith.constant 0 : i32
    %c0_i32_0 = arith.constant 0 : i32
    %c0_i32_1 = arith.constant 0 : i32
    return %c0_i32, %c0_i32_0 : i32, i32
  }
  func.func @transform_4(%arg0: i32) -> (i32, i32) {
    %c0_i32 = arith.constant 0 : i32
    %c0_i32_0 = arith.constant 0 : i32
    %c0_i32_1 = arith.constant 0 : i32
    return %c0_i32, %c0_i32_0 : i32, i32
  }
  func.func @transform_5(%arg0: i32) -> (i32, i32, i32) {
    %c0_i32 = arith.constant 0 : i32
    %c0_i32_0 = arith.constant 0 : i32
    %c0_i32_1 = arith.constant 0 : i32
    return %arg0, %c0_i32, %c0_i32_0 : i32, i32, i32
  }
}

</mosaic_0001>

<sc_bundles>
// kernel: kernel.4.cloned.1.call-start
scs
__scs_entry_jumppad:
0x0: {  	(pc) =	sbr.rel $0x88, $3  }
0x1: {  	(tag) =	ssettag $0x0;
	lr =	simm.s32 $0x1  }
0x2: {  	[smem:$0x3F9A] =	sst lr;
	_ =	strace $0xD0000000  }
0x3: {  	_ = 	snop  }
0x4: {  	_ = 	snop  }
0x5: {  	_ = 	snop  }
0x6: {  	_ = 	snop  }
0x7: {  	_ = 	snop  }
__scs_overlays_trampoline_lowered:
0x8: {  	[smem:$0x3FA9] =	sst s0  }
0x9: {  	[smem:$0x3FAA] =	sst s1  }
0xa: {  	[smem:$0x3FAB] =	sst s2  }
0xb: {  	[smem:$0x3FAC] =	sst s3  }
0xc: {  	[smem:$0x3FAD] =	sst s4  }
0xd: {  	[smem:$0x3FAE] =	sst s5  }
0xe: {  	[smem:$0x3FAF] =	sst s6  }
0xf: {  	[smem:$0x3FB0] =	sst s7  }
0x10: {  	[smem:$0x3FB1] =	sst s8  }
0x11: {  	[smem:$0x3FB2] =	sst s9;
	s0 =	simm.s32 @!p0 $0x0  }
0x12: {  	s1 =	sld [smem:$0x3F98];
	s0 =	simm.s32 @p0 $0x1  }
0x13: {  	[smem:$0x3FB3] =	sst s0;
	s0 =	simm.s32 @!p1 $0x0  }
0x14: {  	s2 =	sld [smem:$0x3F97];
	s0 =	simm.s32 @p1 $0x1  }
0x15: {  	[smem:$0x3FB4] =	sst s0;
	s0 =	simm.s32 @!p2 $0x0  }
0x16: {  	s3 =	sld [smem:$0x3FDB];
	s0 =	simm.s32 @p2 $0x1  }
0x17: {  	s4 =	simm.s32 $0x1BF5;
	[smem:$0x3FB6] =	sst s0  }
0x18: {  	s0 =	sld [smem:$0x3F99];
	_ =	swait.ge [sflag:s4], $0x0  }
0x19: {  	s7 =	sld [smem:$0x3F9A]  }
0x1a: {  	s8 =	sadd.s32 $0xFFFFE003, lr  }
0x1b: {  	s9 =	sadd.s32 $0xFFFFFEF7, lr;
	s5 =	simm.s32 $0xFFFFFFFF;
	p2 =	slt.u32 s8, $0xFFFFF086  }
0x1c: {  	p1 =	slt.u32 s9, $0xF7A;
	s5 =	simm.s32 @!p2 $0x0  }
0x1d: {  	s5 =	simm.s32 @p1 $0x1;
	p0 =	seq.s32 s7, s2  }
0x1e: {  	s7 =	smul.u32 @!p0 $0xF7A, s2;
	p2 =	seq.s32 @!p0 s5, $0x0  }
0x1f: {  	s9 =	smul.u32 $0xF7A, s1;
	s8 =	simm.s32 @!p0 $0x1BF5;
	p2 =	por !p2, p0  }
0x20: {  	[sflag:s8] =	ssyncset.s32 @!p0 $0xFFFFF086;
	s6 =	sadd.s32 @!p0 s3, s7;
	s7 =	simm.s32 @!p0 $0x108  }
0x21: {  	s3 =	sadd.s32 s3, s9;
	s6 =	sadd.s32 @!p0 $0x88, s6;
	s7 =	simm.s32 @p2 $0x1082  }
0x22: {  	[simem:s7], [sflag:s8] =	dma.local @!p0 [hbm:s6], $0xF7A  }
0x23: {  	s9 =	sor.u32 $0xD0000000, s2;
	s6 =	simm.s32 $0x108;
	_ =	swait.ge @!p0 [sflag:s8], $0x0  }
0x24: {  	s3 =	sadd.s32 $0x88, s3;
	s6 =	simm.s32 @!p1 $0x1082;
	[sflag:s4] =	ssyncset.s32 $0xFFFFF086  }
0x25: {  	[simem:s6], [sflag:s4] =	dma.local [hbm:s3], $0xF7A  }
0x26: {  	[smem:$0x3F9A] =	sst s1;
	(tag) =	ssettag s2;
	_ =	strace s9  }
0x27: {  	s1 =	sld [smem:$0x3FAA]  }
0x28: {  	s2 =	sld [smem:$0x3FAB]  }
0x29: {  	s4 =	sld [smem:$0x3FAD]  }
0x2a: {  	p0 =	seq.s32 s5, $0x0;
	s5 =	sld [smem:$0x3FAE]  }
0x2b: {  	s6 =	sld [smem:$0x3FAF]  }
0x2c: {  	s7 =	sld [smem:$0x3FB0]  }
0x2d: {  	s3 =	simm.s32 $0x108;
	s8 =	sld [smem:$0x3FB1]  }
0x2e: {  	s3 =	simm.s32 @!p0 $0x1082;
	s9 =	sld [smem:$0x3FB2]  }
0x2f: {  	lr =	sadd.s32 s0, s3;
	s0 =	sld [smem:$0x3FA9]  }
0x30: {  	s3 =	sld [smem:$0x3FAC]  }
0x31: {  	[smem:$0x3FB5] =	sst s10  }
0x32: {  	s10 =	sld [smem:$0x3FB3];
	_ =	sdelay $0x3  }
0x33: {  	p0 =	seq.s32 s10, $0x1;
	s10 =	sld [smem:$0x3FB5];
	_ =	sdelay $0x3  }
0x34: {  	[smem:$0x3FB5] =	sst s10  }
0x35: {  	s10 =	sld [smem:$0x3FB4];
	_ =	sdelay $0x3  }
0x36: {  	p1 =	seq.s32 s10, $0x1;
	s10 =	sld [smem:$0x3FB5];
	_ =	sdelay $0x3  }
0x37: {  	[smem:$0x3FB5] =	sst s10  }
0x38: {  	s10 =	sld [smem:$0x3FB6]  }
0x39: {  	_ = 	snop;
	(pc) =	sbr.ind lr, $3  }
0x3a: {  	_ = 	snop  }
0x3b: {  	_ = 	snop  }
0x3c: {  	p2 =	seq.s32 s10, $0x1;
	s10 =	sld [smem:$0x3FB5]  }
0x3d: {  	_ =	shalt  }
0x3e: {  	_ =	shalt  }
0x3f: {  	_ =	shalt  }
0x40: {  	_ =	shalt  }
0x41: {  	_ =	shalt  }
0x42: {  	_ =	shalt  }
0x43: {  	_ =	shalt  }
0x44: {  	_ =	shalt  }
0x45: {  	_ =	shalt  }
0x46: {  	_ =	shalt  }
0x47: {  	_ =	shalt  }
0x48: {  	_ =	shalt  }
0x49: {  	_ =	shalt  }
0x4a: {  	_ =	shalt  }
0x4b: {  	_ =	shalt  }
0x4c: {  	_ =	shalt  }
0x4d: {  	_ =	shalt  }
0x4e: {  	_ =	shalt  }
0x4f: {  	_ =	shalt  }
0x50: {  	_ =	shalt  }
0x51: {  	_ =	shalt  }
0x52: {  	_ =	shalt  }
0x53: {  	_ =	shalt  }
0x54: {  	_ =	shalt  }
0x55: {  	_ =	shalt  }
0x56: {  	_ =	shalt  }
0x57: {  	_ =	shalt  }
0x58: {  	_ =	shalt  }
0x59: {  	_ =	shalt  }
0x5a: {  	_ =	shalt  }
0x5b: {  	_ =	shalt  }
0x5c: {  	_ =	shalt  }
0x5d: {  	_ =	shalt  }
0x5e: {  	_ =	shalt  }
0x5f: {  	_ =	shalt  }
0x60: {  	_ =	shalt  }
0x61: {  	_ =	shalt  }
0x62: {  	_ =	shalt  }
0x63: {  	_ =	shalt  }
0x64: {  	_ =	shalt  }
0x65: {  	_ =	shalt  }
0x66: {  	_ =	shalt  }
0x67: {  	_ =	shalt  }
0x68: {  	_ =	shalt  }
0x69: {  	_ =	shalt  }
0x6a: {  	_ =	shalt  }
0x6b: {  	_ =	shalt  }
0x6c: {  	_ =	shalt  }
0x6d: {  	_ =	shalt  }
0x6e: {  	_ =	shalt  }
0x6f: {  	_ =	shalt  }
0x70: {  	_ =	shalt  }
0x71: {  	_ =	shalt  }
0x72: {  	_ =	shalt  }
0x73: {  	_ =	shalt  }
0x74: {  	_ =	shalt  }
0x75: {  	_ =	shalt  }
0x76: {  	_ =	shalt  }
0x77: {  	_ =	shalt  }
0x78: {  	_ =	shalt  }
0x79: {  	_ =	shalt  }
0x7a: {  	_ =	shalt  }
0x7b: {  	_ =	shalt  }
0x7c: {  	_ =	shalt  }
0x7d: {  	_ =	shalt  }
0x7e: {  	_ =	shalt  }
0x7f: {  	_ =	shalt  }
0x80: {  	_ =	shalt  }
0x81: {  	_ =	shalt  }
0x82: {  	_ =	shalt  }
0x83: {  	_ =	shalt  }
0x84: {  	_ =	shalt  }
0x85: {  	_ =	shalt  }
0x86: {  	_ =	shalt  }
0x87: {  	_ =	shalt  }
.Lfunc_end0:
.L_simem_size_0:
called_computation_lowered:
.L_overlay_start_0:
0x88: {  	s2 =	sld [smem:$0x3FD9]  }
0x89: {  	s3 =	sld [smem:$0x3FFE];
	_ =	sdelay $0x1  }
0x8a: {  	s1 =	srdreg.scid  }
0x8b: {  	s0 =	sand.u32 $0x1, s1  }
0x8c: {  	s14 =	sshll.u32 s0, $0xA;
	s2 =	sadd.s32 s3, s2  }
0x8d: {  	s2 =	sadd.s32 s2, s14  }
0x8e: {  	[smem:$0x3FC1] =	sst s2  }
0x8f: {  	_ = 	snop  }
0x90: {  	s2 =	sld [smem:$0x3FD0];
	_ =	sdelay $0x1  }
0x91: {  	s15 =	sld [smem:$0x3FC9]  }
0x92: {  	s5 =	simm.s32 $0xA;
	s6 =	simm.s32 $0x10;
	s4 =	sld [smem:$0x3FC7]  }
0x93: {  	[smem:s6], [sflag:s5] =	dma.local [hbm:s2], $0x1  }
0x94: {  	_ =	swait.eq [sflag:s5], $0x1  }
0x95: {  	[sflag:s5] =	ssyncset.done $0x0  }
0x96: {  	s16 =	sld [smem:$0x10];
	[sflag:s5] =	ssyncadd.s32 $0xFFFFFFFF  }
0x97: {  	s17 =	sld [smem:$0x11];
	(tm) =	ssettm $0x1  }
0x98: {  	s18 =	sld [smem:$0x3FFB];
	_ =	sdelay $0x3  }
0x99: {  	_ =	strace s18  }
0x9a: {  	s6 =	sld [smem:$0x3FFC];
	_ =	sdelay $0x3  }
0x9b: {  	_ =	strace s6  }
0x9c: {  	s6 =	sld [smem:$0x3FFD];
	_ =	sdelay $0x3  }
0x9d: {  	_ =	strace s6  }
0x9e: {  	_ =	strace $0x8FFFFFFF  }
0x9f: {  	s19 =	sld [smem:$0x3FDB];
	_ =	sdelay $0x1  }
0xa0: {  	s7 =	simm.s32 $_scs_section_size  }
0xa1: {  	s8 =	simm.s32 $_size__tile_overlayer_lowered;
	s9 =	simm.s32 $_tile_overlayer_lowered  }
0xa2: {  	s22 =	simm.s32 $0x1BFF;
	s21 =	sshll.u32 s9, $0x1;
	s6 =	sadd.s32 s7, s19  }
0xa3: {  	s10 =	simm.s32 $0x0;
	s20 =	sshll.u32 s8, $0x1;
	s8 =	sadd.s32 s21, s6  }
0xa4: {  	[timem:s10], [sflag:s22] =	dma.local [hbm:s8], s20  }
0xa5: {  	_ =	swait.ge [sflag:s22], s20  }
0xa6: {  	s7 =	ssub.s32 $0x0, s20;
	[sflag:s22] =	ssyncset.done $0x0  }
0xa7: {  	[sflag:s22] =	ssyncadd.s32 s7;
	_ =	sdelay $0x1  }
0xa8: {  	s23 =	simm.s32 $0x1B8B  }
0xa9: {  	_ =	swait.ge [sflag:s23], $0x1  }
0xaa: {  	[sflag:s23] =	ssyncset.done $0x0  }
0xab: {  	s25 =	simm.s32 $0x1B8E;
	s24 =	sld [smem:$0x3FFE];
	[sflag:s23] =	ssyncadd.s32 $0xFFFFFFFF  }
0xac: {  	s26 =	simm.s32 $execute0_lowered;
	[smem:$0x3FD2] =	sst s25  }
0xad: {  	s8 =	sshll.u32 s26, $0x1;
	_ =	strace $0x80000046;
	[dreg:$0x1] =	wrdreg $0xFFFFFFFF  }
0xae: {  	s28 =	simm.s32 $_size_execute0_lowered;
	s6 =	sadd.s32 s6, s8;
	[dreg:$0x0] =	wrdreg $0x0  }
0xaf: {  	s8 =	sshll.u32 s28, $0x1;
	[dreg:$0x2] =	wrdreg s6  }
0xb0: {  	[dreg:$0x3] =	wrdreg s8  }
0xb1: {  	[dreg:$0x4] =	wrdreg $0xC0  }
0xb2: {  	_ =	task [dreg:s10], $0x5FFFF  }
0xb3: {  	[dreg:$0x1] =	wrdreg $0xFFFFFFFF  }
0xb4: {  	[dreg:$0x0] =	wrdreg $0x60  }
0xb5: {  	[dreg:$0x2] =	wrdreg s17  }
0xb6: {  	[dreg:$0x3] =	wrdreg s15  }
0xb7: {  	[dreg:$0x4] =	wrdreg s24  }
0xb8: {  	[dreg:$0x5] =	wrdreg s4  }
0xb9: {  	[dreg:$0x6] =	wrdreg s16  }
0xba: {  	[dreg:$0x7] =	wrdreg $0x9  }
0xbb: {  	_ =	task.clear_ibuf [dreg:s10], $0x8FFFF;
	_ =	strace $0x90000046  }
0xbc: {  	s29 =	simm.s32 $0x9;
	_ =	strace $0x80000048  }
0xbd: {  	_ =	swait.ge [sflag:s29], $0x1  }
0xbe: {  	[sflag:s29] =	ssyncadd.s32 $0xFFFFFFFF  }
0xbf: {  	_ =	strace $0x90000048  }
0xc0: {  	_ =	sfence  }
0xc1: {  	s30 =	sld [smem:$0x0];
	_ =	sdelay $0x2  }
0xc2: {  	s31 =	sshll.u32 s1, $0xD;
	s1 =	sshrl.u32 s1, $0x2  }
0xc3: {  	s3 =	sand.u32 $0x4000, s31;
	s1 =	sadd.s32 s1, s30  }
0xc4: {  	s0 =	sor.u32 s3, s0;
	s1 =	sshll.u32 s1, $0x11  }
0xc5: {  	s0 =	sor.u32 s1, s0  }
0xc6: {  	s0 =	sadd.s32 $0x8F2B, s0  }
0xc7: {  	[sflag:s0] =	ssyncadd.remote.s32 $0x1  }
0xc8: {  	_ =	sfence.sel $0xFFFF  }
0xc9: {  	[dreg:$0x0] =	wrdreg $0xFFFFFFFF;
	(pc) =	sbr.abs _section_cstart, $3  }
0xca: {  	[dreg:$0x1] =	wrdreg $0xFFFFFFFF  }
0xcb: {  	_ =	task.clear_ibuf [dreg:s10], $0x2FFFF;
	_ =	strace $0x9FFFFFFF  }
0xcc: {  	(tm) =	ssettm $0x7FFFFFFF  }
0xcd: {  	_ =	shalt  }
tec
execute0_lowered:
.L_overlay_start_1:
0x0: {  	(tag) =	ssettag $0x1  }
0x1: {  	s0 =	rddreg [dreg:$0x0]  }
0x2: {  	s1 =	rddreg [dreg:$0x1]  }
0x3: {  	s3 =	rddreg [dreg:$0x2]  }
0x4: {  	s2 =	rddreg [dreg:$0x3]  }
0x5: {  	s5 =	rddreg [dreg:$0x4]  }
0x6: {  	s4 =	simm.s32 $0x0;
	s6 =	srdreg.scid;
	s7 =	stileid.u32  }
0x7: {  	s17 =	simm.s32 $0x5;
	s19 =	simm.s32 $0x1;
	s20 =	simm.s32 $0x100  }
0x8: {  	s31 =	simm.s32 $0x13100;
	s18 =	simm.s32 $0x13900;
	s21 =	simm.s32 $0x14900  }
0x9: {  	s13 =	simm.s32 $0x15900;
	s14 =	simm.s32 $0x16900;
	s15 =	simm.s32 $0x17900  }
0xa: {  	s16 =	simm.s32 $0x3;
	[smem:$0x7FF] =	sst s4;
	s6 =	sand.u32 $0x1, s6  }
0xb: {  	s7 =	sshll.u32 s7, $0x5;
	s9 =	sadd.s32 $0xC00, s3;
	s12 =	sadd.s32 $0x200, s2  }
0xc: {  	_ =	strace $0x80000047;
	s8 =	sshll.u32 s6, $0x4;
	s6 =	ssub.s32 $0x2, s6  }
0xd: {  	[dreg:$0x6] =	wrdreg s9;
	s9 =	sadd.s32 $0x200, s1;
	s7 =	sor.u32 s8, s7  }
0xe: {  	s22 =	sshrl.u32 s6, $0x1;
	s8 =	sadd.s32 $0x100, s1;
	s3 =	sadd.s32 s7, s3  }
0xf: {  	s6 =	ssub.s32 s6, s22;
	s10 =	smul.u32 $0x1800, s7;
	s0 =	sadd.s32 s0, s7  }
0x10: {  	s24 =	smul.u32 $0x300, s7;
	s22 =	simm.s32 $0x15100;
	[dreg:$0x7] =	wrdreg s0  }
0x11: {  	s23 =	sadd.s32 $0x1400, s3;
	s30 =	smax.u32 s6, $0x1;
	s3 =	simm.s32 $0xC100  }
0x12: {  	[dreg:$0x8] =	wrdreg s23;
	s25 =	sshrl.u32 s10, $0x3;
	s10 =	sadd.s32 $0x100, s2  }
0x13: {  	s11 =	sadd.s32 s5, s24;
	[dreg:$0xc] =	wrdreg s30;
	s23 =	simm.s32 $0x16100  }
0x14: {  	s24 =	simm.s32 $0x17100;
	s26 =	sadd.s32 s5, s25;
	s28 =	sadd.s32 $0xC00, s11  }
0x15: {  	v2 =	vlaneseq.u32;
	s5 =	simm.s32 $0x14100;
	[dreg:$0x9] =	wrdreg s28;
	s29 =	sadd.s32 $0x1800, s26  }
0x16: {  	vm0 =	vmmov $0xffff;
	v1 =	vshrl.u32 v2, $0x3;
	s25 =	simm.s32 $0x4;
	s0 =	sadd.s32 $0x2400, s26;
	[dreg:$0xa] =	wrdreg s29  }
0x17: {  	v0 =	vand.u32 $0x7, v2;
	v2 =	vor.u32 $0x8, v2;
	v1 =	vmul.u32 $0x8, v1;
	s26 =	simm.s32 $0x0;
	[dreg:$0xb] =	wrdreg s0;
	s0 =	simm.s32 $0x2  }
.LBB2_1:
0x18: {  	s6 =	rddreg [dreg:$0x7]  }
0x19: {  	[tilespmem:s4], [sflag:$0x5] =	stream.linear.gather [hbm4b:s6+s4], $0x80, $0x38;
	[tilespmem:$0x18100] =	vst v63  }
0x1a: {  	_ =	swait.ge [sflag:s17], $0x80  }
0x1b: {  	[sflag:s17] =	ssyncset.done $0x0  }
0x1c: {  	s7 =	simm.s32 $0x80;
	s29 =	rddreg [dreg:$0x6];
	[sflag:s17] =	ssyncadd.s32 $0xFFFFFF80  }
0x1d: {  	[tilespmem:s7], [sflag:$0x1] =	stream.indirect.gather [hbm4b:s29+s7], $0x1, s4, s7, $0xb8;
	[tilespmem:$0x18100] =	vst v63  }
0x1e: {  	_ =	swait.ge [sflag:s19], $0x80  }
0x1f: {  	[sflag:s19] =	ssyncset.done $0x0  }
0x20: {  	s30 =	rddreg [dreg:$0x8];
	[sflag:s19] =	ssyncadd.s32 $0xFFFFFF80  }
0x21: {  	[hbm4b:s30+s4] =	stream.linear.scatter [tilespmem:s7], [sflag:$0x5], $0x80, $0x38;
	[tilespmem:$0x18100] =	vst v63  }
0x22: {  	_ =	swait.ge [sflag:s17], $0x80  }
0x23: {  	[sflag:s17] =	ssyncset.done $0x0  }
0x24: {  	[sflag:s17] =	ssyncadd.s32 $0xFFFFFF80  }
0x25: {  	v3 =	vld [tilespmem:$0x0];
	_ =	sdelay $0x4  }
0x26: {  	v4 =	vshrl.u32 v3, $0x3  }
0x27: {  	v4 =	vmul.u32 $0x30, v4  }
0x28: {  	v3 =	vand.u32 $0x7, v3  }
0x29: {  	v3 =	vor.u32 v3, v4  }
0x2a: {  	v4 =	vperm.xlane v3, v0;
	_ =	sdelay $0x1  }
0x2b: {  	v4 =	vadd.s32 v1, v4;
	_ =	sdelay $0x3  }
0x2c: {  	v3 =	vperm.xlane v3, v2  }
0x2d: {  	[tilespmem:s20], [sflag:$0x1] =	stream.indirect_vreg.gather [hbm4b:s1+s4], $0x80, v4, vm0, $0xb8;
	[tilespmem:$0x18100] =	vst v63  }
0x2e: {  	s29 =	simm.s32 $0x900;
	v3 =	vadd.s32 v1, v3  }
0x2f: {  	[tilespmem:s29], [sflag:$0x1] =	stream.indirect_vreg.gather [hbm4b:s8+s4], $0x80, v4, vm0, $0xb8;
	[tilespmem:$0x18100] =	vst v63  }
0x30: {  	s30 =	simm.s32 $0x1100  }
0x31: {  	[tilespmem:s30], [sflag:$0x1] =	stream.indirect_vreg.gather [hbm4b:s9+s4], $0x80, v4, vm0, $0xb8;
	[tilespmem:$0x18100] =	vst v63  }
0x32: {  	s7 =	simm.s32 $0x1900  }
0x33: {  	[tilespmem:s7], [sflag:$0x1] =	stream.indirect_vreg.gather [hbm4b:s1+s4], $0x80, v3, vm0, $0xb8;
	[tilespmem:$0x18100] =	vst v63  }
0x34: {  	s29 =	simm.s32 $0x2100  }
0x35: {  	[tilespmem:s29], [sflag:$0x1] =	stream.indirect_vreg.gather [hbm4b:s8+s4], $0x80, v3, vm0, $0xb8;
	[tilespmem:$0x18100] =	vst v63  }
0x36: {  	s30 =	simm.s32 $0x2900  }
0x37: {  	[tilespmem:s30], [sflag:$0x1] =	stream.indirect_vreg.gather [hbm4b:s9+s4], $0x80, v3, vm0, $0xb8;
	[tilespmem:$0x18100] =	vst v63  }
0x38: {  	v3 =	vld [tilespmem:$0x10];
	_ =	sdelay $0x4  }
0x39: {  	v4 =	vshrl.u32 v3, $0x3  }
0x3a: {  	v4 =	vmul.u32 $0x30, v4  }
0x3b: {  	v3 =	vand.u32 $0x7, v3  }
0x3c: {  	v3 =	vor.u32 v3, v4  }
0x3d: {  	v4 =	vperm.xlane v3, v0;
	_ =	sdelay $0x1  }
0x3e: {  	v4 =	vadd.s32 v1, v4;
	_ =	sdelay $0x3  }
0x3f: {  	s7 =	simm.s32 $0x3100;
	v3 =	vperm.xlane v3, v2  }
0x40: {  	[tilespmem:s7], [sflag:$0x1] =	stream.indirect_vreg.gather [hbm4b:s1+s4], $0x80, v4, vm0, $0xb8;
	[tilespmem:$0x18100] =	vst v63  }
0x41: {  	s29 =	simm.s32 $0x3900;
	v3 =	vadd.s32 v1, v3  }
0x42: {  	[tilespmem:s29], [sflag:$0x1] =	stream.indirect_vreg.gather [hbm4b:s8+s4], $0x80, v4, vm0, $0xb8;
	[tilespmem:$0x18100] =	vst v63  }
0x43: {  	s30 =	simm.s32 $0x4100  }
0x44: {  	[tilespmem:s30], [sflag:$0x1] =	stream.indirect_vreg.gather [hbm4b:s9+s4], $0x80, v4, vm0, $0xb8;
	[tilespmem:$0x18100] =	vst v63  }
0x45: {  	s7 =	simm.s32 $0x4900  }
0x46: {  	[tilespmem:s7], [sflag:$0x1] =	stream.indirect_vreg.gather [hbm4b:s1+s4], $0x80, v3, vm0, $0xb8;
	[tilespmem:$0x18100] =	vst v63  }
0x47: {  	s29 =	simm.s32 $0x5100  }
0x48: {  	[tilespmem:s29], [sflag:$0x1] =	stream.indirect_vreg.gather [hbm4b:s8+s4], $0x80, v3, vm0, $0xb8;
	[tilespmem:$0x18100] =	vst v63  }
0x49: {  	s30 =	simm.s32 $0x5900  }
0x4a: {  	[tilespmem:s30], [sflag:$0x1] =	stream.indirect_vreg.gather [hbm4b:s9+s4], $0x80, v3, vm0, $0xb8;
	[tilespmem:$0x18100] =	vst v63  }
0x4b: {  	v3 =	vld [tilespmem:$0x80];
	_ =	sdelay $0x4  }
0x4c: {  	v4 =	vshrl.u32 v3, $0x3  }
0x4d: {  	v4 =	vmul.u32 $0x30, v4  }
0x4e: {  	v3 =	vand.u32 $0x7, v3  }
0x4f: {  	v3 =	vor.u32 v3, v4  }
0x50: {  	v4 =	vperm.xlane v3, v0;
	_ =	sdelay $0x1  }
0x51: {  	v4 =	vadd.s32 v1, v4;
	_ =	sdelay $0x3  }
0x52: {  	s7 =	simm.s32 $0x6100;
	v3 =	vperm.xlane v3, v2  }
0x53: {  	[tilespmem:s7], [sflag:$0x2] =	stream.indirect_vreg.gather [hbm4b:s2+s4], $0x80, v4, vm0, $0xb8;
	[tilespmem:$0x18100] =	vst v63  }
0x54: {  	s29 =	simm.s32 $0x6900;
	v3 =	vadd.s32 v1, v3  }
0x55: {  	[tilespmem:s29], [sflag:$0x2] =	stream.indirect_vreg.gather [hbm4b:s10+s4], $0x80, v4, vm0, $0xb8;
	[tilespmem:$0x18100] =	vst v63  }
0x56: {  	s30 =	simm.s32 $0x7100  }
0x57: {  	[tilespmem:s30], [sflag:$0x2] =	stream.indirect_vreg.gather [hbm4b:s12+s4], $0x80, v4, vm0, $0xb8;
	[tilespmem:$0x18100] =	vst v63  }
0x58: {  	s7 =	simm.s32 $0x7900  }
0x59: {  	[tilespmem:s7], [sflag:$0x2] =	stream.indirect_vreg.gather [hbm4b:s2+s4], $0x80, v3, vm0, $0xb8;
	[tilespmem:$0x18100] =	vst v63  }
0x5a: {  	s29 =	simm.s32 $0x8100  }
0x5b: {  	[tilespmem:s29], [sflag:$0x2] =	stream.indirect_vreg.gather [hbm4b:s10+s4], $0x80, v3, vm0, $0xb8;
	[tilespmem:$0x18100] =	vst v63  }
0x5c: {  	s30 =	simm.s32 $0x8900  }
0x5d: {  	[tilespmem:s30], [sflag:$0x2] =	stream.indirect_vreg.gather [hbm4b:s12+s4], $0x80, v3, vm0, $0xb8;
	[tilespmem:$0x18100] =	vst v63  }
0x5e: {  	v3 =	vld [tilespmem:$0x90];
	_ =	sdelay $0x4  }
0x5f: {  	v4 =	vshrl.u32 v3, $0x3  }
0x60: {  	v4 =	vmul.u32 $0x30, v4  }
0x61: {  	v3 =	vand.u32 $0x7, v3  }
0x62: {  	v3 =	vor.u32 v3, v4  }
0x63: {  	v4 =	vperm.xlane v3, v0;
	_ =	sdelay $0x1  }
0x64: {  	v4 =	vadd.s32 v1, v4;
	_ =	sdelay $0x3  }
0x65: {  	s7 =	simm.s32 $0x9100;
	v3 =	vperm.xlane v3, v2  }
0x66: {  	[tilespmem:s7], [sflag:$0x2] =	stream.indirect_vreg.gather [hbm4b:s2+s4], $0x80, v4, vm0, $0xb8;
	[tilespmem:$0x18100] =	vst v63  }
0x67: {  	s29 =	simm.s32 $0x9900;
	v3 =	vadd.s32 v1, v3  }
0x68: {  	[tilespmem:s29], [sflag:$0x2] =	stream.indirect_vreg.gather [hbm4b:s10+s4], $0x80, v4, vm0, $0xb8;
	[tilespmem:$0x18100] =	vst v63  }
0x69: {  	s30 =	simm.s32 $0xA100  }
0x6a: {  	[tilespmem:s30], [sflag:$0x2] =	stream.indirect_vreg.gather [hbm4b:s12+s4], $0x80, v4, vm0, $0xb8;
	[tilespmem:$0x18100] =	vst v63  }
0x6b: {  	s7 =	simm.s32 $0xA900  }
0x6c: {  	[tilespmem:s7], [sflag:$0x2] =	stream.indirect_vreg.gather [hbm4b:s2+s4], $0x80, v3, vm0, $0xb8;
	[tilespmem:$0x18100] =	vst v63  }
0x6d: {  	s29 =	simm.s32 $0xB100  }
0x6e: {  	[tilespmem:s29], [sflag:$0x2] =	stream.indirect_vreg.gather [hbm4b:s10+s4], $0x80, v3, vm0, $0xb8;
	[tilespmem:$0x18100] =	vst v63  }
0x6f: {  	s30 =	simm.s32 $0xB900  }
0x70: {  	[tilespmem:s30], [sflag:$0x2] =	stream.indirect_vreg.gather [hbm4b:s12+s4], $0x80, v3, vm0, $0xb8;
	[tilespmem:$0x18100] =	vst v63  }
0x71: {  	_ =	swait.ge [sflag:s19], $0x6000  }
0x72: {  	[sflag:s19] =	ssyncset.done $0x0  }
0x73: {  	[sflag:s19] =	ssyncadd.s32 $0xFFFFA000  }
0x74: {  	_ =	swait.ge [sflag:s0], $0x6000  }
0x75: {  	[sflag:s0] =	ssyncset.done $0x0  }
0x76: {  	[sflag:s0] =	ssyncadd.s32 $0xFFFFA000  }
0x77: {  	v3 =	vld [tilespmem:$0x20];
	_ =	sdelay $0x4  }
0x78: {  	v4 =	vshrl.u32 v3, $0x3  }
0x79: {  	v4 =	vmul.u32 $0x30, v4  }
0x7a: {  	v3 =	vand.u32 $0x7, v3  }
0x7b: {  	v3 =	vor.u32 v3, v4  }
0x7c: {  	v4 =	vperm.xlane v3, v0;
	_ =	sdelay $0x1  }
0x7d: {  	v4 =	vadd.s32 v1, v4;
	_ =	sdelay $0x3  }
0x7e: {  	v3 =	vperm.xlane v3, v2  }
0x7f: {  	[tilespmem:s3], [sflag:$0x1] =	stream.indirect_vreg.gather [hbm4b:s1+s4], $0x80, v4, vm0, $0xb8;
	[tilespmem:$0x18100] =	vst v63  }
0x80: {  	s7 =	simm.s32 $0xC900;
	v3 =	vadd.s32 v1, v3  }
0x81: {  	[tilespmem:s7], [sflag:$0x1] =	stream.indirect_vreg.gather [hbm4b:s8+s4], $0x80, v4, vm0, $0xb8;
	[tilespmem:$0x18100] =	vst v63  }
0x82: {  	s29 =	simm.s32 $0xD100  }
0x83: {  	[tilespmem:s29], [sflag:$0x1] =	stream.indirect_vreg.gather [hbm4b:s9+s4], $0x80, v4, vm0, $0xb8;
	[tilespmem:$0x18100] =	vst v63  }
0x84: {  	s30 =	simm.s32 $0xD900  }
0x85: {  	[tilespmem:s30], [sflag:$0x1] =	stream.indirect_vreg.gather [hbm4b:s1+s4], $0x80, v3, vm0, $0xb8;
	[tilespmem:$0x18100] =	vst v63  }
0x86: {  	s7 =	simm.s32 $0xE100  }
0x87: {  	[tilespmem:s7], [sflag:$0x1] =	stream.indirect_vreg.gather [hbm4b:s8+s4], $0x80, v3, vm0, $0xb8;
	[tilespmem:$0x18100] =	vst v63  }
0x88: {  	s29 =	simm.s32 $0xE900  }
0x89: {  	[tilespmem:s29], [sflag:$0x1] =	stream.indirect_vreg.gather [hbm4b:s9+s4], $0x80, v3, vm0, $0xb8;
	[tilespmem:$0x18100] =	vst v63  }
0x8a: {  	v3 =	vld [tilespmem:$0x30];
	_ =	sdelay $0x4  }
0x8b: {  	v4 =	vshrl.u32 v3, $0x3  }
0x8c: {  	v4 =	vmul.u32 $0x30, v4  }
0x8d: {  	v3 =	vand.u32 $0x7, v3  }
0x8e: {  	v3 =	vor.u32 v3, v4  }
0x8f: {  	v4 =	vperm.xlane v3, v0;
	_ =	sdelay $0x1  }
0x90: {  	v4 =	vadd.s32 v1, v4;
	_ =	sdelay $0x3  }
0x91: {  	s30 =	simm.s32 $0xF100;
	v3 =	vperm.xlane v3, v2  }
0x92: {  	[tilespmem:s30], [sflag:$0x1] =	stream.indirect_vreg.gather [hbm4b:s1+s4], $0x80, v4, vm0, $0xb8;
	[tilespmem:$0x18100] =	vst v63  }
0x93: {  	s7 =	simm.s32 $0xF900;
	v3 =	vadd.s32 v1, v3  }
0x94: {  	[tilespmem:s7], [sflag:$0x1] =	stream.indirect_vreg.gather [hbm4b:s8+s4], $0x80, v4, vm0, $0xb8;
	[tilespmem:$0x18100] =	vst v63  }
0x95: {  	s29 =	simm.s32 $0x10100  }
0x96: {  	[tilespmem:s29], [sflag:$0x1] =	stream.indirect_vreg.gather [hbm4b:s9+s4], $0x80, v4, vm0, $0xb8;
	[tilespmem:$0x18100] =	vst v63  }
0x97: {  	s30 =	simm.s32 $0x10900  }
0x98: {  	[tilespmem:s30], [sflag:$0x1] =	stream.indirect_vreg.gather [hbm4b:s1+s4], $0x80, v3, vm0, $0xb8;
	[tilespmem:$0x18100] =	vst v63  }
0x99: {  	s7 =	simm.s32 $0x11100  }
0x9a: {  	[tilespmem:s7], [sflag:$0x1] =	stream.indirect_vreg.gather [hbm4b:s8+s4], $0x80, v3, vm0, $0xb8;
	[tilespmem:$0x18100] =	vst v63  }
0x9b: {  	s29 =	simm.s32 $0x11900  }
0x9c: {  	[tilespmem:s29], [sflag:$0x1] =	stream.indirect_vreg.gather [hbm4b:s9+s4], $0x80, v3, vm0, $0xb8;
	[tilespmem:$0x18100] =	vst v63  }
0x9d: {  	v3 =	vld [tilespmem:$0xA0];
	_ =	sdelay $0x4  }
0x9e: {  	v4 =	vshrl.u32 v3, $0x3  }
0x9f: {  	v4 =	vmul.u32 $0x30, v4  }
0xa0: {  	v3 =	vand.u32 $0x7, v3  }
0xa1: {  	v3 =	vor.u32 v3, v4  }
0xa2: {  	v4 =	vperm.xlane v3, v0;
	_ =	sdelay $0x1  }
0xa3: {  	v4 =	vadd.s32 v1, v4;
	_ =	sdelay $0x3  }
0xa4: {  	s30 =	simm.s32 $0x12100;
	v3 =	vperm.xlane v3, v2  }
0xa5: {  	[tilespmem:s30], [sflag:$0x2] =	stream.indirect_vreg.gather [hbm4b:s2+s4], $0x80, v4, vm0, $0xb8;
	[tilespmem:$0x18100] =	vst v63  }
0xa6: {  	s7 =	simm.s32 $0x12900;
	v3 =	vadd.s32 v1, v3  }
0xa7: {  	[tilespmem:s7], [sflag:$0x2] =	stream.indirect_vreg.gather [hbm4b:s10+s4], $0x80, v4, vm0, $0xb8;
	[tilespmem:$0x18100] =	vst v63  }
0xa8: {  	_ = 	snop  }
0xa9: {  	[tilespmem:s31], [sflag:$0x2] =	stream.indirect_vreg.gather [hbm4b:s12+s4], $0x80, v4, vm0, $0xb8;
	[tilespmem:$0x18100] =	vst v63  }
0xaa: {  	_ = 	snop  }
0xab: {  	[tilespmem:s18], [sflag:$0x2] =	stream.indirect_vreg.gather [hbm4b:s2+s4], $0x80, v3, vm0, $0xb8;
	[tilespmem:$0x18100] =	vst v63  }
0xac: {  	_ = 	snop  }
0xad: {  	[tilespmem:s5], [sflag:$0x2] =	stream.indirect_vreg.gather [hbm4b:s10+s4], $0x80, v3, vm0, $0xb8;
	[tilespmem:$0x18100] =	vst v63  }
0xae: {  	_ = 	snop  }
0xaf: {  	[tilespmem:s21], [sflag:$0x2] =	stream.indirect_vreg.gather [hbm4b:s12+s4], $0x80, v3, vm0, $0xb8;
	[tilespmem:$0x18100] =	vst v63  }
0xb0: {  	v3 =	vld [tilespmem:$0xB0];
	_ =	sdelay $0x4  }
0xb1: {  	v4 =	vshrl.u32 v3, $0x3  }
0xb2: {  	v4 =	vmul.u32 $0x30, v4  }
0xb3: {  	v3 =	vand.u32 $0x7, v3  }
0xb4: {  	v3 =	vor.u32 v3, v4  }
0xb5: {  	v4 =	vperm.xlane v3, v0;
	_ =	sdelay $0x1  }
0xb6: {  	v4 =	vadd.s32 v1, v4;
	_ =	sdelay $0x3  }
0xb7: {  	v3 =	vperm.xlane v3, v2  }
0xb8: {  	[tilespmem:s22], [sflag:$0x2] =	stream.indirect_vreg.gather [hbm4b:s2+s4], $0x80, v4, vm0, $0xb8;
	[tilespmem:$0x18100] =	vst v63  }
0xb9: {  	v3 =	vadd.s32 v1, v3  }
0xba: {  	[tilespmem:s13], [sflag:$0x2] =	stream.indirect_vreg.gather [hbm4b:s10+s4], $0x80, v4, vm0, $0xb8;
	[tilespmem:$0x18100] =	vst v63  }
0xbb: {  	_ = 	snop  }
0xbc: {  	[tilespmem:s23], [sflag:$0x2] =	stream.indirect_vreg.gather [hbm4b:s12+s4], $0x80, v4, vm0, $0xb8;
	[tilespmem:$0x18100] =	vst v63  }
0xbd: {  	s29 =	simm.s32 $0x0  }
0xbe: {  	[tilespmem:s14], [sflag:$0x2] =	stream.indirect_vreg.gather [hbm4b:s2+s4], $0x80, v3, vm0, $0xb8;
	[tilespmem:$0x18100] =	vst v63  }
0xbf: {  	s6 =	smul.u32 $0x1800, s29;
	s30 =	sand.u32 $0x380, s4  }
0xc0: {  	[tilespmem:s24], [sflag:$0x2] =	stream.indirect_vreg.gather [hbm4b:s10+s4], $0x80, v3, vm0, $0xb8;
	[tilespmem:$0x18100] =	vst v63  }
0xc1: {  	s6 =	sor.u32 s30, s6  }
0xc2: {  	[tilespmem:s15], [sflag:$0x2] =	stream.indirect_vreg.gather [hbm4b:s12+s4], $0x80, v3, vm0, $0xb8;
	[tilespmem:$0x18100] =	vst v63  }
0xc3: {  	v12 =	vld [tilespmem:s6+$0x6100]  }
0xc4: {  	v13 =	vld [tilespmem:s6+$0x6110]  }
0xc5: {  	v14 =	vld [tilespmem:s6+$0x6120]  }
0xc6: {  	v15 =	vld [tilespmem:s6+$0x6130]  }
0xc7: {  	v16 =	vld [tilespmem:s6+$0x6140]  }
0xc8: {  	v17 =	vld [tilespmem:s6+$0x6150]  }
0xc9: {  	v18 =	vld [tilespmem:s6+$0x6160]  }
0xca: {  	v19 =	vld [tilespmem:s6+$0x6170]  }
0xcb: {  	v20 =	vld [tilespmem:s6+$0x6500]  }
0xcc: {  	v21 =	vld [tilespmem:s6+$0x6510]  }
0xcd: {  	v22 =	vld [tilespmem:s6+$0x6520]  }
0xce: {  	v23 =	vld [tilespmem:s6+$0x6530]  }
0xcf: {  	v24 =	vld [tilespmem:s6+$0x6540]  }
0xd0: {  	v25 =	vld [tilespmem:s6+$0x6550]  }
0xd1: {  	v26 =	vld [tilespmem:s6+$0x6560]  }
0xd2: {  	v27 =	vld [tilespmem:s6+$0x6570]  }
0xd3: {  	v28 =	vld [tilespmem:s6+$0x6900]  }
0xd4: {  	v29 =	vld [tilespmem:s6+$0x6910]  }
0xd5: {  	v30 =	vld [tilespmem:s6+$0x6920]  }
0xd6: {  	v31 =	vld [tilespmem:s6+$0x6930]  }
0xd7: {  	v32 =	vld [tilespmem:s6+$0x6940]  }
0xd8: {  	v33 =	vld [tilespmem:s6+$0x6950]  }
0xd9: {  	v34 =	vld [tilespmem:s6+$0x6960]  }
0xda: {  	v35 =	vld [tilespmem:s6+$0x6970]  }
0xdb: {  	v36 =	vld [tilespmem:s6+$0x6D00]  }
0xdc: {  	v37 =	vld [tilespmem:s6+$0x6D10]  }
0xdd: {  	v38 =	vld [tilespmem:s6+$0x6D20]  }
0xde: {  	v39 =	vld [tilespmem:s6+$0x6D30]  }
0xdf: {  	v40 =	vld [tilespmem:s6+$0x6D40]  }
0xe0: {  	v41 =	vld [tilespmem:s6+$0x6D50]  }
0xe1: {  	v42 =	vld [tilespmem:s6+$0x6D60]  }
0xe2: {  	v43 =	vld [tilespmem:s6+$0x6D70]  }
0xe3: {  	v44 =	vld [tilespmem:s6+$0x7100]  }
0xe4: {  	v45 =	vld [tilespmem:s6+$0x7110]  }
0xe5: {  	v46 =	vld [tilespmem:s6+$0x7120]  }
0xe6: {  	v47 =	vld [tilespmem:s6+$0x7130]  }
0xe7: {  	v48 =	vld [tilespmem:s6+$0x7140]  }
0xe8: {  	v49 =	vld [tilespmem:s6+$0x7150]  }
0xe9: {  	v50 =	vld [tilespmem:s6+$0x7160]  }
0xea: {  	v11 =	vld [tilespmem:s6+$0x7170]  }
0xeb: {  	v10 =	vld [tilespmem:s6+$0x7500]  }
0xec: {  	v9 =	vld [tilespmem:s6+$0x7510]  }
0xed: {  	v8 =	vld [tilespmem:s6+$0x7520]  }
0xee: {  	v7 =	vld [tilespmem:s6+$0x7530]  }
0xef: {  	v6 =	vld [tilespmem:s6+$0x7540]  }
0xf0: {  	v51 =	vld [tilespmem:s6+$0x100]  }
0xf1: {  	v52 =	vld [tilespmem:s6+$0x110]  }
0xf2: {  	v53 =	vld [tilespmem:s6+$0x120]  }
0xf3: {  	v54 =	vld [tilespmem:s6+$0x130]  }
0xf4: {  	v55 =	vld [tilespmem:s6+$0x140]  }
0xf5: {  	v62 =	vld [tilespmem:s6+$0x150];
	v12 =	vadd.f32 v12, v51  }
0xf6: {  	v63 =	vld [tilespmem:s6+$0x160];
	v13 =	vadd.f32 v13, v52  }
0xf7: {  	[tilespmem:s6+$0x100] =	vst v12;
	v12 =	vadd.f32 v14, v53;
	v14 =	vld [tilespmem:s6+$0x170]  }
0xf8: {  	[tilespmem:s6+$0x110] =	vst v13;
	v13 =	vadd.f32 v15, v54;
	v15 =	vld [tilespmem:s6+$0x500]  }
0xf9: {  	[tilespmem:s6+$0x120] =	vst v12;
	v12 =	vadd.f32 v16, v55;
	v16 =	vld [tilespmem:s6+$0x510]  }
0xfa: {  	[tilespmem:s6+$0x130] =	vst v13;
	v13 =	vadd.f32 v17, v62;
	v17 =	vld [tilespmem:s6+$0x520]  }
0xfb: {  	v5 =	vld [tilespmem:s6+$0x7550]  }
0xfc: {  	[tilespmem:s6+$0x140] =	vst v12;
	v12 =	vadd.f32 v18, v63;
	v18 =	vld [tilespmem:s6+$0x570]  }
0xfd: {  	[tilespmem:s6+$0x150] =	vst v13;
	v13 =	vadd.f32 v19, v14;
	v14 =	vld [tilespmem:s6+$0x530]  }
0xfe: {  	[tilespmem:s6+$0x160] =	vst v12;
	v12 =	vadd.f32 v20, v15;
	v15 =	vld [tilespmem:s6+$0x540]  }
0xff: {  	[tilespmem:s6+$0x170] =	vst v13;
	v13 =	vadd.f32 v21, v16;
	v16 =	vadd.f32 v22, v17;
	v17 =	vld [tilespmem:s6+$0x560]  }
0x100: {  	[tilespmem:s6+$0x500] =	vst v12;
	v12 =	vld [tilespmem:s6+$0x550]  }
0x101: {  	[tilespmem:s6+$0x510] =	vst v13;
	v13 =	vld [tilespmem:s6+$0x900];
	v18 =	vadd.f32 v27, v18  }
0x102: {  	[tilespmem:s6+$0x520] =	vst v16;
	v16 =	vld [tilespmem:s6+$0x910];
	v14 =	vadd.f32 v23, v14  }
0x103: {  	v4 =	vld [tilespmem:s6+$0x7560];
	v15 =	vadd.f32 v24, v15;
	[tilespmem:s6+$0x570] =	vst v18  }
0x104: {  	[tilespmem:s6+$0x530] =	vst v14;
	v14 =	vld [tilespmem:s6+$0x920];
	v17 =	vadd.f32 v26, v17  }
0x105: {  	v12 =	vadd.f32 v25, v12;
	[tilespmem:s6+$0x540] =	vst v15;
	v15 =	vld [tilespmem:s6+$0x930]  }
0x106: {  	v18 =	vld [tilespmem:s6+$0x970];
	[tilespmem:s6+$0x560] =	vst v17;
	v13 =	vadd.f32 v28, v13  }
0x107: {  	v16 =	vadd.f32 v29, v16;
	[tilespmem:s6+$0x550] =	vst v12;
	v12 =	vld [tilespmem:s6+$0x940]  }
0x108: {  	v17 =	vld [tilespmem:s6+$0x950];
	[tilespmem:s6+$0x900] =	vst v13  }
0x109: {  	[tilespmem:s6+$0x910] =	vst v16;
	v16 =	vld [tilespmem:s6+$0x960];
	v13 =	vadd.f32 v30, v14  }
0x10a: {  	v14 =	vld [tilespmem:s6+$0xD00];
	v15 =	vadd.f32 v31, v15  }
0x10b: {  	[tilespmem:s6+$0x920] =	vst v13;
	v13 =	vld [tilespmem:s6+$0xD10]  }
0x10c: {  	v12 =	vadd.f32 v32, v12;
	[tilespmem:s6+$0x930] =	vst v15;
	v15 =	vld [tilespmem:s6+$0xD20]  }
0x10d: {  	v3 =	vld [tilespmem:s6+$0x7570];
	v17 =	vadd.f32 v33, v17  }
0x10e: {  	v16 =	vadd.f32 v34, v16;
	[tilespmem:s6+$0x940] =	vst v12;
	v12 =	vld [tilespmem:s6+$0xD30]  }
0x10f: {  	[tilespmem:s6+$0x950] =	vst v17;
	v17 =	vld [tilespmem:s6+$0xD40];
	v14 =	vadd.f32 v36, v14  }
0x110: {  	v18 =	vadd.f32 v35, v18;
	[tilespmem:s6+$0x960] =	vst v16;
	v16 =	vld [tilespmem:s6+$0xD50]  }
0x111: {  	v13 =	vadd.f32 v37, v13;
	[tilespmem:s6+$0xD00] =	vst v14;
	v14 =	vadd.f32 v38, v15;
	v15 =	vld [tilespmem:s6+$0xD60]  }
0x112: {  	[tilespmem:s6+$0x970] =	vst v18;
	v18 =	vld [tilespmem:s6+$0xD70]  }
0x113: {  	[tilespmem:s6+$0xD10] =	vst v13;
	v13 =	vld [tilespmem:s6+$0x1100];
	v12 =	vadd.f32 v39, v12  }
0x114: {  	v17 =	vadd.f32 v40, v17;
	[tilespmem:s6+$0xD20] =	vst v14;
	v14 =	vld [tilespmem:s6+$0x1110]  }
0x115: {  	v16 =	vadd.f32 v41, v16;
	[tilespmem:s6+$0xD30] =	vst v12;
	v12 =	vld [tilespmem:s6+$0x1120]  }
0x116: {  	[tilespmem:s6+$0xD40] =	vst v17;
	v17 =	vld [tilespmem:s6+$0x1130];
	v15 =	vadd.f32 v42, v15  }
0x117: {  	v19 =	vld [tilespmem:s6+$0x1140];
	[tilespmem:s6+$0xD50] =	vst v16;
	v16 =	vadd.f32 v43, v18  }
0x118: {  	v18 =	vld [tilespmem:s6+$0x1150];
	v13 =	vadd.f32 v44, v13;
	[tilespmem:s6+$0xD60] =	vst v15  }
0x119: {  	v20 =	vld [tilespmem:s6+$0x1160];
	[tilespmem:s6+$0xD70] =	vst v16;
	v14 =	vadd.f32 v45, v14  }
0x11a: {  	v16 =	vld [tilespmem:s6+$0x1170];
	[tilespmem:s6+$0x1100] =	vst v13;
	v12 =	vadd.f32 v46, v12  }
0x11b: {  	v15 =	vld [tilespmem:s6+$0x1500];
	v13 =	vadd.f32 v47, v17;
	[tilespmem:s6+$0x1110] =	vst v14  }
0x11c: {  	v14 =	vld [tilespmem:s6+$0x1510];
	[tilespmem:s6+$0x1120] =	vst v12;
	v12 =	vadd.f32 v48, v19  }
0x11d: {  	[tilespmem:s6+$0x1130] =	vst v13;
	v13 =	vld [tilespmem:s6+$0x1520];
	v18 =	vadd.f32 v49, v18  }
0x11e: {  	s28 =	simm.s32 $0x1;
	s7 =	simm.s32 $0x0;
	v17 =	vadd.f32 v50, v20;
	[tilespmem:s6+$0x1140] =	vst v12;
	v12 =	vld [tilespmem:s6+$0x1530]  }
.LBB2_2:
0x11f: {  	s29 =	sshrl.u32 s28, $0x3;
	p0 =	sne.s32 s28, $0x1F;
	[tilespmem:s6+$0x1150] =	vst v18;
	v11 =	vadd.f32 v11, v16;
	v16 =	vld [tilespmem:s6+$0x1540]  }
0x120: {  	s7 =	sadd.s32 $0x80, s7;
	s29 =	smul.u32 $0x1800, s29;
	[tilespmem:s6+$0x1160] =	vst v17;
	v10 =	vadd.f32 v10, v15;
	v15 =	vld [tilespmem:s6+$0x1550]  }
0x121: {  	s30 =	sand.u32 $0x380, s7;
	[tilespmem:s6+$0x1170] =	vst v11;
	v9 =	vadd.f32 v9, v14;
	v11 =	vld [tilespmem:s6+$0x1560]  }
0x122: {  	s29 =	sor.u32 s30, s29;
	[tilespmem:s6+$0x1500] =	vst v10;
	v8 =	vadd.f32 v8, v13;
	v10 =	vld [tilespmem:s6+$0x1570]  }
0x123: {  	v39 =	vld [tilespmem:s29+$0x6100];
	[tilespmem:s6+$0x1510] =	vst v9;
	v7 =	vadd.f32 v7, v12  }
0x124: {  	v40 =	vld [tilespmem:s29+$0x6110];
	[tilespmem:s6+$0x1520] =	vst v8;
	v6 =	vadd.f32 v6, v16  }
0x125: {  	v41 =	vld [tilespmem:s29+$0x6120];
	[tilespmem:s6+$0x1530] =	vst v7;
	v5 =	vadd.f32 v5, v15  }
0x126: {  	v42 =	vld [tilespmem:s29+$0x6130];
	[tilespmem:s6+$0x1540] =	vst v6;
	v4 =	vadd.f32 v4, v11  }
0x127: {  	v43 =	vld [tilespmem:s29+$0x6140];
	[tilespmem:s6+$0x1550] =	vst v5;
	v3 =	vadd.f32 v3, v10  }
0x128: {  	v44 =	vld [tilespmem:s29+$0x6150];
	[tilespmem:s6+$0x1560] =	vst v4  }
0x129: {  	v45 =	vld [tilespmem:s29+$0x6160];
	[tilespmem:s6+$0x1570] =	vst v3;
	s6 =	smov.u32 s29  }
0x12a: {  	v46 =	vld [tilespmem:s6+$0x6170]  }
0x12b: {  	v47 =	vld [tilespmem:s6+$0x6500]  }
0x12c: {  	v48 =	vld [tilespmem:s6+$0x6510]  }
0x12d: {  	v49 =	vld [tilespmem:s6+$0x6520]  }
0x12e: {  	v50 =	vld [tilespmem:s6+$0x6530]  }
0x12f: {  	v38 =	vld [tilespmem:s6+$0x6540]  }
0x130: {  	v37 =	vld [tilespmem:s6+$0x6550]  }
0x131: {  	v36 =	vld [tilespmem:s6+$0x6560]  }
0x132: {  	v35 =	vld [tilespmem:s6+$0x6570]  }
0x133: {  	v34 =	vld [tilespmem:s6+$0x6900]  }
0x134: {  	v33 =	vld [tilespmem:s6+$0x6910]  }
0x135: {  	v32 =	vld [tilespmem:s6+$0x6920]  }
0x136: {  	v31 =	vld [tilespmem:s6+$0x6930]  }
0x137: {  	v30 =	vld [tilespmem:s6+$0x6940]  }
0x138: {  	v29 =	vld [tilespmem:s6+$0x6950]  }
0x139: {  	v28 =	vld [tilespmem:s6+$0x6960]  }
0x13a: {  	v27 =	vld [tilespmem:s6+$0x6970]  }
0x13b: {  	v26 =	vld [tilespmem:s6+$0x6D00]  }
0x13c: {  	v25 =	vld [tilespmem:s6+$0x6D10]  }
0x13d: {  	v24 =	vld [tilespmem:s6+$0x6D20]  }
0x13e: {  	v23 =	vld [tilespmem:s6+$0x6D30]  }
0x13f: {  	v22 =	vld [tilespmem:s6+$0x6D40]  }
0x140: {  	v21 =	vld [tilespmem:s6+$0x6D50]  }
0x141: {  	v20 =	vld [tilespmem:s6+$0x6D60]  }
0x142: {  	v19 =	vld [tilespmem:s6+$0x6D70]  }
0x143: {  	v18 =	vld [tilespmem:s6+$0x7100]  }
0x144: {  	v17 =	vld [tilespmem:s6+$0x7110]  }
0x145: {  	v16 =	vld [tilespmem:s6+$0x7120]  }
0x146: {  	v15 =	vld [tilespmem:s6+$0x7130]  }
0x147: {  	v14 =	vld [tilespmem:s6+$0x7140]  }
0x148: {  	v13 =	vld [tilespmem:s6+$0x7150]  }
0x149: {  	v12 =	vld [tilespmem:s6+$0x7160]  }
0x14a: {  	v11 =	vld [tilespmem:s6+$0x7170]  }
0x14b: {  	v10 =	vld [tilespmem:s6+$0x7500]  }
0x14c: {  	v9 =	vld [tilespmem:s6+$0x7510]  }
0x14d: {  	v8 =	vld [tilespmem:s6+$0x7520]  }
0x14e: {  	v7 =	vld [tilespmem:s6+$0x7530]  }
0x14f: {  	v6 =	vld [tilespmem:s6+$0x7540]  }
0x150: {  	v5 =	vld [tilespmem:s6+$0x7550]  }
0x151: {  	v4 =	vld [tilespmem:s6+$0x7560]  }
0x152: {  	v3 =	vld [tilespmem:s6+$0x7570]  }
0x153: {  	v51 =	vld [tilespmem:s6+$0x100]  }
0x154: {  	v52 =	vld [tilespmem:s6+$0x110]  }
0x155: {  	v53 =	vld [tilespmem:s6+$0x120]  }
0x156: {  	v54 =	vld [tilespmem:s6+$0x130]  }
0x157: {  	v55 =	vld [tilespmem:s6+$0x140]  }
0x158: {  	v39 =	vadd.f32 v39, v51;
	v51 =	vld [tilespmem:s6+$0x150]  }
0x159: {  	v40 =	vadd.f32 v40, v52;
	v52 =	vld [tilespmem:s6+$0x160]  }
0x15a: {  	[tilespmem:s6+$0x100] =	vst v39;
	v39 =	vadd.f32 v41, v53;
	v41 =	vld [tilespmem:s6+$0x170]  }
0x15b: {  	[tilespmem:s6+$0x110] =	vst v40;
	v40 =	vadd.f32 v42, v54;
	v42 =	vld [tilespmem:s6+$0x500]  }
0x15c: {  	[tilespmem:s6+$0x120] =	vst v39;
	v39 =	vadd.f32 v43, v55;
	v43 =	vld [tilespmem:s6+$0x510]  }
0x15d: {  	[tilespmem:s6+$0x130] =	vst v40;
	v40 =	vadd.f32 v44, v51;
	v44 =	vld [tilespmem:s6+$0x520]  }
0x15e: {  	[tilespmem:s6+$0x140] =	vst v39;
	v39 =	vadd.f32 v45, v52;
	v45 =	vld [tilespmem:s6+$0x530]  }
0x15f: {  	[tilespmem:s6+$0x150] =	vst v40;
	v40 =	vadd.f32 v46, v41;
	v41 =	vld [tilespmem:s6+$0x540]  }
0x160: {  	[tilespmem:s6+$0x160] =	vst v39;
	v39 =	vadd.f32 v47, v42;
	v42 =	vld [tilespmem:s6+$0x550]  }
0x161: {  	[tilespmem:s6+$0x170] =	vst v40;
	v40 =	vadd.f32 v48, v43;
	v43 =	vld [tilespmem:s6+$0x560]  }
0x162: {  	[tilespmem:s6+$0x500] =	vst v39;
	v39 =	vadd.f32 v49, v44;
	v44 =	vld [tilespmem:s6+$0x570]  }
0x163: {  	[tilespmem:s6+$0x510] =	vst v40;
	v40 =	vadd.f32 v50, v45;
	v45 =	vld [tilespmem:s6+$0x900]  }
0x164: {  	[tilespmem:s6+$0x520] =	vst v39;
	v38 =	vadd.f32 v38, v41;
	v39 =	vld [tilespmem:s6+$0x910]  }
0x165: {  	[tilespmem:s6+$0x530] =	vst v40;
	v37 =	vadd.f32 v37, v42;
	v40 =	vld [tilespmem:s6+$0x920]  }
0x166: {  	[tilespmem:s6+$0x540] =	vst v38;
	v36 =	vadd.f32 v36, v43;
	v38 =	vld [tilespmem:s6+$0x930]  }
0x167: {  	[tilespmem:s6+$0x550] =	vst v37;
	v35 =	vadd.f32 v35, v44;
	v37 =	vld [tilespmem:s6+$0x940]  }
0x168: {  	[tilespmem:s6+$0x560] =	vst v36;
	v34 =	vadd.f32 v34, v45;
	v36 =	vld [tilespmem:s6+$0x950]  }
0x169: {  	[tilespmem:s6+$0x570] =	vst v35;
	v33 =	vadd.f32 v33, v39;
	v35 =	vld [tilespmem:s6+$0x960]  }
0x16a: {  	[tilespmem:s6+$0x900] =	vst v34;
	v32 =	vadd.f32 v32, v40;
	v34 =	vld [tilespmem:s6+$0x970]  }
0x16b: {  	[tilespmem:s6+$0x910] =	vst v33;
	v31 =	vadd.f32 v31, v38;
	v33 =	vld [tilespmem:s6+$0xD00]  }
0x16c: {  	[tilespmem:s6+$0x920] =	vst v32;
	v30 =	vadd.f32 v30, v37;
	v32 =	vld [tilespmem:s6+$0xD10]  }
0x16d: {  	[tilespmem:s6+$0x930] =	vst v31;
	v29 =	vadd.f32 v29, v36;
	v31 =	vld [tilespmem:s6+$0xD20]  }
0x16e: {  	[tilespmem:s6+$0x940] =	vst v30;
	v28 =	vadd.f32 v28, v35;
	v30 =	vld [tilespmem:s6+$0xD30]  }
0x16f: {  	[tilespmem:s6+$0x950] =	vst v29;
	v27 =	vadd.f32 v27, v34;
	v29 =	vld [tilespmem:s6+$0xD40]  }
0x170: {  	[tilespmem:s6+$0x960] =	vst v28;
	v26 =	vadd.f32 v26, v33;
	v28 =	vld [tilespmem:s6+$0xD50]  }
0x171: {  	[tilespmem:s6+$0x970] =	vst v27;
	v25 =	vadd.f32 v25, v32;
	v27 =	vld [tilespmem:s6+$0xD60]  }
0x172: {  	[tilespmem:s6+$0xD00] =	vst v26;
	v24 =	vadd.f32 v24, v31;
	v26 =	vld [tilespmem:s6+$0xD70]  }
0x173: {  	[tilespmem:s6+$0xD10] =	vst v25;
	v23 =	vadd.f32 v23, v30;
	v25 =	vld [tilespmem:s6+$0x1100]  }
0x174: {  	[tilespmem:s6+$0xD20] =	vst v24;
	v22 =	vadd.f32 v22, v29;
	v24 =	vld [tilespmem:s6+$0x1110]  }
0x175: {  	[tilespmem:s6+$0xD30] =	vst v23;
	v21 =	vadd.f32 v21, v28;
	v23 =	vld [tilespmem:s6+$0x1120]  }
0x176: {  	[tilespmem:s6+$0xD40] =	vst v22;
	v20 =	vadd.f32 v20, v27;
	v22 =	vld [tilespmem:s6+$0x1130]  }
0x177: {  	[tilespmem:s6+$0xD50] =	vst v21;
	v19 =	vadd.f32 v19, v26;
	v21 =	vld [tilespmem:s6+$0x1140]  }
0x178: {  	[tilespmem:s6+$0xD60] =	vst v20;
	v18 =	vadd.f32 v18, v25;
	v20 =	vld [tilespmem:s6+$0x1150]  }
0x179: {  	[tilespmem:s6+$0xD70] =	vst v19;
	v17 =	vadd.f32 v17, v24;
	v19 =	vld [tilespmem:s6+$0x1160]  }
.Ltmp0:
0x17a: {  	[tilespmem:s6+$0x1100] =	vst v18;
	v18 =	vadd.f32 v16, v23;
	v16 =	vld [tilespmem:s6+$0x1170];
	(pc) =	sbr.rel @p0 .LBB2_2-.Ltmp0, $4  }
0x17b: {  	[tilespmem:s6+$0x1110] =	vst v17;
	v17 =	vadd.f32 v15, v22;
	v15 =	vld [tilespmem:s6+$0x1500]  }
0x17c: {  	[tilespmem:s6+$0x1120] =	vst v18;
	v21 =	vadd.f32 v14, v21;
	v14 =	vld [tilespmem:s6+$0x1510]  }
0x17d: {  	[tilespmem:s6+$0x1130] =	vst v17;
	v18 =	vadd.f32 v13, v20;
	v13 =	vld [tilespmem:s6+$0x1520]  }
0x17e: {  	s28 =	sadd.s32 $0x1, s28;
	[tilespmem:s6+$0x1140] =	vst v21;
	v17 =	vadd.f32 v12, v19;
	v12 =	vld [tilespmem:s6+$0x1530]  }
0x17f: {  	[tilespmem:s6+$0x1150] =	vst v18;
	v18 =	vld [tilespmem:s6+$0x1540];
	v11 =	vadd.f32 v11, v16  }
0x180: {  	v16 =	vld [tilespmem:s6+$0x1550];
	[tilespmem:s6+$0x1160] =	vst v17;
	v10 =	vadd.f32 v10, v15  }
0x181: {  	[tilespmem:s6+$0x1170] =	vst v11;
	v9 =	vadd.f32 v9, v14;
	v11 =	vld [tilespmem:s6+$0x1560]  }
0x182: {  	[tilespmem:s6+$0x1500] =	vst v10;
	v8 =	vadd.f32 v8, v13;
	v10 =	vld [tilespmem:s6+$0x1570]  }
0x183: {  	[tilespmem:s6+$0x1510] =	vst v9;
	v7 =	vadd.f32 v7, v12  }
0x184: {  	[tilespmem:s6+$0x1520] =	vst v8;
	v6 =	vadd.f32 v6, v18  }
0x185: {  	v5 =	vadd.f32 v5, v16;
	[tilespmem:s6+$0x1530] =	vst v7  }
0x186: {  	[tilespmem:s6+$0x1540] =	vst v6;
	v4 =	vadd.f32 v4, v11  }
0x187: {  	[tilespmem:s6+$0x1550] =	vst v5;
	v3 =	vadd.f32 v3, v10  }
0x188: {  	[tilespmem:s6+$0x1560] =	vst v4  }
0x189: {  	[tilespmem:s6+$0x1570] =	vst v3;
	s6 =	simm.s32 $0x0  }
0x18a: {  	[hbm4b:s11+s6] =	stream.linear.scatter [tilespmem:s20], [sflag:$0x3], $0x6000, $0x38;
	[tilespmem:$0x18100] =	vst v63  }
0x18b: {  	_ =	swait.ge [sflag:s19], $0x6000  }
0x18c: {  	[sflag:s19] =	ssyncset.done $0x0  }
0x18d: {  	[sflag:s19] =	ssyncadd.s32 $0xFFFFA000  }
0x18e: {  	_ =	swait.ge [sflag:s0], $0x6000  }
0x18f: {  	[sflag:s0] =	ssyncset.done $0x0  }
0x190: {  	[sflag:s0] =	ssyncadd.s32 $0xFFFFA000  }
0x191: {  	_ =	swait.ge [sflag:s16], $0x6000  }
0x192: {  	[sflag:s16] =	ssyncset.done $0x0  }
0x193: {  	[sflag:s16] =	ssyncadd.s32 $0xFFFFA000  }
0x194: {  	v3 =	vld [tilespmem:$0x40];
	_ =	sdelay $0x4  }
0x195: {  	v4 =	vshrl.u32 v3, $0x3  }
0x196: {  	v4 =	vmul.u32 $0x30, v4  }
0x197: {  	v3 =	vand.u32 $0x7, v3  }
0x198: {  	v3 =	vor.u32 v3, v4  }
0x199: {  	v4 =	vperm.xlane v3, v0;
	_ =	sdelay $0x1  }
0x19a: {  	v4 =	vadd.s32 v1, v4;
	_ =	sdelay $0x3  }
0x19b: {  	v3 =	vperm.xlane v3, v2  }
0x19c: {  	[tilespmem:s20], [sflag:$0x1] =	stream.indirect_vreg.gather [hbm4b:s1+s6], $0x80, v4, vm0, $0xb8;
	[tilespmem:$0x18100] =	vst v63  }
0x19d: {  	s7 =	simm.s32 $0x900;
	v3 =	vadd.s32 v1, v3  }
0x19e: {  	[tilespmem:s7], [sflag:$0x1] =	stream.indirect_vreg.gather [hbm4b:s8+s6], $0x80, v4, vm0, $0xb8;
	[tilespmem:$0x18100] =	vst v63  }
0x19f: {  	s30 =	simm.s32 $0x1100  }
0x1a0: {  	[tilespmem:s30], [sflag:$0x1] =	stream.indirect_vreg.gather [hbm4b:s9+s6], $0x80, v4, vm0, $0xb8;
	[tilespmem:$0x18100] =	vst v63  }
0x1a1: {  	s29 =	simm.s32 $0x1900  }
0x1a2: {  	[tilespmem:s29], [sflag:$0x1] =	stream.indirect_vreg.gather [hbm4b:s1+s6], $0x80, v3, vm0, $0xb8;
	[tilespmem:$0x18100] =	vst v63  }
0x1a3: {  	s30 =	simm.s32 $0x2100  }
0x1a4: {  	[tilespmem:s30], [sflag:$0x1] =	stream.indirect_vreg.gather [hbm4b:s8+s6], $0x80, v3, vm0, $0xb8;
	[tilespmem:$0x18100] =	vst v63  }
0x1a5: {  	s29 =	simm.s32 $0x2900  }
0x1a6: {  	[tilespmem:s29], [sflag:$0x1] =	stream.indirect_vreg.gather [hbm4b:s9+s6], $0x80, v3, vm0, $0xb8;
	[tilespmem:$0x18100] =	vst v63  }
0x1a7: {  	v3 =	vld [tilespmem:$0x50];
	_ =	sdelay $0x4  }
0x1a8: {  	v4 =	vshrl.u32 v3, $0x3  }
0x1a9: {  	v4 =	vmul.u32 $0x30, v4  }
0x1aa: {  	v3 =	vand.u32 $0x7, v3  }
0x1ab: {  	v3 =	vor.u32 v3, v4  }
0x1ac: {  	v4 =	vperm.xlane v3, v0;
	_ =	sdelay $0x1  }
0x1ad: {  	v4 =	vadd.s32 v1, v4;
	_ =	sdelay $0x3  }
0x1ae: {  	s30 =	simm.s32 $0x3100;
	v3 =	vperm.xlane v3, v2  }
0x1af: {  	[tilespmem:s30], [sflag:$0x1] =	stream.indirect_vreg.gather [hbm4b:s1+s6], $0x80, v4, vm0, $0xb8;
	[tilespmem:$0x18100] =	vst v63  }
0x1b0: {  	s29 =	simm.s32 $0x3900;
	v3 =	vadd.s32 v1, v3  }
0x1b1: {  	[tilespmem:s29], [sflag:$0x1] =	stream.indirect_vreg.gather [hbm4b:s8+s6], $0x80, v4, vm0, $0xb8;
	[tilespmem:$0x18100] =	vst v63  }
0x1b2: {  	s30 =	simm.s32 $0x4100  }
0x1b3: {  	[tilespmem:s30], [sflag:$0x1] =	stream.indirect_vreg.gather [hbm4b:s9+s6], $0x80, v4, vm0, $0xb8;
	[tilespmem:$0x18100] =	vst v63  }
0x1b4: {  	s29 =	simm.s32 $0x4900  }
0x1b5: {  	[tilespmem:s29], [sflag:$0x1] =	stream.indirect_vreg.gather [hbm4b:s1+s6], $0x80, v3, vm0, $0xb8;
	[tilespmem:$0x18100] =	vst v63  }
0x1b6: {  	s30 =	simm.s32 $0x5100  }
0x1b7: {  	[tilespmem:s30], [sflag:$0x1] =	stream.indirect_vreg.gather [hbm4b:s8+s6], $0x80, v3, vm0, $0xb8;
	[tilespmem:$0x18100] =	vst v63  }
0x1b8: {  	s29 =	simm.s32 $0x5900  }
0x1b9: {  	[tilespmem:s29], [sflag:$0x1] =	stream.indirect_vreg.gather [hbm4b:s9+s6], $0x80, v3, vm0, $0xb8;
	[tilespmem:$0x18100] =	vst v63  }
0x1ba: {  	v3 =	vld [tilespmem:$0xC0];
	_ =	sdelay $0x4  }
0x1bb: {  	v4 =	vshrl.u32 v3, $0x3  }
0x1bc: {  	v4 =	vmul.u32 $0x30, v4  }
0x1bd: {  	v3 =	vand.u32 $0x7, v3  }
0x1be: {  	v3 =	vor.u32 v3, v4  }
0x1bf: {  	v4 =	vperm.xlane v3, v0;
	_ =	sdelay $0x1  }
0x1c0: {  	v4 =	vadd.s32 v1, v4;
	_ =	sdelay $0x3  }
0x1c1: {  	s30 =	simm.s32 $0x6100;
	v3 =	vperm.xlane v3, v2  }
0x1c2: {  	[tilespmem:s30], [sflag:$0x2] =	stream.indirect_vreg.gather [hbm4b:s2+s6], $0x80, v4, vm0, $0xb8;
	[tilespmem:$0x18100] =	vst v63  }
0x1c3: {  	s29 =	simm.s32 $0x6900;
	v3 =	vadd.s32 v1, v3  }
0x1c4: {  	[tilespmem:s29], [sflag:$0x2] =	stream.indirect_vreg.gather [hbm4b:s10+s6], $0x80, v4, vm0, $0xb8;
	[tilespmem:$0x18100] =	vst v63  }
0x1c5: {  	s30 =	simm.s32 $0x7100  }
0x1c6: {  	[tilespmem:s30], [sflag:$0x2] =	stream.indirect_vreg.gather [hbm4b:s12+s6], $0x80, v4, vm0, $0xb8;
	[tilespmem:$0x18100] =	vst v63  }
0x1c7: {  	s29 =	simm.s32 $0x7900  }
0x1c8: {  	[tilespmem:s29], [sflag:$0x2] =	stream.indirect_vreg.gather [hbm4b:s2+s6], $0x80, v3, vm0, $0xb8;
	[tilespmem:$0x18100] =	vst v63  }
0x1c9: {  	s30 =	simm.s32 $0x8100  }
0x1ca: {  	[tilespmem:s30], [sflag:$0x2] =	stream.indirect_vreg.gather [hbm4b:s10+s6], $0x80, v3, vm0, $0xb8;
	[tilespmem:$0x18100] =	vst v63  }
0x1cb: {  	s29 =	simm.s32 $0x8900  }
0x1cc: {  	[tilespmem:s29], [sflag:$0x2] =	stream.indirect_vreg.gather [hbm4b:s12+s6], $0x80, v3, vm0, $0xb8;
	[tilespmem:$0x18100] =	vst v63  }
0x1cd: {  	v3 =	vld [tilespmem:$0xD0];
	_ =	sdelay $0x4  }
0x1ce: {  	v4 =	vshrl.u32 v3, $0x3  }
0x1cf: {  	v4 =	vmul.u32 $0x30, v4  }
0x1d0: {  	v3 =	vand.u32 $0x7, v3  }
0x1d1: {  	v3 =	vor.u32 v3, v4  }
0x1d2: {  	v4 =	vperm.xlane v3, v0;
	_ =	sdelay $0x1  }
0x1d3: {  	v4 =	vadd.s32 v1, v4;
	_ =	sdelay $0x3  }
0x1d4: {  	s30 =	simm.s32 $0x9100;
	v3 =	vperm.xlane v3, v2  }
0x1d5: {  	[tilespmem:s30], [sflag:$0x2] =	stream.indirect_vreg.gather [hbm4b:s2+s6], $0x80, v4, vm0, $0xb8;
	[tilespmem:$0x18100] =	vst v63  }
0x1d6: {  	s29 =	simm.s32 $0x9900;
	v3 =	vadd.s32 v1, v3  }
0x1d7: {  	[tilespmem:s29], [sflag:$0x2] =	stream.indirect_vreg.gather [hbm4b:s10+s6], $0x80, v4, vm0, $0xb8;
	[tilespmem:$0x18100] =	vst v63  }
0x1d8: {  	s30 =	simm.s32 $0xA100  }
0x1d9: {  	[tilespmem:s30], [sflag:$0x2] =	stream.indirect_vreg.gather [hbm4b:s12+s6], $0x80, v4, vm0, $0xb8;
	[tilespmem:$0x18100] =	vst v63  }
0x1da: {  	s29 =	simm.s32 $0xA900  }
0x1db: {  	[tilespmem:s29], [sflag:$0x2] =	stream.indirect_vreg.gather [hbm4b:s2+s6], $0x80, v3, vm0, $0xb8;
	[tilespmem:$0x18100] =	vst v63  }
0x1dc: {  	s30 =	simm.s32 $0xB100  }
0x1dd: {  	[tilespmem:s30], [sflag:$0x2] =	stream.indirect_vreg.gather [hbm4b:s10+s6], $0x80, v3, vm0, $0xb8;
	[tilespmem:$0x18100] =	vst v63  }
0x1de: {  	s30 =	simm.s32 $0x0  }
0x1df: {  	s28 =	sand.u32 $0x380, s6;
	s29 =	simm.s32 $0xB900;
	s7 =	smul.u32 $0x1800, s30  }
0x1e0: {  	[tilespmem:s29], [sflag:$0x2] =	stream.indirect_vreg.gather [hbm4b:s12+s6], $0x80, v3, vm0, $0xb8;
	[tilespmem:$0x18100] =	vst v63  }
0x1e1: {  	s28 =	sor.u32 s28, s7  }
0x1e2: {  	v12 =	vld [tilespmem:s28+$0x12100]  }
0x1e3: {  	v13 =	vld [tilespmem:s28+$0x12110]  }
0x1e4: {  	v14 =	vld [tilespmem:s28+$0x12120]  }
0x1e5: {  	v15 =	vld [tilespmem:s28+$0x12130]  }
0x1e6: {  	v16 =	vld [tilespmem:s28+$0x12140]  }
0x1e7: {  	v17 =	vld [tilespmem:s28+$0x12150]  }
0x1e8: {  	v18 =	vld [tilespmem:s28+$0x12160]  }
0x1e9: {  	v19 =	vld [tilespmem:s28+$0x12170]  }
0x1ea: {  	v20 =	vld [tilespmem:s28+$0x12500]  }
0x1eb: {  	v21 =	vld [tilespmem:s28+$0x12510]  }
0x1ec: {  	v22 =	vld [tilespmem:s28+$0x12520]  }
0x1ed: {  	v23 =	vld [tilespmem:s28+$0x12530]  }
0x1ee: {  	v24 =	vld [tilespmem:s28+$0x12540]  }
0x1ef: {  	v25 =	vld [tilespmem:s28+$0x12550]  }
0x1f0: {  	v26 =	vld [tilespmem:s28+$0x12560]  }
0x1f1: {  	v27 =	vld [tilespmem:s28+$0x12570]  }
0x1f2: {  	v28 =	vld [tilespmem:s28+$0x12900]  }
0x1f3: {  	v29 =	vld [tilespmem:s28+$0x12910]  }
0x1f4: {  	v30 =	vld [tilespmem:s28+$0x12920]  }
0x1f5: {  	v31 =	vld [tilespmem:s28+$0x12930]  }
0x1f6: {  	v32 =	vld [tilespmem:s28+$0x12940]  }
0x1f7: {  	v33 =	vld [tilespmem:s28+$0x12950]  }
0x1f8: {  	v34 =	vld [tilespmem:s28+$0x12960]  }
0x1f9: {  	v35 =	vld [tilespmem:s28+$0x12970]  }
0x1fa: {  	v36 =	vld [tilespmem:s28+$0x12D00]  }
0x1fb: {  	v37 =	vld [tilespmem:s28+$0x12D10]  }
0x1fc: {  	v38 =	vld [tilespmem:s28+$0x12D20]  }
0x1fd: {  	v39 =	vld [tilespmem:s28+$0x12D30]  }
0x1fe: {  	v40 =	vld [tilespmem:s28+$0x12D40]  }
0x1ff: {  	v41 =	vld [tilespmem:s28+$0x12D50]  }
0x200: {  	v42 =	vld [tilespmem:s28+$0x12D60]  }
0x201: {  	v43 =	vld [tilespmem:s28+$0x12D70]  }
0x202: {  	v44 =	vld [tilespmem:s28+$0x13100]  }
0x203: {  	v45 =	vld [tilespmem:s28+$0x13110]  }
0x204: {  	v46 =	vld [tilespmem:s28+$0x13120]  }
0x205: {  	v47 =	vld [tilespmem:s28+$0x13130]  }
0x206: {  	v48 =	vld [tilespmem:s28+$0x13140]  }
0x207: {  	v49 =	vld [tilespmem:s28+$0x13150]  }
0x208: {  	v50 =	vld [tilespmem:s28+$0x13160]  }
0x209: {  	v11 =	vld [tilespmem:s28+$0x13170]  }
0x20a: {  	v10 =	vld [tilespmem:s28+$0x13500]  }
0x20b: {  	v9 =	vld [tilespmem:s28+$0x13510]  }
0x20c: {  	v8 =	vld [tilespmem:s28+$0x13520]  }
0x20d: {  	v7 =	vld [tilespmem:s28+$0x13530]  }
0x20e: {  	v6 =	vld [tilespmem:s28+$0x13540]  }
0x20f: {  	v51 =	vld [tilespmem:s28+$0xC100]  }
0x210: {  	v52 =	vld [tilespmem:s28+$0xC110]  }
0x211: {  	v53 =	vld [tilespmem:s28+$0xC120]  }
0x212: {  	v54 =	vld [tilespmem:s28+$0xC130]  }
0x213: {  	v55 =	vld [tilespmem:s28+$0xC140]  }
0x214: {  	v62 =	vld [tilespmem:s28+$0xC150];
	v12 =	vadd.f32 v12, v51  }
0x215: {  	v63 =	vld [tilespmem:s28+$0xC160];
	v13 =	vadd.f32 v13, v52  }
0x216: {  	[tilespmem:s28+$0xC100] =	vst v12;
	v12 =	vadd.f32 v14, v53;
	v14 =	vld [tilespmem:s28+$0xC170]  }
0x217: {  	[tilespmem:s28+$0xC110] =	vst v13;
	v13 =	vadd.f32 v15, v54;
	v15 =	vld [tilespmem:s28+$0xC500]  }
0x218: {  	[tilespmem:s28+$0xC120] =	vst v12;
	v12 =	vadd.f32 v16, v55;
	v16 =	vld [tilespmem:s28+$0xC510]  }
0x219: {  	[tilespmem:s28+$0xC130] =	vst v13;
	v13 =	vadd.f32 v17, v62;
	v17 =	vld [tilespmem:s28+$0xC520]  }
0x21a: {  	v5 =	vld [tilespmem:s28+$0x13550]  }
0x21b: {  	[tilespmem:s28+$0xC140] =	vst v12;
	v12 =	vadd.f32 v18, v63;
	v18 =	vld [tilespmem:s28+$0xC570]  }
0x21c: {  	[tilespmem:s28+$0xC150] =	vst v13;
	v13 =	vadd.f32 v19, v14;
	v14 =	vld [tilespmem:s28+$0xC530]  }
0x21d: {  	[tilespmem:s28+$0xC160] =	vst v12;
	v12 =	vadd.f32 v20, v15;
	v15 =	vld [tilespmem:s28+$0xC540]  }
0x21e: {  	[tilespmem:s28+$0xC170] =	vst v13;
	v13 =	vadd.f32 v21, v16;
	v16 =	vadd.f32 v22, v17;
	v17 =	vld [tilespmem:s28+$0xC560]  }
0x21f: {  	[tilespmem:s28+$0xC500] =	vst v12;
	v12 =	vld [tilespmem:s28+$0xC550]  }
0x220: {  	[tilespmem:s28+$0xC510] =	vst v13;
	v13 =	vld [tilespmem:s28+$0xC900];
	v18 =	vadd.f32 v27, v18  }
0x221: {  	[tilespmem:s28+$0xC520] =	vst v16;
	v16 =	vld [tilespmem:s28+$0xC910];
	v14 =	vadd.f32 v23, v14  }
0x222: {  	v4 =	vld [tilespmem:s28+$0x13560];
	v15 =	vadd.f32 v24, v15;
	[tilespmem:s28+$0xC570] =	vst v18  }
0x223: {  	[tilespmem:s28+$0xC530] =	vst v14;
	v14 =	vld [tilespmem:s28+$0xC920];
	v17 =	vadd.f32 v26, v17  }
0x224: {  	v12 =	vadd.f32 v25, v12;
	[tilespmem:s28+$0xC540] =	vst v15;
	v15 =	vld [tilespmem:s28+$0xC930]  }
0x225: {  	v18 =	vld [tilespmem:s28+$0xC970];
	[tilespmem:s28+$0xC560] =	vst v17;
	v13 =	vadd.f32 v28, v13  }
0x226: {  	v16 =	vadd.f32 v29, v16;
	[tilespmem:s28+$0xC550] =	vst v12;
	v12 =	vld [tilespmem:s28+$0xC940]  }
0x227: {  	v17 =	vld [tilespmem:s28+$0xC950];
	[tilespmem:s28+$0xC900] =	vst v13  }
0x228: {  	[tilespmem:s28+$0xC910] =	vst v16;
	v16 =	vld [tilespmem:s28+$0xC960];
	v13 =	vadd.f32 v30, v14  }
0x229: {  	v14 =	vld [tilespmem:s28+$0xCD00];
	v15 =	vadd.f32 v31, v15  }
0x22a: {  	[tilespmem:s28+$0xC920] =	vst v13;
	v13 =	vld [tilespmem:s28+$0xCD10]  }
0x22b: {  	v12 =	vadd.f32 v32, v12;
	[tilespmem:s28+$0xC930] =	vst v15;
	v15 =	vld [tilespmem:s28+$0xCD20]  }
0x22c: {  	v3 =	vld [tilespmem:s28+$0x13570];
	v17 =	vadd.f32 v33, v17  }
0x22d: {  	v16 =	vadd.f32 v34, v16;
	[tilespmem:s28+$0xC940] =	vst v12;
	v12 =	vld [tilespmem:s28+$0xCD30]  }
0x22e: {  	[tilespmem:s28+$0xC950] =	vst v17;
	v17 =	vld [tilespmem:s28+$0xCD40];
	v14 =	vadd.f32 v36, v14  }
0x22f: {  	v18 =	vadd.f32 v35, v18;
	[tilespmem:s28+$0xC960] =	vst v16;
	v16 =	vld [tilespmem:s28+$0xCD50]  }
0x230: {  	v13 =	vadd.f32 v37, v13;
	[tilespmem:s28+$0xCD00] =	vst v14;
	v14 =	vadd.f32 v38, v15;
	v15 =	vld [tilespmem:s28+$0xCD60]  }
0x231: {  	[tilespmem:s28+$0xC970] =	vst v18;
	v18 =	vld [tilespmem:s28+$0xCD70]  }
0x232: {  	[tilespmem:s28+$0xCD10] =	vst v13;
	v13 =	vld [tilespmem:s28+$0xD100];
	v12 =	vadd.f32 v39, v12  }
0x233: {  	v17 =	vadd.f32 v40, v17;
	[tilespmem:s28+$0xCD20] =	vst v14;
	v14 =	vld [tilespmem:s28+$0xD110]  }
0x234: {  	v16 =	vadd.f32 v41, v16;
	[tilespmem:s28+$0xCD30] =	vst v12;
	v12 =	vld [tilespmem:s28+$0xD120]  }
0x235: {  	[tilespmem:s28+$0xCD40] =	vst v17;
	v17 =	vld [tilespmem:s28+$0xD130];
	v15 =	vadd.f32 v42, v15  }
0x236: {  	v19 =	vld [tilespmem:s28+$0xD140];
	[tilespmem:s28+$0xCD50] =	vst v16;
	v16 =	vadd.f32 v43, v18  }
0x237: {  	v18 =	vld [tilespmem:s28+$0xD150];
	v13 =	vadd.f32 v44, v13;
	[tilespmem:s28+$0xCD60] =	vst v15  }
0x238: {  	v20 =	vld [tilespmem:s28+$0xD160];
	[tilespmem:s28+$0xCD70] =	vst v16;
	v14 =	vadd.f32 v45, v14  }
0x239: {  	v16 =	vld [tilespmem:s28+$0xD170];
	[tilespmem:s28+$0xD100] =	vst v13;
	v12 =	vadd.f32 v46, v12  }
0x23a: {  	v15 =	vld [tilespmem:s28+$0xD500];
	v13 =	vadd.f32 v47, v17;
	[tilespmem:s28+$0xD110] =	vst v14  }
0x23b: {  	v14 =	vld [tilespmem:s28+$0xD510];
	[tilespmem:s28+$0xD120] =	vst v12;
	v12 =	vadd.f32 v48, v19  }
0x23c: {  	[tilespmem:s28+$0xD130] =	vst v13;
	v13 =	vld [tilespmem:s28+$0xD520];
	v18 =	vadd.f32 v49, v18  }
0x23d: {  	s7 =	simm.s32 $0x1;
	v17 =	vadd.f32 v50, v20;
	[tilespmem:s28+$0xD140] =	vst v12;
	v12 =	vld [tilespmem:s28+$0xD530]  }
.LBB2_4:
0x23e: {  	s29 =	sshrl.u32 s7, $0x3;
	p0 =	sne.s32 s7, $0x1F;
	[tilespmem:s28+$0xD150] =	vst v18;
	v11 =	vadd.f32 v11, v16;
	v16 =	vld [tilespmem:s28+$0xD540]  }
0x23f: {  	s6 =	sadd.s32 $0x80, s6;
	s29 =	smul.u32 $0x1800, s29;
	[tilespmem:s28+$0xD160] =	vst v17;
	v10 =	vadd.f32 v10, v15;
	v15 =	vld [tilespmem:s28+$0xD550]  }
0x240: {  	s30 =	sand.u32 $0x380, s6;
	[tilespmem:s28+$0xD170] =	vst v11;
	v9 =	vadd.f32 v9, v14;
	v11 =	vld [tilespmem:s28+$0xD560]  }
0x241: {  	s29 =	sor.u32 s30, s29;
	[tilespmem:s28+$0xD500] =	vst v10;
	v8 =	vadd.f32 v8, v13;
	v10 =	vld [tilespmem:s28+$0xD570]  }
0x242: {  	v39 =	vld [tilespmem:s29+$0x12100];
	[tilespmem:s28+$0xD510] =	vst v9;
	v7 =	vadd.f32 v7, v12  }
0x243: {  	v40 =	vld [tilespmem:s29+$0x12110];
	[tilespmem:s28+$0xD520] =	vst v8;
	v6 =	vadd.f32 v6, v16  }
0x244: {  	v41 =	vld [tilespmem:s29+$0x12120];
	[tilespmem:s28+$0xD530] =	vst v7;
	v5 =	vadd.f32 v5, v15  }
0x245: {  	v42 =	vld [tilespmem:s29+$0x12130];
	[tilespmem:s28+$0xD540] =	vst v6;
	v4 =	vadd.f32 v4, v11  }
0x246: {  	v43 =	vld [tilespmem:s29+$0x12140];
	[tilespmem:s28+$0xD550] =	vst v5;
	v3 =	vadd.f32 v3, v10  }
0x247: {  	v44 =	vld [tilespmem:s29+$0x12150];
	[tilespmem:s28+$0xD560] =	vst v4  }
0x248: {  	v45 =	vld [tilespmem:s29+$0x12160];
	[tilespmem:s28+$0xD570] =	vst v3;
	s28 =	smov.u32 s29  }
0x249: {  	v46 =	vld [tilespmem:s28+$0x12170]  }
0x24a: {  	v47 =	vld [tilespmem:s28+$0x12500]  }
0x24b: {  	v48 =	vld [tilespmem:s28+$0x12510]  }
0x24c: {  	v49 =	vld [tilespmem:s28+$0x12520]  }
0x24d: {  	v50 =	vld [tilespmem:s28+$0x12530]  }
0x24e: {  	v38 =	vld [tilespmem:s28+$0x12540]  }
0x24f: {  	v37 =	vld [tilespmem:s28+$0x12550]  }
0x250: {  	v36 =	vld [tilespmem:s28+$0x12560]  }
0x251: {  	v35 =	vld [tilespmem:s28+$0x12570]  }
0x252: {  	v34 =	vld [tilespmem:s28+$0x12900]  }
0x253: {  	v33 =	vld [tilespmem:s28+$0x12910]  }
0x254: {  	v32 =	vld [tilespmem:s28+$0x12920]  }
0x255: {  	v31 =	vld [tilespmem:s28+$0x12930]  }
0x256: {  	v30 =	vld [tilespmem:s28+$0x12940]  }
0x257: {  	v29 =	vld [tilespmem:s28+$0x12950]  }
0x258: {  	v28 =	vld [tilespmem:s28+$0x12960]  }
0x259: {  	v27 =	vld [tilespmem:s28+$0x12970]  }
0x25a: {  	v26 =	vld [tilespmem:s28+$0x12D00]  }
0x25b: {  	v25 =	vld [tilespmem:s28+$0x12D10]  }
0x25c: {  	v24 =	vld [tilespmem:s28+$0x12D20]  }
0x25d: {  	v23 =	vld [tilespmem:s28+$0x12D30]  }
0x25e: {  	v22 =	vld [tilespmem:s28+$0x12D40]  }
0x25f: {  	v21 =	vld [tilespmem:s28+$0x12D50]  }
0x260: {  	v20 =	vld [tilespmem:s28+$0x12D60]  }
0x261: {  	v19 =	vld [tilespmem:s28+$0x12D70]  }
0x262: {  	v18 =	vld [tilespmem:s28+$0x13100]  }
0x263: {  	v17 =	vld [tilespmem:s28+$0x13110]  }
0x264: {  	v16 =	vld [tilespmem:s28+$0x13120]  }
0x265: {  	v15 =	vld [tilespmem:s28+$0x13130]  }
0x266: {  	v14 =	vld [tilespmem:s28+$0x13140]  }
0x267: {  	v13 =	vld [tilespmem:s28+$0x13150]  }
0x268: {  	v12 =	vld [tilespmem:s28+$0x13160]  }
0x269: {  	v11 =	vld [tilespmem:s28+$0x13170]  }
0x26a: {  	v10 =	vld [tilespmem:s28+$0x13500]  }
0x26b: {  	v9 =	vld [tilespmem:s28+$0x13510]  }
0x26c: {  	v8 =	vld [tilespmem:s28+$0x13520]  }
0x26d: {  	v7 =	vld [tilespmem:s28+$0x13530]  }
0x26e: {  	v6 =	vld [tilespmem:s28+$0x13540]  }
0x26f: {  	v5 =	vld [tilespmem:s28+$0x13550]  }
0x270: {  	v4 =	vld [tilespmem:s28+$0x13560]  }
0x271: {  	v3 =	vld [tilespmem:s28+$0x13570]  }
0x272: {  	v51 =	vld [tilespmem:s28+$0xC100]  }
0x273: {  	v52 =	vld [tilespmem:s28+$0xC110]  }
0x274: {  	v53 =	vld [tilespmem:s28+$0xC120]  }
0x275: {  	v54 =	vld [tilespmem:s28+$0xC130]  }
0x276: {  	v55 =	vld [tilespmem:s28+$0xC140]  }
0x277: {  	v39 =	vadd.f32 v39, v51;
	v51 =	vld [tilespmem:s28+$0xC150]  }
0x278: {  	v40 =	vadd.f32 v40, v52;
	v52 =	vld [tilespmem:s28+$0xC160]  }
0x279: {  	[tilespmem:s28+$0xC100] =	vst v39;
	v39 =	vadd.f32 v41, v53;
	v41 =	vld [tilespmem:s28+$0xC170]  }
0x27a: {  	[tilespmem:s28+$0xC110] =	vst v40;
	v40 =	vadd.f32 v42, v54;
	v42 =	vld [tilespmem:s28+$0xC500]  }
0x27b: {  	[tilespmem:s28+$0xC120] =	vst v39;
	v39 =	vadd.f32 v43, v55;
	v43 =	vld [tilespmem:s28+$0xC510]  }
0x27c: {  	[tilespmem:s28+$0xC130] =	vst v40;
	v40 =	vadd.f32 v44, v51;
	v44 =	vld [tilespmem:s28+$0xC520]  }
0x27d: {  	[tilespmem:s28+$0xC140] =	vst v39;
	v39 =	vadd.f32 v45, v52;
	v45 =	vld [tilespmem:s28+$0xC530]  }
0x27e: {  	[tilespmem:s28+$0xC150] =	vst v40;
	v40 =	vadd.f32 v46, v41;
	v41 =	vld [tilespmem:s28+$0xC540]  }
0x27f: {  	[tilespmem:s28+$0xC160] =	vst v39;
	v39 =	vadd.f32 v47, v42;
	v42 =	vld [tilespmem:s28+$0xC550]  }
0x280: {  	[tilespmem:s28+$0xC170] =	vst v40;
	v40 =	vadd.f32 v48, v43;
	v43 =	vld [tilespmem:s28+$0xC560]  }
0x281: {  	[tilespmem:s28+$0xC500] =	vst v39;
	v39 =	vadd.f32 v49, v44;
	v44 =	vld [tilespmem:s28+$0xC570]  }
0x282: {  	[tilespmem:s28+$0xC510] =	vst v40;
	v40 =	vadd.f32 v50, v45;
	v45 =	vld [tilespmem:s28+$0xC900]  }
0x283: {  	[tilespmem:s28+$0xC520] =	vst v39;
	v38 =	vadd.f32 v38, v41;
	v39 =	vld [tilespmem:s28+$0xC910]  }
0x284: {  	[tilespmem:s28+$0xC530] =	vst v40;
	v37 =	vadd.f32 v37, v42;
	v40 =	vld [tilespmem:s28+$0xC920]  }
0x285: {  	[tilespmem:s28+$0xC540] =	vst v38;
	v36 =	vadd.f32 v36, v43;
	v38 =	vld [tilespmem:s28+$0xC930]  }
0x286: {  	[tilespmem:s28+$0xC550] =	vst v37;
	v35 =	vadd.f32 v35, v44;
	v37 =	vld [tilespmem:s28+$0xC940]  }
0x287: {  	[tilespmem:s28+$0xC560] =	vst v36;
	v34 =	vadd.f32 v34, v45;
	v36 =	vld [tilespmem:s28+$0xC950]  }
0x288: {  	[tilespmem:s28+$0xC570] =	vst v35;
	v33 =	vadd.f32 v33, v39;
	v35 =	vld [tilespmem:s28+$0xC960]  }
0x289: {  	[tilespmem:s28+$0xC900] =	vst v34;
	v32 =	vadd.f32 v32, v40;
	v34 =	vld [tilespmem:s28+$0xC970]  }
0x28a: {  	[tilespmem:s28+$0xC910] =	vst v33;
	v31 =	vadd.f32 v31, v38;
	v33 =	vld [tilespmem:s28+$0xCD00]  }
0x28b: {  	[tilespmem:s28+$0xC920] =	vst v32;
	v30 =	vadd.f32 v30, v37;
	v32 =	vld [tilespmem:s28+$0xCD10]  }
0x28c: {  	[tilespmem:s28+$0xC930] =	vst v31;
	v29 =	vadd.f32 v29, v36;
	v31 =	vld [tilespmem:s28+$0xCD20]  }
0x28d: {  	[tilespmem:s28+$0xC940] =	vst v30;
	v28 =	vadd.f32 v28, v35;
	v30 =	vld [tilespmem:s28+$0xCD30]  }
0x28e: {  	[tilespmem:s28+$0xC950] =	vst v29;
	v27 =	vadd.f32 v27, v34;
	v29 =	vld [tilespmem:s28+$0xCD40]  }
0x28f: {  	[tilespmem:s28+$0xC960] =	vst v28;
	v26 =	vadd.f32 v26, v33;
	v28 =	vld [tilespmem:s28+$0xCD50]  }
0x290: {  	[tilespmem:s28+$0xC970] =	vst v27;
	v25 =	vadd.f32 v25, v32;
	v27 =	vld [tilespmem:s28+$0xCD60]  }
0x291: {  	[tilespmem:s28+$0xCD00] =	vst v26;
	v24 =	vadd.f32 v24, v31;
	v26 =	vld [tilespmem:s28+$0xCD70]  }
0x292: {  	[tilespmem:s28+$0xCD10] =	vst v25;
	v23 =	vadd.f32 v23, v30;
	v25 =	vld [tilespmem:s28+$0xD100]  }
0x293: {  	[tilespmem:s28+$0xCD20] =	vst v24;
	v22 =	vadd.f32 v22, v29;
	v24 =	vld [tilespmem:s28+$0xD110]  }
0x294: {  	[tilespmem:s28+$0xCD30] =	vst v23;
	v21 =	vadd.f32 v21, v28;
	v23 =	vld [tilespmem:s28+$0xD120]  }
0x295: {  	[tilespmem:s28+$0xCD40] =	vst v22;
	v20 =	vadd.f32 v20, v27;
	v22 =	vld [tilespmem:s28+$0xD130]  }
0x296: {  	[tilespmem:s28+$0xCD50] =	vst v21;
	v19 =	vadd.f32 v19, v26;
	v21 =	vld [tilespmem:s28+$0xD140]  }
0x297: {  	[tilespmem:s28+$0xCD60] =	vst v20;
	v18 =	vadd.f32 v18, v25;
	v20 =	vld [tilespmem:s28+$0xD150]  }
0x298: {  	[tilespmem:s28+$0xCD70] =	vst v19;
	v17 =	vadd.f32 v17, v24;
	v19 =	vld [tilespmem:s28+$0xD160]  }
.Ltmp1:
0x299: {  	[tilespmem:s28+$0xD100] =	vst v18;
	v18 =	vadd.f32 v16, v23;
	v16 =	vld [tilespmem:s28+$0xD170];
	(pc) =	sbr.rel @p0 .LBB2_4-.Ltmp1, $4  }
0x29a: {  	[tilespmem:s28+$0xD110] =	vst v17;
	v17 =	vadd.f32 v15, v22;
	v15 =	vld [tilespmem:s28+$0xD500]  }
0x29b: {  	[tilespmem:s28+$0xD120] =	vst v18;
	v21 =	vadd.f32 v14, v21;
	v14 =	vld [tilespmem:s28+$0xD510]  }
0x29c: {  	[tilespmem:s28+$0xD130] =	vst v17;
	v18 =	vadd.f32 v13, v20;
	v13 =	vld [tilespmem:s28+$0xD520]  }
0x29d: {  	s7 =	sadd.s32 $0x1, s7;
	[tilespmem:s28+$0xD140] =	vst v21;
	v17 =	vadd.f32 v12, v19;
	v12 =	vld [tilespmem:s28+$0xD530]  }
0x29e: {  	[tilespmem:s28+$0xD150] =	vst v18;
	v18 =	vld [tilespmem:s28+$0xD540];
	v11 =	vadd.f32 v11, v16  }
0x29f: {  	v16 =	vld [tilespmem:s28+$0xD550];
	[tilespmem:s28+$0xD160] =	vst v17;
	v10 =	vadd.f32 v10, v15  }
0x2a0: {  	[tilespmem:s28+$0xD170] =	vst v11;
	v9 =	vadd.f32 v9, v14;
	v11 =	vld [tilespmem:s28+$0xD560]  }
0x2a1: {  	[tilespmem:s28+$0xD500] =	vst v10;
	v8 =	vadd.f32 v8, v13;
	v10 =	vld [tilespmem:s28+$0xD570]  }
0x2a2: {  	[tilespmem:s28+$0xD510] =	vst v9;
	v7 =	vadd.f32 v7, v12  }
0x2a3: {  	[tilespmem:s28+$0xD520] =	vst v8;
	v6 =	vadd.f32 v6, v18  }
0x2a4: {  	v5 =	vadd.f32 v5, v16;
	[tilespmem:s28+$0xD530] =	vst v7  }
0x2a5: {  	[tilespmem:s28+$0xD540] =	vst v6;
	v4 =	vadd.f32 v4, v11  }
0x2a6: {  	[tilespmem:s28+$0xD550] =	vst v5;
	v3 =	vadd.f32 v3, v10  }
0x2a7: {  	[tilespmem:s28+$0xD560] =	vst v4  }
0x2a8: {  	s6 =	simm.s32 $0x0;
	s7 =	rddreg [dreg:$0x9];
	[tilespmem:s28+$0xD570] =	vst v3  }
0x2a9: {  	[hbm4b:s7+s6] =	stream.linear.scatter [tilespmem:s3], [sflag:$0x4], $0x6000, $0x38;
	[tilespmem:$0x18100] =	vst v63  }
0x2aa: {  	_ =	swait.ge [sflag:s19], $0x6000  }
0x2ab: {  	[sflag:s19] =	ssyncset.done $0x0  }
0x2ac: {  	[sflag:s19] =	ssyncadd.s32 $0xFFFFA000  }
0x2ad: {  	_ =	swait.ge [sflag:s0], $0x6000  }
0x2ae: {  	[sflag:s0] =	ssyncset.done $0x0  }
0x2af: {  	[sflag:s0] =	ssyncadd.s32 $0xFFFFA000  }
0x2b0: {  	_ =	swait.ge [sflag:s25], $0x6000  }
0x2b1: {  	[sflag:s25] =	ssyncset.done $0x0  }
0x2b2: {  	[sflag:s25] =	ssyncadd.s32 $0xFFFFA000  }
0x2b3: {  	v3 =	vld [tilespmem:$0x60];
	_ =	sdelay $0x4  }
0x2b4: {  	v4 =	vshrl.u32 v3, $0x3  }
0x2b5: {  	v4 =	vmul.u32 $0x30, v4  }
0x2b6: {  	v3 =	vand.u32 $0x7, v3  }
0x2b7: {  	v3 =	vor.u32 v3, v4  }
0x2b8: {  	v4 =	vperm.xlane v3, v0;
	_ =	sdelay $0x1  }
0x2b9: {  	v4 =	vadd.s32 v1, v4;
	_ =	sdelay $0x3  }
0x2ba: {  	v3 =	vperm.xlane v3, v2  }
0x2bb: {  	[tilespmem:s3], [sflag:$0x1] =	stream.indirect_vreg.gather [hbm4b:s1+s6], $0x80, v4, vm0, $0xb8;
	[tilespmem:$0x18100] =	vst v63  }
0x2bc: {  	s29 =	simm.s32 $0xC900;
	v3 =	vadd.s32 v1, v3  }
0x2bd: {  	[tilespmem:s29], [sflag:$0x1] =	stream.indirect_vreg.gather [hbm4b:s8+s6], $0x80, v4, vm0, $0xb8;
	[tilespmem:$0x18100] =	vst v63  }
0x2be: {  	s30 =	simm.s32 $0xD100  }
0x2bf: {  	[tilespmem:s30], [sflag:$0x1] =	stream.indirect_vreg.gather [hbm4b:s9+s6], $0x80, v4, vm0, $0xb8;
	[tilespmem:$0x18100] =	vst v63  }
0x2c0: {  	s29 =	simm.s32 $0xD900  }
0x2c1: {  	[tilespmem:s29], [sflag:$0x1] =	stream.indirect_vreg.gather [hbm4b:s1+s6], $0x80, v3, vm0, $0xb8;
	[tilespmem:$0x18100] =	vst v63  }
0x2c2: {  	s30 =	simm.s32 $0xE100  }
0x2c3: {  	[tilespmem:s30], [sflag:$0x1] =	stream.indirect_vreg.gather [hbm4b:s8+s6], $0x80, v3, vm0, $0xb8;
	[tilespmem:$0x18100] =	vst v63  }
0x2c4: {  	s29 =	simm.s32 $0xE900  }
0x2c5: {  	[tilespmem:s29], [sflag:$0x1] =	stream.indirect_vreg.gather [hbm4b:s9+s6], $0x80, v3, vm0, $0xb8;
	[tilespmem:$0x18100] =	vst v63  }
0x2c6: {  	v3 =	vld [tilespmem:$0x70];
	_ =	sdelay $0x4  }
0x2c7: {  	v4 =	vshrl.u32 v3, $0x3  }
0x2c8: {  	v4 =	vmul.u32 $0x30, v4  }
0x2c9: {  	v3 =	vand.u32 $0x7, v3  }
0x2ca: {  	v3 =	vor.u32 v3, v4  }
0x2cb: {  	v4 =	vperm.xlane v3, v0;
	_ =	sdelay $0x1  }
0x2cc: {  	v4 =	vadd.s32 v1, v4;
	_ =	sdelay $0x3  }
0x2cd: {  	s30 =	simm.s32 $0xF100;
	v3 =	vperm.xlane v3, v2  }
0x2ce: {  	[tilespmem:s30], [sflag:$0x1] =	stream.indirect_vreg.gather [hbm4b:s1+s6], $0x80, v4, vm0, $0xb8;
	[tilespmem:$0x18100] =	vst v63  }
0x2cf: {  	s29 =	simm.s32 $0xF900;
	v3 =	vadd.s32 v1, v3  }
0x2d0: {  	[tilespmem:s29], [sflag:$0x1] =	stream.indirect_vreg.gather [hbm4b:s8+s6], $0x80, v4, vm0, $0xb8;
	[tilespmem:$0x18100] =	vst v63  }
0x2d1: {  	s30 =	simm.s32 $0x10100  }
0x2d2: {  	[tilespmem:s30], [sflag:$0x1] =	stream.indirect_vreg.gather [hbm4b:s9+s6], $0x80, v4, vm0, $0xb8;
	[tilespmem:$0x18100] =	vst v63  }
0x2d3: {  	s29 =	simm.s32 $0x10900  }
0x2d4: {  	[tilespmem:s29], [sflag:$0x1] =	stream.indirect_vreg.gather [hbm4b:s1+s6], $0x80, v3, vm0, $0xb8;
	[tilespmem:$0x18100] =	vst v63  }
0x2d5: {  	s30 =	simm.s32 $0x11100  }
0x2d6: {  	[tilespmem:s30], [sflag:$0x1] =	stream.indirect_vreg.gather [hbm4b:s8+s6], $0x80, v3, vm0, $0xb8;
	[tilespmem:$0x18100] =	vst v63  }
0x2d7: {  	s29 =	simm.s32 $0x11900  }
0x2d8: {  	[tilespmem:s29], [sflag:$0x1] =	stream.indirect_vreg.gather [hbm4b:s9+s6], $0x80, v3, vm0, $0xb8;
	[tilespmem:$0x18100] =	vst v63  }
0x2d9: {  	v3 =	vld [tilespmem:$0xE0];
	_ =	sdelay $0x4  }
0x2da: {  	v4 =	vshrl.u32 v3, $0x3  }
0x2db: {  	v4 =	vmul.u32 $0x30, v4  }
0x2dc: {  	v3 =	vand.u32 $0x7, v3  }
0x2dd: {  	v3 =	vor.u32 v3, v4  }
0x2de: {  	v4 =	vperm.xlane v3, v0;
	_ =	sdelay $0x1  }
0x2df: {  	v4 =	vadd.s32 v1, v4;
	_ =	sdelay $0x3  }
0x2e0: {  	s30 =	simm.s32 $0x12100;
	v3 =	vperm.xlane v3, v2  }
0x2e1: {  	[tilespmem:s30], [sflag:$0x2] =	stream.indirect_vreg.gather [hbm4b:s2+s6], $0x80, v4, vm0, $0xb8;
	[tilespmem:$0x18100] =	vst v63  }
0x2e2: {  	s29 =	simm.s32 $0x12900;
	v3 =	vadd.s32 v1, v3  }
0x2e3: {  	[tilespmem:s29], [sflag:$0x2] =	stream.indirect_vreg.gather [hbm4b:s10+s6], $0x80, v4, vm0, $0xb8;
	[tilespmem:$0x18100] =	vst v63  }
0x2e4: {  	_ = 	snop  }
0x2e5: {  	[tilespmem:s31], [sflag:$0x2] =	stream.indirect_vreg.gather [hbm4b:s12+s6], $0x80, v4, vm0, $0xb8;
	[tilespmem:$0x18100] =	vst v63  }
0x2e6: {  	_ = 	snop  }
0x2e7: {  	[tilespmem:s18], [sflag:$0x2] =	stream.indirect_vreg.gather [hbm4b:s2+s6], $0x80, v3, vm0, $0xb8;
	[tilespmem:$0x18100] =	vst v63  }
0x2e8: {  	_ = 	snop  }
0x2e9: {  	[tilespmem:s5], [sflag:$0x2] =	stream.indirect_vreg.gather [hbm4b:s10+s6], $0x80, v3, vm0, $0xb8;
	[tilespmem:$0x18100] =	vst v63  }
0x2ea: {  	_ = 	snop  }
0x2eb: {  	[tilespmem:s21], [sflag:$0x2] =	stream.indirect_vreg.gather [hbm4b:s12+s6], $0x80, v3, vm0, $0xb8;
	[tilespmem:$0x18100] =	vst v63  }
0x2ec: {  	v3 =	vld [tilespmem:$0xF0];
	_ =	sdelay $0x4  }
0x2ed: {  	v4 =	vshrl.u32 v3, $0x3  }
0x2ee: {  	v4 =	vmul.u32 $0x30, v4  }
0x2ef: {  	v3 =	vand.u32 $0x7, v3  }
0x2f0: {  	v3 =	vor.u32 v3, v4  }
0x2f1: {  	v4 =	vperm.xlane v3, v0;
	_ =	sdelay $0x1  }
0x2f2: {  	v4 =	vadd.s32 v1, v4;
	_ =	sdelay $0x3  }
0x2f3: {  	v3 =	vperm.xlane v3, v2  }
0x2f4: {  	[tilespmem:s22], [sflag:$0x2] =	stream.indirect_vreg.gather [hbm4b:s2+s6], $0x80, v4, vm0, $0xb8;
	[tilespmem:$0x18100] =	vst v63  }
0x2f5: {  	v3 =	vadd.s32 v1, v3  }
0x2f6: {  	[tilespmem:s13], [sflag:$0x2] =	stream.indirect_vreg.gather [hbm4b:s10+s6], $0x80, v4, vm0, $0xb8;
	[tilespmem:$0x18100] =	vst v63  }
0x2f7: {  	_ = 	snop  }
0x2f8: {  	[tilespmem:s23], [sflag:$0x2] =	stream.indirect_vreg.gather [hbm4b:s12+s6], $0x80, v4, vm0, $0xb8;
	[tilespmem:$0x18100] =	vst v63  }
0x2f9: {  	s30 =	simm.s32 $0x0  }
0x2fa: {  	[tilespmem:s14], [sflag:$0x2] =	stream.indirect_vreg.gather [hbm4b:s2+s6], $0x80, v3, vm0, $0xb8;
	[tilespmem:$0x18100] =	vst v63  }
0x2fb: {  	s28 =	sand.u32 $0x380, s6;
	s7 =	smul.u32 $0x1800, s30  }
0x2fc: {  	[tilespmem:s24], [sflag:$0x2] =	stream.indirect_vreg.gather [hbm4b:s10+s6], $0x80, v3, vm0, $0xb8;
	[tilespmem:$0x18100] =	vst v63  }
0x2fd: {  	s28 =	sor.u32 s28, s7  }
0x2fe: {  	[tilespmem:s15], [sflag:$0x2] =	stream.indirect_vreg.gather [hbm4b:s12+s6], $0x80, v3, vm0, $0xb8;
	[tilespmem:$0x18100] =	vst v63  }
0x2ff: {  	v12 =	vld [tilespmem:s28+$0x6100]  }
0x300: {  	v13 =	vld [tilespmem:s28+$0x6110]  }
0x301: {  	v14 =	vld [tilespmem:s28+$0x6120]  }
0x302: {  	v15 =	vld [tilespmem:s28+$0x6130]  }
0x303: {  	v16 =	vld [tilespmem:s28+$0x6140]  }
0x304: {  	v17 =	vld [tilespmem:s28+$0x6150]  }
0x305: {  	v18 =	vld [tilespmem:s28+$0x6160]  }
0x306: {  	v19 =	vld [tilespmem:s28+$0x6170]  }
0x307: {  	v20 =	vld [tilespmem:s28+$0x6500]  }
0x308: {  	v21 =	vld [tilespmem:s28+$0x6510]  }
0x309: {  	v22 =	vld [tilespmem:s28+$0x6520]  }
0x30a: {  	v23 =	vld [tilespmem:s28+$0x6530]  }
0x30b: {  	v24 =	vld [tilespmem:s28+$0x6540]  }
0x30c: {  	v25 =	vld [tilespmem:s28+$0x6550]  }
0x30d: {  	v26 =	vld [tilespmem:s28+$0x6560]  }
0x30e: {  	v27 =	vld [tilespmem:s28+$0x6570]  }
0x30f: {  	v28 =	vld [tilespmem:s28+$0x6900]  }
0x310: {  	v29 =	vld [tilespmem:s28+$0x6910]  }
0x311: {  	v30 =	vld [tilespmem:s28+$0x6920]  }
0x312: {  	v31 =	vld [tilespmem:s28+$0x6930]  }
0x313: {  	v32 =	vld [tilespmem:s28+$0x6940]  }
0x314: {  	v33 =	vld [tilespmem:s28+$0x6950]  }
0x315: {  	v34 =	vld [tilespmem:s28+$0x6960]  }
0x316: {  	v35 =	vld [tilespmem:s28+$0x6970]  }
0x317: {  	v36 =	vld [tilespmem:s28+$0x6D00]  }
0x318: {  	v37 =	vld [tilespmem:s28+$0x6D10]  }
0x319: {  	v38 =	vld [tilespmem:s28+$0x6D20]  }
0x31a: {  	v39 =	vld [tilespmem:s28+$0x6D30]  }
0x31b: {  	v40 =	vld [tilespmem:s28+$0x6D40]  }
0x31c: {  	v41 =	vld [tilespmem:s28+$0x6D50]  }
0x31d: {  	v42 =	vld [tilespmem:s28+$0x6D60]  }
0x31e: {  	v43 =	vld [tilespmem:s28+$0x6D70]  }
0x31f: {  	v44 =	vld [tilespmem:s28+$0x7100]  }
0x320: {  	v45 =	vld [tilespmem:s28+$0x7110]  }
0x321: {  	v46 =	vld [tilespmem:s28+$0x7120]  }
0x322: {  	v47 =	vld [tilespmem:s28+$0x7130]  }
0x323: {  	v48 =	vld [tilespmem:s28+$0x7140]  }
0x324: {  	v49 =	vld [tilespmem:s28+$0x7150]  }
0x325: {  	v50 =	vld [tilespmem:s28+$0x7160]  }
0x326: {  	v11 =	vld [tilespmem:s28+$0x7170]  }
0x327: {  	v10 =	vld [tilespmem:s28+$0x7500]  }
0x328: {  	v9 =	vld [tilespmem:s28+$0x7510]  }
0x329: {  	v8 =	vld [tilespmem:s28+$0x7520]  }
0x32a: {  	v7 =	vld [tilespmem:s28+$0x7530]  }
0x32b: {  	v6 =	vld [tilespmem:s28+$0x7540]  }
0x32c: {  	v51 =	vld [tilespmem:s28+$0x100]  }
0x32d: {  	v52 =	vld [tilespmem:s28+$0x110]  }
0x32e: {  	v53 =	vld [tilespmem:s28+$0x120]  }
0x32f: {  	v54 =	vld [tilespmem:s28+$0x130]  }
0x330: {  	v55 =	vld [tilespmem:s28+$0x140]  }
0x331: {  	v62 =	vld [tilespmem:s28+$0x150];
	v12 =	vadd.f32 v12, v51  }
0x332: {  	v63 =	vld [tilespmem:s28+$0x160];
	v13 =	vadd.f32 v13, v52  }
0x333: {  	[tilespmem:s28+$0x100] =	vst v12;
	v12 =	vadd.f32 v14, v53;
	v14 =	vld [tilespmem:s28+$0x170]  }
0x334: {  	[tilespmem:s28+$0x110] =	vst v13;
	v13 =	vadd.f32 v15, v54;
	v15 =	vld [tilespmem:s28+$0x500]  }
0x335: {  	[tilespmem:s28+$0x120] =	vst v12;
	v12 =	vadd.f32 v16, v55;
	v16 =	vld [tilespmem:s28+$0x510]  }
0x336: {  	[tilespmem:s28+$0x130] =	vst v13;
	v13 =	vadd.f32 v17, v62;
	v17 =	vld [tilespmem:s28+$0x520]  }
0x337: {  	v5 =	vld [tilespmem:s28+$0x7550]  }
0x338: {  	[tilespmem:s28+$0x140] =	vst v12;
	v12 =	vadd.f32 v18, v63;
	v18 =	vld [tilespmem:s28+$0x570]  }
0x339: {  	[tilespmem:s28+$0x150] =	vst v13;
	v13 =	vadd.f32 v19, v14;
	v14 =	vld [tilespmem:s28+$0x530]  }
0x33a: {  	[tilespmem:s28+$0x160] =	vst v12;
	v12 =	vadd.f32 v20, v15;
	v15 =	vld [tilespmem:s28+$0x540]  }
0x33b: {  	[tilespmem:s28+$0x170] =	vst v13;
	v13 =	vadd.f32 v21, v16;
	v16 =	vadd.f32 v22, v17;
	v17 =	vld [tilespmem:s28+$0x560]  }
0x33c: {  	[tilespmem:s28+$0x500] =	vst v12;
	v12 =	vld [tilespmem:s28+$0x550]  }
0x33d: {  	[tilespmem:s28+$0x510] =	vst v13;
	v13 =	vld [tilespmem:s28+$0x900];
	v18 =	vadd.f32 v27, v18  }
0x33e: {  	[tilespmem:s28+$0x520] =	vst v16;
	v16 =	vld [tilespmem:s28+$0x910];
	v14 =	vadd.f32 v23, v14  }
0x33f: {  	v4 =	vld [tilespmem:s28+$0x7560];
	v15 =	vadd.f32 v24, v15;
	[tilespmem:s28+$0x570] =	vst v18  }
0x340: {  	[tilespmem:s28+$0x530] =	vst v14;
	v14 =	vld [tilespmem:s28+$0x920];
	v17 =	vadd.f32 v26, v17  }
0x341: {  	v12 =	vadd.f32 v25, v12;
	[tilespmem:s28+$0x540] =	vst v15;
	v15 =	vld [tilespmem:s28+$0x930]  }
0x342: {  	v18 =	vld [tilespmem:s28+$0x970];
	[tilespmem:s28+$0x560] =	vst v17;
	v13 =	vadd.f32 v28, v13  }
0x343: {  	v16 =	vadd.f32 v29, v16;
	[tilespmem:s28+$0x550] =	vst v12;
	v12 =	vld [tilespmem:s28+$0x940]  }
0x344: {  	v17 =	vld [tilespmem:s28+$0x950];
	[tilespmem:s28+$0x900] =	vst v13  }
0x345: {  	[tilespmem:s28+$0x910] =	vst v16;
	v16 =	vld [tilespmem:s28+$0x960];
	v13 =	vadd.f32 v30, v14  }
0x346: {  	v14 =	vld [tilespmem:s28+$0xD00];
	v15 =	vadd.f32 v31, v15  }
0x347: {  	[tilespmem:s28+$0x920] =	vst v13;
	v13 =	vld [tilespmem:s28+$0xD10]  }
0x348: {  	v12 =	vadd.f32 v32, v12;
	[tilespmem:s28+$0x930] =	vst v15;
	v15 =	vld [tilespmem:s28+$0xD20]  }
0x349: {  	v3 =	vld [tilespmem:s28+$0x7570];
	v17 =	vadd.f32 v33, v17  }
0x34a: {  	v16 =	vadd.f32 v34, v16;
	[tilespmem:s28+$0x940] =	vst v12;
	v12 =	vld [tilespmem:s28+$0xD30]  }
0x34b: {  	[tilespmem:s28+$0x950] =	vst v17;
	v17 =	vld [tilespmem:s28+$0xD40];
	v14 =	vadd.f32 v36, v14  }
0x34c: {  	v18 =	vadd.f32 v35, v18;
	[tilespmem:s28+$0x960] =	vst v16;
	v16 =	vld [tilespmem:s28+$0xD50]  }
0x34d: {  	v13 =	vadd.f32 v37, v13;
	[tilespmem:s28+$0xD00] =	vst v14;
	v14 =	vadd.f32 v38, v15;
	v15 =	vld [tilespmem:s28+$0xD60]  }
0x34e: {  	[tilespmem:s28+$0x970] =	vst v18;
	v18 =	vld [tilespmem:s28+$0xD70]  }
0x34f: {  	[tilespmem:s28+$0xD10] =	vst v13;
	v13 =	vld [tilespmem:s28+$0x1100];
	v12 =	vadd.f32 v39, v12  }
0x350: {  	v17 =	vadd.f32 v40, v17;
	[tilespmem:s28+$0xD20] =	vst v14;
	v14 =	vld [tilespmem:s28+$0x1110]  }
0x351: {  	v16 =	vadd.f32 v41, v16;
	[tilespmem:s28+$0xD30] =	vst v12;
	v12 =	vld [tilespmem:s28+$0x1120]  }
0x352: {  	[tilespmem:s28+$0xD40] =	vst v17;
	v17 =	vld [tilespmem:s28+$0x1130];
	v15 =	vadd.f32 v42, v15  }
0x353: {  	v19 =	vld [tilespmem:s28+$0x1140];
	[tilespmem:s28+$0xD50] =	vst v16;
	v16 =	vadd.f32 v43, v18  }
0x354: {  	v18 =	vld [tilespmem:s28+$0x1150];
	v13 =	vadd.f32 v44, v13;
	[tilespmem:s28+$0xD60] =	vst v15  }
0x355: {  	v20 =	vld [tilespmem:s28+$0x1160];
	[tilespmem:s28+$0xD70] =	vst v16;
	v14 =	vadd.f32 v45, v14  }
0x356: {  	v16 =	vld [tilespmem:s28+$0x1170];
	[tilespmem:s28+$0x1100] =	vst v13;
	v12 =	vadd.f32 v46, v12  }
0x357: {  	v15 =	vld [tilespmem:s28+$0x1500];
	v13 =	vadd.f32 v47, v17;
	[tilespmem:s28+$0x1110] =	vst v14  }
0x358: {  	v14 =	vld [tilespmem:s28+$0x1510];
	[tilespmem:s28+$0x1120] =	vst v12;
	v12 =	vadd.f32 v48, v19  }
0x359: {  	[tilespmem:s28+$0x1130] =	vst v13;
	v13 =	vld [tilespmem:s28+$0x1520];
	v18 =	vadd.f32 v49, v18  }
0x35a: {  	s7 =	simm.s32 $0x1;
	v17 =	vadd.f32 v50, v20;
	[tilespmem:s28+$0x1140] =	vst v12;
	v12 =	vld [tilespmem:s28+$0x1530]  }
.LBB2_6:
0x35b: {  	s29 =	sshrl.u32 s7, $0x3;
	p0 =	sne.s32 s7, $0x1F;
	[tilespmem:s28+$0x1150] =	vst v18;
	v11 =	vadd.f32 v11, v16;
	v16 =	vld [tilespmem:s28+$0x1540]  }
0x35c: {  	s6 =	sadd.s32 $0x80, s6;
	s29 =	smul.u32 $0x1800, s29;
	[tilespmem:s28+$0x1160] =	vst v17;
	v10 =	vadd.f32 v10, v15;
	v15 =	vld [tilespmem:s28+$0x1550]  }
0x35d: {  	s30 =	sand.u32 $0x380, s6;
	[tilespmem:s28+$0x1170] =	vst v11;
	v9 =	vadd.f32 v9, v14;
	v11 =	vld [tilespmem:s28+$0x1560]  }
0x35e: {  	s29 =	sor.u32 s30, s29;
	[tilespmem:s28+$0x1500] =	vst v10;
	v8 =	vadd.f32 v8, v13;
	v10 =	vld [tilespmem:s28+$0x1570]  }
0x35f: {  	v39 =	vld [tilespmem:s29+$0x6100];
	[tilespmem:s28+$0x1510] =	vst v9;
	v7 =	vadd.f32 v7, v12  }
0x360: {  	v40 =	vld [tilespmem:s29+$0x6110];
	[tilespmem:s28+$0x1520] =	vst v8;
	v6 =	vadd.f32 v6, v16  }
0x361: {  	v41 =	vld [tilespmem:s29+$0x6120];
	[tilespmem:s28+$0x1530] =	vst v7;
	v5 =	vadd.f32 v5, v15  }
0x362: {  	v42 =	vld [tilespmem:s29+$0x6130];
	[tilespmem:s28+$0x1540] =	vst v6;
	v4 =	vadd.f32 v4, v11  }
0x363: {  	v43 =	vld [tilespmem:s29+$0x6140];
	[tilespmem:s28+$0x1550] =	vst v5;
	v3 =	vadd.f32 v3, v10  }
0x364: {  	v44 =	vld [tilespmem:s29+$0x6150];
	[tilespmem:s28+$0x1560] =	vst v4  }
0x365: {  	v45 =	vld [tilespmem:s29+$0x6160];
	[tilespmem:s28+$0x1570] =	vst v3;
	s28 =	smov.u32 s29  }
0x366: {  	v46 =	vld [tilespmem:s28+$0x6170]  }
0x367: {  	v47 =	vld [tilespmem:s28+$0x6500]  }
0x368: {  	v48 =	vld [tilespmem:s28+$0x6510]  }
0x369: {  	v49 =	vld [tilespmem:s28+$0x6520]  }
0x36a: {  	v50 =	vld [tilespmem:s28+$0x6530]  }
0x36b: {  	v38 =	vld [tilespmem:s28+$0x6540]  }
0x36c: {  	v37 =	vld [tilespmem:s28+$0x6550]  }
0x36d: {  	v36 =	vld [tilespmem:s28+$0x6560]  }
0x36e: {  	v35 =	vld [tilespmem:s28+$0x6570]  }
0x36f: {  	v34 =	vld [tilespmem:s28+$0x6900]  }
0x370: {  	v33 =	vld [tilespmem:s28+$0x6910]  }
0x371: {  	v32 =	vld [tilespmem:s28+$0x6920]  }
0x372: {  	v31 =	vld [tilespmem:s28+$0x6930]  }
0x373: {  	v30 =	vld [tilespmem:s28+$0x6940]  }
0x374: {  	v29 =	vld [tilespmem:s28+$0x6950]  }
0x375: {  	v28 =	vld [tilespmem:s28+$0x6960]  }
0x376: {  	v27 =	vld [tilespmem:s28+$0x6970]  }
0x377: {  	v26 =	vld [tilespmem:s28+$0x6D00]  }
0x378: {  	v25 =	vld [tilespmem:s28+$0x6D10]  }
0x379: {  	v24 =	vld [tilespmem:s28+$0x6D20]  }
0x37a: {  	v23 =	vld [tilespmem:s28+$0x6D30]  }
0x37b: {  	v22 =	vld [tilespmem:s28+$0x6D40]  }
0x37c: {  	v21 =	vld [tilespmem:s28+$0x6D50]  }
0x37d: {  	v20 =	vld [tilespmem:s28+$0x6D60]  }
0x37e: {  	v19 =	vld [tilespmem:s28+$0x6D70]  }
0x37f: {  	v18 =	vld [tilespmem:s28+$0x7100]  }
0x380: {  	v17 =	vld [tilespmem:s28+$0x7110]  }
0x381: {  	v16 =	vld [tilespmem:s28+$0x7120]  }
0x382: {  	v15 =	vld [tilespmem:s28+$0x7130]  }
0x383: {  	v14 =	vld [tilespmem:s28+$0x7140]  }
0x384: {  	v13 =	vld [tilespmem:s28+$0x7150]  }
0x385: {  	v12 =	vld [tilespmem:s28+$0x7160]  }
0x386: {  	v11 =	vld [tilespmem:s28+$0x7170]  }
0x387: {  	v10 =	vld [tilespmem:s28+$0x7500]  }
0x388: {  	v9 =	vld [tilespmem:s28+$0x7510]  }
0x389: {  	v8 =	vld [tilespmem:s28+$0x7520]  }
0x38a: {  	v7 =	vld [tilespmem:s28+$0x7530]  }
0x38b: {  	v6 =	vld [tilespmem:s28+$0x7540]  }
0x38c: {  	v5 =	vld [tilespmem:s28+$0x7550]  }
0x38d: {  	v4 =	vld [tilespmem:s28+$0x7560]  }
0x38e: {  	v3 =	vld [tilespmem:s28+$0x7570]  }
0x38f: {  	v51 =	vld [tilespmem:s28+$0x100]  }
0x390: {  	v52 =	vld [tilespmem:s28+$0x110]  }
0x391: {  	v53 =	vld [tilespmem:s28+$0x120]  }
0x392: {  	v54 =	vld [tilespmem:s28+$0x130]  }
0x393: {  	v55 =	vld [tilespmem:s28+$0x140]  }
0x394: {  	v39 =	vadd.f32 v39, v51;
	v51 =	vld [tilespmem:s28+$0x150]  }
0x395: {  	v40 =	vadd.f32 v40, v52;
	v52 =	vld [tilespmem:s28+$0x160]  }
0x396: {  	[tilespmem:s28+$0x100] =	vst v39;
	v39 =	vadd.f32 v41, v53;
	v41 =	vld [tilespmem:s28+$0x170]  }
0x397: {  	[tilespmem:s28+$0x110] =	vst v40;
	v40 =	vadd.f32 v42, v54;
	v42 =	vld [tilespmem:s28+$0x500]  }
0x398: {  	[tilespmem:s28+$0x120] =	vst v39;
	v39 =	vadd.f32 v43, v55;
	v43 =	vld [tilespmem:s28+$0x510]  }
0x399: {  	[tilespmem:s28+$0x130] =	vst v40;
	v40 =	vadd.f32 v44, v51;
	v44 =	vld [tilespmem:s28+$0x520]  }
0x39a: {  	[tilespmem:s28+$0x140] =	vst v39;
	v39 =	vadd.f32 v45, v52;
	v45 =	vld [tilespmem:s28+$0x530]  }
0x39b: {  	[tilespmem:s28+$0x150] =	vst v40;
	v40 =	vadd.f32 v46, v41;
	v41 =	vld [tilespmem:s28+$0x540]  }
0x39c: {  	[tilespmem:s28+$0x160] =	vst v39;
	v39 =	vadd.f32 v47, v42;
	v42 =	vld [tilespmem:s28+$0x550]  }
0x39d: {  	[tilespmem:s28+$0x170] =	vst v40;
	v40 =	vadd.f32 v48, v43;
	v43 =	vld [tilespmem:s28+$0x560]  }
0x39e: {  	[tilespmem:s28+$0x500] =	vst v39;
	v39 =	vadd.f32 v49, v44;
	v44 =	vld [tilespmem:s28+$0x570]  }
0x39f: {  	[tilespmem:s28+$0x510] =	vst v40;
	v40 =	vadd.f32 v50, v45;
	v45 =	vld [tilespmem:s28+$0x900]  }
0x3a0: {  	[tilespmem:s28+$0x520] =	vst v39;
	v38 =	vadd.f32 v38, v41;
	v39 =	vld [tilespmem:s28+$0x910]  }
0x3a1: {  	[tilespmem:s28+$0x530] =	vst v40;
	v37 =	vadd.f32 v37, v42;
	v40 =	vld [tilespmem:s28+$0x920]  }
0x3a2: {  	[tilespmem:s28+$0x540] =	vst v38;
	v36 =	vadd.f32 v36, v43;
	v38 =	vld [tilespmem:s28+$0x930]  }
0x3a3: {  	[tilespmem:s28+$0x550] =	vst v37;
	v35 =	vadd.f32 v35, v44;
	v37 =	vld [tilespmem:s28+$0x940]  }
0x3a4: {  	[tilespmem:s28+$0x560] =	vst v36;
	v34 =	vadd.f32 v34, v45;
	v36 =	vld [tilespmem:s28+$0x950]  }
0x3a5: {  	[tilespmem:s28+$0x570] =	vst v35;
	v33 =	vadd.f32 v33, v39;
	v35 =	vld [tilespmem:s28+$0x960]  }
0x3a6: {  	[tilespmem:s28+$0x900] =	vst v34;
	v32 =	vadd.f32 v32, v40;
	v34 =	vld [tilespmem:s28+$0x970]  }
0x3a7: {  	[tilespmem:s28+$0x910] =	vst v33;
	v31 =	vadd.f32 v31, v38;
	v33 =	vld [tilespmem:s28+$0xD00]  }
0x3a8: {  	[tilespmem:s28+$0x920] =	vst v32;
	v30 =	vadd.f32 v30, v37;
	v32 =	vld [tilespmem:s28+$0xD10]  }
0x3a9: {  	[tilespmem:s28+$0x930] =	vst v31;
	v29 =	vadd.f32 v29, v36;
	v31 =	vld [tilespmem:s28+$0xD20]  }
0x3aa: {  	[tilespmem:s28+$0x940] =	vst v30;
	v28 =	vadd.f32 v28, v35;
	v30 =	vld [tilespmem:s28+$0xD30]  }
0x3ab: {  	[tilespmem:s28+$0x950] =	vst v29;
	v27 =	vadd.f32 v27, v34;
	v29 =	vld [tilespmem:s28+$0xD40]  }
0x3ac: {  	[tilespmem:s28+$0x960] =	vst v28;
	v26 =	vadd.f32 v26, v33;
	v28 =	vld [tilespmem:s28+$0xD50]  }
0x3ad: {  	[tilespmem:s28+$0x970] =	vst v27;
	v25 =	vadd.f32 v25, v32;
	v27 =	vld [tilespmem:s28+$0xD60]  }
0x3ae: {  	[tilespmem:s28+$0xD00] =	vst v26;
	v24 =	vadd.f32 v24, v31;
	v26 =	vld [tilespmem:s28+$0xD70]  }
0x3af: {  	[tilespmem:s28+$0xD10] =	vst v25;
	v23 =	vadd.f32 v23, v30;
	v25 =	vld [tilespmem:s28+$0x1100]  }
0x3b0: {  	[tilespmem:s28+$0xD20] =	vst v24;
	v22 =	vadd.f32 v22, v29;
	v24 =	vld [tilespmem:s28+$0x1110]  }
0x3b1: {  	[tilespmem:s28+$0xD30] =	vst v23;
	v21 =	vadd.f32 v21, v28;
	v23 =	vld [tilespmem:s28+$0x1120]  }
0x3b2: {  	[tilespmem:s28+$0xD40] =	vst v22;
	v20 =	vadd.f32 v20, v27;
	v22 =	vld [tilespmem:s28+$0x1130]  }
0x3b3: {  	[tilespmem:s28+$0xD50] =	vst v21;
	v19 =	vadd.f32 v19, v26;
	v21 =	vld [tilespmem:s28+$0x1140]  }
0x3b4: {  	[tilespmem:s28+$0xD60] =	vst v20;
	v18 =	vadd.f32 v18, v25;
	v20 =	vld [tilespmem:s28+$0x1150]  }
0x3b5: {  	[tilespmem:s28+$0xD70] =	vst v19;
	v17 =	vadd.f32 v17, v24;
	v19 =	vld [tilespmem:s28+$0x1160]  }
.Ltmp2:
0x3b6: {  	[tilespmem:s28+$0x1100] =	vst v18;
	v18 =	vadd.f32 v16, v23;
	v16 =	vld [tilespmem:s28+$0x1170];
	(pc) =	sbr.rel @p0 .LBB2_6-.Ltmp2, $4  }
0x3b7: {  	[tilespmem:s28+$0x1110] =	vst v17;
	v17 =	vadd.f32 v15, v22;
	v15 =	vld [tilespmem:s28+$0x1500]  }
0x3b8: {  	[tilespmem:s28+$0x1120] =	vst v18;
	v21 =	vadd.f32 v14, v21;
	v14 =	vld [tilespmem:s28+$0x1510]  }
0x3b9: {  	[tilespmem:s28+$0x1130] =	vst v17;
	v18 =	vadd.f32 v13, v20;
	v13 =	vld [tilespmem:s28+$0x1520]  }
0x3ba: {  	s7 =	sadd.s32 $0x1, s7;
	[tilespmem:s28+$0x1140] =	vst v21;
	v17 =	vadd.f32 v12, v19;
	v12 =	vld [tilespmem:s28+$0x1530]  }
0x3bb: {  	[tilespmem:s28+$0x1150] =	vst v18;
	v18 =	vld [tilespmem:s28+$0x1540];
	v11 =	vadd.f32 v11, v16  }
0x3bc: {  	v16 =	vld [tilespmem:s28+$0x1550];
	[tilespmem:s28+$0x1160] =	vst v17;
	v10 =	vadd.f32 v10, v15  }
0x3bd: {  	[tilespmem:s28+$0x1170] =	vst v11;
	v9 =	vadd.f32 v9, v14;
	v11 =	vld [tilespmem:s28+$0x1560]  }
0x3be: {  	[tilespmem:s28+$0x1500] =	vst v10;
	v8 =	vadd.f32 v8, v13;
	v10 =	vld [tilespmem:s28+$0x1570]  }
0x3bf: {  	[tilespmem:s28+$0x1510] =	vst v9;
	v7 =	vadd.f32 v7, v12  }
0x3c0: {  	[tilespmem:s28+$0x1520] =	vst v8;
	v6 =	vadd.f32 v6, v18  }
0x3c1: {  	v5 =	vadd.f32 v5, v16;
	[tilespmem:s28+$0x1530] =	vst v7  }
0x3c2: {  	[tilespmem:s28+$0x1540] =	vst v6;
	v4 =	vadd.f32 v4, v11  }
0x3c3: {  	[tilespmem:s28+$0x1550] =	vst v5;
	v3 =	vadd.f32 v3, v10  }
0x3c4: {  	[tilespmem:s28+$0x1560] =	vst v4  }
0x3c5: {  	s6 =	rddreg [dreg:$0xa];
	[tilespmem:s28+$0x1570] =	vst v3;
	s28 =	simm.s32 $0x0  }
0x3c6: {  	[hbm4b:s6+s28] =	stream.linear.scatter [tilespmem:s20], [sflag:$0x3], $0x6000, $0x38;
	[tilespmem:$0x18100] =	vst v63  }
0x3c7: {  	_ =	swait.ge [sflag:s19], $0x6000  }
0x3c8: {  	[sflag:s19] =	ssyncset.done $0x0  }
0x3c9: {  	s30 =	simm.s32 $0x0;
	[sflag:s19] =	ssyncadd.s32 $0xFFFFA000  }
0x3ca: {  	s6 =	smul.u32 $0x1800, s30;
	_ =	swait.ge [sflag:s0], $0x6000  }
0x3cb: {  	s7 =	sand.u32 $0x380, s28;
	[sflag:s0] =	ssyncset.done $0x0  }
0x3cc: {  	s6 =	sor.u32 s7, s6;
	[sflag:s0] =	ssyncadd.s32 $0xFFFFA000  }
0x3cd: {  	v12 =	vld [tilespmem:s6+$0x12100]  }
0x3ce: {  	v13 =	vld [tilespmem:s6+$0x12110]  }
0x3cf: {  	v14 =	vld [tilespmem:s6+$0x12120]  }
0x3d0: {  	v15 =	vld [tilespmem:s6+$0x12130]  }
0x3d1: {  	v16 =	vld [tilespmem:s6+$0x12140]  }
0x3d2: {  	v17 =	vld [tilespmem:s6+$0x12150]  }
0x3d3: {  	v18 =	vld [tilespmem:s6+$0x12160]  }
0x3d4: {  	v19 =	vld [tilespmem:s6+$0x12170]  }
0x3d5: {  	v20 =	vld [tilespmem:s6+$0x12500]  }
0x3d6: {  	v21 =	vld [tilespmem:s6+$0x12510]  }
0x3d7: {  	v22 =	vld [tilespmem:s6+$0x12520]  }
0x3d8: {  	v23 =	vld [tilespmem:s6+$0x12530]  }
0x3d9: {  	v24 =	vld [tilespmem:s6+$0x12540]  }
0x3da: {  	v25 =	vld [tilespmem:s6+$0x12550]  }
0x3db: {  	v26 =	vld [tilespmem:s6+$0x12560]  }
0x3dc: {  	v27 =	vld [tilespmem:s6+$0x12570]  }
0x3dd: {  	v28 =	vld [tilespmem:s6+$0x12900]  }
0x3de: {  	v29 =	vld [tilespmem:s6+$0x12910]  }
0x3df: {  	v30 =	vld [tilespmem:s6+$0x12920]  }
0x3e0: {  	v31 =	vld [tilespmem:s6+$0x12930]  }
0x3e1: {  	v32 =	vld [tilespmem:s6+$0x12940]  }
0x3e2: {  	v33 =	vld [tilespmem:s6+$0x12950]  }
0x3e3: {  	v34 =	vld [tilespmem:s6+$0x12960]  }
0x3e4: {  	v35 =	vld [tilespmem:s6+$0x12970]  }
0x3e5: {  	v36 =	vld [tilespmem:s6+$0x12D00]  }
0x3e6: {  	v37 =	vld [tilespmem:s6+$0x12D10]  }
0x3e7: {  	v38 =	vld [tilespmem:s6+$0x12D20]  }
0x3e8: {  	v39 =	vld [tilespmem:s6+$0x12D30]  }
0x3e9: {  	v40 =	vld [tilespmem:s6+$0x12D40]  }
0x3ea: {  	v41 =	vld [tilespmem:s6+$0x12D50]  }
0x3eb: {  	v42 =	vld [tilespmem:s6+$0x12D60]  }
0x3ec: {  	v43 =	vld [tilespmem:s6+$0x12D70]  }
0x3ed: {  	v44 =	vld [tilespmem:s6+$0x13100]  }
0x3ee: {  	v45 =	vld [tilespmem:s6+$0x13110]  }
0x3ef: {  	v46 =	vld [tilespmem:s6+$0x13120]  }
0x3f0: {  	v47 =	vld [tilespmem:s6+$0x13130]  }
0x3f1: {  	v48 =	vld [tilespmem:s6+$0x13140]  }
0x3f2: {  	v49 =	vld [tilespmem:s6+$0x13150]  }
0x3f3: {  	v50 =	vld [tilespmem:s6+$0x13160]  }
0x3f4: {  	v11 =	vld [tilespmem:s6+$0x13170]  }
0x3f5: {  	v10 =	vld [tilespmem:s6+$0x13500]  }
0x3f6: {  	v9 =	vld [tilespmem:s6+$0x13510]  }
0x3f7: {  	v8 =	vld [tilespmem:s6+$0x13520]  }
0x3f8: {  	v7 =	vld [tilespmem:s6+$0x13530]  }
0x3f9: {  	v6 =	vld [tilespmem:s6+$0x13540]  }
0x3fa: {  	v51 =	vld [tilespmem:s6+$0xC100]  }
0x3fb: {  	v52 =	vld [tilespmem:s6+$0xC110]  }
0x3fc: {  	v53 =	vld [tilespmem:s6+$0xC120]  }
0x3fd: {  	v54 =	vld [tilespmem:s6+$0xC130]  }
0x3fe: {  	v55 =	vld [tilespmem:s6+$0xC140]  }
0x3ff: {  	v62 =	vld [tilespmem:s6+$0xC150];
	v12 =	vadd.f32 v12, v51  }
0x400: {  	v63 =	vld [tilespmem:s6+$0xC160];
	v13 =	vadd.f32 v13, v52  }
0x401: {  	[tilespmem:s6+$0xC100] =	vst v12;
	v12 =	vadd.f32 v14, v53;
	v14 =	vld [tilespmem:s6+$0xC170]  }
0x402: {  	[tilespmem:s6+$0xC110] =	vst v13;
	v13 =	vadd.f32 v15, v54;
	v15 =	vld [tilespmem:s6+$0xC500]  }
0x403: {  	[tilespmem:s6+$0xC120] =	vst v12;
	v12 =	vadd.f32 v16, v55;
	v16 =	vld [tilespmem:s6+$0xC510]  }
0x404: {  	[tilespmem:s6+$0xC130] =	vst v13;
	v13 =	vadd.f32 v17, v62;
	v17 =	vld [tilespmem:s6+$0xC520]  }
0x405: {  	v5 =	vld [tilespmem:s6+$0x13550]  }
0x406: {  	[tilespmem:s6+$0xC140] =	vst v12;
	v12 =	vadd.f32 v18, v63;
	v18 =	vld [tilespmem:s6+$0xC570]  }
0x407: {  	[tilespmem:s6+$0xC150] =	vst v13;
	v13 =	vadd.f32 v19, v14;
	v14 =	vld [tilespmem:s6+$0xC530]  }
0x408: {  	[tilespmem:s6+$0xC160] =	vst v12;
	v12 =	vadd.f32 v20, v15;
	v15 =	vld [tilespmem:s6+$0xC540]  }
0x409: {  	[tilespmem:s6+$0xC170] =	vst v13;
	v13 =	vadd.f32 v21, v16;
	v16 =	vadd.f32 v22, v17;
	v17 =	vld [tilespmem:s6+$0xC560]  }
0x40a: {  	[tilespmem:s6+$0xC500] =	vst v12;
	v12 =	vld [tilespmem:s6+$0xC550]  }
0x40b: {  	[tilespmem:s6+$0xC510] =	vst v13;
	v13 =	vld [tilespmem:s6+$0xC900];
	v18 =	vadd.f32 v27, v18  }
0x40c: {  	[tilespmem:s6+$0xC520] =	vst v16;
	v16 =	vld [tilespmem:s6+$0xC910];
	v14 =	vadd.f32 v23, v14  }
0x40d: {  	v4 =	vld [tilespmem:s6+$0x13560];
	v15 =	vadd.f32 v24, v15;
	[tilespmem:s6+$0xC570] =	vst v18  }
0x40e: {  	[tilespmem:s6+$0xC530] =	vst v14;
	v14 =	vld [tilespmem:s6+$0xC920];
	v17 =	vadd.f32 v26, v17  }
0x40f: {  	v12 =	vadd.f32 v25, v12;
	[tilespmem:s6+$0xC540] =	vst v15;
	v15 =	vld [tilespmem:s6+$0xC930]  }
0x410: {  	v18 =	vld [tilespmem:s6+$0xC970];
	[tilespmem:s6+$0xC560] =	vst v17;
	v13 =	vadd.f32 v28, v13  }
0x411: {  	v16 =	vadd.f32 v29, v16;
	[tilespmem:s6+$0xC550] =	vst v12;
	v12 =	vld [tilespmem:s6+$0xC940]  }
0x412: {  	v17 =	vld [tilespmem:s6+$0xC950];
	[tilespmem:s6+$0xC900] =	vst v13  }
0x413: {  	[tilespmem:s6+$0xC910] =	vst v16;
	v16 =	vld [tilespmem:s6+$0xC960];
	v13 =	vadd.f32 v30, v14  }
0x414: {  	v14 =	vld [tilespmem:s6+$0xCD00];
	v15 =	vadd.f32 v31, v15  }
0x415: {  	[tilespmem:s6+$0xC920] =	vst v13;
	v13 =	vld [tilespmem:s6+$0xCD10]  }
0x416: {  	v12 =	vadd.f32 v32, v12;
	[tilespmem:s6+$0xC930] =	vst v15;
	v15 =	vld [tilespmem:s6+$0xCD20]  }
0x417: {  	v3 =	vld [tilespmem:s6+$0x13570];
	v17 =	vadd.f32 v33, v17  }
0x418: {  	v16 =	vadd.f32 v34, v16;
	[tilespmem:s6+$0xC940] =	vst v12;
	v12 =	vld [tilespmem:s6+$0xCD30]  }
0x419: {  	[tilespmem:s6+$0xC950] =	vst v17;
	v17 =	vld [tilespmem:s6+$0xCD40];
	v14 =	vadd.f32 v36, v14  }
0x41a: {  	v18 =	vadd.f32 v35, v18;
	[tilespmem:s6+$0xC960] =	vst v16;
	v16 =	vld [tilespmem:s6+$0xCD50]  }
0x41b: {  	v13 =	vadd.f32 v37, v13;
	[tilespmem:s6+$0xCD00] =	vst v14;
	v14 =	vadd.f32 v38, v15;
	v15 =	vld [tilespmem:s6+$0xCD60]  }
0x41c: {  	[tilespmem:s6+$0xC970] =	vst v18;
	v18 =	vld [tilespmem:s6+$0xCD70]  }
0x41d: {  	[tilespmem:s6+$0xCD10] =	vst v13;
	v13 =	vld [tilespmem:s6+$0xD100];
	v12 =	vadd.f32 v39, v12  }
0x41e: {  	v17 =	vadd.f32 v40, v17;
	[tilespmem:s6+$0xCD20] =	vst v14;
	v14 =	vld [tilespmem:s6+$0xD110]  }
0x41f: {  	v16 =	vadd.f32 v41, v16;
	[tilespmem:s6+$0xCD30] =	vst v12;
	v12 =	vld [tilespmem:s6+$0xD120]  }
0x420: {  	[tilespmem:s6+$0xCD40] =	vst v17;
	v17 =	vld [tilespmem:s6+$0xD130];
	v15 =	vadd.f32 v42, v15  }
0x421: {  	v19 =	vld [tilespmem:s6+$0xD140];
	[tilespmem:s6+$0xCD50] =	vst v16;
	v16 =	vadd.f32 v43, v18  }
0x422: {  	v18 =	vld [tilespmem:s6+$0xD150];
	v13 =	vadd.f32 v44, v13;
	[tilespmem:s6+$0xCD60] =	vst v15  }
0x423: {  	v20 =	vld [tilespmem:s6+$0xD160];
	[tilespmem:s6+$0xCD70] =	vst v16;
	v14 =	vadd.f32 v45, v14  }
0x424: {  	v16 =	vld [tilespmem:s6+$0xD170];
	[tilespmem:s6+$0xD100] =	vst v13;
	v12 =	vadd.f32 v46, v12  }
0x425: {  	v15 =	vld [tilespmem:s6+$0xD500];
	v13 =	vadd.f32 v47, v17;
	[tilespmem:s6+$0xD110] =	vst v14  }
0x426: {  	v14 =	vld [tilespmem:s6+$0xD510];
	[tilespmem:s6+$0xD120] =	vst v12;
	v12 =	vadd.f32 v48, v19  }
0x427: {  	[tilespmem:s6+$0xD130] =	vst v13;
	v13 =	vld [tilespmem:s6+$0xD520];
	v18 =	vadd.f32 v49, v18  }
0x428: {  	s7 =	simm.s32 $0x1;
	v17 =	vadd.f32 v50, v20;
	[tilespmem:s6+$0xD140] =	vst v12;
	v12 =	vld [tilespmem:s6+$0xD530]  }
.LBB2_8:
0x429: {  	s29 =	sshrl.u32 s7, $0x3;
	p0 =	sne.s32 s7, $0x1F;
	[tilespmem:s6+$0xD150] =	vst v18;
	v11 =	vadd.f32 v11, v16;
	v16 =	vld [tilespmem:s6+$0xD540]  }
0x42a: {  	s28 =	sadd.s32 $0x80, s28;
	s29 =	smul.u32 $0x1800, s29;
	[tilespmem:s6+$0xD160] =	vst v17;
	v10 =	vadd.f32 v10, v15;
	v15 =	vld [tilespmem:s6+$0xD550]  }
0x42b: {  	s30 =	sand.u32 $0x380, s28;
	[tilespmem:s6+$0xD170] =	vst v11;
	v9 =	vadd.f32 v9, v14;
	v11 =	vld [tilespmem:s6+$0xD560]  }
0x42c: {  	s29 =	sor.u32 s30, s29;
	[tilespmem:s6+$0xD500] =	vst v10;
	v8 =	vadd.f32 v8, v13;
	v10 =	vld [tilespmem:s6+$0xD570]  }
0x42d: {  	v39 =	vld [tilespmem:s29+$0x12100];
	[tilespmem:s6+$0xD510] =	vst v9;
	v7 =	vadd.f32 v7, v12  }
0x42e: {  	v40 =	vld [tilespmem:s29+$0x12110];
	[tilespmem:s6+$0xD520] =	vst v8;
	v6 =	vadd.f32 v6, v16  }
0x42f: {  	v41 =	vld [tilespmem:s29+$0x12120];
	[tilespmem:s6+$0xD530] =	vst v7;
	v5 =	vadd.f32 v5, v15  }
0x430: {  	v42 =	vld [tilespmem:s29+$0x12130];
	[tilespmem:s6+$0xD540] =	vst v6;
	v4 =	vadd.f32 v4, v11  }
0x431: {  	v43 =	vld [tilespmem:s29+$0x12140];
	[tilespmem:s6+$0xD550] =	vst v5;
	v3 =	vadd.f32 v3, v10  }
0x432: {  	v44 =	vld [tilespmem:s29+$0x12150];
	[tilespmem:s6+$0xD560] =	vst v4  }
0x433: {  	v45 =	vld [tilespmem:s29+$0x12160];
	[tilespmem:s6+$0xD570] =	vst v3;
	s6 =	smov.u32 s29  }
0x434: {  	v46 =	vld [tilespmem:s6+$0x12170]  }
0x435: {  	v47 =	vld [tilespmem:s6+$0x12500]  }
0x436: {  	v48 =	vld [tilespmem:s6+$0x12510]  }
0x437: {  	v49 =	vld [tilespmem:s6+$0x12520]  }
0x438: {  	v50 =	vld [tilespmem:s6+$0x12530]  }
0x439: {  	v38 =	vld [tilespmem:s6+$0x12540]  }
0x43a: {  	v37 =	vld [tilespmem:s6+$0x12550]  }
0x43b: {  	v36 =	vld [tilespmem:s6+$0x12560]  }
0x43c: {  	v35 =	vld [tilespmem:s6+$0x12570]  }
0x43d: {  	v34 =	vld [tilespmem:s6+$0x12900]  }
0x43e: {  	v33 =	vld [tilespmem:s6+$0x12910]  }
0x43f: {  	v32 =	vld [tilespmem:s6+$0x12920]  }
0x440: {  	v31 =	vld [tilespmem:s6+$0x12930]  }
0x441: {  	v30 =	vld [tilespmem:s6+$0x12940]  }
0x442: {  	v29 =	vld [tilespmem:s6+$0x12950]  }
0x443: {  	v28 =	vld [tilespmem:s6+$0x12960]  }
0x444: {  	v27 =	vld [tilespmem:s6+$0x12970]  }
0x445: {  	v26 =	vld [tilespmem:s6+$0x12D00]  }
0x446: {  	v25 =	vld [tilespmem:s6+$0x12D10]  }
0x447: {  	v24 =	vld [tilespmem:s6+$0x12D20]  }
0x448: {  	v23 =	vld [tilespmem:s6+$0x12D30]  }
0x449: {  	v22 =	vld [tilespmem:s6+$0x12D40]  }
0x44a: {  	v21 =	vld [tilespmem:s6+$0x12D50]  }
0x44b: {  	v20 =	vld [tilespmem:s6+$0x12D60]  }
0x44c: {  	v19 =	vld [tilespmem:s6+$0x12D70]  }
0x44d: {  	v18 =	vld [tilespmem:s6+$0x13100]  }
0x44e: {  	v17 =	vld [tilespmem:s6+$0x13110]  }
0x44f: {  	v16 =	vld [tilespmem:s6+$0x13120]  }
0x450: {  	v15 =	vld [tilespmem:s6+$0x13130]  }
0x451: {  	v14 =	vld [tilespmem:s6+$0x13140]  }
0x452: {  	v13 =	vld [tilespmem:s6+$0x13150]  }
0x453: {  	v12 =	vld [tilespmem:s6+$0x13160]  }
0x454: {  	v11 =	vld [tilespmem:s6+$0x13170]  }
0x455: {  	v10 =	vld [tilespmem:s6+$0x13500]  }
0x456: {  	v9 =	vld [tilespmem:s6+$0x13510]  }
0x457: {  	v8 =	vld [tilespmem:s6+$0x13520]  }
0x458: {  	v7 =	vld [tilespmem:s6+$0x13530]  }
0x459: {  	v6 =	vld [tilespmem:s6+$0x13540]  }
0x45a: {  	v5 =	vld [tilespmem:s6+$0x13550]  }
0x45b: {  	v4 =	vld [tilespmem:s6+$0x13560]  }
0x45c: {  	v3 =	vld [tilespmem:s6+$0x13570]  }
0x45d: {  	v51 =	vld [tilespmem:s6+$0xC100]  }
0x45e: {  	v52 =	vld [tilespmem:s6+$0xC110]  }
0x45f: {  	v53 =	vld [tilespmem:s6+$0xC120]  }
0x460: {  	v54 =	vld [tilespmem:s6+$0xC130]  }
0x461: {  	v55 =	vld [tilespmem:s6+$0xC140]  }
0x462: {  	v39 =	vadd.f32 v39, v51;
	v51 =	vld [tilespmem:s6+$0xC150]  }
0x463: {  	v40 =	vadd.f32 v40, v52;
	v52 =	vld [tilespmem:s6+$0xC160]  }
0x464: {  	[tilespmem:s6+$0xC100] =	vst v39;
	v39 =	vadd.f32 v41, v53;
	v41 =	vld [tilespmem:s6+$0xC170]  }
0x465: {  	[tilespmem:s6+$0xC110] =	vst v40;
	v40 =	vadd.f32 v42, v54;
	v42 =	vld [tilespmem:s6+$0xC500]  }
0x466: {  	[tilespmem:s6+$0xC120] =	vst v39;
	v39 =	vadd.f32 v43, v55;
	v43 =	vld [tilespmem:s6+$0xC510]  }
0x467: {  	[tilespmem:s6+$0xC130] =	vst v40;
	v40 =	vadd.f32 v44, v51;
	v44 =	vld [tilespmem:s6+$0xC520]  }
0x468: {  	[tilespmem:s6+$0xC140] =	vst v39;
	v39 =	vadd.f32 v45, v52;
	v45 =	vld [tilespmem:s6+$0xC530]  }
0x469: {  	[tilespmem:s6+$0xC150] =	vst v40;
	v40 =	vadd.f32 v46, v41;
	v41 =	vld [tilespmem:s6+$0xC540]  }
0x46a: {  	[tilespmem:s6+$0xC160] =	vst v39;
	v39 =	vadd.f32 v47, v42;
	v42 =	vld [tilespmem:s6+$0xC550]  }
0x46b: {  	[tilespmem:s6+$0xC170] =	vst v40;
	v40 =	vadd.f32 v48, v43;
	v43 =	vld [tilespmem:s6+$0xC560]  }
0x46c: {  	[tilespmem:s6+$0xC500] =	vst v39;
	v39 =	vadd.f32 v49, v44;
	v44 =	vld [tilespmem:s6+$0xC570]  }
0x46d: {  	[tilespmem:s6+$0xC510] =	vst v40;
	v40 =	vadd.f32 v50, v45;
	v45 =	vld [tilespmem:s6+$0xC900]  }
0x46e: {  	[tilespmem:s6+$0xC520] =	vst v39;
	v38 =	vadd.f32 v38, v41;
	v39 =	vld [tilespmem:s6+$0xC910]  }
0x46f: {  	[tilespmem:s6+$0xC530] =	vst v40;
	v37 =	vadd.f32 v37, v42;
	v40 =	vld [tilespmem:s6+$0xC920]  }
0x470: {  	[tilespmem:s6+$0xC540] =	vst v38;
	v36 =	vadd.f32 v36, v43;
	v38 =	vld [tilespmem:s6+$0xC930]  }
0x471: {  	[tilespmem:s6+$0xC550] =	vst v37;
	v35 =	vadd.f32 v35, v44;
	v37 =	vld [tilespmem:s6+$0xC940]  }
0x472: {  	[tilespmem:s6+$0xC560] =	vst v36;
	v34 =	vadd.f32 v34, v45;
	v36 =	vld [tilespmem:s6+$0xC950]  }
0x473: {  	[tilespmem:s6+$0xC570] =	vst v35;
	v33 =	vadd.f32 v33, v39;
	v35 =	vld [tilespmem:s6+$0xC960]  }
0x474: {  	[tilespmem:s6+$0xC900] =	vst v34;
	v32 =	vadd.f32 v32, v40;
	v34 =	vld [tilespmem:s6+$0xC970]  }
0x475: {  	[tilespmem:s6+$0xC910] =	vst v33;
	v31 =	vadd.f32 v31, v38;
	v33 =	vld [tilespmem:s6+$0xCD00]  }
0x476: {  	[tilespmem:s6+$0xC920] =	vst v32;
	v30 =	vadd.f32 v30, v37;
	v32 =	vld [tilespmem:s6+$0xCD10]  }
0x477: {  	[tilespmem:s6+$0xC930] =	vst v31;
	v29 =	vadd.f32 v29, v36;
	v31 =	vld [tilespmem:s6+$0xCD20]  }
0x478: {  	[tilespmem:s6+$0xC940] =	vst v30;
	v28 =	vadd.f32 v28, v35;
	v30 =	vld [tilespmem:s6+$0xCD30]  }
0x479: {  	[tilespmem:s6+$0xC950] =	vst v29;
	v27 =	vadd.f32 v27, v34;
	v29 =	vld [tilespmem:s6+$0xCD40]  }
0x47a: {  	[tilespmem:s6+$0xC960] =	vst v28;
	v26 =	vadd.f32 v26, v33;
	v28 =	vld [tilespmem:s6+$0xCD50]  }
0x47b: {  	[tilespmem:s6+$0xC970] =	vst v27;
	v25 =	vadd.f32 v25, v32;
	v27 =	vld [tilespmem:s6+$0xCD60]  }
0x47c: {  	[tilespmem:s6+$0xCD00] =	vst v26;
	v24 =	vadd.f32 v24, v31;
	v26 =	vld [tilespmem:s6+$0xCD70]  }
0x47d: {  	[tilespmem:s6+$0xCD10] =	vst v25;
	v23 =	vadd.f32 v23, v30;
	v25 =	vld [tilespmem:s6+$0xD100]  }
0x47e: {  	[tilespmem:s6+$0xCD20] =	vst v24;
	v22 =	vadd.f32 v22, v29;
	v24 =	vld [tilespmem:s6+$0xD110]  }
0x47f: {  	[tilespmem:s6+$0xCD30] =	vst v23;
	v21 =	vadd.f32 v21, v28;
	v23 =	vld [tilespmem:s6+$0xD120]  }
0x480: {  	[tilespmem:s6+$0xCD40] =	vst v22;
	v20 =	vadd.f32 v20, v27;
	v22 =	vld [tilespmem:s6+$0xD130]  }
0x481: {  	[tilespmem:s6+$0xCD50] =	vst v21;
	v19 =	vadd.f32 v19, v26;
	v21 =	vld [tilespmem:s6+$0xD140]  }
0x482: {  	[tilespmem:s6+$0xCD60] =	vst v20;
	v18 =	vadd.f32 v18, v25;
	v20 =	vld [tilespmem:s6+$0xD150]  }
0x483: {  	[tilespmem:s6+$0xCD70] =	vst v19;
	v17 =	vadd.f32 v17, v24;
	v19 =	vld [tilespmem:s6+$0xD160]  }
.Ltmp3:
0x484: {  	[tilespmem:s6+$0xD100] =	vst v18;
	v18 =	vadd.f32 v16, v23;
	v16 =	vld [tilespmem:s6+$0xD170];
	(pc) =	sbr.rel @p0 .LBB2_8-.Ltmp3, $4  }
0x485: {  	[tilespmem:s6+$0xD110] =	vst v17;
	v17 =	vadd.f32 v15, v22;
	v15 =	vld [tilespmem:s6+$0xD500]  }
0x486: {  	[tilespmem:s6+$0xD120] =	vst v18;
	v21 =	vadd.f32 v14, v21;
	v14 =	vld [tilespmem:s6+$0xD510]  }
0x487: {  	[tilespmem:s6+$0xD130] =	vst v17;
	v18 =	vadd.f32 v13, v20;
	v13 =	vld [tilespmem:s6+$0xD520]  }
0x488: {  	s7 =	sadd.s32 $0x1, s7;
	[tilespmem:s6+$0xD140] =	vst v21;
	v17 =	vadd.f32 v12, v19;
	v12 =	vld [tilespmem:s6+$0xD530]  }
0x489: {  	[tilespmem:s6+$0xD150] =	vst v18;
	v60 =	vld [tilespmem:s6+$0xD540];
	v11 =	vadd.f32 v11, v16  }
0x48a: {  	v61 =	vld [tilespmem:s6+$0xD550];
	[tilespmem:s6+$0xD160] =	vst v17;
	v10 =	vadd.f32 v10, v15  }
0x48b: {  	v62 =	vld [tilespmem:s6+$0xD560];
	[tilespmem:s6+$0xD170] =	vst v11;
	v9 =	vadd.f32 v9, v14  }
0x48c: {  	v63 =	vld [tilespmem:s6+$0xD570];
	[tilespmem:s6+$0xD500] =	vst v10;
	v8 =	vadd.f32 v8, v13  }
0x48d: {  	[tilespmem:s6+$0xD510] =	vst v9;
	v7 =	vadd.f32 v7, v12  }
0x48e: {  	[tilespmem:s6+$0xD520] =	vst v8;
	v6 =	vadd.f32 v6, v60  }
0x48f: {  	v5 =	vadd.f32 v5, v61;
	[tilespmem:s6+$0xD530] =	vst v7  }
0x490: {  	v4 =	vadd.f32 v4, v62;
	[tilespmem:s6+$0xD540] =	vst v6  }
0x491: {  	v3 =	vadd.f32 v3, v63;
	[tilespmem:s6+$0xD550] =	vst v5  }
0x492: {  	[tilespmem:s6+$0xD560] =	vst v4  }
0x493: {  	s29 =	rddreg [dreg:$0xb];
	[tilespmem:s6+$0xD570] =	vst v3  }
0x494: {  	[hbm4b:s29+s4] =	stream.linear.scatter [tilespmem:s3], [sflag:$0x4], $0x6000, $0x38;
	[tilespmem:$0x18100] =	vst v63  }
0x495: {  	_ =	swait.ge [sflag:s16], $0x6000  }
0x496: {  	[sflag:s16] =	ssyncset.done $0x0  }
0x497: {  	[sflag:s16] =	ssyncadd.s32 $0xFFFFA000  }
0x498: {  	_ =	swait.ge [sflag:s25], $0x6000  }
0x499: {  	s26 =	sadd.s32 $0x1, s26;
	s30 =	rddreg [dreg:$0xc]  }
0x49a: {  	p0 =	sne.s32 s26, s30  }
.Ltmp4:
0x49b: {  	_ = 	snop;
	(pc) =	sbr.rel @p0 .LBB2_1-.Ltmp4, $3  }
0x49c: {  	_ =	sdelay $0x1  }
0x49d: {  	[sflag:s25] =	ssyncset.done $0x0  }
0x49e: {  	[sflag:s25] =	ssyncadd.s32 $0xFFFFA000  }
0x49f: {  	_ =	sfence.sel $0x180000  }
0x4a0: {  	[bflag:$0x0] =	sbarrier.arrive $0xFFFF  }
0x4a1: {  	_ =	strace $0x90000047  }
0x4a2: {  	s0 =	stileid.u32;
	[bflag:$0x2] =	sbarrier.arrive $0xFFFF  }
0x4a3: {  	p0 =	sne.s32 s0, $0x0;
	s0 =	rddreg [dreg:$0x5]  }
0x4a4: {  	s0 =	sadd.s32 @!p0 $0x100000, s0  }
0x4a5: {  	[sflag:s0] =	ssyncadd.tile.s32 @!p0 $0x1;
	_ =	shalt  }
.Lfunc_end2:
_tile_overlayer_lowered:
.L_overlay_start_2:
0x4a6: {  	(tag) =	ssettag $0x2  }
0x4a7: {  	s0 =	rddreg [dreg:$0x0];
	s2 =	stileid.u32  }
0x4a8: {  	s1 =	rddreg [dreg:$0x1];
	p0 =	sne.s32 s2, $0x0  }
0x4a9: {  	s3 =	rddreg [dreg:$0x2];
	[bflag:$0x3] =	sbarrier.arrive $0xFFFF;
	s2 =	simm.s32 @!p0 $0x1C05  }
0x4aa: {  	[timem:s3], [sflag:s2] =	dma.local @!p0 [hbm:s0], s1  }
0x4ab: {  	s0 =	simm.s32 @!p0 $0x5  }
0x4ac: {  	_ =	swait.ge @!p0 [sflag:s0], s1  }
0x4ad: {  	s1 =	ssub.s32 @!p0 $0x0, s1;
	[sflag:s0] =	ssyncset.done @!p0 $0x0  }
0x4ae: {  	[sflag:s0] =	ssyncadd.s32 @!p0 s1  }
0x4af: {  	[bflag:$0x3] =	sbarrier.arrive $0xFFFF  }
0x4b0: {  	_ =	shalt  }

</sc_bundles>
